<compile_context>
chip_gen: v7x
topology: tpu7x:2x2x1
jax: 0.10.2.dev20260603
libtpu: 0.0.44.dev20260713+nightly
codegen_flags: <defaults>
</compile_context>

<pallas_src>
import jax
import jax.numpy as jnp
from jax import lax
from jax.experimental import pallas as pl
from jax.experimental.pallas import tpu as pltpu
from jax.experimental.pallas import tpu_sc as plsc

STATIC = 32
DYNAMIC = 32

BIG_ROWS = 40
NBIG = 25
REM_START = NBIG * BIG_ROWS
REM_ROWS = 26
JOBS = 2 * NBIG


def _sc_body(dyn_ref, grid_ref, out_ref, buf0, buf1, bufr):
    c = lax.axis_index("c")
    s = lax.axis_index("s")
    wid = s * 2 + c

    bufs = (buf0, buf1)

    def plane_refs(p):
        src = grid_ref if p == 0 else dyn_ref
        dst_row = wid if p == 0 else STATIC + wid
        return src, dst_row

    for t in range(JOBS):
        p, ci = divmod(t, NBIG)
        src, dst_row = plane_refs(p)
        b = bufs[t & 1]
        pltpu.sync_copy(
            src.at[pl.ds(wid, 1), pl.ds(ci * BIG_ROWS, BIG_ROWS)], b)
        pltpu.sync_copy(
            b, out_ref.at[pl.ds(dst_row, 1), pl.ds(ci * BIG_ROWS, BIG_ROWS)])
    for p in range(2):
        src, dst_row = plane_refs(p)
        pltpu.sync_copy(src.at[pl.ds(wid, 1), pl.ds(REM_START, REM_ROWS)], bufr)
        pltpu.sync_copy(
            bufr, out_ref.at[pl.ds(dst_row, 1), pl.ds(REM_START, REM_ROWS)])


def kernel(new_dynamic_state, grid):
    enc, depth, width = grid.shape
    mesh = plsc.VectorSubcoreMesh(core_axis_name="c", subcore_axis_name="s")
    run = pl.kernel(
        _sc_body,
        out_type=jax.ShapeDtypeStruct((enc, depth, width), grid.dtype),
        mesh=mesh,
        scratch_types=[
            pltpu.VMEM((1, BIG_ROWS, width), grid.dtype),
            pltpu.VMEM((1, BIG_ROWS, width), grid.dtype),
            pltpu.VMEM((1, REM_ROWS, width), grid.dtype),
        ],
    )
    return run(new_dynamic_state, grid)

# --- scband reference (transcript-rebuilt; emitter-appended) ---
"""Pipeline reference for scband-grid-model-60413009985964 (READ-ONLY COPY).

The authoritative reference and input builder live on the scoring server;
editing this copy changes nothing except your own understanding.
"""

import jax, jax.numpy as jnp
import numpy as np

STATIC = 32
DYNAMIC = 32
ENC = STATIC + DYNAMIC
RECEPTORS = 1024
RES = 1
WIDTH = 1 + RECEPTORS * RES + 1  # add_extra_layer pads front and back -> 1026
DEPTH = int(1.0 * WIDTH)         # depth ratio 1.0 -> 1026


def setup_inputs(seed: int = 0) -> dict:
    key = jax.random.key(seed)
    k1, k2 = jax.random.split(key)
    # learned/stateful grid parameter, sized per init_kwargs (encode_depth=False,
    # zero_dynamic_state=False, so _prepare_grid leaves the randn grid untouched)
    grid = jax.random.normal(k1, (ENC, DEPTH, WIDTH), dtype=jnp.float32)
    new_dynamic_state = jax.random.normal(k2, (DYNAMIC, DEPTH, WIDTH), dtype=jnp.float32)
    return {"new_dynamic_state": new_dynamic_state, "grid": grid}


def reference(new_dynamic_state, grid):
    # Faithful translation of GridModel.update_grid:
    #   self.grid[self.static_encoding_size:, :, :] = new_dynamic_state
    # i.e., a scatter-overwrite of the dynamic slab of the grid state.
    updated = grid.at[STATIC:, :, :].set(new_dynamic_state)
    return updated

if __name__ == "__main__":
    import jax
    _d = setup_inputs()
    print(jax.jit(kernel)(*tuple(_d.values())))

</pallas_src>

<mosaic_0001>
#map = affine_map<(d0, d1) -> (0, 0, 0)>
module attributes {stable_mosaic.version = 14 : i64} {
  func.func @_sc_body(%arg0: i32, %arg1: i32, %arg2: memref<32x1026x1026xf32, #tpu.memory_space<hbm>>, %arg3: memref<64x1026x1026xf32, #tpu.memory_space<hbm>>, %arg4: memref<64x1026x1026xf32, #tpu.memory_space<hbm>>, %arg5: memref<1x40x1026xf32, #tpu.memory_space<vmem>>, %arg6: memref<1x40x1026xf32, #tpu.memory_space<vmem>>, %arg7: memref<1x26x1026xf32, #tpu.memory_space<vmem>>) attributes {dimension_semantics = [#tpu.dimension_semantics<core_parallel>, #tpu.dimension_semantics<subcore_parallel>], iteration_bounds = array<i64: 2, 16>, scalar_prefetch = 0 : i64, scratch_operands = 3 : i64, tpu.core_type = #tpu.core_type<sc_vector_subcore>, window_params = [{transform_indices = #map}, {transform_indices = #map}, {transform_indices = #map}]} {
    %mul3A = arith.constant 2 : i32
    %mul3A_0 = arith.muli %arg1, %mul3A : i32
    %add3A = arith.addi %mul3A_0, %arg0 : i32
    "tpu.region"() ({
      %run_scoped3A = tpu.sem_alloc : memref<!tpu.dma_semaphore, #tpu.memory_space<semaphore_mem>>
      %dma_start3A = arith.constant 0 : i32
      %dma_start3A_53 = arith.constant 0 : i32
      %dma_start3A_54 = tpu.memref_slice %arg3[%add3A, %dma_start3A, %dma_start3A_53] : memref<64x1026x1026xf32, #tpu.memory_space<hbm>> -> memref<1x40x1026xf32, #tpu.memory_space<hbm>>
      %dma_start3A_55 = arith.constant 0 : i32
      %dma_start3A_56 = arith.constant 0 : i32
      %dma_start3A_57 = tpu.memref_slice %arg3[%add3A, %dma_start3A_55, %dma_start3A_56] : memref<64x1026x1026xf32, #tpu.memory_space<hbm>> -> memref<1x40x1026xf32, #tpu.memory_space<hbm>>
      tpu.enqueue_dma source(%dma_start3A_57 : memref<1x40x1026xf32, #tpu.memory_space<hbm>>) target(%arg5 : memref<1x40x1026xf32, #tpu.memory_space<vmem>>) target_semaphore(%run_scoped3A : memref<!tpu.dma_semaphore, #tpu.memory_space<semaphore_mem>>)
      %dma_wait3A = arith.constant 0 : i32
      %dma_wait3A_58 = arith.constant 0 : i32
      %dma_wait3A_59 = tpu.memref_slice %arg3[%add3A, %dma_wait3A, %dma_wait3A_58] : memref<64x1026x1026xf32, #tpu.memory_space<hbm>> -> memref<1x40x1026xf32, #tpu.memory_space<hbm>>
      %dma_wait3A_60 = arith.constant 0 : i32
      %dma_wait3A_61 = arith.constant 0 : i32
      %dma_wait3A_62 = tpu.memref_slice %arg3[%add3A, %dma_wait3A_60, %dma_wait3A_61] : memref<64x1026x1026xf32, #tpu.memory_space<hbm>> -> memref<1x40x1026xf32, #tpu.memory_space<hbm>>
      tpu.wait_dma2 semaphore(%run_scoped3A : memref<!tpu.dma_semaphore, #tpu.memory_space<semaphore_mem>>) src(%dma_wait3A_62 : memref<1x40x1026xf32, #tpu.memory_space<hbm>>) dst(%arg5 : memref<1x40x1026xf32, #tpu.memory_space<vmem>>)
      tpu.yield
    }) : () -> ()
    "tpu.region"() ({
      %run_scoped3A = tpu.sem_alloc : memref<!tpu.dma_semaphore, #tpu.memory_space<semaphore_mem>>
      %dma_start3A = arith.constant 0 : i32
      %dma_start3A_53 = arith.constant 0 : i32
      %dma_start3A_54 = tpu.memref_slice %arg4[%add3A, %dma_start3A, %dma_start3A_53] : memref<64x1026x1026xf32, #tpu.memory_space<hbm>> -> memref<1x40x1026xf32, #tpu.memory_space<hbm>>
      %dma_start3A_55 = arith.constant 0 : i32
      %dma_start3A_56 = arith.constant 0 : i32
      %dma_start3A_57 = tpu.memref_slice %arg4[%add3A, %dma_start3A_55, %dma_start3A_56] : memref<64x1026x1026xf32, #tpu.memory_space<hbm>> -> memref<1x40x1026xf32, #tpu.memory_space<hbm>>
      tpu.enqueue_dma source(%arg5 : memref<1x40x1026xf32, #tpu.memory_space<vmem>>) target(%dma_start3A_57 : memref<1x40x1026xf32, #tpu.memory_space<hbm>>) target_semaphore(%run_scoped3A : memref<!tpu.dma_semaphore, #tpu.memory_space<semaphore_mem>>)
      %dma_wait3A = arith.constant 0 : i32
      %dma_wait3A_58 = arith.constant 0 : i32
      %dma_wait3A_59 = tpu.memref_slice %arg4[%add3A, %dma_wait3A, %dma_wait3A_58] : memref<64x1026x1026xf32, #tpu.memory_space<hbm>> -> memref<1x40x1026xf32, #tpu.memory_space<hbm>>
      %dma_wait3A_60 = arith.constant 0 : i32
      %dma_wait3A_61 = arith.constant 0 : i32
      %dma_wait3A_62 = tpu.memref_slice %arg4[%add3A, %dma_wait3A_60, %dma_wait3A_61] : memref<64x1026x1026xf32, #tpu.memory_space<hbm>> -> memref<1x40x1026xf32, #tpu.memory_space<hbm>>
      tpu.wait_dma2 semaphore(%run_scoped3A : memref<!tpu.dma_semaphore, #tpu.memory_space<semaphore_mem>>) src(%arg5 : memref<1x40x1026xf32, #tpu.memory_space<vmem>>) dst(%dma_wait3A_62 : memref<1x40x1026xf32, #tpu.memory_space<hbm>>)
      tpu.yield
    }) : () -> ()
    "tpu.region"() ({
      %run_scoped3A = tpu.sem_alloc : memref<!tpu.dma_semaphore, #tpu.memory_space<semaphore_mem>>
      %dma_start3A = arith.constant 40 : i32
      %dma_start3A_53 = arith.constant 0 : i32
      %dma_start3A_54 = tpu.memref_slice %arg3[%add3A, %dma_start3A, %dma_start3A_53] : memref<64x1026x1026xf32, #tpu.memory_space<hbm>> -> memref<1x40x1026xf32, #tpu.memory_space<hbm>>
      %dma_start3A_55 = arith.constant 40 : i32
      %dma_start3A_56 = arith.constant 0 : i32
      %dma_start3A_57 = tpu.memref_slice %arg3[%add3A, %dma_start3A_55, %dma_start3A_56] : memref<64x1026x1026xf32, #tpu.memory_space<hbm>> -> memref<1x40x1026xf32, #tpu.memory_space<hbm>>
      tpu.enqueue_dma source(%dma_start3A_57 : memref<1x40x1026xf32, #tpu.memory_space<hbm>>) target(%arg6 : memref<1x40x1026xf32, #tpu.memory_space<vmem>>) target_semaphore(%run_scoped3A : memref<!tpu.dma_semaphore, #tpu.memory_space<semaphore_mem>>)
      %dma_wait3A = arith.constant 40 : i32
      %dma_wait3A_58 = arith.constant 0 : i32
      %dma_wait3A_59 = tpu.memref_slice %arg3[%add3A, %dma_wait3A, %dma_wait3A_58] : memref<64x1026x1026xf32, #tpu.memory_space<hbm>> -> memref<1x40x1026xf32, #tpu.memory_space<hbm>>
      %dma_wait3A_60 = arith.constant 40 : i32
      %dma_wait3A_61 = arith.constant 0 : i32
      %dma_wait3A_62 = tpu.memref_slice %arg3[%add3A, %dma_wait3A_60, %dma_wait3A_61] : memref<64x1026x1026xf32, #tpu.memory_space<hbm>> -> memref<1x40x1026xf32, #tpu.memory_space<hbm>>
      tpu.wait_dma2 semaphore(%run_scoped3A : memref<!tpu.dma_semaphore, #tpu.memory_space<semaphore_mem>>) src(%dma_wait3A_62 : memref<1x40x1026xf32, #tpu.memory_space<hbm>>) dst(%arg6 : memref<1x40x1026xf32, #tpu.memory_space<vmem>>)
      tpu.yield
    }) : () -> ()
    "tpu.region"() ({
      %run_scoped3A = tpu.sem_alloc : memref<!tpu.dma_semaphore, #tpu.memory_space<semaphore_mem>>
      %dma_start3A = arith.constant 40 : i32
      %dma_start3A_53 = arith.constant 0 : i32
      %dma_start3A_54 = tpu.memref_slice %arg4[%add3A, %dma_start3A, %dma_start3A_53] : memref<64x1026x1026xf32, #tpu.memory_space<hbm>> -> memref<1x40x1026xf32, #tpu.memory_space<hbm>>
      %dma_start3A_55 = arith.constant 40 : i32
      %dma_start3A_56 = arith.constant 0 : i32
      %dma_start3A_57 = tpu.memref_slice %arg4[%add3A, %dma_start3A_55, %dma_start3A_56] : memref<64x1026x1026xf32, #tpu.memory_space<hbm>> -> memref<1x40x1026xf32, #tpu.memory_space<hbm>>
      tpu.enqueue_dma source(%arg6 : memref<1x40x1026xf32, #tpu.memory_space<vmem>>) target(%dma_start3A_57 : memref<1x40x1026xf32, #tpu.memory_space<hbm>>) target_semaphore(%run_scoped3A : memref<!tpu.dma_semaphore, #tpu.memory_space<semaphore_mem>>)
      %dma_wait3A = arith.constant 40 : i32
      %dma_wait3A_58 = arith.constant 0 : i32
      %dma_wait3A_59 = tpu.memref_slice %arg4[%add3A, %dma_wait3A, %dma_wait3A_58] : memref<64x1026x1026xf32, #tpu.memory_space<hbm>> -> memref<1x40x1026xf32, #tpu.memory_space<hbm>>
      %dma_wait3A_60 = arith.constant 40 : i32
      %dma_wait3A_61 = arith.constant 0 : i32
      %dma_wait3A_62 = tpu.memref_slice %arg4[%add3A, %dma_wait3A_60, %dma_wait3A_61] : memref<64x1026x1026xf32, #tpu.memory_space<hbm>> -> memref<1x40x1026xf32, #tpu.memory_space<hbm>>
      tpu.wait_dma2 semaphore(%run_scoped3A : memref<!tpu.dma_semaphore, #tpu.memory_space<semaphore_mem>>) src(%arg6 : memref<1x40x1026xf32, #tpu.memory_space<vmem>>) dst(%dma_wait3A_62 : memref<1x40x1026xf32, #tpu.memory_space<hbm>>)
      tpu.yield
    }) : () -> ()
    "tpu.region"() ({
      %run_scoped3A = tpu.sem_alloc : memref<!tpu.dma_semaphore, #tpu.memory_space<semaphore_mem>>
      %dma_start3A = arith.constant 80 : i32
      %dma_start3A_53 = arith.constant 0 : i32
      %dma_start3A_54 = tpu.memref_slice %arg3[%add3A, %dma_start3A, %dma_start3A_53] : memref<64x1026x1026xf32, #tpu.memory_space<hbm>> -> memref<1x40x1026xf32, #tpu.memory_space<hbm>>
      %dma_start3A_55 = arith.constant 80 : i32
      %dma_start3A_56 = arith.constant 0 : i32
      %dma_start3A_57 = tpu.memref_slice %arg3[%add3A, %dma_start3A_55, %dma_start3A_56] : memref<64x1026x1026xf32, #tpu.memory_space<hbm>> -> memref<1x40x1026xf32, #tpu.memory_space<hbm>>
      tpu.enqueue_dma source(%dma_start3A_57 : memref<1x40x1026xf32, #tpu.memory_space<hbm>>) target(%arg5 : memref<1x40x1026xf32, #tpu.memory_space<vmem>>) target_semaphore(%run_scoped3A : memref<!tpu.dma_semaphore, #tpu.memory_space<semaphore_mem>>)
      %dma_wait3A = arith.constant 80 : i32
      %dma_wait3A_58 = arith.constant 0 : i32
      %dma_wait3A_59 = tpu.memref_slice %arg3[%add3A, %dma_wait3A, %dma_wait3A_58] : memref<64x1026x1026xf32, #tpu.memory_space<hbm>> -> memref<1x40x1026xf32, #tpu.memory_space<hbm>>
      %dma_wait3A_60 = arith.constant 80 : i32
      %dma_wait3A_61 = arith.constant 0 : i32
      %dma_wait3A_62 = tpu.memref_slice %arg3[%add3A, %dma_wait3A_60, %dma_wait3A_61] : memref<64x1026x1026xf32, #tpu.memory_space<hbm>> -> memref<1x40x1026xf32, #tpu.memory_space<hbm>>
      tpu.wait_dma2 semaphore(%run_scoped3A : memref<!tpu.dma_semaphore, #tpu.memory_space<semaphore_mem>>) src(%dma_wait3A_62 : memref<1x40x1026xf32, #tpu.memory_space<hbm>>) dst(%arg5 : memref<1x40x1026xf32, #tpu.memory_space<vmem>>)
      tpu.yield
    }) : () -> ()
    "tpu.region"() ({
      %run_scoped3A = tpu.sem_alloc : memref<!tpu.dma_semaphore, #tpu.memory_space<semaphore_mem>>
      %dma_start3A = arith.constant 80 : i32
      %dma_start3A_53 = arith.constant 0 : i32
      %dma_start3A_54 = tpu.memref_slice %arg4[%add3A, %dma_start3A, %dma_start3A_53] : memref<64x1026x1026xf32, #tpu.memory_space<hbm>> -> memref<1x40x1026xf32, #tpu.memory_space<hbm>>
      %dma_start3A_55 = arith.constant 80 : i32
      %dma_start3A_56 = arith.constant 0 : i32
      %dma_start3A_57 = tpu.memref_slice %arg4[%add3A, %dma_start3A_55, %dma_start3A_56] : memref<64x1026x1026xf32, #tpu.memory_space<hbm>> -> memref<1x40x1026xf32, #tpu.memory_space<hbm>>
      tpu.enqueue_dma source(%arg5 : memref<1x40x1026xf32, #tpu.memory_space<vmem>>) target(%dma_start3A_57 : memref<1x40x1026xf32, #tpu.memory_space<hbm>>) target_semaphore(%run_scoped3A : memref<!tpu.dma_semaphore, #tpu.memory_space<semaphore_mem>>)
      %dma_wait3A = arith.constant 80 : i32
      %dma_wait3A_58 = arith.constant 0 : i32
      %dma_wait3A_59 = tpu.memref_slice %arg4[%add3A, %dma_wait3A, %dma_wait3A_58] : memref<64x1026x1026xf32, #tpu.memory_space<hbm>> -> memref<1x40x1026xf32, #tpu.memory_space<hbm>>
      %dma_wait3A_60 = arith.constant 80 : i32
      %dma_wait3A_61 = arith.constant 0 : i32
      %dma_wait3A_62 = tpu.memref_slice %arg4[%add3A, %dma_wait3A_60, %dma_wait3A_61] : memref<64x1026x1026xf32, #tpu.memory_space<hbm>> -> memref<1x40x1026xf32, #tpu.memory_space<hbm>>
      tpu.wait_dma2 semaphore(%run_scoped3A : memref<!tpu.dma_semaphore, #tpu.memory_space<semaphore_mem>>) src(%arg5 : memref<1x40x1026xf32, #tpu.memory_space<vmem>>) dst(%dma_wait3A_62 : memref<1x40x1026xf32, #tpu.memory_space<hbm>>)
      tpu.yield
    }) : () -> ()
    "tpu.region"() ({
      %run_scoped3A = tpu.sem_alloc : memref<!tpu.dma_semaphore, #tpu.memory_space<semaphore_mem>>
      %dma_start3A = arith.constant 120 : i32
      %dma_start3A_53 = arith.constant 0 : i32
      %dma_start3A_54 = tpu.memref_slice %arg3[%add3A, %dma_start3A, %dma_start3A_53] : memref<64x1026x1026xf32, #tpu.memory_space<hbm>> -> memref<1x40x1026xf32, #tpu.memory_space<hbm>>
      %dma_start3A_55 = arith.constant 120 : i32
      %dma_start3A_56 = arith.constant 0 : i32
      %dma_start3A_57 = tpu.memref_slice %arg3[%add3A, %dma_start3A_55, %dma_start3A_56] : memref<64x1026x1026xf32, #tpu.memory_space<hbm>> -> memref<1x40x1026xf32, #tpu.memory_space<hbm>>
      tpu.enqueue_dma source(%dma_start3A_57 : memref<1x40x1026xf32, #tpu.memory_space<hbm>>) target(%arg6 : memref<1x40x1026xf32, #tpu.memory_space<vmem>>) target_semaphore(%run_scoped3A : memref<!tpu.dma_semaphore, #tpu.memory_space<semaphore_mem>>)
      %dma_wait3A = arith.constant 120 : i32
      %dma_wait3A_58 = arith.constant 0 : i32
      %dma_wait3A_59 = tpu.memref_slice %arg3[%add3A, %dma_wait3A, %dma_wait3A_58] : memref<64x1026x1026xf32, #tpu.memory_space<hbm>> -> memref<1x40x1026xf32, #tpu.memory_space<hbm>>
      %dma_wait3A_60 = arith.constant 120 : i32
      %dma_wait3A_61 = arith.constant 0 : i32
      %dma_wait3A_62 = tpu.memref_slice %arg3[%add3A, %dma_wait3A_60, %dma_wait3A_61] : memref<64x1026x1026xf32, #tpu.memory_space<hbm>> -> memref<1x40x1026xf32, #tpu.memory_space<hbm>>
      tpu.wait_dma2 semaphore(%run_scoped3A : memref<!tpu.dma_semaphore, #tpu.memory_space<semaphore_mem>>) src(%dma_wait3A_62 : memref<1x40x1026xf32, #tpu.memory_space<hbm>>) dst(%arg6 : memref<1x40x1026xf32, #tpu.memory_space<vmem>>)
      tpu.yield
    }) : () -> ()
    "tpu.region"() ({
      %run_scoped3A = tpu.sem_alloc : memref<!tpu.dma_semaphore, #tpu.memory_space<semaphore_mem>>
      %dma_start3A = arith.constant 120 : i32
      %dma_start3A_53 = arith.constant 0 : i32
      %dma_start3A_54 = tpu.memref_slice %arg4[%add3A, %dma_start3A, %dma_start3A_53] : memref<64x1026x1026xf32, #tpu.memory_space<hbm>> -> memref<1x40x1026xf32, #tpu.memory_space<hbm>>
      %dma_start3A_55 = arith.constant 120 : i32
      %dma_start3A_56 = arith.constant 0 : i32
      %dma_start3A_57 = tpu.memref_slice %arg4[%add3A, %dma_start3A_55, %dma_start3A_56] : memref<64x1026x1026xf32, #tpu.memory_space<hbm>> -> memref<1x40x1026xf32, #tpu.memory_space<hbm>>
      tpu.enqueue_dma source(%arg6 : memref<1x40x1026xf32, #tpu.memory_space<vmem>>) target(%dma_start3A_57 : memref<1x40x1026xf32, #tpu.memory_space<hbm>>) target_semaphore(%run_scoped3A : memref<!tpu.dma_semaphore, #tpu.memory_space<semaphore_mem>>)
      %dma_wait3A = arith.constant 120 : i32
      %dma_wait3A_58 = arith.constant 0 : i32
      %dma_wait3A_59 = tpu.memref_slice %arg4[%add3A, %dma_wait3A, %dma_wait3A_58] : memref<64x1026x1026xf32, #tpu.memory_space<hbm>> -> memref<1x40x1026xf32, #tpu.memory_space<hbm>>
      %dma_wait3A_60 = arith.constant 120 : i32
      %dma_wait3A_61 = arith.constant 0 : i32
      %dma_wait3A_62 = tpu.memref_slice %arg4[%add3A, %dma_wait3A_60, %dma_wait3A_61] : memref<64x1026x1026xf32, #tpu.memory_space<hbm>> -> memref<1x40x1026xf32, #tpu.memory_space<hbm>>
      tpu.wait_dma2 semaphore(%run_scoped3A : memref<!tpu.dma_semaphore, #tpu.memory_space<semaphore_mem>>) src(%arg6 : memref<1x40x1026xf32, #tpu.memory_space<vmem>>) dst(%dma_wait3A_62 : memref<1x40x1026xf32, #tpu.memory_space<hbm>>)
      tpu.yield
    }) : () -> ()
    "tpu.region"() ({
      %run_scoped3A = tpu.sem_alloc : memref<!tpu.dma_semaphore, #tpu.memory_space<semaphore_mem>>
      %dma_start3A = arith.constant 160 : i32
      %dma_start3A_53 = arith.constant 0 : i32
      %dma_start3A_54 = tpu.memref_slice %arg3[%add3A, %dma_start3A, %dma_start3A_53] : memref<64x1026x1026xf32, #tpu.memory_space<hbm>> -> memref<1x40x1026xf32, #tpu.memory_space<hbm>>
      %dma_start3A_55 = arith.constant 160 : i32
      %dma_start3A_56 = arith.constant 0 : i32
      %dma_start3A_57 = tpu.memref_slice %arg3[%add3A, %dma_start3A_55, %dma_start3A_56] : memref<64x1026x1026xf32, #tpu.memory_space<hbm>> -> memref<1x40x1026xf32, #tpu.memory_space<hbm>>
      tpu.enqueue_dma source(%dma_start3A_57 : memref<1x40x1026xf32, #tpu.memory_space<hbm>>) target(%arg5 : memref<1x40x1026xf32, #tpu.memory_space<vmem>>) target_semaphore(%run_scoped3A : memref<!tpu.dma_semaphore, #tpu.memory_space<semaphore_mem>>)
      %dma_wait3A = arith.constant 160 : i32
      %dma_wait3A_58 = arith.constant 0 : i32
      %dma_wait3A_59 = tpu.memref_slice %arg3[%add3A, %dma_wait3A, %dma_wait3A_58] : memref<64x1026x1026xf32, #tpu.memory_space<hbm>> -> memref<1x40x1026xf32, #tpu.memory_space<hbm>>
      %dma_wait3A_60 = arith.constant 160 : i32
      %dma_wait3A_61 = arith.constant 0 : i32
      %dma_wait3A_62 = tpu.memref_slice %arg3[%add3A, %dma_wait3A_60, %dma_wait3A_61] : memref<64x1026x1026xf32, #tpu.memory_space<hbm>> -> memref<1x40x1026xf32, #tpu.memory_space<hbm>>
      tpu.wait_dma2 semaphore(%run_scoped3A : memref<!tpu.dma_semaphore, #tpu.memory_space<semaphore_mem>>) src(%dma_wait3A_62 : memref<1x40x1026xf32, #tpu.memory_space<hbm>>) dst(%arg5 : memref<1x40x1026xf32, #tpu.memory_space<vmem>>)
      tpu.yield
    }) : () -> ()
    "tpu.region"() ({
      %run_scoped3A = tpu.sem_alloc : memref<!tpu.dma_semaphore, #tpu.memory_space<semaphore_mem>>
      %dma_start3A = arith.constant 160 : i32
      %dma_start3A_53 = arith.constant 0 : i32
      %dma_start3A_54 = tpu.memref_slice %arg4[%add3A, %dma_start3A, %dma_start3A_53] : memref<64x1026x1026xf32, #tpu.memory_space<hbm>> -> memref<1x40x1026xf32, #tpu.memory_space<hbm>>
      %dma_start3A_55 = arith.constant 160 : i32
      %dma_start3A_56 = arith.constant 0 : i32
      %dma_start3A_57 = tpu.memref_slice %arg4[%add3A, %dma_start3A_55, %dma_start3A_56] : memref<64x1026x1026xf32, #tpu.memory_space<hbm>> -> memref<1x40x1026xf32, #tpu.memory_space<hbm>>
      tpu.enqueue_dma source(%arg5 : memref<1x40x1026xf32, #tpu.memory_space<vmem>>) target(%dma_start3A_57 : memref<1x40x1026xf32, #tpu.memory_space<hbm>>) target_semaphore(%run_scoped3A : memref<!tpu.dma_semaphore, #tpu.memory_space<semaphore_mem>>)
      %dma_wait3A = arith.constant 160 : i32
      %dma_wait3A_58 = arith.constant 0 : i32
      %dma_wait3A_59 = tpu.memref_slice %arg4[%add3A, %dma_wait3A, %dma_wait3A_58] : memref<64x1026x1026xf32, #tpu.memory_space<hbm>> -> memref<1x40x1026xf32, #tpu.memory_space<hbm>>
      %dma_wait3A_60 = arith.constant 160 : i32
      %dma_wait3A_61 = arith.constant 0 : i32
      %dma_wait3A_62 = tpu.memref_slice %arg4[%add3A, %dma_wait3A_60, %dma_wait3A_61] : memref<64x1026x1026xf32, #tpu.memory_space<hbm>> -> memref<1x40x1026xf32, #tpu.memory_space<hbm>>
      tpu.wait_dma2 semaphore(%run_scoped3A : memref<!tpu.dma_semaphore, #tpu.memory_space<semaphore_mem>>) src(%arg5 : memref<1x40x1026xf32, #tpu.memory_space<vmem>>) dst(%dma_wait3A_62 : memref<1x40x1026xf32, #tpu.memory_space<hbm>>)
      tpu.yield
    }) : () -> ()
    "tpu.region"() ({
      %run_scoped3A = tpu.sem_alloc : memref<!tpu.dma_semaphore, #tpu.memory_space<semaphore_mem>>
      %dma_start3A = arith.constant 200 : i32
      %dma_start3A_53 = arith.constant 0 : i32
      %dma_start3A_54 = tpu.memref_slice %arg3[%add3A, %dma_start3A, %dma_start3A_53] : memref<64x1026x1026xf32, #tpu.memory_space<hbm>> -> memref<1x40x1026xf32, #tpu.memory_space<hbm>>
      %dma_start3A_55 = arith.constant 200 : i32
      %dma_start3A_56 = arith.constant 0 : i32
      %dma_start3A_57 = tpu.memref_slice %arg3[%add3A, %dma_start3A_55, %dma_start3A_56] : memref<64x1026x1026xf32, #tpu.memory_space<hbm>> -> memref<1x40x1026xf32, #tpu.memory_space<hbm>>
      tpu.enqueue_dma source(%dma_start3A_57 : memref<1x40x1026xf32, #tpu.memory_space<hbm>>) target(%arg6 : memref<1x40x1026xf32, #tpu.memory_space<vmem>>) target_semaphore(%run_scoped3A : memref<!tpu.dma_semaphore, #tpu.memory_space<semaphore_mem>>)
      %dma_wait3A = arith.constant 200 : i32
      %dma_wait3A_58 = arith.constant 0 : i32
      %dma_wait3A_59 = tpu.memref_slice %arg3[%add3A, %dma_wait3A, %dma_wait3A_58] : memref<64x1026x1026xf32, #tpu.memory_space<hbm>> -> memref<1x40x1026xf32, #tpu.memory_space<hbm>>
      %dma_wait3A_60 = arith.constant 200 : i32
      %dma_wait3A_61 = arith.constant 0 : i32
      %dma_wait3A_62 = tpu.memref_slice %arg3[%add3A, %dma_wait3A_60, %dma_wait3A_61] : memref<64x1026x1026xf32, #tpu.memory_space<hbm>> -> memref<1x40x1026xf32, #tpu.memory_space<hbm>>
      tpu.wait_dma2 semaphore(%run_scoped3A : memref<!tpu.dma_semaphore, #tpu.memory_space<semaphore_mem>>) src(%dma_wait3A_62 : memref<1x40x1026xf32, #tpu.memory_space<hbm>>) dst(%arg6 : memref<1x40x1026xf32, #tpu.memory_space<vmem>>)
      tpu.yield
    }) : () -> ()
    "tpu.region"() ({
      %run_scoped3A = tpu.sem_alloc : memref<!tpu.dma_semaphore, #tpu.memory_space<semaphore_mem>>
      %dma_start3A = arith.constant 200 : i32
      %dma_start3A_53 = arith.constant 0 : i32
      %dma_start3A_54 = tpu.memref_slice %arg4[%add3A, %dma_start3A, %dma_start3A_53] : memref<64x1026x1026xf32, #tpu.memory_space<hbm>> -> memref<1x40x1026xf32, #tpu.memory_space<hbm>>
      %dma_start3A_55 = arith.constant 200 : i32
      %dma_start3A_56 = arith.constant 0 : i32
      %dma_start3A_57 = tpu.memref_slice %arg4[%add3A, %dma_start3A_55, %dma_start3A_56] : memref<64x1026x1026xf32, #tpu.memory_space<hbm>> -> memref<1x40x1026xf32, #tpu.memory_space<hbm>>
      tpu.enqueue_dma source(%arg6 : memref<1x40x1026xf32, #tpu.memory_space<vmem>>) target(%dma_start3A_57 : memref<1x40x1026xf32, #tpu.memory_space<hbm>>) target_semaphore(%run_scoped3A : memref<!tpu.dma_semaphore, #tpu.memory_space<semaphore_mem>>)
      %dma_wait3A = arith.constant 200 : i32
      %dma_wait3A_58 = arith.constant 0 : i32
      %dma_wait3A_59 = tpu.memref_slice %arg4[%add3A, %dma_wait3A, %dma_wait3A_58] : memref<64x1026x1026xf32, #tpu.memory_space<hbm>> -> memref<1x40x1026xf32, #tpu.memory_space<hbm>>
      %dma_wait3A_60 = arith.constant 200 : i32
      %dma_wait3A_61 = arith.constant 0 : i32
      %dma_wait3A_62 = tpu.memref_slice %arg4[%add3A, %dma_wait3A_60, %dma_wait3A_61] : memref<64x1026x1026xf32, #tpu.memory_space<hbm>> -> memref<1x40x1026xf32, #tpu.memory_space<hbm>>
      tpu.wait_dma2 semaphore(%run_scoped3A : memref<!tpu.dma_semaphore, #tpu.memory_space<semaphore_mem>>) src(%arg6 : memref<1x40x1026xf32, #tpu.memory_space<vmem>>) dst(%dma_wait3A_62 : memref<1x40x1026xf32, #tpu.memory_space<hbm>>)
      tpu.yield
    }) : () -> ()
    "tpu.region"() ({
      %run_scoped3A = tpu.sem_alloc : memref<!tpu.dma_semaphore, #tpu.memory_space<semaphore_mem>>
      %dma_start3A = arith.constant 240 : i32
      %dma_start3A_53 = arith.constant 0 : i32
      %dma_start3A_54 = tpu.memref_slice %arg3[%add3A, %dma_start3A, %dma_start3A_53] : memref<64x1026x1026xf32, #tpu.memory_space<hbm>> -> memref<1x40x1026xf32, #tpu.memory_space<hbm>>
      %dma_start3A_55 = arith.constant 240 : i32
      %dma_start3A_56 = arith.constant 0 : i32
      %dma_start3A_57 = tpu.memref_slice %arg3[%add3A, %dma_start3A_55, %dma_start3A_56] : memref<64x1026x1026xf32, #tpu.memory_space<hbm>> -> memref<1x40x1026xf32, #tpu.memory_space<hbm>>
      tpu.enqueue_dma source(%dma_start3A_57 : memref<1x40x1026xf32, #tpu.memory_space<hbm>>) target(%arg5 : memref<1x40x1026xf32, #tpu.memory_space<vmem>>) target_semaphore(%run_scoped3A : memref<!tpu.dma_semaphore, #tpu.memory_space<semaphore_mem>>)
      %dma_wait3A = arith.constant 240 : i32
      %dma_wait3A_58 = arith.constant 0 : i32
      %dma_wait3A_59 = tpu.memref_slice %arg3[%add3A, %dma_wait3A, %dma_wait3A_58] : memref<64x1026x1026xf32, #tpu.memory_space<hbm>> -> memref<1x40x1026xf32, #tpu.memory_space<hbm>>
      %dma_wait3A_60 = arith.constant 240 : i32
      %dma_wait3A_61 = arith.constant 0 : i32
      %dma_wait3A_62 = tpu.memref_slice %arg3[%add3A, %dma_wait3A_60, %dma_wait3A_61] : memref<64x1026x1026xf32, #tpu.memory_space<hbm>> -> memref<1x40x1026xf32, #tpu.memory_space<hbm>>
      tpu.wait_dma2 semaphore(%run_scoped3A : memref<!tpu.dma_semaphore, #tpu.memory_space<semaphore_mem>>) src(%dma_wait3A_62 : memref<1x40x1026xf32, #tpu.memory_space<hbm>>) dst(%arg5 : memref<1x40x1026xf32, #tpu.memory_space<vmem>>)
      tpu.yield
    }) : () -> ()
    "tpu.region"() ({
      %run_scoped3A = tpu.sem_alloc : memref<!tpu.dma_semaphore, #tpu.memory_space<semaphore_mem>>
      %dma_start3A = arith.constant 240 : i32
      %dma_start3A_53 = arith.constant 0 : i32
      %dma_start3A_54 = tpu.memref_slice %arg4[%add3A, %dma_start3A, %dma_start3A_53] : memref<64x1026x1026xf32, #tpu.memory_space<hbm>> -> memref<1x40x1026xf32, #tpu.memory_space<hbm>>
      %dma_start3A_55 = arith.constant 240 : i32
      %dma_start3A_56 = arith.constant 0 : i32
      %dma_start3A_57 = tpu.memref_slice %arg4[%add3A, %dma_start3A_55, %dma_start3A_56] : memref<64x1026x1026xf32, #tpu.memory_space<hbm>> -> memref<1x40x1026xf32, #tpu.memory_space<hbm>>
      tpu.enqueue_dma source(%arg5 : memref<1x40x1026xf32, #tpu.memory_space<vmem>>) target(%dma_start3A_57 : memref<1x40x1026xf32, #tpu.memory_space<hbm>>) target_semaphore(%run_scoped3A : memref<!tpu.dma_semaphore, #tpu.memory_space<semaphore_mem>>)
      %dma_wait3A = arith.constant 240 : i32
      %dma_wait3A_58 = arith.constant 0 : i32
      %dma_wait3A_59 = tpu.memref_slice %arg4[%add3A, %dma_wait3A, %dma_wait3A_58] : memref<64x1026x1026xf32, #tpu.memory_space<hbm>> -> memref<1x40x1026xf32, #tpu.memory_space<hbm>>
      %dma_wait3A_60 = arith.constant 240 : i32
      %dma_wait3A_61 = arith.constant 0 : i32
      %dma_wait3A_62 = tpu.memref_slice %arg4[%add3A, %dma_wait3A_60, %dma_wait3A_61] : memref<64x1026x1026xf32, #tpu.memory_space<hbm>> -> memref<1x40x1026xf32, #tpu.memory_space<hbm>>
      tpu.wait_dma2 semaphore(%run_scoped3A : memref<!tpu.dma_semaphore, #tpu.memory_space<semaphore_mem>>) src(%arg5 : memref<1x40x1026xf32, #tpu.memory_space<vmem>>) dst(%dma_wait3A_62 : memref<1x40x1026xf32, #tpu.memory_space<hbm>>)
      tpu.yield
    }) : () -> ()
    "tpu.region"() ({
      %run_scoped3A = tpu.sem_alloc : memref<!tpu.dma_semaphore, #tpu.memory_space<semaphore_mem>>
      %dma_start3A = arith.constant 280 : i32
      %dma_start3A_53 = arith.constant 0 : i32
      %dma_start3A_54 = tpu.memref_slice %arg3[%add3A, %dma_start3A, %dma_start3A_53] : memref<64x1026x1026xf32, #tpu.memory_space<hbm>> -> memref<1x40x1026xf32, #tpu.memory_space<hbm>>
      %dma_start3A_55 = arith.constant 280 : i32
      %dma_start3A_56 = arith.constant 0 : i32
      %dma_start3A_57 = tpu.memref_slice %arg3[%add3A, %dma_start3A_55, %dma_start3A_56] : memref<64x1026x1026xf32, #tpu.memory_space<hbm>> -> memref<1x40x1026xf32, #tpu.memory_space<hbm>>
      tpu.enqueue_dma source(%dma_start3A_57 : memref<1x40x1026xf32, #tpu.memory_space<hbm>>) target(%arg6 : memref<1x40x1026xf32, #tpu.memory_space<vmem>>) target_semaphore(%run_scoped3A : memref<!tpu.dma_semaphore, #tpu.memory_space<semaphore_mem>>)
      %dma_wait3A = arith.constant 280 : i32
      %dma_wait3A_58 = arith.constant 0 : i32
      %dma_wait3A_59 = tpu.memref_slice %arg3[%add3A, %dma_wait3A, %dma_wait3A_58] : memref<64x1026x1026xf32, #tpu.memory_space<hbm>> -> memref<1x40x1026xf32, #tpu.memory_space<hbm>>
      %dma_wait3A_60 = arith.constant 280 : i32
      %dma_wait3A_61 = arith.constant 0 : i32
      %dma_wait3A_62 = tpu.memref_slice %arg3[%add3A, %dma_wait3A_60, %dma_wait3A_61] : memref<64x1026x1026xf32, #tpu.memory_space<hbm>> -> memref<1x40x1026xf32, #tpu.memory_space<hbm>>
      tpu.wait_dma2 semaphore(%run_scoped3A : memref<!tpu.dma_semaphore, #tpu.memory_space<semaphore_mem>>) src(%dma_wait3A_62 : memref<1x40x1026xf32, #tpu.memory_space<hbm>>) dst(%arg6 : memref<1x40x1026xf32, #tpu.memory_space<vmem>>)
      tpu.yield
    }) : () -> ()
    "tpu.region"() ({
      %run_scoped3A = tpu.sem_alloc : memref<!tpu.dma_semaphore, #tpu.memory_space<semaphore_mem>>
      %dma_start3A = arith.constant 280 : i32
      %dma_start3A_53 = arith.constant 0 : i32
      %dma_start3A_54 = tpu.memref_slice %arg4[%add3A, %dma_start3A, %dma_start3A_53] : memref<64x1026x1026xf32, #tpu.memory_space<hbm>> -> memref<1x40x1026xf32, #tpu.memory_space<hbm>>
      %dma_start3A_55 = arith.constant 280 : i32
      %dma_start3A_56 = arith.constant 0 : i32
      %dma_start3A_57 = tpu.memref_slice %arg4[%add3A, %dma_start3A_55, %dma_start3A_56] : memref<64x1026x1026xf32, #tpu.memory_space<hbm>> -> memref<1x40x1026xf32, #tpu.memory_space<hbm>>
      tpu.enqueue_dma source(%arg6 : memref<1x40x1026xf32, #tpu.memory_space<vmem>>) target(%dma_start3A_57 : memref<1x40x1026xf32, #tpu.memory_space<hbm>>) target_semaphore(%run_scoped3A : memref<!tpu.dma_semaphore, #tpu.memory_space<semaphore_mem>>)
      %dma_wait3A = arith.constant 280 : i32
      %dma_wait3A_58 = arith.constant 0 : i32
      %dma_wait3A_59 = tpu.memref_slice %arg4[%add3A, %dma_wait3A, %dma_wait3A_58] : memref<64x1026x1026xf32, #tpu.memory_space<hbm>> -> memref<1x40x1026xf32, #tpu.memory_space<hbm>>
      %dma_wait3A_60 = arith.constant 280 : i32
      %dma_wait3A_61 = arith.constant 0 : i32
      %dma_wait3A_62 = tpu.memref_slice %arg4[%add3A, %dma_wait3A_60, %dma_wait3A_61] : memref<64x1026x1026xf32, #tpu.memory_space<hbm>> -> memref<1x40x1026xf32, #tpu.memory_space<hbm>>
      tpu.wait_dma2 semaphore(%run_scoped3A : memref<!tpu.dma_semaphore, #tpu.memory_space<semaphore_mem>>) src(%arg6 : memref<1x40x1026xf32, #tpu.memory_space<vmem>>) dst(%dma_wait3A_62 : memref<1x40x1026xf32, #tpu.memory_space<hbm>>)
      tpu.yield
    }) : () -> ()
    "tpu.region"() ({
      %run_scoped3A = tpu.sem_alloc : memref<!tpu.dma_semaphore, #tpu.memory_space<semaphore_mem>>
      %dma_start3A = arith.constant 320 : i32
      %dma_start3A_53 = arith.constant 0 : i32
      %dma_start3A_54 = tpu.memref_slice %arg3[%add3A, %dma_start3A, %dma_start3A_53] : memref<64x1026x1026xf32, #tpu.memory_space<hbm>> -> memref<1x40x1026xf32, #tpu.memory_space<hbm>>
      %dma_start3A_55 = arith.constant 320 : i32
      %dma_start3A_56 = arith.constant 0 : i32
      %dma_start3A_57 = tpu.memref_slice %arg3[%add3A, %dma_start3A_55, %dma_start3A_56] : memref<64x1026x1026xf32, #tpu.memory_space<hbm>> -> memref<1x40x1026xf32, #tpu.memory_space<hbm>>
      tpu.enqueue_dma source(%dma_start3A_57 : memref<1x40x1026xf32, #tpu.memory_space<hbm>>) target(%arg5 : memref<1x40x1026xf32, #tpu.memory_space<vmem>>) target_semaphore(%run_scoped3A : memref<!tpu.dma_semaphore, #tpu.memory_space<semaphore_mem>>)
      %dma_wait3A = arith.constant 320 : i32
      %dma_wait3A_58 = arith.constant 0 : i32
      %dma_wait3A_59 = tpu.memref_slice %arg3[%add3A, %dma_wait3A, %dma_wait3A_58] : memref<64x1026x1026xf32, #tpu.memory_space<hbm>> -> memref<1x40x1026xf32, #tpu.memory_space<hbm>>
      %dma_wait3A_60 = arith.constant 320 : i32
      %dma_wait3A_61 = arith.constant 0 : i32
      %dma_wait3A_62 = tpu.memref_slice %arg3[%add3A, %dma_wait3A_60, %dma_wait3A_61] : memref<64x1026x1026xf32, #tpu.memory_space<hbm>> -> memref<1x40x1026xf32, #tpu.memory_space<hbm>>
      tpu.wait_dma2 semaphore(%run_scoped3A : memref<!tpu.dma_semaphore, #tpu.memory_space<semaphore_mem>>) src(%dma_wait3A_62 : memref<1x40x1026xf32, #tpu.memory_space<hbm>>) dst(%arg5 : memref<1x40x1026xf32, #tpu.memory_space<vmem>>)
      tpu.yield
    }) : () -> ()
    "tpu.region"() ({
      %run_scoped3A = tpu.sem_alloc : memref<!tpu.dma_semaphore, #tpu.memory_space<semaphore_mem>>
      %dma_start3A = arith.constant 320 : i32
      %dma_start3A_53 = arith.constant 0 : i32
      %dma_start3A_54 = tpu.memref_slice %arg4[%add3A, %dma_start3A, %dma_start3A_53] : memref<64x1026x1026xf32, #tpu.memory_space<hbm>> -> memref<1x40x1026xf32, #tpu.memory_space<hbm>>
      %dma_start3A_55 = arith.constant 320 : i32
      %dma_start3A_56 = arith.constant 0 : i32
      %dma_start3A_57 = tpu.memref_slice %arg4[%add3A, %dma_start3A_55, %dma_start3A_56] : memref<64x1026x1026xf32, #tpu.memory_space<hbm>> -> memref<1x40x1026xf32, #tpu.memory_space<hbm>>
      tpu.enqueue_dma source(%arg5 : memref<1x40x1026xf32, #tpu.memory_space<vmem>>) target(%dma_start3A_57 : memref<1x40x1026xf32, #tpu.memory_space<hbm>>) target_semaphore(%run_scoped3A : memref<!tpu.dma_semaphore, #tpu.memory_space<semaphore_mem>>)
      %dma_wait3A = arith.constant 320 : i32
      %dma_wait3A_58 = arith.constant 0 : i32
      %dma_wait3A_59 = tpu.memref_slice %arg4[%add3A, %dma_wait3A, %dma_wait3A_58] : memref<64x1026x1026xf32, #tpu.memory_space<hbm>> -> memref<1x40x1026xf32, #tpu.memory_space<hbm>>
      %dma_wait3A_60 = arith.constant 320 : i32
      %dma_wait3A_61 = arith.constant 0 : i32
      %dma_wait3A_62 = tpu.memref_slice %arg4[%add3A, %dma_wait3A_60, %dma_wait3A_61] : memref<64x1026x1026xf32, #tpu.memory_space<hbm>> -> memref<1x40x1026xf32, #tpu.memory_space<hbm>>
      tpu.wait_dma2 semaphore(%run_scoped3A : memref<!tpu.dma_semaphore, #tpu.memory_space<semaphore_mem>>) src(%arg5 : memref<1x40x1026xf32, #tpu.memory_space<vmem>>) dst(%dma_wait3A_62 : memref<1x40x1026xf32, #tpu.memory_space<hbm>>)
      tpu.yield
    }) : () -> ()
    "tpu.region"() ({
      %run_scoped3A = tpu.sem_alloc : memref<!tpu.dma_semaphore, #tpu.memory_space<semaphore_mem>>
      %dma_start3A = arith.constant 360 : i32
      %dma_start3A_53 = arith.constant 0 : i32
      %dma_start3A_54 = tpu.memref_slice %arg3[%add3A, %dma_start3A, %dma_start3A_53] : memref<64x1026x1026xf32, #tpu.memory_space<hbm>> -> memref<1x40x1026xf32, #tpu.memory_space<hbm>>
      %dma_start3A_55 = arith.constant 360 : i32
      %dma_start3A_56 = arith.constant 0 : i32
      %dma_start3A_57 = tpu.memref_slice %arg3[%add3A, %dma_start3A_55, %dma_start3A_56] : memref<64x1026x1026xf32, #tpu.memory_space<hbm>> -> memref<1x40x1026xf32, #tpu.memory_space<hbm>>
      tpu.enqueue_dma source(%dma_start3A_57 : memref<1x40x1026xf32, #tpu.memory_space<hbm>>) target(%arg6 : memref<1x40x1026xf32, #tpu.memory_space<vmem>>) target_semaphore(%run_scoped3A : memref<!tpu.dma_semaphore, #tpu.memory_space<semaphore_mem>>)
      %dma_wait3A = arith.constant 360 : i32
      %dma_wait3A_58 = arith.constant 0 : i32
      %dma_wait3A_59 = tpu.memref_slice %arg3[%add3A, %dma_wait3A, %dma_wait3A_58] : memref<64x1026x1026xf32, #tpu.memory_space<hbm>> -> memref<1x40x1026xf32, #tpu.memory_space<hbm>>
      %dma_wait3A_60 = arith.constant 360 : i32
      %dma_wait3A_61 = arith.constant 0 : i32
      %dma_wait3A_62 = tpu.memref_slice %arg3[%add3A, %dma_wait3A_60, %dma_wait3A_61] : memref<64x1026x1026xf32, #tpu.memory_space<hbm>> -> memref<1x40x1026xf32, #tpu.memory_space<hbm>>
      tpu.wait_dma2 semaphore(%run_scoped3A : memref<!tpu.dma_semaphore, #tpu.memory_space<semaphore_mem>>) src(%dma_wait3A_62 : memref<1x40x1026xf32, #tpu.memory_space<hbm>>) dst(%arg6 : memref<1x40x1026xf32, #tpu.memory_space<vmem>>)
      tpu.yield
    }) : () -> ()
    "tpu.region"() ({
      %run_scoped3A = tpu.sem_alloc : memref<!tpu.dma_semaphore, #tpu.memory_space<semaphore_mem>>
      %dma_start3A = arith.constant 360 : i32
      %dma_start3A_53 = arith.constant 0 : i32
      %dma_start3A_54 = tpu.memref_slice %arg4[%add3A, %dma_start3A, %dma_start3A_53] : memref<64x1026x1026xf32, #tpu.memory_space<hbm>> -> memref<1x40x1026xf32, #tpu.memory_space<hbm>>
      %dma_start3A_55 = arith.constant 360 : i32
      %dma_start3A_56 = arith.constant 0 : i32
      %dma_start3A_57 = tpu.memref_slice %arg4[%add3A, %dma_start3A_55, %dma_start3A_56] : memref<64x1026x1026xf32, #tpu.memory_space<hbm>> -> memref<1x40x1026xf32, #tpu.memory_space<hbm>>
      tpu.enqueue_dma source(%arg6 : memref<1x40x1026xf32, #tpu.memory_space<vmem>>) target(%dma_start3A_57 : memref<1x40x1026xf32, #tpu.memory_space<hbm>>) target_semaphore(%run_scoped3A : memref<!tpu.dma_semaphore, #tpu.memory_space<semaphore_mem>>)
      %dma_wait3A = arith.constant 360 : i32
      %dma_wait3A_58 = arith.constant 0 : i32
      %dma_wait3A_59 = tpu.memref_slice %arg4[%add3A, %dma_wait3A, %dma_wait3A_58] : memref<64x1026x1026xf32, #tpu.memory_space<hbm>> -> memref<1x40x1026xf32, #tpu.memory_space<hbm>>
      %dma_wait3A_60 = arith.constant 360 : i32
      %dma_wait3A_61 = arith.constant 0 : i32
      %dma_wait3A_62 = tpu.memref_slice %arg4[%add3A, %dma_wait3A_60, %dma_wait3A_61] : memref<64x1026x1026xf32, #tpu.memory_space<hbm>> -> memref<1x40x1026xf32, #tpu.memory_space<hbm>>
      tpu.wait_dma2 semaphore(%run_scoped3A : memref<!tpu.dma_semaphore, #tpu.memory_space<semaphore_mem>>) src(%arg6 : memref<1x40x1026xf32, #tpu.memory_space<vmem>>) dst(%dma_wait3A_62 : memref<1x40x1026xf32, #tpu.memory_space<hbm>>)
      tpu.yield
    }) : () -> ()
    "tpu.region"() ({
      %run_scoped3A = tpu.sem_alloc : memref<!tpu.dma_semaphore, #tpu.memory_space<semaphore_mem>>
      %dma_start3A = arith.constant 400 : i32
      %dma_start3A_53 = arith.constant 0 : i32
      %dma_start3A_54 = tpu.memref_slice %arg3[%add3A, %dma_start3A, %dma_start3A_53] : memref<64x1026x1026xf32, #tpu.memory_space<hbm>> -> memref<1x40x1026xf32, #tpu.memory_space<hbm>>
      %dma_start3A_55 = arith.constant 400 : i32
      %dma_start3A_56 = arith.constant 0 : i32
      %dma_start3A_57 = tpu.memref_slice %arg3[%add3A, %dma_start3A_55, %dma_start3A_56] : memref<64x1026x1026xf32, #tpu.memory_space<hbm>> -> memref<1x40x1026xf32, #tpu.memory_space<hbm>>
      tpu.enqueue_dma source(%dma_start3A_57 : memref<1x40x1026xf32, #tpu.memory_space<hbm>>) target(%arg5 : memref<1x40x1026xf32, #tpu.memory_space<vmem>>) target_semaphore(%run_scoped3A : memref<!tpu.dma_semaphore, #tpu.memory_space<semaphore_mem>>)
      %dma_wait3A = arith.constant 400 : i32
      %dma_wait3A_58 = arith.constant 0 : i32
      %dma_wait3A_59 = tpu.memref_slice %arg3[%add3A, %dma_wait3A, %dma_wait3A_58] : memref<64x1026x1026xf32, #tpu.memory_space<hbm>> -> memref<1x40x1026xf32, #tpu.memory_space<hbm>>
      %dma_wait3A_60 = arith.constant 400 : i32
      %dma_wait3A_61 = arith.constant 0 : i32
      %dma_wait3A_62 = tpu.memref_slice %arg3[%add3A, %dma_wait3A_60, %dma_wait3A_61] : memref<64x1026x1026xf32, #tpu.memory_space<hbm>> -> memref<1x40x1026xf32, #tpu.memory_space<hbm>>
      tpu.wait_dma2 semaphore(%run_scoped3A : memref<!tpu.dma_semaphore, #tpu.memory_space<semaphore_mem>>) src(%dma_wait3A_62 : memref<1x40x1026xf32, #tpu.memory_space<hbm>>) dst(%arg5 : memref<1x40x1026xf32, #tpu.memory_space<vmem>>)
      tpu.yield
    }) : () -> ()
    "tpu.region"() ({
      %run_scoped3A = tpu.sem_alloc : memref<!tpu.dma_semaphore, #tpu.memory_space<semaphore_mem>>
      %dma_start3A = arith.constant 400 : i32
      %dma_start3A_53 = arith.constant 0 : i32
      %dma_start3A_54 = tpu.memref_slice %arg4[%add3A, %dma_start3A, %dma_start3A_53] : memref<64x1026x1026xf32, #tpu.memory_space<hbm>> -> memref<1x40x1026xf32, #tpu.memory_space<hbm>>
      %dma_start3A_55 = arith.constant 400 : i32
      %dma_start3A_56 = arith.constant 0 : i32
      %dma_start3A_57 = tpu.memref_slice %arg4[%add3A, %dma_start3A_55, %dma_start3A_56] : memref<64x1026x1026xf32, #tpu.memory_space<hbm>> -> memref<1x40x1026xf32, #tpu.memory_space<hbm>>
      tpu.enqueue_dma source(%arg5 : memref<1x40x1026xf32, #tpu.memory_space<vmem>>) target(%dma_start3A_57 : memref<1x40x1026xf32, #tpu.memory_space<hbm>>) target_semaphore(%run_scoped3A : memref<!tpu.dma_semaphore, #tpu.memory_space<semaphore_mem>>)
      %dma_wait3A = arith.constant 400 : i32
      %dma_wait3A_58 = arith.constant 0 : i32
      %dma_wait3A_59 = tpu.memref_slice %arg4[%add3A, %dma_wait3A, %dma_wait3A_58] : memref<64x1026x1026xf32, #tpu.memory_space<hbm>> -> memref<1x40x1026xf32, #tpu.memory_space<hbm>>
      %dma_wait3A_60 = arith.constant 400 : i32
      %dma_wait3A_61 = arith.constant 0 : i32
      %dma_wait3A_62 = tpu.memref_slice %arg4[%add3A, %dma_wait3A_60, %dma_wait3A_61] : memref<64x1026x1026xf32, #tpu.memory_space<hbm>> -> memref<1x40x1026xf32, #tpu.memory_space<hbm>>
      tpu.wait_dma2 semaphore(%run_scoped3A : memref<!tpu.dma_semaphore, #tpu.memory_space<semaphore_mem>>) src(%arg5 : memref<1x40x1026xf32, #tpu.memory_space<vmem>>) dst(%dma_wait3A_62 : memref<1x40x1026xf32, #tpu.memory_space<hbm>>)
      tpu.yield
    }) : () -> ()
    "tpu.region"() ({
      %run_scoped3A = tpu.sem_alloc : memref<!tpu.dma_semaphore, #tpu.memory_space<semaphore_mem>>
      %dma_start3A = arith.constant 440 : i32
      %dma_start3A_53 = arith.constant 0 : i32
      %dma_start3A_54 = tpu.memref_slice %arg3[%add3A, %dma_start3A, %dma_start3A_53] : memref<64x1026x1026xf32, #tpu.memory_space<hbm>> -> memref<1x40x1026xf32, #tpu.memory_space<hbm>>
      %dma_start3A_55 = arith.constant 440 : i32
      %dma_start3A_56 = arith.constant 0 : i32
      %dma_start3A_57 = tpu.memref_slice %arg3[%add3A, %dma_start3A_55, %dma_start3A_56] : memref<64x1026x1026xf32, #tpu.memory_space<hbm>> -> memref<1x40x1026xf32, #tpu.memory_space<hbm>>
      tpu.enqueue_dma source(%dma_start3A_57 : memref<1x40x1026xf32, #tpu.memory_space<hbm>>) target(%arg6 : memref<1x40x1026xf32, #tpu.memory_space<vmem>>) target_semaphore(%run_scoped3A : memref<!tpu.dma_semaphore, #tpu.memory_space<semaphore_mem>>)
      %dma_wait3A = arith.constant 440 : i32
      %dma_wait3A_58 = arith.constant 0 : i32
      %dma_wait3A_59 = tpu.memref_slice %arg3[%add3A, %dma_wait3A, %dma_wait3A_58] : memref<64x1026x1026xf32, #tpu.memory_space<hbm>> -> memref<1x40x1026xf32, #tpu.memory_space<hbm>>
      %dma_wait3A_60 = arith.constant 440 : i32
      %dma_wait3A_61 = arith.constant 0 : i32
      %dma_wait3A_62 = tpu.memref_slice %arg3[%add3A, %dma_wait3A_60, %dma_wait3A_61] : memref<64x1026x1026xf32, #tpu.memory_space<hbm>> -> memref<1x40x1026xf32, #tpu.memory_space<hbm>>
      tpu.wait_dma2 semaphore(%run_scoped3A : memref<!tpu.dma_semaphore, #tpu.memory_space<semaphore_mem>>) src(%dma_wait3A_62 : memref<1x40x1026xf32, #tpu.memory_space<hbm>>) dst(%arg6 : memref<1x40x1026xf32, #tpu.memory_space<vmem>>)
      tpu.yield
    }) : () -> ()
    "tpu.region"() ({
      %run_scoped3A = tpu.sem_alloc : memref<!tpu.dma_semaphore, #tpu.memory_space<semaphore_mem>>
      %dma_start3A = arith.constant 440 : i32
      %dma_start3A_53 = arith.constant 0 : i32
      %dma_start3A_54 = tpu.memref_slice %arg4[%add3A, %dma_start3A, %dma_start3A_53] : memref<64x1026x1026xf32, #tpu.memory_space<hbm>> -> memref<1x40x1026xf32, #tpu.memory_space<hbm>>
      %dma_start3A_55 = arith.constant 440 : i32
      %dma_start3A_56 = arith.constant 0 : i32
      %dma_start3A_57 = tpu.memref_slice %arg4[%add3A, %dma_start3A_55, %dma_start3A_56] : memref<64x1026x1026xf32, #tpu.memory_space<hbm>> -> memref<1x40x1026xf32, #tpu.memory_space<hbm>>
      tpu.enqueue_dma source(%arg6 : memref<1x40x1026xf32, #tpu.memory_space<vmem>>) target(%dma_start3A_57 : memref<1x40x1026xf32, #tpu.memory_space<hbm>>) target_semaphore(%run_scoped3A : memref<!tpu.dma_semaphore, #tpu.memory_space<semaphore_mem>>)
      %dma_wait3A = arith.constant 440 : i32
      %dma_wait3A_58 = arith.constant 0 : i32
      %dma_wait3A_59 = tpu.memref_slice %arg4[%add3A, %dma_wait3A, %dma_wait3A_58] : memref<64x1026x1026xf32, #tpu.memory_space<hbm>> -> memref<1x40x1026xf32, #tpu.memory_space<hbm>>
      %dma_wait3A_60 = arith.constant 440 : i32
      %dma_wait3A_61 = arith.constant 0 : i32
      %dma_wait3A_62 = tpu.memref_slice %arg4[%add3A, %dma_wait3A_60, %dma_wait3A_61] : memref<64x1026x1026xf32, #tpu.memory_space<hbm>> -> memref<1x40x1026xf32, #tpu.memory_space<hbm>>
      tpu.wait_dma2 semaphore(%run_scoped3A : memref<!tpu.dma_semaphore, #tpu.memory_space<semaphore_mem>>) src(%arg6 : memref<1x40x1026xf32, #tpu.memory_space<vmem>>) dst(%dma_wait3A_62 : memref<1x40x1026xf32, #tpu.memory_space<hbm>>)
      tpu.yield
    }) : () -> ()
    "tpu.region"() ({
      %run_scoped3A = tpu.sem_alloc : memref<!tpu.dma_semaphore, #tpu.memory_space<semaphore_mem>>
      %dma_start3A = arith.constant 480 : i32
      %dma_start3A_53 = arith.constant 0 : i32
      %dma_start3A_54 = tpu.memref_slice %arg3[%add3A, %dma_start3A, %dma_start3A_53] : memref<64x1026x1026xf32, #tpu.memory_space<hbm>> -> memref<1x40x1026xf32, #tpu.memory_space<hbm>>
      %dma_start3A_55 = arith.constant 480 : i32
      %dma_start3A_56 = arith.constant 0 : i32
      %dma_start3A_57 = tpu.memref_slice %arg3[%add3A, %dma_start3A_55, %dma_start3A_56] : memref<64x1026x1026xf32, #tpu.memory_space<hbm>> -> memref<1x40x1026xf32, #tpu.memory_space<hbm>>
      tpu.enqueue_dma source(%dma_start3A_57 : memref<1x40x1026xf32, #tpu.memory_space<hbm>>) target(%arg5 : memref<1x40x1026xf32, #tpu.memory_space<vmem>>) target_semaphore(%run_scoped3A : memref<!tpu.dma_semaphore, #tpu.memory_space<semaphore_mem>>)
      %dma_wait3A = arith.constant 480 : i32
      %dma_wait3A_58 = arith.constant 0 : i32
      %dma_wait3A_59 = tpu.memref_slice %arg3[%add3A, %dma_wait3A, %dma_wait3A_58] : memref<64x1026x1026xf32, #tpu.memory_space<hbm>> -> memref<1x40x1026xf32, #tpu.memory_space<hbm>>
      %dma_wait3A_60 = arith.constant 480 : i32
      %dma_wait3A_61 = arith.constant 0 : i32
      %dma_wait3A_62 = tpu.memref_slice %arg3[%add3A, %dma_wait3A_60, %dma_wait3A_61] : memref<64x1026x1026xf32, #tpu.memory_space<hbm>> -> memref<1x40x1026xf32, #tpu.memory_space<hbm>>
      tpu.wait_dma2 semaphore(%run_scoped3A : memref<!tpu.dma_semaphore, #tpu.memory_space<semaphore_mem>>) src(%dma_wait3A_62 : memref<1x40x1026xf32, #tpu.memory_space<hbm>>) dst(%arg5 : memref<1x40x1026xf32, #tpu.memory_space<vmem>>)
      tpu.yield
    }) : () -> ()
    "tpu.region"() ({
      %run_scoped3A = tpu.sem_alloc : memref<!tpu.dma_semaphore, #tpu.memory_space<semaphore_mem>>
      %dma_start3A = arith.constant 480 : i32
      %dma_start3A_53 = arith.constant 0 : i32
      %dma_start3A_54 = tpu.memref_slice %arg4[%add3A, %dma_start3A, %dma_start3A_53] : memref<64x1026x1026xf32, #tpu.memory_space<hbm>> -> memref<1x40x1026xf32, #tpu.memory_space<hbm>>
      %dma_start3A_55 = arith.constant 480 : i32
      %dma_start3A_56 = arith.constant 0 : i32
      %dma_start3A_57 = tpu.memref_slice %arg4[%add3A, %dma_start3A_55, %dma_start3A_56] : memref<64x1026x1026xf32, #tpu.memory_space<hbm>> -> memref<1x40x1026xf32, #tpu.memory_space<hbm>>
      tpu.enqueue_dma source(%arg5 : memref<1x40x1026xf32, #tpu.memory_space<vmem>>) target(%dma_start3A_57 : memref<1x40x1026xf32, #tpu.memory_space<hbm>>) target_semaphore(%run_scoped3A : memref<!tpu.dma_semaphore, #tpu.memory_space<semaphore_mem>>)
      %dma_wait3A = arith.constant 480 : i32
      %dma_wait3A_58 = arith.constant 0 : i32
      %dma_wait3A_59 = tpu.memref_slice %arg4[%add3A, %dma_wait3A, %dma_wait3A_58] : memref<64x1026x1026xf32, #tpu.memory_space<hbm>> -> memref<1x40x1026xf32, #tpu.memory_space<hbm>>
      %dma_wait3A_60 = arith.constant 480 : i32
      %dma_wait3A_61 = arith.constant 0 : i32
      %dma_wait3A_62 = tpu.memref_slice %arg4[%add3A, %dma_wait3A_60, %dma_wait3A_61] : memref<64x1026x1026xf32, #tpu.memory_space<hbm>> -> memref<1x40x1026xf32, #tpu.memory_space<hbm>>
      tpu.wait_dma2 semaphore(%run_scoped3A : memref<!tpu.dma_semaphore, #tpu.memory_space<semaphore_mem>>) src(%arg5 : memref<1x40x1026xf32, #tpu.memory_space<vmem>>) dst(%dma_wait3A_62 : memref<1x40x1026xf32, #tpu.memory_space<hbm>>)
      tpu.yield
    }) : () -> ()
    "tpu.region"() ({
      %run_scoped3A = tpu.sem_alloc : memref<!tpu.dma_semaphore, #tpu.memory_space<semaphore_mem>>
      %dma_start3A = arith.constant 520 : i32
      %dma_start3A_53 = arith.constant 0 : i32
      %dma_start3A_54 = tpu.memref_slice %arg3[%add3A, %dma_start3A, %dma_start3A_53] : memref<64x1026x1026xf32, #tpu.memory_space<hbm>> -> memref<1x40x1026xf32, #tpu.memory_space<hbm>>
      %dma_start3A_55 = arith.constant 520 : i32
      %dma_start3A_56 = arith.constant 0 : i32
      %dma_start3A_57 = tpu.memref_slice %arg3[%add3A, %dma_start3A_55, %dma_start3A_56] : memref<64x1026x1026xf32, #tpu.memory_space<hbm>> -> memref<1x40x1026xf32, #tpu.memory_space<hbm>>
      tpu.enqueue_dma source(%dma_start3A_57 : memref<1x40x1026xf32, #tpu.memory_space<hbm>>) target(%arg6 : memref<1x40x1026xf32, #tpu.memory_space<vmem>>) target_semaphore(%run_scoped3A : memref<!tpu.dma_semaphore, #tpu.memory_space<semaphore_mem>>)
      %dma_wait3A = arith.constant 520 : i32
      %dma_wait3A_58 = arith.constant 0 : i32
      %dma_wait3A_59 = tpu.memref_slice %arg3[%add3A, %dma_wait3A, %dma_wait3A_58] : memref<64x1026x1026xf32, #tpu.memory_space<hbm>> -> memref<1x40x1026xf32, #tpu.memory_space<hbm>>
      %dma_wait3A_60 = arith.constant 520 : i32
      %dma_wait3A_61 = arith.constant 0 : i32
      %dma_wait3A_62 = tpu.memref_slice %arg3[%add3A, %dma_wait3A_60, %dma_wait3A_61] : memref<64x1026x1026xf32, #tpu.memory_space<hbm>> -> memref<1x40x1026xf32, #tpu.memory_space<hbm>>
      tpu.wait_dma2 semaphore(%run_scoped3A : memref<!tpu.dma_semaphore, #tpu.memory_space<semaphore_mem>>) src(%dma_wait3A_62 : memref<1x40x1026xf32, #tpu.memory_space<hbm>>) dst(%arg6 : memref<1x40x1026xf32, #tpu.memory_space<vmem>>)
      tpu.yield
    }) : () -> ()
    "tpu.region"() ({
      %run_scoped3A = tpu.sem_alloc : memref<!tpu.dma_semaphore, #tpu.memory_space<semaphore_mem>>
      %dma_start3A = arith.constant 520 : i32
      %dma_start3A_53 = arith.constant 0 : i32
      %dma_start3A_54 = tpu.memref_slice %arg4[%add3A, %dma_start3A, %dma_start3A_53] : memref<64x1026x1026xf32, #tpu.memory_space<hbm>> -> memref<1x40x1026xf32, #tpu.memory_space<hbm>>
      %dma_start3A_55 = arith.constant 520 : i32
      %dma_start3A_56 = arith.constant 0 : i32
      %dma_start3A_57 = tpu.memref_slice %arg4[%add3A, %dma_start3A_55, %dma_start3A_56] : memref<64x1026x1026xf32, #tpu.memory_space<hbm>> -> memref<1x40x1026xf32, #tpu.memory_space<hbm>>
      tpu.enqueue_dma source(%arg6 : memref<1x40x1026xf32, #tpu.memory_space<vmem>>) target(%dma_start3A_57 : memref<1x40x1026xf32, #tpu.memory_space<hbm>>) target_semaphore(%run_scoped3A : memref<!tpu.dma_semaphore, #tpu.memory_space<semaphore_mem>>)
      %dma_wait3A = arith.constant 520 : i32
      %dma_wait3A_58 = arith.constant 0 : i32
      %dma_wait3A_59 = tpu.memref_slice %arg4[%add3A, %dma_wait3A, %dma_wait3A_58] : memref<64x1026x1026xf32, #tpu.memory_space<hbm>> -> memref<1x40x1026xf32, #tpu.memory_space<hbm>>
      %dma_wait3A_60 = arith.constant 520 : i32
      %dma_wait3A_61 = arith.constant 0 : i32
      %dma_wait3A_62 = tpu.memref_slice %arg4[%add3A, %dma_wait3A_60, %dma_wait3A_61] : memref<64x1026x1026xf32, #tpu.memory_space<hbm>> -> memref<1x40x1026xf32, #tpu.memory_space<hbm>>
      tpu.wait_dma2 semaphore(%run_scoped3A : memref<!tpu.dma_semaphore, #tpu.memory_space<semaphore_mem>>) src(%arg6 : memref<1x40x1026xf32, #tpu.memory_space<vmem>>) dst(%dma_wait3A_62 : memref<1x40x1026xf32, #tpu.memory_space<hbm>>)
      tpu.yield
    }) : () -> ()
    "tpu.region"() ({
      %run_scoped3A = tpu.sem_alloc : memref<!tpu.dma_semaphore, #tpu.memory_space<semaphore_mem>>
      %dma_start3A = arith.constant 560 : i32
      %dma_start3A_53 = arith.constant 0 : i32
      %dma_start3A_54 = tpu.memref_slice %arg3[%add3A, %dma_start3A, %dma_start3A_53] : memref<64x1026x1026xf32, #tpu.memory_space<hbm>> -> memref<1x40x1026xf32, #tpu.memory_space<hbm>>
      %dma_start3A_55 = arith.constant 560 : i32
      %dma_start3A_56 = arith.constant 0 : i32
      %dma_start3A_57 = tpu.memref_slice %arg3[%add3A, %dma_start3A_55, %dma_start3A_56] : memref<64x1026x1026xf32, #tpu.memory_space<hbm>> -> memref<1x40x1026xf32, #tpu.memory_space<hbm>>
      tpu.enqueue_dma source(%dma_start3A_57 : memref<1x40x1026xf32, #tpu.memory_space<hbm>>) target(%arg5 : memref<1x40x1026xf32, #tpu.memory_space<vmem>>) target_semaphore(%run_scoped3A : memref<!tpu.dma_semaphore, #tpu.memory_space<semaphore_mem>>)
      %dma_wait3A = arith.constant 560 : i32
      %dma_wait3A_58 = arith.constant 0 : i32
      %dma_wait3A_59 = tpu.memref_slice %arg3[%add3A, %dma_wait3A, %dma_wait3A_58] : memref<64x1026x1026xf32, #tpu.memory_space<hbm>> -> memref<1x40x1026xf32, #tpu.memory_space<hbm>>
      %dma_wait3A_60 = arith.constant 560 : i32
      %dma_wait3A_61 = arith.constant 0 : i32
      %dma_wait3A_62 = tpu.memref_slice %arg3[%add3A, %dma_wait3A_60, %dma_wait3A_61] : memref<64x1026x1026xf32, #tpu.memory_space<hbm>> -> memref<1x40x1026xf32, #tpu.memory_space<hbm>>
      tpu.wait_dma2 semaphore(%run_scoped3A : memref<!tpu.dma_semaphore, #tpu.memory_space<semaphore_mem>>) src(%dma_wait3A_62 : memref<1x40x1026xf32, #tpu.memory_space<hbm>>) dst(%arg5 : memref<1x40x1026xf32, #tpu.memory_space<vmem>>)
      tpu.yield
    }) : () -> ()
    "tpu.region"() ({
      %run_scoped3A = tpu.sem_alloc : memref<!tpu.dma_semaphore, #tpu.memory_space<semaphore_mem>>
      %dma_start3A = arith.constant 560 : i32
      %dma_start3A_53 = arith.constant 0 : i32
      %dma_start3A_54 = tpu.memref_slice %arg4[%add3A, %dma_start3A, %dma_start3A_53] : memref<64x1026x1026xf32, #tpu.memory_space<hbm>> -> memref<1x40x1026xf32, #tpu.memory_space<hbm>>
      %dma_start3A_55 = arith.constant 560 : i32
      %dma_start3A_56 = arith.constant 0 : i32
      %dma_start3A_57 = tpu.memref_slice %arg4[%add3A, %dma_start3A_55, %dma_start3A_56] : memref<64x1026x1026xf32, #tpu.memory_space<hbm>> -> memref<1x40x1026xf32, #tpu.memory_space<hbm>>
      tpu.enqueue_dma source(%arg5 : memref<1x40x1026xf32, #tpu.memory_space<vmem>>) target(%dma_start3A_57 : memref<1x40x1026xf32, #tpu.memory_space<hbm>>) target_semaphore(%run_scoped3A : memref<!tpu.dma_semaphore, #tpu.memory_space<semaphore_mem>>)
      %dma_wait3A = arith.constant 560 : i32
      %dma_wait3A_58 = arith.constant 0 : i32
      %dma_wait3A_59 = tpu.memref_slice %arg4[%add3A, %dma_wait3A, %dma_wait3A_58] : memref<64x1026x1026xf32, #tpu.memory_space<hbm>> -> memref<1x40x1026xf32, #tpu.memory_space<hbm>>
      %dma_wait3A_60 = arith.constant 560 : i32
      %dma_wait3A_61 = arith.constant 0 : i32
      %dma_wait3A_62 = tpu.memref_slice %arg4[%add3A, %dma_wait3A_60, %dma_wait3A_61] : memref<64x1026x1026xf32, #tpu.memory_space<hbm>> -> memref<1x40x1026xf32, #tpu.memory_space<hbm>>
      tpu.wait_dma2 semaphore(%run_scoped3A : memref<!tpu.dma_semaphore, #tpu.memory_space<semaphore_mem>>) src(%arg5 : memref<1x40x1026xf32, #tpu.memory_space<vmem>>) dst(%dma_wait3A_62 : memref<1x40x1026xf32, #tpu.memory_space<hbm>>)
      tpu.yield
    }) : () -> ()
    "tpu.region"() ({
      %run_scoped3A = tpu.sem_alloc : memref<!tpu.dma_semaphore, #tpu.memory_space<semaphore_mem>>
      %dma_start3A = arith.constant 600 : i32
      %dma_start3A_53 = arith.constant 0 : i32
      %dma_start3A_54 = tpu.memref_slice %arg3[%add3A, %dma_start3A, %dma_start3A_53] : memref<64x1026x1026xf32, #tpu.memory_space<hbm>> -> memref<1x40x1026xf32, #tpu.memory_space<hbm>>
      %dma_start3A_55 = arith.constant 600 : i32
      %dma_start3A_56 = arith.constant 0 : i32
      %dma_start3A_57 = tpu.memref_slice %arg3[%add3A, %dma_start3A_55, %dma_start3A_56] : memref<64x1026x1026xf32, #tpu.memory_space<hbm>> -> memref<1x40x1026xf32, #tpu.memory_space<hbm>>
      tpu.enqueue_dma source(%dma_start3A_57 : memref<1x40x1026xf32, #tpu.memory_space<hbm>>) target(%arg6 : memref<1x40x1026xf32, #tpu.memory_space<vmem>>) target_semaphore(%run_scoped3A : memref<!tpu.dma_semaphore, #tpu.memory_space<semaphore_mem>>)
      %dma_wait3A = arith.constant 600 : i32
      %dma_wait3A_58 = arith.constant 0 : i32
      %dma_wait3A_59 = tpu.memref_slice %arg3[%add3A, %dma_wait3A, %dma_wait3A_58] : memref<64x1026x1026xf32, #tpu.memory_space<hbm>> -> memref<1x40x1026xf32, #tpu.memory_space<hbm>>
      %dma_wait3A_60 = arith.constant 600 : i32
      %dma_wait3A_61 = arith.constant 0 : i32
      %dma_wait3A_62 = tpu.memref_slice %arg3[%add3A, %dma_wait3A_60, %dma_wait3A_61] : memref<64x1026x1026xf32, #tpu.memory_space<hbm>> -> memref<1x40x1026xf32, #tpu.memory_space<hbm>>
      tpu.wait_dma2 semaphore(%run_scoped3A : memref<!tpu.dma_semaphore, #tpu.memory_space<semaphore_mem>>) src(%dma_wait3A_62 : memref<1x40x1026xf32, #tpu.memory_space<hbm>>) dst(%arg6 : memref<1x40x1026xf32, #tpu.memory_space<vmem>>)
      tpu.yield
    }) : () -> ()
    "tpu.region"() ({
      %run_scoped3A = tpu.sem_alloc : memref<!tpu.dma_semaphore, #tpu.memory_space<semaphore_mem>>
      %dma_start3A = arith.constant 600 : i32
      %dma_start3A_53 = arith.constant 0 : i32
      %dma_start3A_54 = tpu.memref_slice %arg4[%add3A, %dma_start3A, %dma_start3A_53] : memref<64x1026x1026xf32, #tpu.memory_space<hbm>> -> memref<1x40x1026xf32, #tpu.memory_space<hbm>>
      %dma_start3A_55 = arith.constant 600 : i32
      %dma_start3A_56 = arith.constant 0 : i32
      %dma_start3A_57 = tpu.memref_slice %arg4[%add3A, %dma_start3A_55, %dma_start3A_56] : memref<64x1026x1026xf32, #tpu.memory_space<hbm>> -> memref<1x40x1026xf32, #tpu.memory_space<hbm>>
      tpu.enqueue_dma source(%arg6 : memref<1x40x1026xf32, #tpu.memory_space<vmem>>) target(%dma_start3A_57 : memref<1x40x1026xf32, #tpu.memory_space<hbm>>) target_semaphore(%run_scoped3A : memref<!tpu.dma_semaphore, #tpu.memory_space<semaphore_mem>>)
      %dma_wait3A = arith.constant 600 : i32
      %dma_wait3A_58 = arith.constant 0 : i32
      %dma_wait3A_59 = tpu.memref_slice %arg4[%add3A, %dma_wait3A, %dma_wait3A_58] : memref<64x1026x1026xf32, #tpu.memory_space<hbm>> -> memref<1x40x1026xf32, #tpu.memory_space<hbm>>
      %dma_wait3A_60 = arith.constant 600 : i32
      %dma_wait3A_61 = arith.constant 0 : i32
      %dma_wait3A_62 = tpu.memref_slice %arg4[%add3A, %dma_wait3A_60, %dma_wait3A_61] : memref<64x1026x1026xf32, #tpu.memory_space<hbm>> -> memref<1x40x1026xf32, #tpu.memory_space<hbm>>
      tpu.wait_dma2 semaphore(%run_scoped3A : memref<!tpu.dma_semaphore, #tpu.memory_space<semaphore_mem>>) src(%arg6 : memref<1x40x1026xf32, #tpu.memory_space<vmem>>) dst(%dma_wait3A_62 : memref<1x40x1026xf32, #tpu.memory_space<hbm>>)
      tpu.yield
    }) : () -> ()
    "tpu.region"() ({
      %run_scoped3A = tpu.sem_alloc : memref<!tpu.dma_semaphore, #tpu.memory_space<semaphore_mem>>
      %dma_start3A = arith.constant 640 : i32
      %dma_start3A_53 = arith.constant 0 : i32
      %dma_start3A_54 = tpu.memref_slice %arg3[%add3A, %dma_start3A, %dma_start3A_53] : memref<64x1026x1026xf32, #tpu.memory_space<hbm>> -> memref<1x40x1026xf32, #tpu.memory_space<hbm>>
      %dma_start3A_55 = arith.constant 640 : i32
      %dma_start3A_56 = arith.constant 0 : i32
      %dma_start3A_57 = tpu.memref_slice %arg3[%add3A, %dma_start3A_55, %dma_start3A_56] : memref<64x1026x1026xf32, #tpu.memory_space<hbm>> -> memref<1x40x1026xf32, #tpu.memory_space<hbm>>
      tpu.enqueue_dma source(%dma_start3A_57 : memref<1x40x1026xf32, #tpu.memory_space<hbm>>) target(%arg5 : memref<1x40x1026xf32, #tpu.memory_space<vmem>>) target_semaphore(%run_scoped3A : memref<!tpu.dma_semaphore, #tpu.memory_space<semaphore_mem>>)
      %dma_wait3A = arith.constant 640 : i32
      %dma_wait3A_58 = arith.constant 0 : i32
      %dma_wait3A_59 = tpu.memref_slice %arg3[%add3A, %dma_wait3A, %dma_wait3A_58] : memref<64x1026x1026xf32, #tpu.memory_space<hbm>> -> memref<1x40x1026xf32, #tpu.memory_space<hbm>>
      %dma_wait3A_60 = arith.constant 640 : i32
      %dma_wait3A_61 = arith.constant 0 : i32
      %dma_wait3A_62 = tpu.memref_slice %arg3[%add3A, %dma_wait3A_60, %dma_wait3A_61] : memref<64x1026x1026xf32, #tpu.memory_space<hbm>> -> memref<1x40x1026xf32, #tpu.memory_space<hbm>>
      tpu.wait_dma2 semaphore(%run_scoped3A : memref<!tpu.dma_semaphore, #tpu.memory_space<semaphore_mem>>) src(%dma_wait3A_62 : memref<1x40x1026xf32, #tpu.memory_space<hbm>>) dst(%arg5 : memref<1x40x1026xf32, #tpu.memory_space<vmem>>)
      tpu.yield
    }) : () -> ()
    "tpu.region"() ({
      %run_scoped3A = tpu.sem_alloc : memref<!tpu.dma_semaphore, #tpu.memory_space<semaphore_mem>>
      %dma_start3A = arith.constant 640 : i32
      %dma_start3A_53 = arith.constant 0 : i32
      %dma_start3A_54 = tpu.memref_slice %arg4[%add3A, %dma_start3A, %dma_start3A_53] : memref<64x1026x1026xf32, #tpu.memory_space<hbm>> -> memref<1x40x1026xf32, #tpu.memory_space<hbm>>
      %dma_start3A_55 = arith.constant 640 : i32
      %dma_start3A_56 = arith.constant 0 : i32
      %dma_start3A_57 = tpu.memref_slice %arg4[%add3A, %dma_start3A_55, %dma_start3A_56] : memref<64x1026x1026xf32, #tpu.memory_space<hbm>> -> memref<1x40x1026xf32, #tpu.memory_space<hbm>>
      tpu.enqueue_dma source(%arg5 : memref<1x40x1026xf32, #tpu.memory_space<vmem>>) target(%dma_start3A_57 : memref<1x40x1026xf32, #tpu.memory_space<hbm>>) target_semaphore(%run_scoped3A : memref<!tpu.dma_semaphore, #tpu.memory_space<semaphore_mem>>)
      %dma_wait3A = arith.constant 640 : i32
      %dma_wait3A_58 = arith.constant 0 : i32
      %dma_wait3A_59 = tpu.memref_slice %arg4[%add3A, %dma_wait3A, %dma_wait3A_58] : memref<64x1026x1026xf32, #tpu.memory_space<hbm>> -> memref<1x40x1026xf32, #tpu.memory_space<hbm>>
      %dma_wait3A_60 = arith.constant 640 : i32
      %dma_wait3A_61 = arith.constant 0 : i32
      %dma_wait3A_62 = tpu.memref_slice %arg4[%add3A, %dma_wait3A_60, %dma_wait3A_61] : memref<64x1026x1026xf32, #tpu.memory_space<hbm>> -> memref<1x40x1026xf32, #tpu.memory_space<hbm>>
      tpu.wait_dma2 semaphore(%run_scoped3A : memref<!tpu.dma_semaphore, #tpu.memory_space<semaphore_mem>>) src(%arg5 : memref<1x40x1026xf32, #tpu.memory_space<vmem>>) dst(%dma_wait3A_62 : memref<1x40x1026xf32, #tpu.memory_space<hbm>>)
      tpu.yield
    }) : () -> ()
    "tpu.region"() ({
      %run_scoped3A = tpu.sem_alloc : memref<!tpu.dma_semaphore, #tpu.memory_space<semaphore_mem>>
      %dma_start3A = arith.constant 680 : i32
      %dma_start3A_53 = arith.constant 0 : i32
      %dma_start3A_54 = tpu.memref_slice %arg3[%add3A, %dma_start3A, %dma_start3A_53] : memref<64x1026x1026xf32, #tpu.memory_space<hbm>> -> memref<1x40x1026xf32, #tpu.memory_space<hbm>>
      %dma_start3A_55 = arith.constant 680 : i32
      %dma_start3A_56 = arith.constant 0 : i32
      %dma_start3A_57 = tpu.memref_slice %arg3[%add3A, %dma_start3A_55, %dma_start3A_56] : memref<64x1026x1026xf32, #tpu.memory_space<hbm>> -> memref<1x40x1026xf32, #tpu.memory_space<hbm>>
      tpu.enqueue_dma source(%dma_start3A_57 : memref<1x40x1026xf32, #tpu.memory_space<hbm>>) target(%arg6 : memref<1x40x1026xf32, #tpu.memory_space<vmem>>) target_semaphore(%run_scoped3A : memref<!tpu.dma_semaphore, #tpu.memory_space<semaphore_mem>>)
      %dma_wait3A = arith.constant 680 : i32
      %dma_wait3A_58 = arith.constant 0 : i32
      %dma_wait3A_59 = tpu.memref_slice %arg3[%add3A, %dma_wait3A, %dma_wait3A_58] : memref<64x1026x1026xf32, #tpu.memory_space<hbm>> -> memref<1x40x1026xf32, #tpu.memory_space<hbm>>
      %dma_wait3A_60 = arith.constant 680 : i32
      %dma_wait3A_61 = arith.constant 0 : i32
      %dma_wait3A_62 = tpu.memref_slice %arg3[%add3A, %dma_wait3A_60, %dma_wait3A_61] : memref<64x1026x1026xf32, #tpu.memory_space<hbm>> -> memref<1x40x1026xf32, #tpu.memory_space<hbm>>
      tpu.wait_dma2 semaphore(%run_scoped3A : memref<!tpu.dma_semaphore, #tpu.memory_space<semaphore_mem>>) src(%dma_wait3A_62 : memref<1x40x1026xf32, #tpu.memory_space<hbm>>) dst(%arg6 : memref<1x40x1026xf32, #tpu.memory_space<vmem>>)
      tpu.yield
    }) : () -> ()
    "tpu.region"() ({
      %run_scoped3A = tpu.sem_alloc : memref<!tpu.dma_semaphore, #tpu.memory_space<semaphore_mem>>
      %dma_start3A = arith.constant 680 : i32
      %dma_start3A_53 = arith.constant 0 : i32
      %dma_start3A_54 = tpu.memref_slice %arg4[%add3A, %dma_start3A, %dma_start3A_53] : memref<64x1026x1026xf32, #tpu.memory_space<hbm>> -> memref<1x40x1026xf32, #tpu.memory_space<hbm>>
      %dma_start3A_55 = arith.constant 680 : i32
      %dma_start3A_56 = arith.constant 0 : i32
      %dma_start3A_57 = tpu.memref_slice %arg4[%add3A, %dma_start3A_55, %dma_start3A_56] : memref<64x1026x1026xf32, #tpu.memory_space<hbm>> -> memref<1x40x1026xf32, #tpu.memory_space<hbm>>
      tpu.enqueue_dma source(%arg6 : memref<1x40x1026xf32, #tpu.memory_space<vmem>>) target(%dma_start3A_57 : memref<1x40x1026xf32, #tpu.memory_space<hbm>>) target_semaphore(%run_scoped3A : memref<!tpu.dma_semaphore, #tpu.memory_space<semaphore_mem>>)
      %dma_wait3A = arith.constant 680 : i32
      %dma_wait3A_58 = arith.constant 0 : i32
      %dma_wait3A_59 = tpu.memref_slice %arg4[%add3A, %dma_wait3A, %dma_wait3A_58] : memref<64x1026x1026xf32, #tpu.memory_space<hbm>> -> memref<1x40x1026xf32, #tpu.memory_space<hbm>>
      %dma_wait3A_60 = arith.constant 680 : i32
      %dma_wait3A_61 = arith.constant 0 : i32
      %dma_wait3A_62 = tpu.memref_slice %arg4[%add3A, %dma_wait3A_60, %dma_wait3A_61] : memref<64x1026x1026xf32, #tpu.memory_space<hbm>> -> memref<1x40x1026xf32, #tpu.memory_space<hbm>>
      tpu.wait_dma2 semaphore(%run_scoped3A : memref<!tpu.dma_semaphore, #tpu.memory_space<semaphore_mem>>) src(%arg6 : memref<1x40x1026xf32, #tpu.memory_space<vmem>>) dst(%dma_wait3A_62 : memref<1x40x1026xf32, #tpu.memory_space<hbm>>)
      tpu.yield
    }) : () -> ()
    "tpu.region"() ({
      %run_scoped3A = tpu.sem_alloc : memref<!tpu.dma_semaphore, #tpu.memory_space<semaphore_mem>>
      %dma_start3A = arith.constant 720 : i32
      %dma_start3A_53 = arith.constant 0 : i32
      %dma_start3A_54 = tpu.memref_slice %arg3[%add3A, %dma_start3A, %dma_start3A_53] : memref<64x1026x1026xf32, #tpu.memory_space<hbm>> -> memref<1x40x1026xf32, #tpu.memory_space<hbm>>
      %dma_start3A_55 = arith.constant 720 : i32
      %dma_start3A_56 = arith.constant 0 : i32
      %dma_start3A_57 = tpu.memref_slice %arg3[%add3A, %dma_start3A_55, %dma_start3A_56] : memref<64x1026x1026xf32, #tpu.memory_space<hbm>> -> memref<1x40x1026xf32, #tpu.memory_space<hbm>>
      tpu.enqueue_dma source(%dma_start3A_57 : memref<1x40x1026xf32, #tpu.memory_space<hbm>>) target(%arg5 : memref<1x40x1026xf32, #tpu.memory_space<vmem>>) target_semaphore(%run_scoped3A : memref<!tpu.dma_semaphore, #tpu.memory_space<semaphore_mem>>)
      %dma_wait3A = arith.constant 720 : i32
      %dma_wait3A_58 = arith.constant 0 : i32
      %dma_wait3A_59 = tpu.memref_slice %arg3[%add3A, %dma_wait3A, %dma_wait3A_58] : memref<64x1026x1026xf32, #tpu.memory_space<hbm>> -> memref<1x40x1026xf32, #tpu.memory_space<hbm>>
      %dma_wait3A_60 = arith.constant 720 : i32
      %dma_wait3A_61 = arith.constant 0 : i32
      %dma_wait3A_62 = tpu.memref_slice %arg3[%add3A, %dma_wait3A_60, %dma_wait3A_61] : memref<64x1026x1026xf32, #tpu.memory_space<hbm>> -> memref<1x40x1026xf32, #tpu.memory_space<hbm>>
      tpu.wait_dma2 semaphore(%run_scoped3A : memref<!tpu.dma_semaphore, #tpu.memory_space<semaphore_mem>>) src(%dma_wait3A_62 : memref<1x40x1026xf32, #tpu.memory_space<hbm>>) dst(%arg5 : memref<1x40x1026xf32, #tpu.memory_space<vmem>>)
      tpu.yield
    }) : () -> ()
    "tpu.region"() ({
      %run_scoped3A = tpu.sem_alloc : memref<!tpu.dma_semaphore, #tpu.memory_space<semaphore_mem>>
      %dma_start3A = arith.constant 720 : i32
      %dma_start3A_53 = arith.constant 0 : i32
      %dma_start3A_54 = tpu.memref_slice %arg4[%add3A, %dma_start3A, %dma_start3A_53] : memref<64x1026x1026xf32, #tpu.memory_space<hbm>> -> memref<1x40x1026xf32, #tpu.memory_space<hbm>>
      %dma_start3A_55 = arith.constant 720 : i32
      %dma_start3A_56 = arith.constant 0 : i32
      %dma_start3A_57 = tpu.memref_slice %arg4[%add3A, %dma_start3A_55, %dma_start3A_56] : memref<64x1026x1026xf32, #tpu.memory_space<hbm>> -> memref<1x40x1026xf32, #tpu.memory_space<hbm>>
      tpu.enqueue_dma source(%arg5 : memref<1x40x1026xf32, #tpu.memory_space<vmem>>) target(%dma_start3A_57 : memref<1x40x1026xf32, #tpu.memory_space<hbm>>) target_semaphore(%run_scoped3A : memref<!tpu.dma_semaphore, #tpu.memory_space<semaphore_mem>>)
      %dma_wait3A = arith.constant 720 : i32
      %dma_wait3A_58 = arith.constant 0 : i32
      %dma_wait3A_59 = tpu.memref_slice %arg4[%add3A, %dma_wait3A, %dma_wait3A_58] : memref<64x1026x1026xf32, #tpu.memory_space<hbm>> -> memref<1x40x1026xf32, #tpu.memory_space<hbm>>
      %dma_wait3A_60 = arith.constant 720 : i32
      %dma_wait3A_61 = arith.constant 0 : i32
      %dma_wait3A_62 = tpu.memref_slice %arg4[%add3A, %dma_wait3A_60, %dma_wait3A_61] : memref<64x1026x1026xf32, #tpu.memory_space<hbm>> -> memref<1x40x1026xf32, #tpu.memory_space<hbm>>
      tpu.wait_dma2 semaphore(%run_scoped3A : memref<!tpu.dma_semaphore, #tpu.memory_space<semaphore_mem>>) src(%arg5 : memref<1x40x1026xf32, #tpu.memory_space<vmem>>) dst(%dma_wait3A_62 : memref<1x40x1026xf32, #tpu.memory_space<hbm>>)
      tpu.yield
    }) : () -> ()
    "tpu.region"() ({
      %run_scoped3A = tpu.sem_alloc : memref<!tpu.dma_semaphore, #tpu.memory_space<semaphore_mem>>
      %dma_start3A = arith.constant 760 : i32
      %dma_start3A_53 = arith.constant 0 : i32
      %dma_start3A_54 = tpu.memref_slice %arg3[%add3A, %dma_start3A, %dma_start3A_53] : memref<64x1026x1026xf32, #tpu.memory_space<hbm>> -> memref<1x40x1026xf32, #tpu.memory_space<hbm>>
      %dma_start3A_55 = arith.constant 760 : i32
      %dma_start3A_56 = arith.constant 0 : i32
      %dma_start3A_57 = tpu.memref_slice %arg3[%add3A, %dma_start3A_55, %dma_start3A_56] : memref<64x1026x1026xf32, #tpu.memory_space<hbm>> -> memref<1x40x1026xf32, #tpu.memory_space<hbm>>
      tpu.enqueue_dma source(%dma_start3A_57 : memref<1x40x1026xf32, #tpu.memory_space<hbm>>) target(%arg6 : memref<1x40x1026xf32, #tpu.memory_space<vmem>>) target_semaphore(%run_scoped3A : memref<!tpu.dma_semaphore, #tpu.memory_space<semaphore_mem>>)
      %dma_wait3A = arith.constant 760 : i32
      %dma_wait3A_58 = arith.constant 0 : i32
      %dma_wait3A_59 = tpu.memref_slice %arg3[%add3A, %dma_wait3A, %dma_wait3A_58] : memref<64x1026x1026xf32, #tpu.memory_space<hbm>> -> memref<1x40x1026xf32, #tpu.memory_space<hbm>>
      %dma_wait3A_60 = arith.constant 760 : i32
      %dma_wait3A_61 = arith.constant 0 : i32
      %dma_wait3A_62 = tpu.memref_slice %arg3[%add3A, %dma_wait3A_60, %dma_wait3A_61] : memref<64x1026x1026xf32, #tpu.memory_space<hbm>> -> memref<1x40x1026xf32, #tpu.memory_space<hbm>>
      tpu.wait_dma2 semaphore(%run_scoped3A : memref<!tpu.dma_semaphore, #tpu.memory_space<semaphore_mem>>) src(%dma_wait3A_62 : memref<1x40x1026xf32, #tpu.memory_space<hbm>>) dst(%arg6 : memref<1x40x1026xf32, #tpu.memory_space<vmem>>)
      tpu.yield
    }) : () -> ()
    "tpu.region"() ({
      %run_scoped3A = tpu.sem_alloc : memref<!tpu.dma_semaphore, #tpu.memory_space<semaphore_mem>>
      %dma_start3A = arith.constant 760 : i32
      %dma_start3A_53 = arith.constant 0 : i32
      %dma_start3A_54 = tpu.memref_slice %arg4[%add3A, %dma_start3A, %dma_start3A_53] : memref<64x1026x1026xf32, #tpu.memory_space<hbm>> -> memref<1x40x1026xf32, #tpu.memory_space<hbm>>
      %dma_start3A_55 = arith.constant 760 : i32
      %dma_start3A_56 = arith.constant 0 : i32
      %dma_start3A_57 = tpu.memref_slice %arg4[%add3A, %dma_start3A_55, %dma_start3A_56] : memref<64x1026x1026xf32, #tpu.memory_space<hbm>> -> memref<1x40x1026xf32, #tpu.memory_space<hbm>>
      tpu.enqueue_dma source(%arg6 : memref<1x40x1026xf32, #tpu.memory_space<vmem>>) target(%dma_start3A_57 : memref<1x40x1026xf32, #tpu.memory_space<hbm>>) target_semaphore(%run_scoped3A : memref<!tpu.dma_semaphore, #tpu.memory_space<semaphore_mem>>)
      %dma_wait3A = arith.constant 760 : i32
      %dma_wait3A_58 = arith.constant 0 : i32
      %dma_wait3A_59 = tpu.memref_slice %arg4[%add3A, %dma_wait3A, %dma_wait3A_58] : memref<64x1026x1026xf32, #tpu.memory_space<hbm>> -> memref<1x40x1026xf32, #tpu.memory_space<hbm>>
      %dma_wait3A_60 = arith.constant 760 : i32
      %dma_wait3A_61 = arith.constant 0 : i32
      %dma_wait3A_62 = tpu.memref_slice %arg4[%add3A, %dma_wait3A_60, %dma_wait3A_61] : memref<64x1026x1026xf32, #tpu.memory_space<hbm>> -> memref<1x40x1026xf32, #tpu.memory_space<hbm>>
      tpu.wait_dma2 semaphore(%run_scoped3A : memref<!tpu.dma_semaphore, #tpu.memory_space<semaphore_mem>>) src(%arg6 : memref<1x40x1026xf32, #tpu.memory_space<vmem>>) dst(%dma_wait3A_62 : memref<1x40x1026xf32, #tpu.memory_space<hbm>>)
      tpu.yield
    }) : () -> ()
    "tpu.region"() ({
      %run_scoped3A = tpu.sem_alloc : memref<!tpu.dma_semaphore, #tpu.memory_space<semaphore_mem>>
      %dma_start3A = arith.constant 800 : i32
      %dma_start3A_53 = arith.constant 0 : i32
      %dma_start3A_54 = tpu.memref_slice %arg3[%add3A, %dma_start3A, %dma_start3A_53] : memref<64x1026x1026xf32, #tpu.memory_space<hbm>> -> memref<1x40x1026xf32, #tpu.memory_space<hbm>>
      %dma_start3A_55 = arith.constant 800 : i32
      %dma_start3A_56 = arith.constant 0 : i32
      %dma_start3A_57 = tpu.memref_slice %arg3[%add3A, %dma_start3A_55, %dma_start3A_56] : memref<64x1026x1026xf32, #tpu.memory_space<hbm>> -> memref<1x40x1026xf32, #tpu.memory_space<hbm>>
      tpu.enqueue_dma source(%dma_start3A_57 : memref<1x40x1026xf32, #tpu.memory_space<hbm>>) target(%arg5 : memref<1x40x1026xf32, #tpu.memory_space<vmem>>) target_semaphore(%run_scoped3A : memref<!tpu.dma_semaphore, #tpu.memory_space<semaphore_mem>>)
      %dma_wait3A = arith.constant 800 : i32
      %dma_wait3A_58 = arith.constant 0 : i32
      %dma_wait3A_59 = tpu.memref_slice %arg3[%add3A, %dma_wait3A, %dma_wait3A_58] : memref<64x1026x1026xf32, #tpu.memory_space<hbm>> -> memref<1x40x1026xf32, #tpu.memory_space<hbm>>
      %dma_wait3A_60 = arith.constant 800 : i32
      %dma_wait3A_61 = arith.constant 0 : i32
      %dma_wait3A_62 = tpu.memref_slice %arg3[%add3A, %dma_wait3A_60, %dma_wait3A_61] : memref<64x1026x1026xf32, #tpu.memory_space<hbm>> -> memref<1x40x1026xf32, #tpu.memory_space<hbm>>
      tpu.wait_dma2 semaphore(%run_scoped3A : memref<!tpu.dma_semaphore, #tpu.memory_space<semaphore_mem>>) src(%dma_wait3A_62 : memref<1x40x1026xf32, #tpu.memory_space<hbm>>) dst(%arg5 : memref<1x40x1026xf32, #tpu.memory_space<vmem>>)
      tpu.yield
    }) : () -> ()
    "tpu.region"() ({
      %run_scoped3A = tpu.sem_alloc : memref<!tpu.dma_semaphore, #tpu.memory_space<semaphore_mem>>
      %dma_start3A = arith.constant 800 : i32
      %dma_start3A_53 = arith.constant 0 : i32
      %dma_start3A_54 = tpu.memref_slice %arg4[%add3A, %dma_start3A, %dma_start3A_53] : memref<64x1026x1026xf32, #tpu.memory_space<hbm>> -> memref<1x40x1026xf32, #tpu.memory_space<hbm>>
      %dma_start3A_55 = arith.constant 800 : i32
      %dma_start3A_56 = arith.constant 0 : i32
      %dma_start3A_57 = tpu.memref_slice %arg4[%add3A, %dma_start3A_55, %dma_start3A_56] : memref<64x1026x1026xf32, #tpu.memory_space<hbm>> -> memref<1x40x1026xf32, #tpu.memory_space<hbm>>
      tpu.enqueue_dma source(%arg5 : memref<1x40x1026xf32, #tpu.memory_space<vmem>>) target(%dma_start3A_57 : memref<1x40x1026xf32, #tpu.memory_space<hbm>>) target_semaphore(%run_scoped3A : memref<!tpu.dma_semaphore, #tpu.memory_space<semaphore_mem>>)
      %dma_wait3A = arith.constant 800 : i32
      %dma_wait3A_58 = arith.constant 0 : i32
      %dma_wait3A_59 = tpu.memref_slice %arg4[%add3A, %dma_wait3A, %dma_wait3A_58] : memref<64x1026x1026xf32, #tpu.memory_space<hbm>> -> memref<1x40x1026xf32, #tpu.memory_space<hbm>>
      %dma_wait3A_60 = arith.constant 800 : i32
      %dma_wait3A_61 = arith.constant 0 : i32
      %dma_wait3A_62 = tpu.memref_slice %arg4[%add3A, %dma_wait3A_60, %dma_wait3A_61] : memref<64x1026x1026xf32, #tpu.memory_space<hbm>> -> memref<1x40x1026xf32, #tpu.memory_space<hbm>>
      tpu.wait_dma2 semaphore(%run_scoped3A : memref<!tpu.dma_semaphore, #tpu.memory_space<semaphore_mem>>) src(%arg5 : memref<1x40x1026xf32, #tpu.memory_space<vmem>>) dst(%dma_wait3A_62 : memref<1x40x1026xf32, #tpu.memory_space<hbm>>)
      tpu.yield
    }) : () -> ()
    "tpu.region"() ({
      %run_scoped3A = tpu.sem_alloc : memref<!tpu.dma_semaphore, #tpu.memory_space<semaphore_mem>>
      %dma_start3A = arith.constant 840 : i32
      %dma_start3A_53 = arith.constant 0 : i32
      %dma_start3A_54 = tpu.memref_slice %arg3[%add3A, %dma_start3A, %dma_start3A_53] : memref<64x1026x1026xf32, #tpu.memory_space<hbm>> -> memref<1x40x1026xf32, #tpu.memory_space<hbm>>
      %dma_start3A_55 = arith.constant 840 : i32
      %dma_start3A_56 = arith.constant 0 : i32
      %dma_start3A_57 = tpu.memref_slice %arg3[%add3A, %dma_start3A_55, %dma_start3A_56] : memref<64x1026x1026xf32, #tpu.memory_space<hbm>> -> memref<1x40x1026xf32, #tpu.memory_space<hbm>>
      tpu.enqueue_dma source(%dma_start3A_57 : memref<1x40x1026xf32, #tpu.memory_space<hbm>>) target(%arg6 : memref<1x40x1026xf32, #tpu.memory_space<vmem>>) target_semaphore(%run_scoped3A : memref<!tpu.dma_semaphore, #tpu.memory_space<semaphore_mem>>)
      %dma_wait3A = arith.constant 840 : i32
      %dma_wait3A_58 = arith.constant 0 : i32
      %dma_wait3A_59 = tpu.memref_slice %arg3[%add3A, %dma_wait3A, %dma_wait3A_58] : memref<64x1026x1026xf32, #tpu.memory_space<hbm>> -> memref<1x40x1026xf32, #tpu.memory_space<hbm>>
      %dma_wait3A_60 = arith.constant 840 : i32
      %dma_wait3A_61 = arith.constant 0 : i32
      %dma_wait3A_62 = tpu.memref_slice %arg3[%add3A, %dma_wait3A_60, %dma_wait3A_61] : memref<64x1026x1026xf32, #tpu.memory_space<hbm>> -> memref<1x40x1026xf32, #tpu.memory_space<hbm>>
      tpu.wait_dma2 semaphore(%run_scoped3A : memref<!tpu.dma_semaphore, #tpu.memory_space<semaphore_mem>>) src(%dma_wait3A_62 : memref<1x40x1026xf32, #tpu.memory_space<hbm>>) dst(%arg6 : memref<1x40x1026xf32, #tpu.memory_space<vmem>>)
      tpu.yield
    }) : () -> ()
    "tpu.region"() ({
      %run_scoped3A = tpu.sem_alloc : memref<!tpu.dma_semaphore, #tpu.memory_space<semaphore_mem>>
      %dma_start3A = arith.constant 840 : i32
      %dma_start3A_53 = arith.constant 0 : i32
      %dma_start3A_54 = tpu.memref_slice %arg4[%add3A, %dma_start3A, %dma_start3A_53] : memref<64x1026x1026xf32, #tpu.memory_space<hbm>> -> memref<1x40x1026xf32, #tpu.memory_space<hbm>>
      %dma_start3A_55 = arith.constant 840 : i32
      %dma_start3A_56 = arith.constant 0 : i32
      %dma_start3A_57 = tpu.memref_slice %arg4[%add3A, %dma_start3A_55, %dma_start3A_56] : memref<64x1026x1026xf32, #tpu.memory_space<hbm>> -> memref<1x40x1026xf32, #tpu.memory_space<hbm>>
      tpu.enqueue_dma source(%arg6 : memref<1x40x1026xf32, #tpu.memory_space<vmem>>) target(%dma_start3A_57 : memref<1x40x1026xf32, #tpu.memory_space<hbm>>) target_semaphore(%run_scoped3A : memref<!tpu.dma_semaphore, #tpu.memory_space<semaphore_mem>>)
      %dma_wait3A = arith.constant 840 : i32
      %dma_wait3A_58 = arith.constant 0 : i32
      %dma_wait3A_59 = tpu.memref_slice %arg4[%add3A, %dma_wait3A, %dma_wait3A_58] : memref<64x1026x1026xf32, #tpu.memory_space<hbm>> -> memref<1x40x1026xf32, #tpu.memory_space<hbm>>
      %dma_wait3A_60 = arith.constant 840 : i32
      %dma_wait3A_61 = arith.constant 0 : i32
      %dma_wait3A_62 = tpu.memref_slice %arg4[%add3A, %dma_wait3A_60, %dma_wait3A_61] : memref<64x1026x1026xf32, #tpu.memory_space<hbm>> -> memref<1x40x1026xf32, #tpu.memory_space<hbm>>
      tpu.wait_dma2 semaphore(%run_scoped3A : memref<!tpu.dma_semaphore, #tpu.memory_space<semaphore_mem>>) src(%arg6 : memref<1x40x1026xf32, #tpu.memory_space<vmem>>) dst(%dma_wait3A_62 : memref<1x40x1026xf32, #tpu.memory_space<hbm>>)
      tpu.yield
    }) : () -> ()
    "tpu.region"() ({
      %run_scoped3A = tpu.sem_alloc : memref<!tpu.dma_semaphore, #tpu.memory_space<semaphore_mem>>
      %dma_start3A = arith.constant 880 : i32
      %dma_start3A_53 = arith.constant 0 : i32
      %dma_start3A_54 = tpu.memref_slice %arg3[%add3A, %dma_start3A, %dma_start3A_53] : memref<64x1026x1026xf32, #tpu.memory_space<hbm>> -> memref<1x40x1026xf32, #tpu.memory_space<hbm>>
      %dma_start3A_55 = arith.constant 880 : i32
      %dma_start3A_56 = arith.constant 0 : i32
      %dma_start3A_57 = tpu.memref_slice %arg3[%add3A, %dma_start3A_55, %dma_start3A_56] : memref<64x1026x1026xf32, #tpu.memory_space<hbm>> -> memref<1x40x1026xf32, #tpu.memory_space<hbm>>
      tpu.enqueue_dma source(%dma_start3A_57 : memref<1x40x1026xf32, #tpu.memory_space<hbm>>) target(%arg5 : memref<1x40x1026xf32, #tpu.memory_space<vmem>>) target_semaphore(%run_scoped3A : memref<!tpu.dma_semaphore, #tpu.memory_space<semaphore_mem>>)
      %dma_wait3A = arith.constant 880 : i32
      %dma_wait3A_58 = arith.constant 0 : i32
      %dma_wait3A_59 = tpu.memref_slice %arg3[%add3A, %dma_wait3A, %dma_wait3A_58] : memref<64x1026x1026xf32, #tpu.memory_space<hbm>> -> memref<1x40x1026xf32, #tpu.memory_space<hbm>>
      %dma_wait3A_60 = arith.constant 880 : i32
      %dma_wait3A_61 = arith.constant 0 : i32
      %dma_wait3A_62 = tpu.memref_slice %arg3[%add3A, %dma_wait3A_60, %dma_wait3A_61] : memref<64x1026x1026xf32, #tpu.memory_space<hbm>> -> memref<1x40x1026xf32, #tpu.memory_space<hbm>>
      tpu.wait_dma2 semaphore(%run_scoped3A : memref<!tpu.dma_semaphore, #tpu.memory_space<semaphore_mem>>) src(%dma_wait3A_62 : memref<1x40x1026xf32, #tpu.memory_space<hbm>>) dst(%arg5 : memref<1x40x1026xf32, #tpu.memory_space<vmem>>)
      tpu.yield
    }) : () -> ()
    "tpu.region"() ({
      %run_scoped3A = tpu.sem_alloc : memref<!tpu.dma_semaphore, #tpu.memory_space<semaphore_mem>>
      %dma_start3A = arith.constant 880 : i32
      %dma_start3A_53 = arith.constant 0 : i32
      %dma_start3A_54 = tpu.memref_slice %arg4[%add3A, %dma_start3A, %dma_start3A_53] : memref<64x1026x1026xf32, #tpu.memory_space<hbm>> -> memref<1x40x1026xf32, #tpu.memory_space<hbm>>
      %dma_start3A_55 = arith.constant 880 : i32
      %dma_start3A_56 = arith.constant 0 : i32
      %dma_start3A_57 = tpu.memref_slice %arg4[%add3A, %dma_start3A_55, %dma_start3A_56] : memref<64x1026x1026xf32, #tpu.memory_space<hbm>> -> memref<1x40x1026xf32, #tpu.memory_space<hbm>>
      tpu.enqueue_dma source(%arg5 : memref<1x40x1026xf32, #tpu.memory_space<vmem>>) target(%dma_start3A_57 : memref<1x40x1026xf32, #tpu.memory_space<hbm>>) target_semaphore(%run_scoped3A : memref<!tpu.dma_semaphore, #tpu.memory_space<semaphore_mem>>)
      %dma_wait3A = arith.constant 880 : i32
      %dma_wait3A_58 = arith.constant 0 : i32
      %dma_wait3A_59 = tpu.memref_slice %arg4[%add3A, %dma_wait3A, %dma_wait3A_58] : memref<64x1026x1026xf32, #tpu.memory_space<hbm>> -> memref<1x40x1026xf32, #tpu.memory_space<hbm>>
      %dma_wait3A_60 = arith.constant 880 : i32
      %dma_wait3A_61 = arith.constant 0 : i32
      %dma_wait3A_62 = tpu.memref_slice %arg4[%add3A, %dma_wait3A_60, %dma_wait3A_61] : memref<64x1026x1026xf32, #tpu.memory_space<hbm>> -> memref<1x40x1026xf32, #tpu.memory_space<hbm>>
      tpu.wait_dma2 semaphore(%run_scoped3A : memref<!tpu.dma_semaphore, #tpu.memory_space<semaphore_mem>>) src(%arg5 : memref<1x40x1026xf32, #tpu.memory_space<vmem>>) dst(%dma_wait3A_62 : memref<1x40x1026xf32, #tpu.memory_space<hbm>>)
      tpu.yield
    }) : () -> ()
    "tpu.region"() ({
      %run_scoped3A = tpu.sem_alloc : memref<!tpu.dma_semaphore, #tpu.memory_space<semaphore_mem>>
      %dma_start3A = arith.constant 920 : i32
      %dma_start3A_53 = arith.constant 0 : i32
      %dma_start3A_54 = tpu.memref_slice %arg3[%add3A, %dma_start3A, %dma_start3A_53] : memref<64x1026x1026xf32, #tpu.memory_space<hbm>> -> memref<1x40x1026xf32, #tpu.memory_space<hbm>>
      %dma_start3A_55 = arith.constant 920 : i32
      %dma_start3A_56 = arith.constant 0 : i32
      %dma_start3A_57 = tpu.memref_slice %arg3[%add3A, %dma_start3A_55, %dma_start3A_56] : memref<64x1026x1026xf32, #tpu.memory_space<hbm>> -> memref<1x40x1026xf32, #tpu.memory_space<hbm>>
      tpu.enqueue_dma source(%dma_start3A_57 : memref<1x40x1026xf32, #tpu.memory_space<hbm>>) target(%arg6 : memref<1x40x1026xf32, #tpu.memory_space<vmem>>) target_semaphore(%run_scoped3A : memref<!tpu.dma_semaphore, #tpu.memory_space<semaphore_mem>>)
      %dma_wait3A = arith.constant 920 : i32
      %dma_wait3A_58 = arith.constant 0 : i32
      %dma_wait3A_59 = tpu.memref_slice %arg3[%add3A, %dma_wait3A, %dma_wait3A_58] : memref<64x1026x1026xf32, #tpu.memory_space<hbm>> -> memref<1x40x1026xf32, #tpu.memory_space<hbm>>
      %dma_wait3A_60 = arith.constant 920 : i32
      %dma_wait3A_61 = arith.constant 0 : i32
      %dma_wait3A_62 = tpu.memref_slice %arg3[%add3A, %dma_wait3A_60, %dma_wait3A_61] : memref<64x1026x1026xf32, #tpu.memory_space<hbm>> -> memref<1x40x1026xf32, #tpu.memory_space<hbm>>
      tpu.wait_dma2 semaphore(%run_scoped3A : memref<!tpu.dma_semaphore, #tpu.memory_space<semaphore_mem>>) src(%dma_wait3A_62 : memref<1x40x1026xf32, #tpu.memory_space<hbm>>) dst(%arg6 : memref<1x40x1026xf32, #tpu.memory_space<vmem>>)
      tpu.yield
    }) : () -> ()
    "tpu.region"() ({
      %run_scoped3A = tpu.sem_alloc : memref<!tpu.dma_semaphore, #tpu.memory_space<semaphore_mem>>
      %dma_start3A = arith.constant 920 : i32
      %dma_start3A_53 = arith.constant 0 : i32
      %dma_start3A_54 = tpu.memref_slice %arg4[%add3A, %dma_start3A, %dma_start3A_53] : memref<64x1026x1026xf32, #tpu.memory_space<hbm>> -> memref<1x40x1026xf32, #tpu.memory_space<hbm>>
      %dma_start3A_55 = arith.constant 920 : i32
      %dma_start3A_56 = arith.constant 0 : i32
      %dma_start3A_57 = tpu.memref_slice %arg4[%add3A, %dma_start3A_55, %dma_start3A_56] : memref<64x1026x1026xf32, #tpu.memory_space<hbm>> -> memref<1x40x1026xf32, #tpu.memory_space<hbm>>
      tpu.enqueue_dma source(%arg6 : memref<1x40x1026xf32, #tpu.memory_space<vmem>>) target(%dma_start3A_57 : memref<1x40x1026xf32, #tpu.memory_space<hbm>>) target_semaphore(%run_scoped3A : memref<!tpu.dma_semaphore, #tpu.memory_space<semaphore_mem>>)
      %dma_wait3A = arith.constant 920 : i32
      %dma_wait3A_58 = arith.constant 0 : i32
      %dma_wait3A_59 = tpu.memref_slice %arg4[%add3A, %dma_wait3A, %dma_wait3A_58] : memref<64x1026x1026xf32, #tpu.memory_space<hbm>> -> memref<1x40x1026xf32, #tpu.memory_space<hbm>>
      %dma_wait3A_60 = arith.constant 920 : i32
      %dma_wait3A_61 = arith.constant 0 : i32
      %dma_wait3A_62 = tpu.memref_slice %arg4[%add3A, %dma_wait3A_60, %dma_wait3A_61] : memref<64x1026x1026xf32, #tpu.memory_space<hbm>> -> memref<1x40x1026xf32, #tpu.memory_space<hbm>>
      tpu.wait_dma2 semaphore(%run_scoped3A : memref<!tpu.dma_semaphore, #tpu.memory_space<semaphore_mem>>) src(%arg6 : memref<1x40x1026xf32, #tpu.memory_space<vmem>>) dst(%dma_wait3A_62 : memref<1x40x1026xf32, #tpu.memory_space<hbm>>)
      tpu.yield
    }) : () -> ()
    "tpu.region"() ({
      %run_scoped3A = tpu.sem_alloc : memref<!tpu.dma_semaphore, #tpu.memory_space<semaphore_mem>>
      %dma_start3A = arith.constant 960 : i32
      %dma_start3A_53 = arith.constant 0 : i32
      %dma_start3A_54 = tpu.memref_slice %arg3[%add3A, %dma_start3A, %dma_start3A_53] : memref<64x1026x1026xf32, #tpu.memory_space<hbm>> -> memref<1x40x1026xf32, #tpu.memory_space<hbm>>
      %dma_start3A_55 = arith.constant 960 : i32
      %dma_start3A_56 = arith.constant 0 : i32
      %dma_start3A_57 = tpu.memref_slice %arg3[%add3A, %dma_start3A_55, %dma_start3A_56] : memref<64x1026x1026xf32, #tpu.memory_space<hbm>> -> memref<1x40x1026xf32, #tpu.memory_space<hbm>>
      tpu.enqueue_dma source(%dma_start3A_57 : memref<1x40x1026xf32, #tpu.memory_space<hbm>>) target(%arg5 : memref<1x40x1026xf32, #tpu.memory_space<vmem>>) target_semaphore(%run_scoped3A : memref<!tpu.dma_semaphore, #tpu.memory_space<semaphore_mem>>)
      %dma_wait3A = arith.constant 960 : i32
      %dma_wait3A_58 = arith.constant 0 : i32
      %dma_wait3A_59 = tpu.memref_slice %arg3[%add3A, %dma_wait3A, %dma_wait3A_58] : memref<64x1026x1026xf32, #tpu.memory_space<hbm>> -> memref<1x40x1026xf32, #tpu.memory_space<hbm>>
      %dma_wait3A_60 = arith.constant 960 : i32
      %dma_wait3A_61 = arith.constant 0 : i32
      %dma_wait3A_62 = tpu.memref_slice %arg3[%add3A, %dma_wait3A_60, %dma_wait3A_61] : memref<64x1026x1026xf32, #tpu.memory_space<hbm>> -> memref<1x40x1026xf32, #tpu.memory_space<hbm>>
      tpu.wait_dma2 semaphore(%run_scoped3A : memref<!tpu.dma_semaphore, #tpu.memory_space<semaphore_mem>>) src(%dma_wait3A_62 : memref<1x40x1026xf32, #tpu.memory_space<hbm>>) dst(%arg5 : memref<1x40x1026xf32, #tpu.memory_space<vmem>>)
      tpu.yield
    }) : () -> ()
    "tpu.region"() ({
      %run_scoped3A = tpu.sem_alloc : memref<!tpu.dma_semaphore, #tpu.memory_space<semaphore_mem>>
      %dma_start3A = arith.constant 960 : i32
      %dma_start3A_53 = arith.constant 0 : i32
      %dma_start3A_54 = tpu.memref_slice %arg4[%add3A, %dma_start3A, %dma_start3A_53] : memref<64x1026x1026xf32, #tpu.memory_space<hbm>> -> memref<1x40x1026xf32, #tpu.memory_space<hbm>>
      %dma_start3A_55 = arith.constant 960 : i32
      %dma_start3A_56 = arith.constant 0 : i32
      %dma_start3A_57 = tpu.memref_slice %arg4[%add3A, %dma_start3A_55, %dma_start3A_56] : memref<64x1026x1026xf32, #tpu.memory_space<hbm>> -> memref<1x40x1026xf32, #tpu.memory_space<hbm>>
      tpu.enqueue_dma source(%arg5 : memref<1x40x1026xf32, #tpu.memory_space<vmem>>) target(%dma_start3A_57 : memref<1x40x1026xf32, #tpu.memory_space<hbm>>) target_semaphore(%run_scoped3A : memref<!tpu.dma_semaphore, #tpu.memory_space<semaphore_mem>>)
      %dma_wait3A = arith.constant 960 : i32
      %dma_wait3A_58 = arith.constant 0 : i32
      %dma_wait3A_59 = tpu.memref_slice %arg4[%add3A, %dma_wait3A, %dma_wait3A_58] : memref<64x1026x1026xf32, #tpu.memory_space<hbm>> -> memref<1x40x1026xf32, #tpu.memory_space<hbm>>
      %dma_wait3A_60 = arith.constant 960 : i32
      %dma_wait3A_61 = arith.constant 0 : i32
      %dma_wait3A_62 = tpu.memref_slice %arg4[%add3A, %dma_wait3A_60, %dma_wait3A_61] : memref<64x1026x1026xf32, #tpu.memory_space<hbm>> -> memref<1x40x1026xf32, #tpu.memory_space<hbm>>
      tpu.wait_dma2 semaphore(%run_scoped3A : memref<!tpu.dma_semaphore, #tpu.memory_space<semaphore_mem>>) src(%arg5 : memref<1x40x1026xf32, #tpu.memory_space<vmem>>) dst(%dma_wait3A_62 : memref<1x40x1026xf32, #tpu.memory_space<hbm>>)
      tpu.yield
    }) : () -> ()
    %add3A_1 = arith.constant 32 : i32
    %add3A_2 = arith.addi %add3A_1, %add3A : i32
    "tpu.region"() ({
      %run_scoped3A = tpu.sem_alloc : memref<!tpu.dma_semaphore, #tpu.memory_space<semaphore_mem>>
      %dma_start3A = arith.constant 0 : i32
      %dma_start3A_53 = arith.constant 0 : i32
      %dma_start3A_54 = tpu.memref_slice %arg2[%add3A, %dma_start3A, %dma_start3A_53] : memref<32x1026x1026xf32, #tpu.memory_space<hbm>> -> memref<1x40x1026xf32, #tpu.memory_space<hbm>>
      %dma_start3A_55 = arith.constant 0 : i32
      %dma_start3A_56 = arith.constant 0 : i32
      %dma_start3A_57 = tpu.memref_slice %arg2[%add3A, %dma_start3A_55, %dma_start3A_56] : memref<32x1026x1026xf32, #tpu.memory_space<hbm>> -> memref<1x40x1026xf32, #tpu.memory_space<hbm>>
      tpu.enqueue_dma source(%dma_start3A_57 : memref<1x40x1026xf32, #tpu.memory_space<hbm>>) target(%arg6 : memref<1x40x1026xf32, #tpu.memory_space<vmem>>) target_semaphore(%run_scoped3A : memref<!tpu.dma_semaphore, #tpu.memory_space<semaphore_mem>>)
      %dma_wait3A = arith.constant 0 : i32
      %dma_wait3A_58 = arith.constant 0 : i32
      %dma_wait3A_59 = tpu.memref_slice %arg2[%add3A, %dma_wait3A, %dma_wait3A_58] : memref<32x1026x1026xf32, #tpu.memory_space<hbm>> -> memref<1x40x1026xf32, #tpu.memory_space<hbm>>
      %dma_wait3A_60 = arith.constant 0 : i32
      %dma_wait3A_61 = arith.constant 0 : i32
      %dma_wait3A_62 = tpu.memref_slice %arg2[%add3A, %dma_wait3A_60, %dma_wait3A_61] : memref<32x1026x1026xf32, #tpu.memory_space<hbm>> -> memref<1x40x1026xf32, #tpu.memory_space<hbm>>
      tpu.wait_dma2 semaphore(%run_scoped3A : memref<!tpu.dma_semaphore, #tpu.memory_space<semaphore_mem>>) src(%dma_wait3A_62 : memref<1x40x1026xf32, #tpu.memory_space<hbm>>) dst(%arg6 : memref<1x40x1026xf32, #tpu.memory_space<vmem>>)
      tpu.yield
    }) : () -> ()
    "tpu.region"() ({
      %run_scoped3A = tpu.sem_alloc : memref<!tpu.dma_semaphore, #tpu.memory_space<semaphore_mem>>
      %dma_start3A = arith.constant 0 : i32
      %dma_start3A_53 = arith.constant 0 : i32
      %dma_start3A_54 = tpu.memref_slice %arg4[%add3A_2, %dma_start3A, %dma_start3A_53] : memref<64x1026x1026xf32, #tpu.memory_space<hbm>> -> memref<1x40x1026xf32, #tpu.memory_space<hbm>>
      %dma_start3A_55 = arith.constant 0 : i32
      %dma_start3A_56 = arith.constant 0 : i32
      %dma_start3A_57 = tpu.memref_slice %arg4[%add3A_2, %dma_start3A_55, %dma_start3A_56] : memref<64x1026x1026xf32, #tpu.memory_space<hbm>> -> memref<1x40x1026xf32, #tpu.memory_space<hbm>>
      tpu.enqueue_dma source(%arg6 : memref<1x40x1026xf32, #tpu.memory_space<vmem>>) target(%dma_start3A_57 : memref<1x40x1026xf32, #tpu.memory_space<hbm>>) target_semaphore(%run_scoped3A : memref<!tpu.dma_semaphore, #tpu.memory_space<semaphore_mem>>)
      %dma_wait3A = arith.constant 0 : i32
      %dma_wait3A_58 = arith.constant 0 : i32
      %dma_wait3A_59 = tpu.memref_slice %arg4[%add3A_2, %dma_wait3A, %dma_wait3A_58] : memref<64x1026x1026xf32, #tpu.memory_space<hbm>> -> memref<1x40x1026xf32, #tpu.memory_space<hbm>>
      %dma_wait3A_60 = arith.constant 0 : i32
      %dma_wait3A_61 = arith.constant 0 : i32
      %dma_wait3A_62 = tpu.memref_slice %arg4[%add3A_2, %dma_wait3A_60, %dma_wait3A_61] : memref<64x1026x1026xf32, #tpu.memory_space<hbm>> -> memref<1x40x1026xf32, #tpu.memory_space<hbm>>
      tpu.wait_dma2 semaphore(%run_scoped3A : memref<!tpu.dma_semaphore, #tpu.memory_space<semaphore_mem>>) src(%arg6 : memref<1x40x1026xf32, #tpu.memory_space<vmem>>) dst(%dma_wait3A_62 : memref<1x40x1026xf32, #tpu.memory_space<hbm>>)
      tpu.yield
    }) : () -> ()
    %add3A_3 = arith.constant 32 : i32
    %add3A_4 = arith.addi %add3A_3, %add3A : i32
    "tpu.region"() ({
      %run_scoped3A = tpu.sem_alloc : memref<!tpu.dma_semaphore, #tpu.memory_space<semaphore_mem>>
      %dma_start3A = arith.constant 40 : i32
      %dma_start3A_53 = arith.constant 0 : i32
      %dma_start3A_54 = tpu.memref_slice %arg2[%add3A, %dma_start3A, %dma_start3A_53] : memref<32x1026x1026xf32, #tpu.memory_space<hbm>> -> memref<1x40x1026xf32, #tpu.memory_space<hbm>>
      %dma_start3A_55 = arith.constant 40 : i32
      %dma_start3A_56 = arith.constant 0 : i32
      %dma_start3A_57 = tpu.memref_slice %arg2[%add3A, %dma_start3A_55, %dma_start3A_56] : memref<32x1026x1026xf32, #tpu.memory_space<hbm>> -> memref<1x40x1026xf32, #tpu.memory_space<hbm>>
      tpu.enqueue_dma source(%dma_start3A_57 : memref<1x40x1026xf32, #tpu.memory_space<hbm>>) target(%arg5 : memref<1x40x1026xf32, #tpu.memory_space<vmem>>) target_semaphore(%run_scoped3A : memref<!tpu.dma_semaphore, #tpu.memory_space<semaphore_mem>>)
      %dma_wait3A = arith.constant 40 : i32
      %dma_wait3A_58 = arith.constant 0 : i32
      %dma_wait3A_59 = tpu.memref_slice %arg2[%add3A, %dma_wait3A, %dma_wait3A_58] : memref<32x1026x1026xf32, #tpu.memory_space<hbm>> -> memref<1x40x1026xf32, #tpu.memory_space<hbm>>
      %dma_wait3A_60 = arith.constant 40 : i32
      %dma_wait3A_61 = arith.constant 0 : i32
      %dma_wait3A_62 = tpu.memref_slice %arg2[%add3A, %dma_wait3A_60, %dma_wait3A_61] : memref<32x1026x1026xf32, #tpu.memory_space<hbm>> -> memref<1x40x1026xf32, #tpu.memory_space<hbm>>
      tpu.wait_dma2 semaphore(%run_scoped3A : memref<!tpu.dma_semaphore, #tpu.memory_space<semaphore_mem>>) src(%dma_wait3A_62 : memref<1x40x1026xf32, #tpu.memory_space<hbm>>) dst(%arg5 : memref<1x40x1026xf32, #tpu.memory_space<vmem>>)
      tpu.yield
    }) : () -> ()
    "tpu.region"() ({
      %run_scoped3A = tpu.sem_alloc : memref<!tpu.dma_semaphore, #tpu.memory_space<semaphore_mem>>
      %dma_start3A = arith.constant 40 : i32
      %dma_start3A_53 = arith.constant 0 : i32
      %dma_start3A_54 = tpu.memref_slice %arg4[%add3A_4, %dma_start3A, %dma_start3A_53] : memref<64x1026x1026xf32, #tpu.memory_space<hbm>> -> memref<1x40x1026xf32, #tpu.memory_space<hbm>>
      %dma_start3A_55 = arith.constant 40 : i32
      %dma_start3A_56 = arith.constant 0 : i32
      %dma_start3A_57 = tpu.memref_slice %arg4[%add3A_4, %dma_start3A_55, %dma_start3A_56] : memref<64x1026x1026xf32, #tpu.memory_space<hbm>> -> memref<1x40x1026xf32, #tpu.memory_space<hbm>>
      tpu.enqueue_dma source(%arg5 : memref<1x40x1026xf32, #tpu.memory_space<vmem>>) target(%dma_start3A_57 : memref<1x40x1026xf32, #tpu.memory_space<hbm>>) target_semaphore(%run_scoped3A : memref<!tpu.dma_semaphore, #tpu.memory_space<semaphore_mem>>)
      %dma_wait3A = arith.constant 40 : i32
      %dma_wait3A_58 = arith.constant 0 : i32
      %dma_wait3A_59 = tpu.memref_slice %arg4[%add3A_4, %dma_wait3A, %dma_wait3A_58] : memref<64x1026x1026xf32, #tpu.memory_space<hbm>> -> memref<1x40x1026xf32, #tpu.memory_space<hbm>>
      %dma_wait3A_60 = arith.constant 40 : i32
      %dma_wait3A_61 = arith.constant 0 : i32
      %dma_wait3A_62 = tpu.memref_slice %arg4[%add3A_4, %dma_wait3A_60, %dma_wait3A_61] : memref<64x1026x1026xf32, #tpu.memory_space<hbm>> -> memref<1x40x1026xf32, #tpu.memory_space<hbm>>
      tpu.wait_dma2 semaphore(%run_scoped3A : memref<!tpu.dma_semaphore, #tpu.memory_space<semaphore_mem>>) src(%arg5 : memref<1x40x1026xf32, #tpu.memory_space<vmem>>) dst(%dma_wait3A_62 : memref<1x40x1026xf32, #tpu.memory_space<hbm>>)
      tpu.yield
    }) : () -> ()
    %add3A_5 = arith.constant 32 : i32
    %add3A_6 = arith.addi %add3A_5, %add3A : i32
    "tpu.region"() ({
      %run_scoped3A = tpu.sem_alloc : memref<!tpu.dma_semaphore, #tpu.memory_space<semaphore_mem>>
      %dma_start3A = arith.constant 80 : i32
      %dma_start3A_53 = arith.constant 0 : i32
      %dma_start3A_54 = tpu.memref_slice %arg2[%add3A, %dma_start3A, %dma_start3A_53] : memref<32x1026x1026xf32, #tpu.memory_space<hbm>> -> memref<1x40x1026xf32, #tpu.memory_space<hbm>>
      %dma_start3A_55 = arith.constant 80 : i32
      %dma_start3A_56 = arith.constant 0 : i32
      %dma_start3A_57 = tpu.memref_slice %arg2[%add3A, %dma_start3A_55, %dma_start3A_56] : memref<32x1026x1026xf32, #tpu.memory_space<hbm>> -> memref<1x40x1026xf32, #tpu.memory_space<hbm>>
      tpu.enqueue_dma source(%dma_start3A_57 : memref<1x40x1026xf32, #tpu.memory_space<hbm>>) target(%arg6 : memref<1x40x1026xf32, #tpu.memory_space<vmem>>) target_semaphore(%run_scoped3A : memref<!tpu.dma_semaphore, #tpu.memory_space<semaphore_mem>>)
      %dma_wait3A = arith.constant 80 : i32
      %dma_wait3A_58 = arith.constant 0 : i32
      %dma_wait3A_59 = tpu.memref_slice %arg2[%add3A, %dma_wait3A, %dma_wait3A_58] : memref<32x1026x1026xf32, #tpu.memory_space<hbm>> -> memref<1x40x1026xf32, #tpu.memory_space<hbm>>
      %dma_wait3A_60 = arith.constant 80 : i32
      %dma_wait3A_61 = arith.constant 0 : i32
      %dma_wait3A_62 = tpu.memref_slice %arg2[%add3A, %dma_wait3A_60, %dma_wait3A_61] : memref<32x1026x1026xf32, #tpu.memory_space<hbm>> -> memref<1x40x1026xf32, #tpu.memory_space<hbm>>
      tpu.wait_dma2 semaphore(%run_scoped3A : memref<!tpu.dma_semaphore, #tpu.memory_space<semaphore_mem>>) src(%dma_wait3A_62 : memref<1x40x1026xf32, #tpu.memory_space<hbm>>) dst(%arg6 : memref<1x40x1026xf32, #tpu.memory_space<vmem>>)
      tpu.yield
    }) : () -> ()
    "tpu.region"() ({
      %run_scoped3A = tpu.sem_alloc : memref<!tpu.dma_semaphore, #tpu.memory_space<semaphore_mem>>
      %dma_start3A = arith.constant 80 : i32
      %dma_start3A_53 = arith.constant 0 : i32
      %dma_start3A_54 = tpu.memref_slice %arg4[%add3A_6, %dma_start3A, %dma_start3A_53] : memref<64x1026x1026xf32, #tpu.memory_space<hbm>> -> memref<1x40x1026xf32, #tpu.memory_space<hbm>>
      %dma_start3A_55 = arith.constant 80 : i32
      %dma_start3A_56 = arith.constant 0 : i32
      %dma_start3A_57 = tpu.memref_slice %arg4[%add3A_6, %dma_start3A_55, %dma_start3A_56] : memref<64x1026x1026xf32, #tpu.memory_space<hbm>> -> memref<1x40x1026xf32, #tpu.memory_space<hbm>>
      tpu.enqueue_dma source(%arg6 : memref<1x40x1026xf32, #tpu.memory_space<vmem>>) target(%dma_start3A_57 : memref<1x40x1026xf32, #tpu.memory_space<hbm>>) target_semaphore(%run_scoped3A : memref<!tpu.dma_semaphore, #tpu.memory_space<semaphore_mem>>)
      %dma_wait3A = arith.constant 80 : i32
      %dma_wait3A_58 = arith.constant 0 : i32
      %dma_wait3A_59 = tpu.memref_slice %arg4[%add3A_6, %dma_wait3A, %dma_wait3A_58] : memref<64x1026x1026xf32, #tpu.memory_space<hbm>> -> memref<1x40x1026xf32, #tpu.memory_space<hbm>>
      %dma_wait3A_60 = arith.constant 80 : i32
      %dma_wait3A_61 = arith.constant 0 : i32
      %dma_wait3A_62 = tpu.memref_slice %arg4[%add3A_6, %dma_wait3A_60, %dma_wait3A_61] : memref<64x1026x1026xf32, #tpu.memory_space<hbm>> -> memref<1x40x1026xf32, #tpu.memory_space<hbm>>
      tpu.wait_dma2 semaphore(%run_scoped3A : memref<!tpu.dma_semaphore, #tpu.memory_space<semaphore_mem>>) src(%arg6 : memref<1x40x1026xf32, #tpu.memory_space<vmem>>) dst(%dma_wait3A_62 : memref<1x40x1026xf32, #tpu.memory_space<hbm>>)
      tpu.yield
    }) : () -> ()
    %add3A_7 = arith.constant 32 : i32
    %add3A_8 = arith.addi %add3A_7, %add3A : i32
    "tpu.region"() ({
      %run_scoped3A = tpu.sem_alloc : memref<!tpu.dma_semaphore, #tpu.memory_space<semaphore_mem>>
      %dma_start3A = arith.constant 120 : i32
      %dma_start3A_53 = arith.constant 0 : i32
      %dma_start3A_54 = tpu.memref_slice %arg2[%add3A, %dma_start3A, %dma_start3A_53] : memref<32x1026x1026xf32, #tpu.memory_space<hbm>> -> memref<1x40x1026xf32, #tpu.memory_space<hbm>>
      %dma_start3A_55 = arith.constant 120 : i32
      %dma_start3A_56 = arith.constant 0 : i32
      %dma_start3A_57 = tpu.memref_slice %arg2[%add3A, %dma_start3A_55, %dma_start3A_56] : memref<32x1026x1026xf32, #tpu.memory_space<hbm>> -> memref<1x40x1026xf32, #tpu.memory_space<hbm>>
      tpu.enqueue_dma source(%dma_start3A_57 : memref<1x40x1026xf32, #tpu.memory_space<hbm>>) target(%arg5 : memref<1x40x1026xf32, #tpu.memory_space<vmem>>) target_semaphore(%run_scoped3A : memref<!tpu.dma_semaphore, #tpu.memory_space<semaphore_mem>>)
      %dma_wait3A = arith.constant 120 : i32
      %dma_wait3A_58 = arith.constant 0 : i32
      %dma_wait3A_59 = tpu.memref_slice %arg2[%add3A, %dma_wait3A, %dma_wait3A_58] : memref<32x1026x1026xf32, #tpu.memory_space<hbm>> -> memref<1x40x1026xf32, #tpu.memory_space<hbm>>
      %dma_wait3A_60 = arith.constant 120 : i32
      %dma_wait3A_61 = arith.constant 0 : i32
      %dma_wait3A_62 = tpu.memref_slice %arg2[%add3A, %dma_wait3A_60, %dma_wait3A_61] : memref<32x1026x1026xf32, #tpu.memory_space<hbm>> -> memref<1x40x1026xf32, #tpu.memory_space<hbm>>
      tpu.wait_dma2 semaphore(%run_scoped3A : memref<!tpu.dma_semaphore, #tpu.memory_space<semaphore_mem>>) src(%dma_wait3A_62 : memref<1x40x1026xf32, #tpu.memory_space<hbm>>) dst(%arg5 : memref<1x40x1026xf32, #tpu.memory_space<vmem>>)
      tpu.yield
    }) : () -> ()
    "tpu.region"() ({
      %run_scoped3A = tpu.sem_alloc : memref<!tpu.dma_semaphore, #tpu.memory_space<semaphore_mem>>
      %dma_start3A = arith.constant 120 : i32
      %dma_start3A_53 = arith.constant 0 : i32
      %dma_start3A_54 = tpu.memref_slice %arg4[%add3A_8, %dma_start3A, %dma_start3A_53] : memref<64x1026x1026xf32, #tpu.memory_space<hbm>> -> memref<1x40x1026xf32, #tpu.memory_space<hbm>>
      %dma_start3A_55 = arith.constant 120 : i32
      %dma_start3A_56 = arith.constant 0 : i32
      %dma_start3A_57 = tpu.memref_slice %arg4[%add3A_8, %dma_start3A_55, %dma_start3A_56] : memref<64x1026x1026xf32, #tpu.memory_space<hbm>> -> memref<1x40x1026xf32, #tpu.memory_space<hbm>>
      tpu.enqueue_dma source(%arg5 : memref<1x40x1026xf32, #tpu.memory_space<vmem>>) target(%dma_start3A_57 : memref<1x40x1026xf32, #tpu.memory_space<hbm>>) target_semaphore(%run_scoped3A : memref<!tpu.dma_semaphore, #tpu.memory_space<semaphore_mem>>)
      %dma_wait3A = arith.constant 120 : i32
      %dma_wait3A_58 = arith.constant 0 : i32
      %dma_wait3A_59 = tpu.memref_slice %arg4[%add3A_8, %dma_wait3A, %dma_wait3A_58] : memref<64x1026x1026xf32, #tpu.memory_space<hbm>> -> memref<1x40x1026xf32, #tpu.memory_space<hbm>>
      %dma_wait3A_60 = arith.constant 120 : i32
      %dma_wait3A_61 = arith.constant 0 : i32
      %dma_wait3A_62 = tpu.memref_slice %arg4[%add3A_8, %dma_wait3A_60, %dma_wait3A_61] : memref<64x1026x1026xf32, #tpu.memory_space<hbm>> -> memref<1x40x1026xf32, #tpu.memory_space<hbm>>
      tpu.wait_dma2 semaphore(%run_scoped3A : memref<!tpu.dma_semaphore, #tpu.memory_space<semaphore_mem>>) src(%arg5 : memref<1x40x1026xf32, #tpu.memory_space<vmem>>) dst(%dma_wait3A_62 : memref<1x40x1026xf32, #tpu.memory_space<hbm>>)
      tpu.yield
    }) : () -> ()
    %add3A_9 = arith.constant 32 : i32
    %add3A_10 = arith.addi %add3A_9, %add3A : i32
    "tpu.region"() ({
      %run_scoped3A = tpu.sem_alloc : memref<!tpu.dma_semaphore, #tpu.memory_space<semaphore_mem>>
      %dma_start3A = arith.constant 160 : i32
      %dma_start3A_53 = arith.constant 0 : i32
      %dma_start3A_54 = tpu.memref_slice %arg2[%add3A, %dma_start3A, %dma_start3A_53] : memref<32x1026x1026xf32, #tpu.memory_space<hbm>> -> memref<1x40x1026xf32, #tpu.memory_space<hbm>>
      %dma_start3A_55 = arith.constant 160 : i32
      %dma_start3A_56 = arith.constant 0 : i32
      %dma_start3A_57 = tpu.memref_slice %arg2[%add3A, %dma_start3A_55, %dma_start3A_56] : memref<32x1026x1026xf32, #tpu.memory_space<hbm>> -> memref<1x40x1026xf32, #tpu.memory_space<hbm>>
      tpu.enqueue_dma source(%dma_start3A_57 : memref<1x40x1026xf32, #tpu.memory_space<hbm>>) target(%arg6 : memref<1x40x1026xf32, #tpu.memory_space<vmem>>) target_semaphore(%run_scoped3A : memref<!tpu.dma_semaphore, #tpu.memory_space<semaphore_mem>>)
      %dma_wait3A = arith.constant 160 : i32
      %dma_wait3A_58 = arith.constant 0 : i32
      %dma_wait3A_59 = tpu.memref_slice %arg2[%add3A, %dma_wait3A, %dma_wait3A_58] : memref<32x1026x1026xf32, #tpu.memory_space<hbm>> -> memref<1x40x1026xf32, #tpu.memory_space<hbm>>
      %dma_wait3A_60 = arith.constant 160 : i32
      %dma_wait3A_61 = arith.constant 0 : i32
      %dma_wait3A_62 = tpu.memref_slice %arg2[%add3A, %dma_wait3A_60, %dma_wait3A_61] : memref<32x1026x1026xf32, #tpu.memory_space<hbm>> -> memref<1x40x1026xf32, #tpu.memory_space<hbm>>
      tpu.wait_dma2 semaphore(%run_scoped3A : memref<!tpu.dma_semaphore, #tpu.memory_space<semaphore_mem>>) src(%dma_wait3A_62 : memref<1x40x1026xf32, #tpu.memory_space<hbm>>) dst(%arg6 : memref<1x40x1026xf32, #tpu.memory_space<vmem>>)
      tpu.yield
    }) : () -> ()
    "tpu.region"() ({
      %run_scoped3A = tpu.sem_alloc : memref<!tpu.dma_semaphore, #tpu.memory_space<semaphore_mem>>
      %dma_start3A = arith.constant 160 : i32
      %dma_start3A_53 = arith.constant 0 : i32
      %dma_start3A_54 = tpu.memref_slice %arg4[%add3A_10, %dma_start3A, %dma_start3A_53] : memref<64x1026x1026xf32, #tpu.memory_space<hbm>> -> memref<1x40x1026xf32, #tpu.memory_space<hbm>>
      %dma_start3A_55 = arith.constant 160 : i32
      %dma_start3A_56 = arith.constant 0 : i32
      %dma_start3A_57 = tpu.memref_slice %arg4[%add3A_10, %dma_start3A_55, %dma_start3A_56] : memref<64x1026x1026xf32, #tpu.memory_space<hbm>> -> memref<1x40x1026xf32, #tpu.memory_space<hbm>>
      tpu.enqueue_dma source(%arg6 : memref<1x40x1026xf32, #tpu.memory_space<vmem>>) target(%dma_start3A_57 : memref<1x40x1026xf32, #tpu.memory_space<hbm>>) target_semaphore(%run_scoped3A : memref<!tpu.dma_semaphore, #tpu.memory_space<semaphore_mem>>)
      %dma_wait3A = arith.constant 160 : i32
      %dma_wait3A_58 = arith.constant 0 : i32
      %dma_wait3A_59 = tpu.memref_slice %arg4[%add3A_10, %dma_wait3A, %dma_wait3A_58] : memref<64x1026x1026xf32, #tpu.memory_space<hbm>> -> memref<1x40x1026xf32, #tpu.memory_space<hbm>>
      %dma_wait3A_60 = arith.constant 160 : i32
      %dma_wait3A_61 = arith.constant 0 : i32
      %dma_wait3A_62 = tpu.memref_slice %arg4[%add3A_10, %dma_wait3A_60, %dma_wait3A_61] : memref<64x1026x1026xf32, #tpu.memory_space<hbm>> -> memref<1x40x1026xf32, #tpu.memory_space<hbm>>
      tpu.wait_dma2 semaphore(%run_scoped3A : memref<!tpu.dma_semaphore, #tpu.memory_space<semaphore_mem>>) src(%arg6 : memref<1x40x1026xf32, #tpu.memory_space<vmem>>) dst(%dma_wait3A_62 : memref<1x40x1026xf32, #tpu.memory_space<hbm>>)
      tpu.yield
    }) : () -> ()
    %add3A_11 = arith.constant 32 : i32
    %add3A_12 = arith.addi %add3A_11, %add3A : i32
    "tpu.region"() ({
      %run_scoped3A = tpu.sem_alloc : memref<!tpu.dma_semaphore, #tpu.memory_space<semaphore_mem>>
      %dma_start3A = arith.constant 200 : i32
      %dma_start3A_53 = arith.constant 0 : i32
      %dma_start3A_54 = tpu.memref_slice %arg2[%add3A, %dma_start3A, %dma_start3A_53] : memref<32x1026x1026xf32, #tpu.memory_space<hbm>> -> memref<1x40x1026xf32, #tpu.memory_space<hbm>>
      %dma_start3A_55 = arith.constant 200 : i32
      %dma_start3A_56 = arith.constant 0 : i32
      %dma_start3A_57 = tpu.memref_slice %arg2[%add3A, %dma_start3A_55, %dma_start3A_56] : memref<32x1026x1026xf32, #tpu.memory_space<hbm>> -> memref<1x40x1026xf32, #tpu.memory_space<hbm>>
      tpu.enqueue_dma source(%dma_start3A_57 : memref<1x40x1026xf32, #tpu.memory_space<hbm>>) target(%arg5 : memref<1x40x1026xf32, #tpu.memory_space<vmem>>) target_semaphore(%run_scoped3A : memref<!tpu.dma_semaphore, #tpu.memory_space<semaphore_mem>>)
      %dma_wait3A = arith.constant 200 : i32
      %dma_wait3A_58 = arith.constant 0 : i32
      %dma_wait3A_59 = tpu.memref_slice %arg2[%add3A, %dma_wait3A, %dma_wait3A_58] : memref<32x1026x1026xf32, #tpu.memory_space<hbm>> -> memref<1x40x1026xf32, #tpu.memory_space<hbm>>
      %dma_wait3A_60 = arith.constant 200 : i32
      %dma_wait3A_61 = arith.constant 0 : i32
      %dma_wait3A_62 = tpu.memref_slice %arg2[%add3A, %dma_wait3A_60, %dma_wait3A_61] : memref<32x1026x1026xf32, #tpu.memory_space<hbm>> -> memref<1x40x1026xf32, #tpu.memory_space<hbm>>
      tpu.wait_dma2 semaphore(%run_scoped3A : memref<!tpu.dma_semaphore, #tpu.memory_space<semaphore_mem>>) src(%dma_wait3A_62 : memref<1x40x1026xf32, #tpu.memory_space<hbm>>) dst(%arg5 : memref<1x40x1026xf32, #tpu.memory_space<vmem>>)
      tpu.yield
    }) : () -> ()
    "tpu.region"() ({
      %run_scoped3A = tpu.sem_alloc : memref<!tpu.dma_semaphore, #tpu.memory_space<semaphore_mem>>
      %dma_start3A = arith.constant 200 : i32
      %dma_start3A_53 = arith.constant 0 : i32
      %dma_start3A_54 = tpu.memref_slice %arg4[%add3A_12, %dma_start3A, %dma_start3A_53] : memref<64x1026x1026xf32, #tpu.memory_space<hbm>> -> memref<1x40x1026xf32, #tpu.memory_space<hbm>>
      %dma_start3A_55 = arith.constant 200 : i32
      %dma_start3A_56 = arith.constant 0 : i32
      %dma_start3A_57 = tpu.memref_slice %arg4[%add3A_12, %dma_start3A_55, %dma_start3A_56] : memref<64x1026x1026xf32, #tpu.memory_space<hbm>> -> memref<1x40x1026xf32, #tpu.memory_space<hbm>>
      tpu.enqueue_dma source(%arg5 : memref<1x40x1026xf32, #tpu.memory_space<vmem>>) target(%dma_start3A_57 : memref<1x40x1026xf32, #tpu.memory_space<hbm>>) target_semaphore(%run_scoped3A : memref<!tpu.dma_semaphore, #tpu.memory_space<semaphore_mem>>)
      %dma_wait3A = arith.constant 200 : i32
      %dma_wait3A_58 = arith.constant 0 : i32
      %dma_wait3A_59 = tpu.memref_slice %arg4[%add3A_12, %dma_wait3A, %dma_wait3A_58] : memref<64x1026x1026xf32, #tpu.memory_space<hbm>> -> memref<1x40x1026xf32, #tpu.memory_space<hbm>>
      %dma_wait3A_60 = arith.constant 200 : i32
      %dma_wait3A_61 = arith.constant 0 : i32
      %dma_wait3A_62 = tpu.memref_slice %arg4[%add3A_12, %dma_wait3A_60, %dma_wait3A_61] : memref<64x1026x1026xf32, #tpu.memory_space<hbm>> -> memref<1x40x1026xf32, #tpu.memory_space<hbm>>
      tpu.wait_dma2 semaphore(%run_scoped3A : memref<!tpu.dma_semaphore, #tpu.memory_space<semaphore_mem>>) src(%arg5 : memref<1x40x1026xf32, #tpu.memory_space<vmem>>) dst(%dma_wait3A_62 : memref<1x40x1026xf32, #tpu.memory_space<hbm>>)
      tpu.yield
    }) : () -> ()
    %add3A_13 = arith.constant 32 : i32
    %add3A_14 = arith.addi %add3A_13, %add3A : i32
    "tpu.region"() ({
      %run_scoped3A = tpu.sem_alloc : memref<!tpu.dma_semaphore, #tpu.memory_space<semaphore_mem>>
      %dma_start3A = arith.constant 240 : i32
      %dma_start3A_53 = arith.constant 0 : i32
      %dma_start3A_54 = tpu.memref_slice %arg2[%add3A, %dma_start3A, %dma_start3A_53] : memref<32x1026x1026xf32, #tpu.memory_space<hbm>> -> memref<1x40x1026xf32, #tpu.memory_space<hbm>>
      %dma_start3A_55 = arith.constant 240 : i32
      %dma_start3A_56 = arith.constant 0 : i32
      %dma_start3A_57 = tpu.memref_slice %arg2[%add3A, %dma_start3A_55, %dma_start3A_56] : memref<32x1026x1026xf32, #tpu.memory_space<hbm>> -> memref<1x40x1026xf32, #tpu.memory_space<hbm>>
      tpu.enqueue_dma source(%dma_start3A_57 : memref<1x40x1026xf32, #tpu.memory_space<hbm>>) target(%arg6 : memref<1x40x1026xf32, #tpu.memory_space<vmem>>) target_semaphore(%run_scoped3A : memref<!tpu.dma_semaphore, #tpu.memory_space<semaphore_mem>>)
      %dma_wait3A = arith.constant 240 : i32
      %dma_wait3A_58 = arith.constant 0 : i32
      %dma_wait3A_59 = tpu.memref_slice %arg2[%add3A, %dma_wait3A, %dma_wait3A_58] : memref<32x1026x1026xf32, #tpu.memory_space<hbm>> -> memref<1x40x1026xf32, #tpu.memory_space<hbm>>
      %dma_wait3A_60 = arith.constant 240 : i32
      %dma_wait3A_61 = arith.constant 0 : i32
      %dma_wait3A_62 = tpu.memref_slice %arg2[%add3A, %dma_wait3A_60, %dma_wait3A_61] : memref<32x1026x1026xf32, #tpu.memory_space<hbm>> -> memref<1x40x1026xf32, #tpu.memory_space<hbm>>
      tpu.wait_dma2 semaphore(%run_scoped3A : memref<!tpu.dma_semaphore, #tpu.memory_space<semaphore_mem>>) src(%dma_wait3A_62 : memref<1x40x1026xf32, #tpu.memory_space<hbm>>) dst(%arg6 : memref<1x40x1026xf32, #tpu.memory_space<vmem>>)
      tpu.yield
    }) : () -> ()
    "tpu.region"() ({
      %run_scoped3A = tpu.sem_alloc : memref<!tpu.dma_semaphore, #tpu.memory_space<semaphore_mem>>
      %dma_start3A = arith.constant 240 : i32
      %dma_start3A_53 = arith.constant 0 : i32
      %dma_start3A_54 = tpu.memref_slice %arg4[%add3A_14, %dma_start3A, %dma_start3A_53] : memref<64x1026x1026xf32, #tpu.memory_space<hbm>> -> memref<1x40x1026xf32, #tpu.memory_space<hbm>>
      %dma_start3A_55 = arith.constant 240 : i32
      %dma_start3A_56 = arith.constant 0 : i32
      %dma_start3A_57 = tpu.memref_slice %arg4[%add3A_14, %dma_start3A_55, %dma_start3A_56] : memref<64x1026x1026xf32, #tpu.memory_space<hbm>> -> memref<1x40x1026xf32, #tpu.memory_space<hbm>>
      tpu.enqueue_dma source(%arg6 : memref<1x40x1026xf32, #tpu.memory_space<vmem>>) target(%dma_start3A_57 : memref<1x40x1026xf32, #tpu.memory_space<hbm>>) target_semaphore(%run_scoped3A : memref<!tpu.dma_semaphore, #tpu.memory_space<semaphore_mem>>)
      %dma_wait3A = arith.constant 240 : i32
      %dma_wait3A_58 = arith.constant 0 : i32
      %dma_wait3A_59 = tpu.memref_slice %arg4[%add3A_14, %dma_wait3A, %dma_wait3A_58] : memref<64x1026x1026xf32, #tpu.memory_space<hbm>> -> memref<1x40x1026xf32, #tpu.memory_space<hbm>>
      %dma_wait3A_60 = arith.constant 240 : i32
      %dma_wait3A_61 = arith.constant 0 : i32
      %dma_wait3A_62 = tpu.memref_slice %arg4[%add3A_14, %dma_wait3A_60, %dma_wait3A_61] : memref<64x1026x1026xf32, #tpu.memory_space<hbm>> -> memref<1x40x1026xf32, #tpu.memory_space<hbm>>
      tpu.wait_dma2 semaphore(%run_scoped3A : memref<!tpu.dma_semaphore, #tpu.memory_space<semaphore_mem>>) src(%arg6 : memref<1x40x1026xf32, #tpu.memory_space<vmem>>) dst(%dma_wait3A_62 : memref<1x40x1026xf32, #tpu.memory_space<hbm>>)
      tpu.yield
    }) : () -> ()
    %add3A_15 = arith.constant 32 : i32
    %add3A_16 = arith.addi %add3A_15, %add3A : i32
    "tpu.region"() ({
      %run_scoped3A = tpu.sem_alloc : memref<!tpu.dma_semaphore, #tpu.memory_space<semaphore_mem>>
      %dma_start3A = arith.constant 280 : i32
      %dma_start3A_53 = arith.constant 0 : i32
      %dma_start3A_54 = tpu.memref_slice %arg2[%add3A, %dma_start3A, %dma_start3A_53] : memref<32x1026x1026xf32, #tpu.memory_space<hbm>> -> memref<1x40x1026xf32, #tpu.memory_space<hbm>>
      %dma_start3A_55 = arith.constant 280 : i32
      %dma_start3A_56 = arith.constant 0 : i32
      %dma_start3A_57 = tpu.memref_slice %arg2[%add3A, %dma_start3A_55, %dma_start3A_56] : memref<32x1026x1026xf32, #tpu.memory_space<hbm>> -> memref<1x40x1026xf32, #tpu.memory_space<hbm>>
      tpu.enqueue_dma source(%dma_start3A_57 : memref<1x40x1026xf32, #tpu.memory_space<hbm>>) target(%arg5 : memref<1x40x1026xf32, #tpu.memory_space<vmem>>) target_semaphore(%run_scoped3A : memref<!tpu.dma_semaphore, #tpu.memory_space<semaphore_mem>>)
      %dma_wait3A = arith.constant 280 : i32
      %dma_wait3A_58 = arith.constant 0 : i32
      %dma_wait3A_59 = tpu.memref_slice %arg2[%add3A, %dma_wait3A, %dma_wait3A_58] : memref<32x1026x1026xf32, #tpu.memory_space<hbm>> -> memref<1x40x1026xf32, #tpu.memory_space<hbm>>
      %dma_wait3A_60 = arith.constant 280 : i32
      %dma_wait3A_61 = arith.constant 0 : i32
      %dma_wait3A_62 = tpu.memref_slice %arg2[%add3A, %dma_wait3A_60, %dma_wait3A_61] : memref<32x1026x1026xf32, #tpu.memory_space<hbm>> -> memref<1x40x1026xf32, #tpu.memory_space<hbm>>
      tpu.wait_dma2 semaphore(%run_scoped3A : memref<!tpu.dma_semaphore, #tpu.memory_space<semaphore_mem>>) src(%dma_wait3A_62 : memref<1x40x1026xf32, #tpu.memory_space<hbm>>) dst(%arg5 : memref<1x40x1026xf32, #tpu.memory_space<vmem>>)
      tpu.yield
    }) : () -> ()
    "tpu.region"() ({
      %run_scoped3A = tpu.sem_alloc : memref<!tpu.dma_semaphore, #tpu.memory_space<semaphore_mem>>
      %dma_start3A = arith.constant 280 : i32
      %dma_start3A_53 = arith.constant 0 : i32
      %dma_start3A_54 = tpu.memref_slice %arg4[%add3A_16, %dma_start3A, %dma_start3A_53] : memref<64x1026x1026xf32, #tpu.memory_space<hbm>> -> memref<1x40x1026xf32, #tpu.memory_space<hbm>>
      %dma_start3A_55 = arith.constant 280 : i32
      %dma_start3A_56 = arith.constant 0 : i32
      %dma_start3A_57 = tpu.memref_slice %arg4[%add3A_16, %dma_start3A_55, %dma_start3A_56] : memref<64x1026x1026xf32, #tpu.memory_space<hbm>> -> memref<1x40x1026xf32, #tpu.memory_space<hbm>>
      tpu.enqueue_dma source(%arg5 : memref<1x40x1026xf32, #tpu.memory_space<vmem>>) target(%dma_start3A_57 : memref<1x40x1026xf32, #tpu.memory_space<hbm>>) target_semaphore(%run_scoped3A : memref<!tpu.dma_semaphore, #tpu.memory_space<semaphore_mem>>)
      %dma_wait3A = arith.constant 280 : i32
      %dma_wait3A_58 = arith.constant 0 : i32
      %dma_wait3A_59 = tpu.memref_slice %arg4[%add3A_16, %dma_wait3A, %dma_wait3A_58] : memref<64x1026x1026xf32, #tpu.memory_space<hbm>> -> memref<1x40x1026xf32, #tpu.memory_space<hbm>>
      %dma_wait3A_60 = arith.constant 280 : i32
      %dma_wait3A_61 = arith.constant 0 : i32
      %dma_wait3A_62 = tpu.memref_slice %arg4[%add3A_16, %dma_wait3A_60, %dma_wait3A_61] : memref<64x1026x1026xf32, #tpu.memory_space<hbm>> -> memref<1x40x1026xf32, #tpu.memory_space<hbm>>
      tpu.wait_dma2 semaphore(%run_scoped3A : memref<!tpu.dma_semaphore, #tpu.memory_space<semaphore_mem>>) src(%arg5 : memref<1x40x1026xf32, #tpu.memory_space<vmem>>) dst(%dma_wait3A_62 : memref<1x40x1026xf32, #tpu.memory_space<hbm>>)
      tpu.yield
    }) : () -> ()
    %add3A_17 = arith.constant 32 : i32
    %add3A_18 = arith.addi %add3A_17, %add3A : i32
    "tpu.region"() ({
      %run_scoped3A = tpu.sem_alloc : memref<!tpu.dma_semaphore, #tpu.memory_space<semaphore_mem>>
      %dma_start3A = arith.constant 320 : i32
      %dma_start3A_53 = arith.constant 0 : i32
      %dma_start3A_54 = tpu.memref_slice %arg2[%add3A, %dma_start3A, %dma_start3A_53] : memref<32x1026x1026xf32, #tpu.memory_space<hbm>> -> memref<1x40x1026xf32, #tpu.memory_space<hbm>>
      %dma_start3A_55 = arith.constant 320 : i32
      %dma_start3A_56 = arith.constant 0 : i32
      %dma_start3A_57 = tpu.memref_slice %arg2[%add3A, %dma_start3A_55, %dma_start3A_56] : memref<32x1026x1026xf32, #tpu.memory_space<hbm>> -> memref<1x40x1026xf32, #tpu.memory_space<hbm>>
      tpu.enqueue_dma source(%dma_start3A_57 : memref<1x40x1026xf32, #tpu.memory_space<hbm>>) target(%arg6 : memref<1x40x1026xf32, #tpu.memory_space<vmem>>) target_semaphore(%run_scoped3A : memref<!tpu.dma_semaphore, #tpu.memory_space<semaphore_mem>>)
      %dma_wait3A = arith.constant 320 : i32
      %dma_wait3A_58 = arith.constant 0 : i32
      %dma_wait3A_59 = tpu.memref_slice %arg2[%add3A, %dma_wait3A, %dma_wait3A_58] : memref<32x1026x1026xf32, #tpu.memory_space<hbm>> -> memref<1x40x1026xf32, #tpu.memory_space<hbm>>
      %dma_wait3A_60 = arith.constant 320 : i32
      %dma_wait3A_61 = arith.constant 0 : i32
      %dma_wait3A_62 = tpu.memref_slice %arg2[%add3A, %dma_wait3A_60, %dma_wait3A_61] : memref<32x1026x1026xf32, #tpu.memory_space<hbm>> -> memref<1x40x1026xf32, #tpu.memory_space<hbm>>
      tpu.wait_dma2 semaphore(%run_scoped3A : memref<!tpu.dma_semaphore, #tpu.memory_space<semaphore_mem>>) src(%dma_wait3A_62 : memref<1x40x1026xf32, #tpu.memory_space<hbm>>) dst(%arg6 : memref<1x40x1026xf32, #tpu.memory_space<vmem>>)
      tpu.yield
    }) : () -> ()
    "tpu.region"() ({
      %run_scoped3A = tpu.sem_alloc : memref<!tpu.dma_semaphore, #tpu.memory_space<semaphore_mem>>
      %dma_start3A = arith.constant 320 : i32
      %dma_start3A_53 = arith.constant 0 : i32
      %dma_start3A_54 = tpu.memref_slice %arg4[%add3A_18, %dma_start3A, %dma_start3A_53] : memref<64x1026x1026xf32, #tpu.memory_space<hbm>> -> memref<1x40x1026xf32, #tpu.memory_space<hbm>>
      %dma_start3A_55 = arith.constant 320 : i32
      %dma_start3A_56 = arith.constant 0 : i32
      %dma_start3A_57 = tpu.memref_slice %arg4[%add3A_18, %dma_start3A_55, %dma_start3A_56] : memref<64x1026x1026xf32, #tpu.memory_space<hbm>> -> memref<1x40x1026xf32, #tpu.memory_space<hbm>>
      tpu.enqueue_dma source(%arg6 : memref<1x40x1026xf32, #tpu.memory_space<vmem>>) target(%dma_start3A_57 : memref<1x40x1026xf32, #tpu.memory_space<hbm>>) target_semaphore(%run_scoped3A : memref<!tpu.dma_semaphore, #tpu.memory_space<semaphore_mem>>)
      %dma_wait3A = arith.constant 320 : i32
      %dma_wait3A_58 = arith.constant 0 : i32
      %dma_wait3A_59 = tpu.memref_slice %arg4[%add3A_18, %dma_wait3A, %dma_wait3A_58] : memref<64x1026x1026xf32, #tpu.memory_space<hbm>> -> memref<1x40x1026xf32, #tpu.memory_space<hbm>>
      %dma_wait3A_60 = arith.constant 320 : i32
      %dma_wait3A_61 = arith.constant 0 : i32
      %dma_wait3A_62 = tpu.memref_slice %arg4[%add3A_18, %dma_wait3A_60, %dma_wait3A_61] : memref<64x1026x1026xf32, #tpu.memory_space<hbm>> -> memref<1x40x1026xf32, #tpu.memory_space<hbm>>
      tpu.wait_dma2 semaphore(%run_scoped3A : memref<!tpu.dma_semaphore, #tpu.memory_space<semaphore_mem>>) src(%arg6 : memref<1x40x1026xf32, #tpu.memory_space<vmem>>) dst(%dma_wait3A_62 : memref<1x40x1026xf32, #tpu.memory_space<hbm>>)
      tpu.yield
    }) : () -> ()
    %add3A_19 = arith.constant 32 : i32
    %add3A_20 = arith.addi %add3A_19, %add3A : i32
    "tpu.region"() ({
      %run_scoped3A = tpu.sem_alloc : memref<!tpu.dma_semaphore, #tpu.memory_space<semaphore_mem>>
      %dma_start3A = arith.constant 360 : i32
      %dma_start3A_53 = arith.constant 0 : i32
      %dma_start3A_54 = tpu.memref_slice %arg2[%add3A, %dma_start3A, %dma_start3A_53] : memref<32x1026x1026xf32, #tpu.memory_space<hbm>> -> memref<1x40x1026xf32, #tpu.memory_space<hbm>>
      %dma_start3A_55 = arith.constant 360 : i32
      %dma_start3A_56 = arith.constant 0 : i32
      %dma_start3A_57 = tpu.memref_slice %arg2[%add3A, %dma_start3A_55, %dma_start3A_56] : memref<32x1026x1026xf32, #tpu.memory_space<hbm>> -> memref<1x40x1026xf32, #tpu.memory_space<hbm>>
      tpu.enqueue_dma source(%dma_start3A_57 : memref<1x40x1026xf32, #tpu.memory_space<hbm>>) target(%arg5 : memref<1x40x1026xf32, #tpu.memory_space<vmem>>) target_semaphore(%run_scoped3A : memref<!tpu.dma_semaphore, #tpu.memory_space<semaphore_mem>>)
      %dma_wait3A = arith.constant 360 : i32
      %dma_wait3A_58 = arith.constant 0 : i32
      %dma_wait3A_59 = tpu.memref_slice %arg2[%add3A, %dma_wait3A, %dma_wait3A_58] : memref<32x1026x1026xf32, #tpu.memory_space<hbm>> -> memref<1x40x1026xf32, #tpu.memory_space<hbm>>
      %dma_wait3A_60 = arith.constant 360 : i32
      %dma_wait3A_61 = arith.constant 0 : i32
      %dma_wait3A_62 = tpu.memref_slice %arg2[%add3A, %dma_wait3A_60, %dma_wait3A_61] : memref<32x1026x1026xf32, #tpu.memory_space<hbm>> -> memref<1x40x1026xf32, #tpu.memory_space<hbm>>
      tpu.wait_dma2 semaphore(%run_scoped3A : memref<!tpu.dma_semaphore, #tpu.memory_space<semaphore_mem>>) src(%dma_wait3A_62 : memref<1x40x1026xf32, #tpu.memory_space<hbm>>) dst(%arg5 : memref<1x40x1026xf32, #tpu.memory_space<vmem>>)
      tpu.yield
    }) : () -> ()
    "tpu.region"() ({
      %run_scoped3A = tpu.sem_alloc : memref<!tpu.dma_semaphore, #tpu.memory_space<semaphore_mem>>
      %dma_start3A = arith.constant 360 : i32
      %dma_start3A_53 = arith.constant 0 : i32
      %dma_start3A_54 = tpu.memref_slice %arg4[%add3A_20, %dma_start3A, %dma_start3A_53] : memref<64x1026x1026xf32, #tpu.memory_space<hbm>> -> memref<1x40x1026xf32, #tpu.memory_space<hbm>>
      %dma_start3A_55 = arith.constant 360 : i32
      %dma_start3A_56 = arith.constant 0 : i32
      %dma_start3A_57 = tpu.memref_slice %arg4[%add3A_20, %dma_start3A_55, %dma_start3A_56] : memref<64x1026x1026xf32, #tpu.memory_space<hbm>> -> memref<1x40x1026xf32, #tpu.memory_space<hbm>>
      tpu.enqueue_dma source(%arg5 : memref<1x40x1026xf32, #tpu.memory_space<vmem>>) target(%dma_start3A_57 : memref<1x40x1026xf32, #tpu.memory_space<hbm>>) target_semaphore(%run_scoped3A : memref<!tpu.dma_semaphore, #tpu.memory_space<semaphore_mem>>)
      %dma_wait3A = arith.constant 360 : i32
      %dma_wait3A_58 = arith.constant 0 : i32
      %dma_wait3A_59 = tpu.memref_slice %arg4[%add3A_20, %dma_wait3A, %dma_wait3A_58] : memref<64x1026x1026xf32, #tpu.memory_space<hbm>> -> memref<1x40x1026xf32, #tpu.memory_space<hbm>>
      %dma_wait3A_60 = arith.constant 360 : i32
      %dma_wait3A_61 = arith.constant 0 : i32
      %dma_wait3A_62 = tpu.memref_slice %arg4[%add3A_20, %dma_wait3A_60, %dma_wait3A_61] : memref<64x1026x1026xf32, #tpu.memory_space<hbm>> -> memref<1x40x1026xf32, #tpu.memory_space<hbm>>
      tpu.wait_dma2 semaphore(%run_scoped3A : memref<!tpu.dma_semaphore, #tpu.memory_space<semaphore_mem>>) src(%arg5 : memref<1x40x1026xf32, #tpu.memory_space<vmem>>) dst(%dma_wait3A_62 : memref<1x40x1026xf32, #tpu.memory_space<hbm>>)
      tpu.yield
    }) : () -> ()
    %add3A_21 = arith.constant 32 : i32
    %add3A_22 = arith.addi %add3A_21, %add3A : i32
    "tpu.region"() ({
      %run_scoped3A = tpu.sem_alloc : memref<!tpu.dma_semaphore, #tpu.memory_space<semaphore_mem>>
      %dma_start3A = arith.constant 400 : i32
      %dma_start3A_53 = arith.constant 0 : i32
      %dma_start3A_54 = tpu.memref_slice %arg2[%add3A, %dma_start3A, %dma_start3A_53] : memref<32x1026x1026xf32, #tpu.memory_space<hbm>> -> memref<1x40x1026xf32, #tpu.memory_space<hbm>>
      %dma_start3A_55 = arith.constant 400 : i32
      %dma_start3A_56 = arith.constant 0 : i32
      %dma_start3A_57 = tpu.memref_slice %arg2[%add3A, %dma_start3A_55, %dma_start3A_56] : memref<32x1026x1026xf32, #tpu.memory_space<hbm>> -> memref<1x40x1026xf32, #tpu.memory_space<hbm>>
      tpu.enqueue_dma source(%dma_start3A_57 : memref<1x40x1026xf32, #tpu.memory_space<hbm>>) target(%arg6 : memref<1x40x1026xf32, #tpu.memory_space<vmem>>) target_semaphore(%run_scoped3A : memref<!tpu.dma_semaphore, #tpu.memory_space<semaphore_mem>>)
      %dma_wait3A = arith.constant 400 : i32
      %dma_wait3A_58 = arith.constant 0 : i32
      %dma_wait3A_59 = tpu.memref_slice %arg2[%add3A, %dma_wait3A, %dma_wait3A_58] : memref<32x1026x1026xf32, #tpu.memory_space<hbm>> -> memref<1x40x1026xf32, #tpu.memory_space<hbm>>
      %dma_wait3A_60 = arith.constant 400 : i32
      %dma_wait3A_61 = arith.constant 0 : i32
      %dma_wait3A_62 = tpu.memref_slice %arg2[%add3A, %dma_wait3A_60, %dma_wait3A_61] : memref<32x1026x1026xf32, #tpu.memory_space<hbm>> -> memref<1x40x1026xf32, #tpu.memory_space<hbm>>
      tpu.wait_dma2 semaphore(%run_scoped3A : memref<!tpu.dma_semaphore, #tpu.memory_space<semaphore_mem>>) src(%dma_wait3A_62 : memref<1x40x1026xf32, #tpu.memory_space<hbm>>) dst(%arg6 : memref<1x40x1026xf32, #tpu.memory_space<vmem>>)
      tpu.yield
    }) : () -> ()
    "tpu.region"() ({
      %run_scoped3A = tpu.sem_alloc : memref<!tpu.dma_semaphore, #tpu.memory_space<semaphore_mem>>
      %dma_start3A = arith.constant 400 : i32
      %dma_start3A_53 = arith.constant 0 : i32
      %dma_start3A_54 = tpu.memref_slice %arg4[%add3A_22, %dma_start3A, %dma_start3A_53] : memref<64x1026x1026xf32, #tpu.memory_space<hbm>> -> memref<1x40x1026xf32, #tpu.memory_space<hbm>>
      %dma_start3A_55 = arith.constant 400 : i32
      %dma_start3A_56 = arith.constant 0 : i32
      %dma_start3A_57 = tpu.memref_slice %arg4[%add3A_22, %dma_start3A_55, %dma_start3A_56] : memref<64x1026x1026xf32, #tpu.memory_space<hbm>> -> memref<1x40x1026xf32, #tpu.memory_space<hbm>>
      tpu.enqueue_dma source(%arg6 : memref<1x40x1026xf32, #tpu.memory_space<vmem>>) target(%dma_start3A_57 : memref<1x40x1026xf32, #tpu.memory_space<hbm>>) target_semaphore(%run_scoped3A : memref<!tpu.dma_semaphore, #tpu.memory_space<semaphore_mem>>)
      %dma_wait3A = arith.constant 400 : i32
      %dma_wait3A_58 = arith.constant 0 : i32
      %dma_wait3A_59 = tpu.memref_slice %arg4[%add3A_22, %dma_wait3A, %dma_wait3A_58] : memref<64x1026x1026xf32, #tpu.memory_space<hbm>> -> memref<1x40x1026xf32, #tpu.memory_space<hbm>>
      %dma_wait3A_60 = arith.constant 400 : i32
      %dma_wait3A_61 = arith.constant 0 : i32
      %dma_wait3A_62 = tpu.memref_slice %arg4[%add3A_22, %dma_wait3A_60, %dma_wait3A_61] : memref<64x1026x1026xf32, #tpu.memory_space<hbm>> -> memref<1x40x1026xf32, #tpu.memory_space<hbm>>
      tpu.wait_dma2 semaphore(%run_scoped3A : memref<!tpu.dma_semaphore, #tpu.memory_space<semaphore_mem>>) src(%arg6 : memref<1x40x1026xf32, #tpu.memory_space<vmem>>) dst(%dma_wait3A_62 : memref<1x40x1026xf32, #tpu.memory_space<hbm>>)
      tpu.yield
    }) : () -> ()
    %add3A_23 = arith.constant 32 : i32
    %add3A_24 = arith.addi %add3A_23, %add3A : i32
    "tpu.region"() ({
      %run_scoped3A = tpu.sem_alloc : memref<!tpu.dma_semaphore, #tpu.memory_space<semaphore_mem>>
      %dma_start3A = arith.constant 440 : i32
      %dma_start3A_53 = arith.constant 0 : i32
      %dma_start3A_54 = tpu.memref_slice %arg2[%add3A, %dma_start3A, %dma_start3A_53] : memref<32x1026x1026xf32, #tpu.memory_space<hbm>> -> memref<1x40x1026xf32, #tpu.memory_space<hbm>>
      %dma_start3A_55 = arith.constant 440 : i32
      %dma_start3A_56 = arith.constant 0 : i32
      %dma_start3A_57 = tpu.memref_slice %arg2[%add3A, %dma_start3A_55, %dma_start3A_56] : memref<32x1026x1026xf32, #tpu.memory_space<hbm>> -> memref<1x40x1026xf32, #tpu.memory_space<hbm>>
      tpu.enqueue_dma source(%dma_start3A_57 : memref<1x40x1026xf32, #tpu.memory_space<hbm>>) target(%arg5 : memref<1x40x1026xf32, #tpu.memory_space<vmem>>) target_semaphore(%run_scoped3A : memref<!tpu.dma_semaphore, #tpu.memory_space<semaphore_mem>>)
      %dma_wait3A = arith.constant 440 : i32
      %dma_wait3A_58 = arith.constant 0 : i32
      %dma_wait3A_59 = tpu.memref_slice %arg2[%add3A, %dma_wait3A, %dma_wait3A_58] : memref<32x1026x1026xf32, #tpu.memory_space<hbm>> -> memref<1x40x1026xf32, #tpu.memory_space<hbm>>
      %dma_wait3A_60 = arith.constant 440 : i32
      %dma_wait3A_61 = arith.constant 0 : i32
      %dma_wait3A_62 = tpu.memref_slice %arg2[%add3A, %dma_wait3A_60, %dma_wait3A_61] : memref<32x1026x1026xf32, #tpu.memory_space<hbm>> -> memref<1x40x1026xf32, #tpu.memory_space<hbm>>
      tpu.wait_dma2 semaphore(%run_scoped3A : memref<!tpu.dma_semaphore, #tpu.memory_space<semaphore_mem>>) src(%dma_wait3A_62 : memref<1x40x1026xf32, #tpu.memory_space<hbm>>) dst(%arg5 : memref<1x40x1026xf32, #tpu.memory_space<vmem>>)
      tpu.yield
    }) : () -> ()
    "tpu.region"() ({
      %run_scoped3A = tpu.sem_alloc : memref<!tpu.dma_semaphore, #tpu.memory_space<semaphore_mem>>
      %dma_start3A = arith.constant 440 : i32
      %dma_start3A_53 = arith.constant 0 : i32
      %dma_start3A_54 = tpu.memref_slice %arg4[%add3A_24, %dma_start3A, %dma_start3A_53] : memref<64x1026x1026xf32, #tpu.memory_space<hbm>> -> memref<1x40x1026xf32, #tpu.memory_space<hbm>>
      %dma_start3A_55 = arith.constant 440 : i32
      %dma_start3A_56 = arith.constant 0 : i32
      %dma_start3A_57 = tpu.memref_slice %arg4[%add3A_24, %dma_start3A_55, %dma_start3A_56] : memref<64x1026x1026xf32, #tpu.memory_space<hbm>> -> memref<1x40x1026xf32, #tpu.memory_space<hbm>>
      tpu.enqueue_dma source(%arg5 : memref<1x40x1026xf32, #tpu.memory_space<vmem>>) target(%dma_start3A_57 : memref<1x40x1026xf32, #tpu.memory_space<hbm>>) target_semaphore(%run_scoped3A : memref<!tpu.dma_semaphore, #tpu.memory_space<semaphore_mem>>)
      %dma_wait3A = arith.constant 440 : i32
      %dma_wait3A_58 = arith.constant 0 : i32
      %dma_wait3A_59 = tpu.memref_slice %arg4[%add3A_24, %dma_wait3A, %dma_wait3A_58] : memref<64x1026x1026xf32, #tpu.memory_space<hbm>> -> memref<1x40x1026xf32, #tpu.memory_space<hbm>>
      %dma_wait3A_60 = arith.constant 440 : i32
      %dma_wait3A_61 = arith.constant 0 : i32
      %dma_wait3A_62 = tpu.memref_slice %arg4[%add3A_24, %dma_wait3A_60, %dma_wait3A_61] : memref<64x1026x1026xf32, #tpu.memory_space<hbm>> -> memref<1x40x1026xf32, #tpu.memory_space<hbm>>
      tpu.wait_dma2 semaphore(%run_scoped3A : memref<!tpu.dma_semaphore, #tpu.memory_space<semaphore_mem>>) src(%arg5 : memref<1x40x1026xf32, #tpu.memory_space<vmem>>) dst(%dma_wait3A_62 : memref<1x40x1026xf32, #tpu.memory_space<hbm>>)
      tpu.yield
    }) : () -> ()
    %add3A_25 = arith.constant 32 : i32
    %add3A_26 = arith.addi %add3A_25, %add3A : i32
    "tpu.region"() ({
      %run_scoped3A = tpu.sem_alloc : memref<!tpu.dma_semaphore, #tpu.memory_space<semaphore_mem>>
      %dma_start3A = arith.constant 480 : i32
      %dma_start3A_53 = arith.constant 0 : i32
      %dma_start3A_54 = tpu.memref_slice %arg2[%add3A, %dma_start3A, %dma_start3A_53] : memref<32x1026x1026xf32, #tpu.memory_space<hbm>> -> memref<1x40x1026xf32, #tpu.memory_space<hbm>>
      %dma_start3A_55 = arith.constant 480 : i32
      %dma_start3A_56 = arith.constant 0 : i32
      %dma_start3A_57 = tpu.memref_slice %arg2[%add3A, %dma_start3A_55, %dma_start3A_56] : memref<32x1026x1026xf32, #tpu.memory_space<hbm>> -> memref<1x40x1026xf32, #tpu.memory_space<hbm>>
      tpu.enqueue_dma source(%dma_start3A_57 : memref<1x40x1026xf32, #tpu.memory_space<hbm>>) target(%arg6 : memref<1x40x1026xf32, #tpu.memory_space<vmem>>) target_semaphore(%run_scoped3A : memref<!tpu.dma_semaphore, #tpu.memory_space<semaphore_mem>>)
      %dma_wait3A = arith.constant 480 : i32
      %dma_wait3A_58 = arith.constant 0 : i32
      %dma_wait3A_59 = tpu.memref_slice %arg2[%add3A, %dma_wait3A, %dma_wait3A_58] : memref<32x1026x1026xf32, #tpu.memory_space<hbm>> -> memref<1x40x1026xf32, #tpu.memory_space<hbm>>
      %dma_wait3A_60 = arith.constant 480 : i32
      %dma_wait3A_61 = arith.constant 0 : i32
      %dma_wait3A_62 = tpu.memref_slice %arg2[%add3A, %dma_wait3A_60, %dma_wait3A_61] : memref<32x1026x1026xf32, #tpu.memory_space<hbm>> -> memref<1x40x1026xf32, #tpu.memory_space<hbm>>
      tpu.wait_dma2 semaphore(%run_scoped3A : memref<!tpu.dma_semaphore, #tpu.memory_space<semaphore_mem>>) src(%dma_wait3A_62 : memref<1x40x1026xf32, #tpu.memory_space<hbm>>) dst(%arg6 : memref<1x40x1026xf32, #tpu.memory_space<vmem>>)
      tpu.yield
    }) : () -> ()
    "tpu.region"() ({
      %run_scoped3A = tpu.sem_alloc : memref<!tpu.dma_semaphore, #tpu.memory_space<semaphore_mem>>
      %dma_start3A = arith.constant 480 : i32
      %dma_start3A_53 = arith.constant 0 : i32
      %dma_start3A_54 = tpu.memref_slice %arg4[%add3A_26, %dma_start3A, %dma_start3A_53] : memref<64x1026x1026xf32, #tpu.memory_space<hbm>> -> memref<1x40x1026xf32, #tpu.memory_space<hbm>>
      %dma_start3A_55 = arith.constant 480 : i32
      %dma_start3A_56 = arith.constant 0 : i32
      %dma_start3A_57 = tpu.memref_slice %arg4[%add3A_26, %dma_start3A_55, %dma_start3A_56] : memref<64x1026x1026xf32, #tpu.memory_space<hbm>> -> memref<1x40x1026xf32, #tpu.memory_space<hbm>>
      tpu.enqueue_dma source(%arg6 : memref<1x40x1026xf32, #tpu.memory_space<vmem>>) target(%dma_start3A_57 : memref<1x40x1026xf32, #tpu.memory_space<hbm>>) target_semaphore(%run_scoped3A : memref<!tpu.dma_semaphore, #tpu.memory_space<semaphore_mem>>)
      %dma_wait3A = arith.constant 480 : i32
      %dma_wait3A_58 = arith.constant 0 : i32
      %dma_wait3A_59 = tpu.memref_slice %arg4[%add3A_26, %dma_wait3A, %dma_wait3A_58] : memref<64x1026x1026xf32, #tpu.memory_space<hbm>> -> memref<1x40x1026xf32, #tpu.memory_space<hbm>>
      %dma_wait3A_60 = arith.constant 480 : i32
      %dma_wait3A_61 = arith.constant 0 : i32
      %dma_wait3A_62 = tpu.memref_slice %arg4[%add3A_26, %dma_wait3A_60, %dma_wait3A_61] : memref<64x1026x1026xf32, #tpu.memory_space<hbm>> -> memref<1x40x1026xf32, #tpu.memory_space<hbm>>
      tpu.wait_dma2 semaphore(%run_scoped3A : memref<!tpu.dma_semaphore, #tpu.memory_space<semaphore_mem>>) src(%arg6 : memref<1x40x1026xf32, #tpu.memory_space<vmem>>) dst(%dma_wait3A_62 : memref<1x40x1026xf32, #tpu.memory_space<hbm>>)
      tpu.yield
    }) : () -> ()
    %add3A_27 = arith.constant 32 : i32
    %add3A_28 = arith.addi %add3A_27, %add3A : i32
    "tpu.region"() ({
      %run_scoped3A = tpu.sem_alloc : memref<!tpu.dma_semaphore, #tpu.memory_space<semaphore_mem>>
      %dma_start3A = arith.constant 520 : i32
      %dma_start3A_53 = arith.constant 0 : i32
      %dma_start3A_54 = tpu.memref_slice %arg2[%add3A, %dma_start3A, %dma_start3A_53] : memref<32x1026x1026xf32, #tpu.memory_space<hbm>> -> memref<1x40x1026xf32, #tpu.memory_space<hbm>>
      %dma_start3A_55 = arith.constant 520 : i32
      %dma_start3A_56 = arith.constant 0 : i32
      %dma_start3A_57 = tpu.memref_slice %arg2[%add3A, %dma_start3A_55, %dma_start3A_56] : memref<32x1026x1026xf32, #tpu.memory_space<hbm>> -> memref<1x40x1026xf32, #tpu.memory_space<hbm>>
      tpu.enqueue_dma source(%dma_start3A_57 : memref<1x40x1026xf32, #tpu.memory_space<hbm>>) target(%arg5 : memref<1x40x1026xf32, #tpu.memory_space<vmem>>) target_semaphore(%run_scoped3A : memref<!tpu.dma_semaphore, #tpu.memory_space<semaphore_mem>>)
      %dma_wait3A = arith.constant 520 : i32
      %dma_wait3A_58 = arith.constant 0 : i32
      %dma_wait3A_59 = tpu.memref_slice %arg2[%add3A, %dma_wait3A, %dma_wait3A_58] : memref<32x1026x1026xf32, #tpu.memory_space<hbm>> -> memref<1x40x1026xf32, #tpu.memory_space<hbm>>
      %dma_wait3A_60 = arith.constant 520 : i32
      %dma_wait3A_61 = arith.constant 0 : i32
      %dma_wait3A_62 = tpu.memref_slice %arg2[%add3A, %dma_wait3A_60, %dma_wait3A_61] : memref<32x1026x1026xf32, #tpu.memory_space<hbm>> -> memref<1x40x1026xf32, #tpu.memory_space<hbm>>
      tpu.wait_dma2 semaphore(%run_scoped3A : memref<!tpu.dma_semaphore, #tpu.memory_space<semaphore_mem>>) src(%dma_wait3A_62 : memref<1x40x1026xf32, #tpu.memory_space<hbm>>) dst(%arg5 : memref<1x40x1026xf32, #tpu.memory_space<vmem>>)
      tpu.yield
    }) : () -> ()
    "tpu.region"() ({
      %run_scoped3A = tpu.sem_alloc : memref<!tpu.dma_semaphore, #tpu.memory_space<semaphore_mem>>
      %dma_start3A = arith.constant 520 : i32
      %dma_start3A_53 = arith.constant 0 : i32
      %dma_start3A_54 = tpu.memref_slice %arg4[%add3A_28, %dma_start3A, %dma_start3A_53] : memref<64x1026x1026xf32, #tpu.memory_space<hbm>> -> memref<1x40x1026xf32, #tpu.memory_space<hbm>>
      %dma_start3A_55 = arith.constant 520 : i32
      %dma_start3A_56 = arith.constant 0 : i32
      %dma_start3A_57 = tpu.memref_slice %arg4[%add3A_28, %dma_start3A_55, %dma_start3A_56] : memref<64x1026x1026xf32, #tpu.memory_space<hbm>> -> memref<1x40x1026xf32, #tpu.memory_space<hbm>>
      tpu.enqueue_dma source(%arg5 : memref<1x40x1026xf32, #tpu.memory_space<vmem>>) target(%dma_start3A_57 : memref<1x40x1026xf32, #tpu.memory_space<hbm>>) target_semaphore(%run_scoped3A : memref<!tpu.dma_semaphore, #tpu.memory_space<semaphore_mem>>)
      %dma_wait3A = arith.constant 520 : i32
      %dma_wait3A_58 = arith.constant 0 : i32
      %dma_wait3A_59 = tpu.memref_slice %arg4[%add3A_28, %dma_wait3A, %dma_wait3A_58] : memref<64x1026x1026xf32, #tpu.memory_space<hbm>> -> memref<1x40x1026xf32, #tpu.memory_space<hbm>>
      %dma_wait3A_60 = arith.constant 520 : i32
      %dma_wait3A_61 = arith.constant 0 : i32
      %dma_wait3A_62 = tpu.memref_slice %arg4[%add3A_28, %dma_wait3A_60, %dma_wait3A_61] : memref<64x1026x1026xf32, #tpu.memory_space<hbm>> -> memref<1x40x1026xf32, #tpu.memory_space<hbm>>
      tpu.wait_dma2 semaphore(%run_scoped3A : memref<!tpu.dma_semaphore, #tpu.memory_space<semaphore_mem>>) src(%arg5 : memref<1x40x1026xf32, #tpu.memory_space<vmem>>) dst(%dma_wait3A_62 : memref<1x40x1026xf32, #tpu.memory_space<hbm>>)
      tpu.yield
    }) : () -> ()
    %add3A_29 = arith.constant 32 : i32
    %add3A_30 = arith.addi %add3A_29, %add3A : i32
    "tpu.region"() ({
      %run_scoped3A = tpu.sem_alloc : memref<!tpu.dma_semaphore, #tpu.memory_space<semaphore_mem>>
      %dma_start3A = arith.constant 560 : i32
      %dma_start3A_53 = arith.constant 0 : i32
      %dma_start3A_54 = tpu.memref_slice %arg2[%add3A, %dma_start3A, %dma_start3A_53] : memref<32x1026x1026xf32, #tpu.memory_space<hbm>> -> memref<1x40x1026xf32, #tpu.memory_space<hbm>>
      %dma_start3A_55 = arith.constant 560 : i32
      %dma_start3A_56 = arith.constant 0 : i32
      %dma_start3A_57 = tpu.memref_slice %arg2[%add3A, %dma_start3A_55, %dma_start3A_56] : memref<32x1026x1026xf32, #tpu.memory_space<hbm>> -> memref<1x40x1026xf32, #tpu.memory_space<hbm>>
      tpu.enqueue_dma source(%dma_start3A_57 : memref<1x40x1026xf32, #tpu.memory_space<hbm>>) target(%arg6 : memref<1x40x1026xf32, #tpu.memory_space<vmem>>) target_semaphore(%run_scoped3A : memref<!tpu.dma_semaphore, #tpu.memory_space<semaphore_mem>>)
      %dma_wait3A = arith.constant 560 : i32
      %dma_wait3A_58 = arith.constant 0 : i32
      %dma_wait3A_59 = tpu.memref_slice %arg2[%add3A, %dma_wait3A, %dma_wait3A_58] : memref<32x1026x1026xf32, #tpu.memory_space<hbm>> -> memref<1x40x1026xf32, #tpu.memory_space<hbm>>
      %dma_wait3A_60 = arith.constant 560 : i32
      %dma_wait3A_61 = arith.constant 0 : i32
      %dma_wait3A_62 = tpu.memref_slice %arg2[%add3A, %dma_wait3A_60, %dma_wait3A_61] : memref<32x1026x1026xf32, #tpu.memory_space<hbm>> -> memref<1x40x1026xf32, #tpu.memory_space<hbm>>
      tpu.wait_dma2 semaphore(%run_scoped3A : memref<!tpu.dma_semaphore, #tpu.memory_space<semaphore_mem>>) src(%dma_wait3A_62 : memref<1x40x1026xf32, #tpu.memory_space<hbm>>) dst(%arg6 : memref<1x40x1026xf32, #tpu.memory_space<vmem>>)
      tpu.yield
    }) : () -> ()
    "tpu.region"() ({
      %run_scoped3A = tpu.sem_alloc : memref<!tpu.dma_semaphore, #tpu.memory_space<semaphore_mem>>
      %dma_start3A = arith.constant 560 : i32
      %dma_start3A_53 = arith.constant 0 : i32
      %dma_start3A_54 = tpu.memref_slice %arg4[%add3A_30, %dma_start3A, %dma_start3A_53] : memref<64x1026x1026xf32, #tpu.memory_space<hbm>> -> memref<1x40x1026xf32, #tpu.memory_space<hbm>>
      %dma_start3A_55 = arith.constant 560 : i32
      %dma_start3A_56 = arith.constant 0 : i32
      %dma_start3A_57 = tpu.memref_slice %arg4[%add3A_30, %dma_start3A_55, %dma_start3A_56] : memref<64x1026x1026xf32, #tpu.memory_space<hbm>> -> memref<1x40x1026xf32, #tpu.memory_space<hbm>>
      tpu.enqueue_dma source(%arg6 : memref<1x40x1026xf32, #tpu.memory_space<vmem>>) target(%dma_start3A_57 : memref<1x40x1026xf32, #tpu.memory_space<hbm>>) target_semaphore(%run_scoped3A : memref<!tpu.dma_semaphore, #tpu.memory_space<semaphore_mem>>)
      %dma_wait3A = arith.constant 560 : i32
      %dma_wait3A_58 = arith.constant 0 : i32
      %dma_wait3A_59 = tpu.memref_slice %arg4[%add3A_30, %dma_wait3A, %dma_wait3A_58] : memref<64x1026x1026xf32, #tpu.memory_space<hbm>> -> memref<1x40x1026xf32, #tpu.memory_space<hbm>>
      %dma_wait3A_60 = arith.constant 560 : i32
      %dma_wait3A_61 = arith.constant 0 : i32
      %dma_wait3A_62 = tpu.memref_slice %arg4[%add3A_30, %dma_wait3A_60, %dma_wait3A_61] : memref<64x1026x1026xf32, #tpu.memory_space<hbm>> -> memref<1x40x1026xf32, #tpu.memory_space<hbm>>
      tpu.wait_dma2 semaphore(%run_scoped3A : memref<!tpu.dma_semaphore, #tpu.memory_space<semaphore_mem>>) src(%arg6 : memref<1x40x1026xf32, #tpu.memory_space<vmem>>) dst(%dma_wait3A_62 : memref<1x40x1026xf32, #tpu.memory_space<hbm>>)
      tpu.yield
    }) : () -> ()
    %add3A_31 = arith.constant 32 : i32
    %add3A_32 = arith.addi %add3A_31, %add3A : i32
    "tpu.region"() ({
      %run_scoped3A = tpu.sem_alloc : memref<!tpu.dma_semaphore, #tpu.memory_space<semaphore_mem>>
      %dma_start3A = arith.constant 600 : i32
      %dma_start3A_53 = arith.constant 0 : i32
      %dma_start3A_54 = tpu.memref_slice %arg2[%add3A, %dma_start3A, %dma_start3A_53] : memref<32x1026x1026xf32, #tpu.memory_space<hbm>> -> memref<1x40x1026xf32, #tpu.memory_space<hbm>>
      %dma_start3A_55 = arith.constant 600 : i32
      %dma_start3A_56 = arith.constant 0 : i32
      %dma_start3A_57 = tpu.memref_slice %arg2[%add3A, %dma_start3A_55, %dma_start3A_56] : memref<32x1026x1026xf32, #tpu.memory_space<hbm>> -> memref<1x40x1026xf32, #tpu.memory_space<hbm>>
      tpu.enqueue_dma source(%dma_start3A_57 : memref<1x40x1026xf32, #tpu.memory_space<hbm>>) target(%arg5 : memref<1x40x1026xf32, #tpu.memory_space<vmem>>) target_semaphore(%run_scoped3A : memref<!tpu.dma_semaphore, #tpu.memory_space<semaphore_mem>>)
      %dma_wait3A = arith.constant 600 : i32
      %dma_wait3A_58 = arith.constant 0 : i32
      %dma_wait3A_59 = tpu.memref_slice %arg2[%add3A, %dma_wait3A, %dma_wait3A_58] : memref<32x1026x1026xf32, #tpu.memory_space<hbm>> -> memref<1x40x1026xf32, #tpu.memory_space<hbm>>
      %dma_wait3A_60 = arith.constant 600 : i32
      %dma_wait3A_61 = arith.constant 0 : i32
      %dma_wait3A_62 = tpu.memref_slice %arg2[%add3A, %dma_wait3A_60, %dma_wait3A_61] : memref<32x1026x1026xf32, #tpu.memory_space<hbm>> -> memref<1x40x1026xf32, #tpu.memory_space<hbm>>
      tpu.wait_dma2 semaphore(%run_scoped3A : memref<!tpu.dma_semaphore, #tpu.memory_space<semaphore_mem>>) src(%dma_wait3A_62 : memref<1x40x1026xf32, #tpu.memory_space<hbm>>) dst(%arg5 : memref<1x40x1026xf32, #tpu.memory_space<vmem>>)
      tpu.yield
    }) : () -> ()
    "tpu.region"() ({
      %run_scoped3A = tpu.sem_alloc : memref<!tpu.dma_semaphore, #tpu.memory_space<semaphore_mem>>
      %dma_start3A = arith.constant 600 : i32
      %dma_start3A_53 = arith.constant 0 : i32
      %dma_start3A_54 = tpu.memref_slice %arg4[%add3A_32, %dma_start3A, %dma_start3A_53] : memref<64x1026x1026xf32, #tpu.memory_space<hbm>> -> memref<1x40x1026xf32, #tpu.memory_space<hbm>>
      %dma_start3A_55 = arith.constant 600 : i32
      %dma_start3A_56 = arith.constant 0 : i32
      %dma_start3A_57 = tpu.memref_slice %arg4[%add3A_32, %dma_start3A_55, %dma_start3A_56] : memref<64x1026x1026xf32, #tpu.memory_space<hbm>> -> memref<1x40x1026xf32, #tpu.memory_space<hbm>>
      tpu.enqueue_dma source(%arg5 : memref<1x40x1026xf32, #tpu.memory_space<vmem>>) target(%dma_start3A_57 : memref<1x40x1026xf32, #tpu.memory_space<hbm>>) target_semaphore(%run_scoped3A : memref<!tpu.dma_semaphore, #tpu.memory_space<semaphore_mem>>)
      %dma_wait3A = arith.constant 600 : i32
      %dma_wait3A_58 = arith.constant 0 : i32
      %dma_wait3A_59 = tpu.memref_slice %arg4[%add3A_32, %dma_wait3A, %dma_wait3A_58] : memref<64x1026x1026xf32, #tpu.memory_space<hbm>> -> memref<1x40x1026xf32, #tpu.memory_space<hbm>>
      %dma_wait3A_60 = arith.constant 600 : i32
      %dma_wait3A_61 = arith.constant 0 : i32
      %dma_wait3A_62 = tpu.memref_slice %arg4[%add3A_32, %dma_wait3A_60, %dma_wait3A_61] : memref<64x1026x1026xf32, #tpu.memory_space<hbm>> -> memref<1x40x1026xf32, #tpu.memory_space<hbm>>
      tpu.wait_dma2 semaphore(%run_scoped3A : memref<!tpu.dma_semaphore, #tpu.memory_space<semaphore_mem>>) src(%arg5 : memref<1x40x1026xf32, #tpu.memory_space<vmem>>) dst(%dma_wait3A_62 : memref<1x40x1026xf32, #tpu.memory_space<hbm>>)
      tpu.yield
    }) : () -> ()
    %add3A_33 = arith.constant 32 : i32
    %add3A_34 = arith.addi %add3A_33, %add3A : i32
    "tpu.region"() ({
      %run_scoped3A = tpu.sem_alloc : memref<!tpu.dma_semaphore, #tpu.memory_space<semaphore_mem>>
      %dma_start3A = arith.constant 640 : i32
      %dma_start3A_53 = arith.constant 0 : i32
      %dma_start3A_54 = tpu.memref_slice %arg2[%add3A, %dma_start3A, %dma_start3A_53] : memref<32x1026x1026xf32, #tpu.memory_space<hbm>> -> memref<1x40x1026xf32, #tpu.memory_space<hbm>>
      %dma_start3A_55 = arith.constant 640 : i32
      %dma_start3A_56 = arith.constant 0 : i32
      %dma_start3A_57 = tpu.memref_slice %arg2[%add3A, %dma_start3A_55, %dma_start3A_56] : memref<32x1026x1026xf32, #tpu.memory_space<hbm>> -> memref<1x40x1026xf32, #tpu.memory_space<hbm>>
      tpu.enqueue_dma source(%dma_start3A_57 : memref<1x40x1026xf32, #tpu.memory_space<hbm>>) target(%arg6 : memref<1x40x1026xf32, #tpu.memory_space<vmem>>) target_semaphore(%run_scoped3A : memref<!tpu.dma_semaphore, #tpu.memory_space<semaphore_mem>>)
      %dma_wait3A = arith.constant 640 : i32
      %dma_wait3A_58 = arith.constant 0 : i32
      %dma_wait3A_59 = tpu.memref_slice %arg2[%add3A, %dma_wait3A, %dma_wait3A_58] : memref<32x1026x1026xf32, #tpu.memory_space<hbm>> -> memref<1x40x1026xf32, #tpu.memory_space<hbm>>
      %dma_wait3A_60 = arith.constant 640 : i32
      %dma_wait3A_61 = arith.constant 0 : i32
      %dma_wait3A_62 = tpu.memref_slice %arg2[%add3A, %dma_wait3A_60, %dma_wait3A_61] : memref<32x1026x1026xf32, #tpu.memory_space<hbm>> -> memref<1x40x1026xf32, #tpu.memory_space<hbm>>
      tpu.wait_dma2 semaphore(%run_scoped3A : memref<!tpu.dma_semaphore, #tpu.memory_space<semaphore_mem>>) src(%dma_wait3A_62 : memref<1x40x1026xf32, #tpu.memory_space<hbm>>) dst(%arg6 : memref<1x40x1026xf32, #tpu.memory_space<vmem>>)
      tpu.yield
    }) : () -> ()
    "tpu.region"() ({
      %run_scoped3A = tpu.sem_alloc : memref<!tpu.dma_semaphore, #tpu.memory_space<semaphore_mem>>
      %dma_start3A = arith.constant 640 : i32
      %dma_start3A_53 = arith.constant 0 : i32
      %dma_start3A_54 = tpu.memref_slice %arg4[%add3A_34, %dma_start3A, %dma_start3A_53] : memref<64x1026x1026xf32, #tpu.memory_space<hbm>> -> memref<1x40x1026xf32, #tpu.memory_space<hbm>>
      %dma_start3A_55 = arith.constant 640 : i32
      %dma_start3A_56 = arith.constant 0 : i32
      %dma_start3A_57 = tpu.memref_slice %arg4[%add3A_34, %dma_start3A_55, %dma_start3A_56] : memref<64x1026x1026xf32, #tpu.memory_space<hbm>> -> memref<1x40x1026xf32, #tpu.memory_space<hbm>>
      tpu.enqueue_dma source(%arg6 : memref<1x40x1026xf32, #tpu.memory_space<vmem>>) target(%dma_start3A_57 : memref<1x40x1026xf32, #tpu.memory_space<hbm>>) target_semaphore(%run_scoped3A : memref<!tpu.dma_semaphore, #tpu.memory_space<semaphore_mem>>)
      %dma_wait3A = arith.constant 640 : i32
      %dma_wait3A_58 = arith.constant 0 : i32
      %dma_wait3A_59 = tpu.memref_slice %arg4[%add3A_34, %dma_wait3A, %dma_wait3A_58] : memref<64x1026x1026xf32, #tpu.memory_space<hbm>> -> memref<1x40x1026xf32, #tpu.memory_space<hbm>>
      %dma_wait3A_60 = arith.constant 640 : i32
      %dma_wait3A_61 = arith.constant 0 : i32
      %dma_wait3A_62 = tpu.memref_slice %arg4[%add3A_34, %dma_wait3A_60, %dma_wait3A_61] : memref<64x1026x1026xf32, #tpu.memory_space<hbm>> -> memref<1x40x1026xf32, #tpu.memory_space<hbm>>
      tpu.wait_dma2 semaphore(%run_scoped3A : memref<!tpu.dma_semaphore, #tpu.memory_space<semaphore_mem>>) src(%arg6 : memref<1x40x1026xf32, #tpu.memory_space<vmem>>) dst(%dma_wait3A_62 : memref<1x40x1026xf32, #tpu.memory_space<hbm>>)
      tpu.yield
    }) : () -> ()
    %add3A_35 = arith.constant 32 : i32
    %add3A_36 = arith.addi %add3A_35, %add3A : i32
    "tpu.region"() ({
      %run_scoped3A = tpu.sem_alloc : memref<!tpu.dma_semaphore, #tpu.memory_space<semaphore_mem>>
      %dma_start3A = arith.constant 680 : i32
      %dma_start3A_53 = arith.constant 0 : i32
      %dma_start3A_54 = tpu.memref_slice %arg2[%add3A, %dma_start3A, %dma_start3A_53] : memref<32x1026x1026xf32, #tpu.memory_space<hbm>> -> memref<1x40x1026xf32, #tpu.memory_space<hbm>>
      %dma_start3A_55 = arith.constant 680 : i32
      %dma_start3A_56 = arith.constant 0 : i32
      %dma_start3A_57 = tpu.memref_slice %arg2[%add3A, %dma_start3A_55, %dma_start3A_56] : memref<32x1026x1026xf32, #tpu.memory_space<hbm>> -> memref<1x40x1026xf32, #tpu.memory_space<hbm>>
      tpu.enqueue_dma source(%dma_start3A_57 : memref<1x40x1026xf32, #tpu.memory_space<hbm>>) target(%arg5 : memref<1x40x1026xf32, #tpu.memory_space<vmem>>) target_semaphore(%run_scoped3A : memref<!tpu.dma_semaphore, #tpu.memory_space<semaphore_mem>>)
      %dma_wait3A = arith.constant 680 : i32
      %dma_wait3A_58 = arith.constant 0 : i32
      %dma_wait3A_59 = tpu.memref_slice %arg2[%add3A, %dma_wait3A, %dma_wait3A_58] : memref<32x1026x1026xf32, #tpu.memory_space<hbm>> -> memref<1x40x1026xf32, #tpu.memory_space<hbm>>
      %dma_wait3A_60 = arith.constant 680 : i32
      %dma_wait3A_61 = arith.constant 0 : i32
      %dma_wait3A_62 = tpu.memref_slice %arg2[%add3A, %dma_wait3A_60, %dma_wait3A_61] : memref<32x1026x1026xf32, #tpu.memory_space<hbm>> -> memref<1x40x1026xf32, #tpu.memory_space<hbm>>
      tpu.wait_dma2 semaphore(%run_scoped3A : memref<!tpu.dma_semaphore, #tpu.memory_space<semaphore_mem>>) src(%dma_wait3A_62 : memref<1x40x1026xf32, #tpu.memory_space<hbm>>) dst(%arg5 : memref<1x40x1026xf32, #tpu.memory_space<vmem>>)
      tpu.yield
    }) : () -> ()
    "tpu.region"() ({
      %run_scoped3A = tpu.sem_alloc : memref<!tpu.dma_semaphore, #tpu.memory_space<semaphore_mem>>
      %dma_start3A = arith.constant 680 : i32
      %dma_start3A_53 = arith.constant 0 : i32
      %dma_start3A_54 = tpu.memref_slice %arg4[%add3A_36, %dma_start3A, %dma_start3A_53] : memref<64x1026x1026xf32, #tpu.memory_space<hbm>> -> memref<1x40x1026xf32, #tpu.memory_space<hbm>>
      %dma_start3A_55 = arith.constant 680 : i32
      %dma_start3A_56 = arith.constant 0 : i32
      %dma_start3A_57 = tpu.memref_slice %arg4[%add3A_36, %dma_start3A_55, %dma_start3A_56] : memref<64x1026x1026xf32, #tpu.memory_space<hbm>> -> memref<1x40x1026xf32, #tpu.memory_space<hbm>>
      tpu.enqueue_dma source(%arg5 : memref<1x40x1026xf32, #tpu.memory_space<vmem>>) target(%dma_start3A_57 : memref<1x40x1026xf32, #tpu.memory_space<hbm>>) target_semaphore(%run_scoped3A : memref<!tpu.dma_semaphore, #tpu.memory_space<semaphore_mem>>)
      %dma_wait3A = arith.constant 680 : i32
      %dma_wait3A_58 = arith.constant 0 : i32
      %dma_wait3A_59 = tpu.memref_slice %arg4[%add3A_36, %dma_wait3A, %dma_wait3A_58] : memref<64x1026x1026xf32, #tpu.memory_space<hbm>> -> memref<1x40x1026xf32, #tpu.memory_space<hbm>>
      %dma_wait3A_60 = arith.constant 680 : i32
      %dma_wait3A_61 = arith.constant 0 : i32
      %dma_wait3A_62 = tpu.memref_slice %arg4[%add3A_36, %dma_wait3A_60, %dma_wait3A_61] : memref<64x1026x1026xf32, #tpu.memory_space<hbm>> -> memref<1x40x1026xf32, #tpu.memory_space<hbm>>
      tpu.wait_dma2 semaphore(%run_scoped3A : memref<!tpu.dma_semaphore, #tpu.memory_space<semaphore_mem>>) src(%arg5 : memref<1x40x1026xf32, #tpu.memory_space<vmem>>) dst(%dma_wait3A_62 : memref<1x40x1026xf32, #tpu.memory_space<hbm>>)
      tpu.yield
    }) : () -> ()
    %add3A_37 = arith.constant 32 : i32
    %add3A_38 = arith.addi %add3A_37, %add3A : i32
    "tpu.region"() ({
      %run_scoped3A = tpu.sem_alloc : memref<!tpu.dma_semaphore, #tpu.memory_space<semaphore_mem>>
      %dma_start3A = arith.constant 720 : i32
      %dma_start3A_53 = arith.constant 0 : i32
      %dma_start3A_54 = tpu.memref_slice %arg2[%add3A, %dma_start3A, %dma_start3A_53] : memref<32x1026x1026xf32, #tpu.memory_space<hbm>> -> memref<1x40x1026xf32, #tpu.memory_space<hbm>>
      %dma_start3A_55 = arith.constant 720 : i32
      %dma_start3A_56 = arith.constant 0 : i32
      %dma_start3A_57 = tpu.memref_slice %arg2[%add3A, %dma_start3A_55, %dma_start3A_56] : memref<32x1026x1026xf32, #tpu.memory_space<hbm>> -> memref<1x40x1026xf32, #tpu.memory_space<hbm>>
      tpu.enqueue_dma source(%dma_start3A_57 : memref<1x40x1026xf32, #tpu.memory_space<hbm>>) target(%arg6 : memref<1x40x1026xf32, #tpu.memory_space<vmem>>) target_semaphore(%run_scoped3A : memref<!tpu.dma_semaphore, #tpu.memory_space<semaphore_mem>>)
      %dma_wait3A = arith.constant 720 : i32
      %dma_wait3A_58 = arith.constant 0 : i32
      %dma_wait3A_59 = tpu.memref_slice %arg2[%add3A, %dma_wait3A, %dma_wait3A_58] : memref<32x1026x1026xf32, #tpu.memory_space<hbm>> -> memref<1x40x1026xf32, #tpu.memory_space<hbm>>
      %dma_wait3A_60 = arith.constant 720 : i32
      %dma_wait3A_61 = arith.constant 0 : i32
      %dma_wait3A_62 = tpu.memref_slice %arg2[%add3A, %dma_wait3A_60, %dma_wait3A_61] : memref<32x1026x1026xf32, #tpu.memory_space<hbm>> -> memref<1x40x1026xf32, #tpu.memory_space<hbm>>
      tpu.wait_dma2 semaphore(%run_scoped3A : memref<!tpu.dma_semaphore, #tpu.memory_space<semaphore_mem>>) src(%dma_wait3A_62 : memref<1x40x1026xf32, #tpu.memory_space<hbm>>) dst(%arg6 : memref<1x40x1026xf32, #tpu.memory_space<vmem>>)
      tpu.yield
    }) : () -> ()
    "tpu.region"() ({
      %run_scoped3A = tpu.sem_alloc : memref<!tpu.dma_semaphore, #tpu.memory_space<semaphore_mem>>
      %dma_start3A = arith.constant 720 : i32
      %dma_start3A_53 = arith.constant 0 : i32
      %dma_start3A_54 = tpu.memref_slice %arg4[%add3A_38, %dma_start3A, %dma_start3A_53] : memref<64x1026x1026xf32, #tpu.memory_space<hbm>> -> memref<1x40x1026xf32, #tpu.memory_space<hbm>>
      %dma_start3A_55 = arith.constant 720 : i32
      %dma_start3A_56 = arith.constant 0 : i32
      %dma_start3A_57 = tpu.memref_slice %arg4[%add3A_38, %dma_start3A_55, %dma_start3A_56] : memref<64x1026x1026xf32, #tpu.memory_space<hbm>> -> memref<1x40x1026xf32, #tpu.memory_space<hbm>>
      tpu.enqueue_dma source(%arg6 : memref<1x40x1026xf32, #tpu.memory_space<vmem>>) target(%dma_start3A_57 : memref<1x40x1026xf32, #tpu.memory_space<hbm>>) target_semaphore(%run_scoped3A : memref<!tpu.dma_semaphore, #tpu.memory_space<semaphore_mem>>)
      %dma_wait3A = arith.constant 720 : i32
      %dma_wait3A_58 = arith.constant 0 : i32
      %dma_wait3A_59 = tpu.memref_slice %arg4[%add3A_38, %dma_wait3A, %dma_wait3A_58] : memref<64x1026x1026xf32, #tpu.memory_space<hbm>> -> memref<1x40x1026xf32, #tpu.memory_space<hbm>>
      %dma_wait3A_60 = arith.constant 720 : i32
      %dma_wait3A_61 = arith.constant 0 : i32
      %dma_wait3A_62 = tpu.memref_slice %arg4[%add3A_38, %dma_wait3A_60, %dma_wait3A_61] : memref<64x1026x1026xf32, #tpu.memory_space<hbm>> -> memref<1x40x1026xf32, #tpu.memory_space<hbm>>
      tpu.wait_dma2 semaphore(%run_scoped3A : memref<!tpu.dma_semaphore, #tpu.memory_space<semaphore_mem>>) src(%arg6 : memref<1x40x1026xf32, #tpu.memory_space<vmem>>) dst(%dma_wait3A_62 : memref<1x40x1026xf32, #tpu.memory_space<hbm>>)
      tpu.yield
    }) : () -> ()
    %add3A_39 = arith.constant 32 : i32
    %add3A_40 = arith.addi %add3A_39, %add3A : i32
    "tpu.region"() ({
      %run_scoped3A = tpu.sem_alloc : memref<!tpu.dma_semaphore, #tpu.memory_space<semaphore_mem>>
      %dma_start3A = arith.constant 760 : i32
      %dma_start3A_53 = arith.constant 0 : i32
      %dma_start3A_54 = tpu.memref_slice %arg2[%add3A, %dma_start3A, %dma_start3A_53] : memref<32x1026x1026xf32, #tpu.memory_space<hbm>> -> memref<1x40x1026xf32, #tpu.memory_space<hbm>>
      %dma_start3A_55 = arith.constant 760 : i32
      %dma_start3A_56 = arith.constant 0 : i32
      %dma_start3A_57 = tpu.memref_slice %arg2[%add3A, %dma_start3A_55, %dma_start3A_56] : memref<32x1026x1026xf32, #tpu.memory_space<hbm>> -> memref<1x40x1026xf32, #tpu.memory_space<hbm>>
      tpu.enqueue_dma source(%dma_start3A_57 : memref<1x40x1026xf32, #tpu.memory_space<hbm>>) target(%arg5 : memref<1x40x1026xf32, #tpu.memory_space<vmem>>) target_semaphore(%run_scoped3A : memref<!tpu.dma_semaphore, #tpu.memory_space<semaphore_mem>>)
      %dma_wait3A = arith.constant 760 : i32
      %dma_wait3A_58 = arith.constant 0 : i32
      %dma_wait3A_59 = tpu.memref_slice %arg2[%add3A, %dma_wait3A, %dma_wait3A_58] : memref<32x1026x1026xf32, #tpu.memory_space<hbm>> -> memref<1x40x1026xf32, #tpu.memory_space<hbm>>
      %dma_wait3A_60 = arith.constant 760 : i32
      %dma_wait3A_61 = arith.constant 0 : i32
      %dma_wait3A_62 = tpu.memref_slice %arg2[%add3A, %dma_wait3A_60, %dma_wait3A_61] : memref<32x1026x1026xf32, #tpu.memory_space<hbm>> -> memref<1x40x1026xf32, #tpu.memory_space<hbm>>
      tpu.wait_dma2 semaphore(%run_scoped3A : memref<!tpu.dma_semaphore, #tpu.memory_space<semaphore_mem>>) src(%dma_wait3A_62 : memref<1x40x1026xf32, #tpu.memory_space<hbm>>) dst(%arg5 : memref<1x40x1026xf32, #tpu.memory_space<vmem>>)
      tpu.yield
    }) : () -> ()
    "tpu.region"() ({
      %run_scoped3A = tpu.sem_alloc : memref<!tpu.dma_semaphore, #tpu.memory_space<semaphore_mem>>
      %dma_start3A = arith.constant 760 : i32
      %dma_start3A_53 = arith.constant 0 : i32
      %dma_start3A_54 = tpu.memref_slice %arg4[%add3A_40, %dma_start3A, %dma_start3A_53] : memref<64x1026x1026xf32, #tpu.memory_space<hbm>> -> memref<1x40x1026xf32, #tpu.memory_space<hbm>>
      %dma_start3A_55 = arith.constant 760 : i32
      %dma_start3A_56 = arith.constant 0 : i32
      %dma_start3A_57 = tpu.memref_slice %arg4[%add3A_40, %dma_start3A_55, %dma_start3A_56] : memref<64x1026x1026xf32, #tpu.memory_space<hbm>> -> memref<1x40x1026xf32, #tpu.memory_space<hbm>>
      tpu.enqueue_dma source(%arg5 : memref<1x40x1026xf32, #tpu.memory_space<vmem>>) target(%dma_start3A_57 : memref<1x40x1026xf32, #tpu.memory_space<hbm>>) target_semaphore(%run_scoped3A : memref<!tpu.dma_semaphore, #tpu.memory_space<semaphore_mem>>)
      %dma_wait3A = arith.constant 760 : i32
      %dma_wait3A_58 = arith.constant 0 : i32
      %dma_wait3A_59 = tpu.memref_slice %arg4[%add3A_40, %dma_wait3A, %dma_wait3A_58] : memref<64x1026x1026xf32, #tpu.memory_space<hbm>> -> memref<1x40x1026xf32, #tpu.memory_space<hbm>>
      %dma_wait3A_60 = arith.constant 760 : i32
      %dma_wait3A_61 = arith.constant 0 : i32
      %dma_wait3A_62 = tpu.memref_slice %arg4[%add3A_40, %dma_wait3A_60, %dma_wait3A_61] : memref<64x1026x1026xf32, #tpu.memory_space<hbm>> -> memref<1x40x1026xf32, #tpu.memory_space<hbm>>
      tpu.wait_dma2 semaphore(%run_scoped3A : memref<!tpu.dma_semaphore, #tpu.memory_space<semaphore_mem>>) src(%arg5 : memref<1x40x1026xf32, #tpu.memory_space<vmem>>) dst(%dma_wait3A_62 : memref<1x40x1026xf32, #tpu.memory_space<hbm>>)
      tpu.yield
    }) : () -> ()
    %add3A_41 = arith.constant 32 : i32
    %add3A_42 = arith.addi %add3A_41, %add3A : i32
    "tpu.region"() ({
      %run_scoped3A = tpu.sem_alloc : memref<!tpu.dma_semaphore, #tpu.memory_space<semaphore_mem>>
      %dma_start3A = arith.constant 800 : i32
      %dma_start3A_53 = arith.constant 0 : i32
      %dma_start3A_54 = tpu.memref_slice %arg2[%add3A, %dma_start3A, %dma_start3A_53] : memref<32x1026x1026xf32, #tpu.memory_space<hbm>> -> memref<1x40x1026xf32, #tpu.memory_space<hbm>>
      %dma_start3A_55 = arith.constant 800 : i32
      %dma_start3A_56 = arith.constant 0 : i32
      %dma_start3A_57 = tpu.memref_slice %arg2[%add3A, %dma_start3A_55, %dma_start3A_56] : memref<32x1026x1026xf32, #tpu.memory_space<hbm>> -> memref<1x40x1026xf32, #tpu.memory_space<hbm>>
      tpu.enqueue_dma source(%dma_start3A_57 : memref<1x40x1026xf32, #tpu.memory_space<hbm>>) target(%arg6 : memref<1x40x1026xf32, #tpu.memory_space<vmem>>) target_semaphore(%run_scoped3A : memref<!tpu.dma_semaphore, #tpu.memory_space<semaphore_mem>>)
      %dma_wait3A = arith.constant 800 : i32
      %dma_wait3A_58 = arith.constant 0 : i32
      %dma_wait3A_59 = tpu.memref_slice %arg2[%add3A, %dma_wait3A, %dma_wait3A_58] : memref<32x1026x1026xf32, #tpu.memory_space<hbm>> -> memref<1x40x1026xf32, #tpu.memory_space<hbm>>
      %dma_wait3A_60 = arith.constant 800 : i32
      %dma_wait3A_61 = arith.constant 0 : i32
      %dma_wait3A_62 = tpu.memref_slice %arg2[%add3A, %dma_wait3A_60, %dma_wait3A_61] : memref<32x1026x1026xf32, #tpu.memory_space<hbm>> -> memref<1x40x1026xf32, #tpu.memory_space<hbm>>
      tpu.wait_dma2 semaphore(%run_scoped3A : memref<!tpu.dma_semaphore, #tpu.memory_space<semaphore_mem>>) src(%dma_wait3A_62 : memref<1x40x1026xf32, #tpu.memory_space<hbm>>) dst(%arg6 : memref<1x40x1026xf32, #tpu.memory_space<vmem>>)
      tpu.yield
    }) : () -> ()
    "tpu.region"() ({
      %run_scoped3A = tpu.sem_alloc : memref<!tpu.dma_semaphore, #tpu.memory_space<semaphore_mem>>
      %dma_start3A = arith.constant 800 : i32
      %dma_start3A_53 = arith.constant 0 : i32
      %dma_start3A_54 = tpu.memref_slice %arg4[%add3A_42, %dma_start3A, %dma_start3A_53] : memref<64x1026x1026xf32, #tpu.memory_space<hbm>> -> memref<1x40x1026xf32, #tpu.memory_space<hbm>>
      %dma_start3A_55 = arith.constant 800 : i32
      %dma_start3A_56 = arith.constant 0 : i32
      %dma_start3A_57 = tpu.memref_slice %arg4[%add3A_42, %dma_start3A_55, %dma_start3A_56] : memref<64x1026x1026xf32, #tpu.memory_space<hbm>> -> memref<1x40x1026xf32, #tpu.memory_space<hbm>>
      tpu.enqueue_dma source(%arg6 : memref<1x40x1026xf32, #tpu.memory_space<vmem>>) target(%dma_start3A_57 : memref<1x40x1026xf32, #tpu.memory_space<hbm>>) target_semaphore(%run_scoped3A : memref<!tpu.dma_semaphore, #tpu.memory_space<semaphore_mem>>)
      %dma_wait3A = arith.constant 800 : i32
      %dma_wait3A_58 = arith.constant 0 : i32
      %dma_wait3A_59 = tpu.memref_slice %arg4[%add3A_42, %dma_wait3A, %dma_wait3A_58] : memref<64x1026x1026xf32, #tpu.memory_space<hbm>> -> memref<1x40x1026xf32, #tpu.memory_space<hbm>>
      %dma_wait3A_60 = arith.constant 800 : i32
      %dma_wait3A_61 = arith.constant 0 : i32
      %dma_wait3A_62 = tpu.memref_slice %arg4[%add3A_42, %dma_wait3A_60, %dma_wait3A_61] : memref<64x1026x1026xf32, #tpu.memory_space<hbm>> -> memref<1x40x1026xf32, #tpu.memory_space<hbm>>
      tpu.wait_dma2 semaphore(%run_scoped3A : memref<!tpu.dma_semaphore, #tpu.memory_space<semaphore_mem>>) src(%arg6 : memref<1x40x1026xf32, #tpu.memory_space<vmem>>) dst(%dma_wait3A_62 : memref<1x40x1026xf32, #tpu.memory_space<hbm>>)
      tpu.yield
    }) : () -> ()
    %add3A_43 = arith.constant 32 : i32
    %add3A_44 = arith.addi %add3A_43, %add3A : i32
    "tpu.region"() ({
      %run_scoped3A = tpu.sem_alloc : memref<!tpu.dma_semaphore, #tpu.memory_space<semaphore_mem>>
      %dma_start3A = arith.constant 840 : i32
      %dma_start3A_53 = arith.constant 0 : i32
      %dma_start3A_54 = tpu.memref_slice %arg2[%add3A, %dma_start3A, %dma_start3A_53] : memref<32x1026x1026xf32, #tpu.memory_space<hbm>> -> memref<1x40x1026xf32, #tpu.memory_space<hbm>>
      %dma_start3A_55 = arith.constant 840 : i32
      %dma_start3A_56 = arith.constant 0 : i32
      %dma_start3A_57 = tpu.memref_slice %arg2[%add3A, %dma_start3A_55, %dma_start3A_56] : memref<32x1026x1026xf32, #tpu.memory_space<hbm>> -> memref<1x40x1026xf32, #tpu.memory_space<hbm>>
      tpu.enqueue_dma source(%dma_start3A_57 : memref<1x40x1026xf32, #tpu.memory_space<hbm>>) target(%arg5 : memref<1x40x1026xf32, #tpu.memory_space<vmem>>) target_semaphore(%run_scoped3A : memref<!tpu.dma_semaphore, #tpu.memory_space<semaphore_mem>>)
      %dma_wait3A = arith.constant 840 : i32
      %dma_wait3A_58 = arith.constant 0 : i32
      %dma_wait3A_59 = tpu.memref_slice %arg2[%add3A, %dma_wait3A, %dma_wait3A_58] : memref<32x1026x1026xf32, #tpu.memory_space<hbm>> -> memref<1x40x1026xf32, #tpu.memory_space<hbm>>
      %dma_wait3A_60 = arith.constant 840 : i32
      %dma_wait3A_61 = arith.constant 0 : i32
      %dma_wait3A_62 = tpu.memref_slice %arg2[%add3A, %dma_wait3A_60, %dma_wait3A_61] : memref<32x1026x1026xf32, #tpu.memory_space<hbm>> -> memref<1x40x1026xf32, #tpu.memory_space<hbm>>
      tpu.wait_dma2 semaphore(%run_scoped3A : memref<!tpu.dma_semaphore, #tpu.memory_space<semaphore_mem>>) src(%dma_wait3A_62 : memref<1x40x1026xf32, #tpu.memory_space<hbm>>) dst(%arg5 : memref<1x40x1026xf32, #tpu.memory_space<vmem>>)
      tpu.yield
    }) : () -> ()
    "tpu.region"() ({
      %run_scoped3A = tpu.sem_alloc : memref<!tpu.dma_semaphore, #tpu.memory_space<semaphore_mem>>
      %dma_start3A = arith.constant 840 : i32
      %dma_start3A_53 = arith.constant 0 : i32
      %dma_start3A_54 = tpu.memref_slice %arg4[%add3A_44, %dma_start3A, %dma_start3A_53] : memref<64x1026x1026xf32, #tpu.memory_space<hbm>> -> memref<1x40x1026xf32, #tpu.memory_space<hbm>>
      %dma_start3A_55 = arith.constant 840 : i32
      %dma_start3A_56 = arith.constant 0 : i32
      %dma_start3A_57 = tpu.memref_slice %arg4[%add3A_44, %dma_start3A_55, %dma_start3A_56] : memref<64x1026x1026xf32, #tpu.memory_space<hbm>> -> memref<1x40x1026xf32, #tpu.memory_space<hbm>>
      tpu.enqueue_dma source(%arg5 : memref<1x40x1026xf32, #tpu.memory_space<vmem>>) target(%dma_start3A_57 : memref<1x40x1026xf32, #tpu.memory_space<hbm>>) target_semaphore(%run_scoped3A : memref<!tpu.dma_semaphore, #tpu.memory_space<semaphore_mem>>)
      %dma_wait3A = arith.constant 840 : i32
      %dma_wait3A_58 = arith.constant 0 : i32
      %dma_wait3A_59 = tpu.memref_slice %arg4[%add3A_44, %dma_wait3A, %dma_wait3A_58] : memref<64x1026x1026xf32, #tpu.memory_space<hbm>> -> memref<1x40x1026xf32, #tpu.memory_space<hbm>>
      %dma_wait3A_60 = arith.constant 840 : i32
      %dma_wait3A_61 = arith.constant 0 : i32
      %dma_wait3A_62 = tpu.memref_slice %arg4[%add3A_44, %dma_wait3A_60, %dma_wait3A_61] : memref<64x1026x1026xf32, #tpu.memory_space<hbm>> -> memref<1x40x1026xf32, #tpu.memory_space<hbm>>
      tpu.wait_dma2 semaphore(%run_scoped3A : memref<!tpu.dma_semaphore, #tpu.memory_space<semaphore_mem>>) src(%arg5 : memref<1x40x1026xf32, #tpu.memory_space<vmem>>) dst(%dma_wait3A_62 : memref<1x40x1026xf32, #tpu.memory_space<hbm>>)
      tpu.yield
    }) : () -> ()
    %add3A_45 = arith.constant 32 : i32
    %add3A_46 = arith.addi %add3A_45, %add3A : i32
    "tpu.region"() ({
      %run_scoped3A = tpu.sem_alloc : memref<!tpu.dma_semaphore, #tpu.memory_space<semaphore_mem>>
      %dma_start3A = arith.constant 880 : i32
      %dma_start3A_53 = arith.constant 0 : i32
      %dma_start3A_54 = tpu.memref_slice %arg2[%add3A, %dma_start3A, %dma_start3A_53] : memref<32x1026x1026xf32, #tpu.memory_space<hbm>> -> memref<1x40x1026xf32, #tpu.memory_space<hbm>>
      %dma_start3A_55 = arith.constant 880 : i32
      %dma_start3A_56 = arith.constant 0 : i32
      %dma_start3A_57 = tpu.memref_slice %arg2[%add3A, %dma_start3A_55, %dma_start3A_56] : memref<32x1026x1026xf32, #tpu.memory_space<hbm>> -> memref<1x40x1026xf32, #tpu.memory_space<hbm>>
      tpu.enqueue_dma source(%dma_start3A_57 : memref<1x40x1026xf32, #tpu.memory_space<hbm>>) target(%arg6 : memref<1x40x1026xf32, #tpu.memory_space<vmem>>) target_semaphore(%run_scoped3A : memref<!tpu.dma_semaphore, #tpu.memory_space<semaphore_mem>>)
      %dma_wait3A = arith.constant 880 : i32
      %dma_wait3A_58 = arith.constant 0 : i32
      %dma_wait3A_59 = tpu.memref_slice %arg2[%add3A, %dma_wait3A, %dma_wait3A_58] : memref<32x1026x1026xf32, #tpu.memory_space<hbm>> -> memref<1x40x1026xf32, #tpu.memory_space<hbm>>
      %dma_wait3A_60 = arith.constant 880 : i32
      %dma_wait3A_61 = arith.constant 0 : i32
      %dma_wait3A_62 = tpu.memref_slice %arg2[%add3A, %dma_wait3A_60, %dma_wait3A_61] : memref<32x1026x1026xf32, #tpu.memory_space<hbm>> -> memref<1x40x1026xf32, #tpu.memory_space<hbm>>
      tpu.wait_dma2 semaphore(%run_scoped3A : memref<!tpu.dma_semaphore, #tpu.memory_space<semaphore_mem>>) src(%dma_wait3A_62 : memref<1x40x1026xf32, #tpu.memory_space<hbm>>) dst(%arg6 : memref<1x40x1026xf32, #tpu.memory_space<vmem>>)
      tpu.yield
    }) : () -> ()
    "tpu.region"() ({
      %run_scoped3A = tpu.sem_alloc : memref<!tpu.dma_semaphore, #tpu.memory_space<semaphore_mem>>
      %dma_start3A = arith.constant 880 : i32
      %dma_start3A_53 = arith.constant 0 : i32
      %dma_start3A_54 = tpu.memref_slice %arg4[%add3A_46, %dma_start3A, %dma_start3A_53] : memref<64x1026x1026xf32, #tpu.memory_space<hbm>> -> memref<1x40x1026xf32, #tpu.memory_space<hbm>>
      %dma_start3A_55 = arith.constant 880 : i32
      %dma_start3A_56 = arith.constant 0 : i32
      %dma_start3A_57 = tpu.memref_slice %arg4[%add3A_46, %dma_start3A_55, %dma_start3A_56] : memref<64x1026x1026xf32, #tpu.memory_space<hbm>> -> memref<1x40x1026xf32, #tpu.memory_space<hbm>>
      tpu.enqueue_dma source(%arg6 : memref<1x40x1026xf32, #tpu.memory_space<vmem>>) target(%dma_start3A_57 : memref<1x40x1026xf32, #tpu.memory_space<hbm>>) target_semaphore(%run_scoped3A : memref<!tpu.dma_semaphore, #tpu.memory_space<semaphore_mem>>)
      %dma_wait3A = arith.constant 880 : i32
      %dma_wait3A_58 = arith.constant 0 : i32
      %dma_wait3A_59 = tpu.memref_slice %arg4[%add3A_46, %dma_wait3A, %dma_wait3A_58] : memref<64x1026x1026xf32, #tpu.memory_space<hbm>> -> memref<1x40x1026xf32, #tpu.memory_space<hbm>>
      %dma_wait3A_60 = arith.constant 880 : i32
      %dma_wait3A_61 = arith.constant 0 : i32
      %dma_wait3A_62 = tpu.memref_slice %arg4[%add3A_46, %dma_wait3A_60, %dma_wait3A_61] : memref<64x1026x1026xf32, #tpu.memory_space<hbm>> -> memref<1x40x1026xf32, #tpu.memory_space<hbm>>
      tpu.wait_dma2 semaphore(%run_scoped3A : memref<!tpu.dma_semaphore, #tpu.memory_space<semaphore_mem>>) src(%arg6 : memref<1x40x1026xf32, #tpu.memory_space<vmem>>) dst(%dma_wait3A_62 : memref<1x40x1026xf32, #tpu.memory_space<hbm>>)
      tpu.yield
    }) : () -> ()
    %add3A_47 = arith.constant 32 : i32
    %add3A_48 = arith.addi %add3A_47, %add3A : i32
    "tpu.region"() ({
      %run_scoped3A = tpu.sem_alloc : memref<!tpu.dma_semaphore, #tpu.memory_space<semaphore_mem>>
      %dma_start3A = arith.constant 920 : i32
      %dma_start3A_53 = arith.constant 0 : i32
      %dma_start3A_54 = tpu.memref_slice %arg2[%add3A, %dma_start3A, %dma_start3A_53] : memref<32x1026x1026xf32, #tpu.memory_space<hbm>> -> memref<1x40x1026xf32, #tpu.memory_space<hbm>>
      %dma_start3A_55 = arith.constant 920 : i32
      %dma_start3A_56 = arith.constant 0 : i32
      %dma_start3A_57 = tpu.memref_slice %arg2[%add3A, %dma_start3A_55, %dma_start3A_56] : memref<32x1026x1026xf32, #tpu.memory_space<hbm>> -> memref<1x40x1026xf32, #tpu.memory_space<hbm>>
      tpu.enqueue_dma source(%dma_start3A_57 : memref<1x40x1026xf32, #tpu.memory_space<hbm>>) target(%arg5 : memref<1x40x1026xf32, #tpu.memory_space<vmem>>) target_semaphore(%run_scoped3A : memref<!tpu.dma_semaphore, #tpu.memory_space<semaphore_mem>>)
      %dma_wait3A = arith.constant 920 : i32
      %dma_wait3A_58 = arith.constant 0 : i32
      %dma_wait3A_59 = tpu.memref_slice %arg2[%add3A, %dma_wait3A, %dma_wait3A_58] : memref<32x1026x1026xf32, #tpu.memory_space<hbm>> -> memref<1x40x1026xf32, #tpu.memory_space<hbm>>
      %dma_wait3A_60 = arith.constant 920 : i32
      %dma_wait3A_61 = arith.constant 0 : i32
      %dma_wait3A_62 = tpu.memref_slice %arg2[%add3A, %dma_wait3A_60, %dma_wait3A_61] : memref<32x1026x1026xf32, #tpu.memory_space<hbm>> -> memref<1x40x1026xf32, #tpu.memory_space<hbm>>
      tpu.wait_dma2 semaphore(%run_scoped3A : memref<!tpu.dma_semaphore, #tpu.memory_space<semaphore_mem>>) src(%dma_wait3A_62 : memref<1x40x1026xf32, #tpu.memory_space<hbm>>) dst(%arg5 : memref<1x40x1026xf32, #tpu.memory_space<vmem>>)
      tpu.yield
    }) : () -> ()
    "tpu.region"() ({
      %run_scoped3A = tpu.sem_alloc : memref<!tpu.dma_semaphore, #tpu.memory_space<semaphore_mem>>
      %dma_start3A = arith.constant 920 : i32
      %dma_start3A_53 = arith.constant 0 : i32
      %dma_start3A_54 = tpu.memref_slice %arg4[%add3A_48, %dma_start3A, %dma_start3A_53] : memref<64x1026x1026xf32, #tpu.memory_space<hbm>> -> memref<1x40x1026xf32, #tpu.memory_space<hbm>>
      %dma_start3A_55 = arith.constant 920 : i32
      %dma_start3A_56 = arith.constant 0 : i32
      %dma_start3A_57 = tpu.memref_slice %arg4[%add3A_48, %dma_start3A_55, %dma_start3A_56] : memref<64x1026x1026xf32, #tpu.memory_space<hbm>> -> memref<1x40x1026xf32, #tpu.memory_space<hbm>>
      tpu.enqueue_dma source(%arg5 : memref<1x40x1026xf32, #tpu.memory_space<vmem>>) target(%dma_start3A_57 : memref<1x40x1026xf32, #tpu.memory_space<hbm>>) target_semaphore(%run_scoped3A : memref<!tpu.dma_semaphore, #tpu.memory_space<semaphore_mem>>)
      %dma_wait3A = arith.constant 920 : i32
      %dma_wait3A_58 = arith.constant 0 : i32
      %dma_wait3A_59 = tpu.memref_slice %arg4[%add3A_48, %dma_wait3A, %dma_wait3A_58] : memref<64x1026x1026xf32, #tpu.memory_space<hbm>> -> memref<1x40x1026xf32, #tpu.memory_space<hbm>>
      %dma_wait3A_60 = arith.constant 920 : i32
      %dma_wait3A_61 = arith.constant 0 : i32
      %dma_wait3A_62 = tpu.memref_slice %arg4[%add3A_48, %dma_wait3A_60, %dma_wait3A_61] : memref<64x1026x1026xf32, #tpu.memory_space<hbm>> -> memref<1x40x1026xf32, #tpu.memory_space<hbm>>
      tpu.wait_dma2 semaphore(%run_scoped3A : memref<!tpu.dma_semaphore, #tpu.memory_space<semaphore_mem>>) src(%arg5 : memref<1x40x1026xf32, #tpu.memory_space<vmem>>) dst(%dma_wait3A_62 : memref<1x40x1026xf32, #tpu.memory_space<hbm>>)
      tpu.yield
    }) : () -> ()
    %add3A_49 = arith.constant 32 : i32
    %add3A_50 = arith.addi %add3A_49, %add3A : i32
    "tpu.region"() ({
      %run_scoped3A = tpu.sem_alloc : memref<!tpu.dma_semaphore, #tpu.memory_space<semaphore_mem>>
      %dma_start3A = arith.constant 960 : i32
      %dma_start3A_53 = arith.constant 0 : i32
      %dma_start3A_54 = tpu.memref_slice %arg2[%add3A, %dma_start3A, %dma_start3A_53] : memref<32x1026x1026xf32, #tpu.memory_space<hbm>> -> memref<1x40x1026xf32, #tpu.memory_space<hbm>>
      %dma_start3A_55 = arith.constant 960 : i32
      %dma_start3A_56 = arith.constant 0 : i32
      %dma_start3A_57 = tpu.memref_slice %arg2[%add3A, %dma_start3A_55, %dma_start3A_56] : memref<32x1026x1026xf32, #tpu.memory_space<hbm>> -> memref<1x40x1026xf32, #tpu.memory_space<hbm>>
      tpu.enqueue_dma source(%dma_start3A_57 : memref<1x40x1026xf32, #tpu.memory_space<hbm>>) target(%arg6 : memref<1x40x1026xf32, #tpu.memory_space<vmem>>) target_semaphore(%run_scoped3A : memref<!tpu.dma_semaphore, #tpu.memory_space<semaphore_mem>>)
      %dma_wait3A = arith.constant 960 : i32
      %dma_wait3A_58 = arith.constant 0 : i32
      %dma_wait3A_59 = tpu.memref_slice %arg2[%add3A, %dma_wait3A, %dma_wait3A_58] : memref<32x1026x1026xf32, #tpu.memory_space<hbm>> -> memref<1x40x1026xf32, #tpu.memory_space<hbm>>
      %dma_wait3A_60 = arith.constant 960 : i32
      %dma_wait3A_61 = arith.constant 0 : i32
      %dma_wait3A_62 = tpu.memref_slice %arg2[%add3A, %dma_wait3A_60, %dma_wait3A_61] : memref<32x1026x1026xf32, #tpu.memory_space<hbm>> -> memref<1x40x1026xf32, #tpu.memory_space<hbm>>
      tpu.wait_dma2 semaphore(%run_scoped3A : memref<!tpu.dma_semaphore, #tpu.memory_space<semaphore_mem>>) src(%dma_wait3A_62 : memref<1x40x1026xf32, #tpu.memory_space<hbm>>) dst(%arg6 : memref<1x40x1026xf32, #tpu.memory_space<vmem>>)
      tpu.yield
    }) : () -> ()
    "tpu.region"() ({
      %run_scoped3A = tpu.sem_alloc : memref<!tpu.dma_semaphore, #tpu.memory_space<semaphore_mem>>
      %dma_start3A = arith.constant 960 : i32
      %dma_start3A_53 = arith.constant 0 : i32
      %dma_start3A_54 = tpu.memref_slice %arg4[%add3A_50, %dma_start3A, %dma_start3A_53] : memref<64x1026x1026xf32, #tpu.memory_space<hbm>> -> memref<1x40x1026xf32, #tpu.memory_space<hbm>>
      %dma_start3A_55 = arith.constant 960 : i32
      %dma_start3A_56 = arith.constant 0 : i32
      %dma_start3A_57 = tpu.memref_slice %arg4[%add3A_50, %dma_start3A_55, %dma_start3A_56] : memref<64x1026x1026xf32, #tpu.memory_space<hbm>> -> memref<1x40x1026xf32, #tpu.memory_space<hbm>>
      tpu.enqueue_dma source(%arg6 : memref<1x40x1026xf32, #tpu.memory_space<vmem>>) target(%dma_start3A_57 : memref<1x40x1026xf32, #tpu.memory_space<hbm>>) target_semaphore(%run_scoped3A : memref<!tpu.dma_semaphore, #tpu.memory_space<semaphore_mem>>)
      %dma_wait3A = arith.constant 960 : i32
      %dma_wait3A_58 = arith.constant 0 : i32
      %dma_wait3A_59 = tpu.memref_slice %arg4[%add3A_50, %dma_wait3A, %dma_wait3A_58] : memref<64x1026x1026xf32, #tpu.memory_space<hbm>> -> memref<1x40x1026xf32, #tpu.memory_space<hbm>>
      %dma_wait3A_60 = arith.constant 960 : i32
      %dma_wait3A_61 = arith.constant 0 : i32
      %dma_wait3A_62 = tpu.memref_slice %arg4[%add3A_50, %dma_wait3A_60, %dma_wait3A_61] : memref<64x1026x1026xf32, #tpu.memory_space<hbm>> -> memref<1x40x1026xf32, #tpu.memory_space<hbm>>
      tpu.wait_dma2 semaphore(%run_scoped3A : memref<!tpu.dma_semaphore, #tpu.memory_space<semaphore_mem>>) src(%arg6 : memref<1x40x1026xf32, #tpu.memory_space<vmem>>) dst(%dma_wait3A_62 : memref<1x40x1026xf32, #tpu.memory_space<hbm>>)
      tpu.yield
    }) : () -> ()
    "tpu.region"() ({
      %run_scoped3A = tpu.sem_alloc : memref<!tpu.dma_semaphore, #tpu.memory_space<semaphore_mem>>
      %dma_start3A = arith.constant 1000 : i32
      %dma_start3A_53 = arith.constant 0 : i32
      %dma_start3A_54 = tpu.memref_slice %arg3[%add3A, %dma_start3A, %dma_start3A_53] : memref<64x1026x1026xf32, #tpu.memory_space<hbm>> -> memref<1x26x1026xf32, #tpu.memory_space<hbm>>
      %dma_start3A_55 = arith.constant 1000 : i32
      %dma_start3A_56 = arith.constant 0 : i32
      %dma_start3A_57 = tpu.memref_slice %arg3[%add3A, %dma_start3A_55, %dma_start3A_56] : memref<64x1026x1026xf32, #tpu.memory_space<hbm>> -> memref<1x26x1026xf32, #tpu.memory_space<hbm>>
      tpu.enqueue_dma source(%dma_start3A_57 : memref<1x26x1026xf32, #tpu.memory_space<hbm>>) target(%arg7 : memref<1x26x1026xf32, #tpu.memory_space<vmem>>) target_semaphore(%run_scoped3A : memref<!tpu.dma_semaphore, #tpu.memory_space<semaphore_mem>>)
      %dma_wait3A = arith.constant 1000 : i32
      %dma_wait3A_58 = arith.constant 0 : i32
      %dma_wait3A_59 = tpu.memref_slice %arg3[%add3A, %dma_wait3A, %dma_wait3A_58] : memref<64x1026x1026xf32, #tpu.memory_space<hbm>> -> memref<1x26x1026xf32, #tpu.memory_space<hbm>>
      %dma_wait3A_60 = arith.constant 1000 : i32
      %dma_wait3A_61 = arith.constant 0 : i32
      %dma_wait3A_62 = tpu.memref_slice %arg3[%add3A, %dma_wait3A_60, %dma_wait3A_61] : memref<64x1026x1026xf32, #tpu.memory_space<hbm>> -> memref<1x26x1026xf32, #tpu.memory_space<hbm>>
      tpu.wait_dma2 semaphore(%run_scoped3A : memref<!tpu.dma_semaphore, #tpu.memory_space<semaphore_mem>>) src(%dma_wait3A_62 : memref<1x26x1026xf32, #tpu.memory_space<hbm>>) dst(%arg7 : memref<1x26x1026xf32, #tpu.memory_space<vmem>>)
      tpu.yield
    }) : () -> ()
    "tpu.region"() ({
      %run_scoped3A = tpu.sem_alloc : memref<!tpu.dma_semaphore, #tpu.memory_space<semaphore_mem>>
      %dma_start3A = arith.constant 1000 : i32
      %dma_start3A_53 = arith.constant 0 : i32
      %dma_start3A_54 = tpu.memref_slice %arg4[%add3A, %dma_start3A, %dma_start3A_53] : memref<64x1026x1026xf32, #tpu.memory_space<hbm>> -> memref<1x26x1026xf32, #tpu.memory_space<hbm>>
      %dma_start3A_55 = arith.constant 1000 : i32
      %dma_start3A_56 = arith.constant 0 : i32
      %dma_start3A_57 = tpu.memref_slice %arg4[%add3A, %dma_start3A_55, %dma_start3A_56] : memref<64x1026x1026xf32, #tpu.memory_space<hbm>> -> memref<1x26x1026xf32, #tpu.memory_space<hbm>>
      tpu.enqueue_dma source(%arg7 : memref<1x26x1026xf32, #tpu.memory_space<vmem>>) target(%dma_start3A_57 : memref<1x26x1026xf32, #tpu.memory_space<hbm>>) target_semaphore(%run_scoped3A : memref<!tpu.dma_semaphore, #tpu.memory_space<semaphore_mem>>)
      %dma_wait3A = arith.constant 1000 : i32
      %dma_wait3A_58 = arith.constant 0 : i32
      %dma_wait3A_59 = tpu.memref_slice %arg4[%add3A, %dma_wait3A, %dma_wait3A_58] : memref<64x1026x1026xf32, #tpu.memory_space<hbm>> -> memref<1x26x1026xf32, #tpu.memory_space<hbm>>
      %dma_wait3A_60 = arith.constant 1000 : i32
      %dma_wait3A_61 = arith.constant 0 : i32
      %dma_wait3A_62 = tpu.memref_slice %arg4[%add3A, %dma_wait3A_60, %dma_wait3A_61] : memref<64x1026x1026xf32, #tpu.memory_space<hbm>> -> memref<1x26x1026xf32, #tpu.memory_space<hbm>>
      tpu.wait_dma2 semaphore(%run_scoped3A : memref<!tpu.dma_semaphore, #tpu.memory_space<semaphore_mem>>) src(%arg7 : memref<1x26x1026xf32, #tpu.memory_space<vmem>>) dst(%dma_wait3A_62 : memref<1x26x1026xf32, #tpu.memory_space<hbm>>)
      tpu.yield
    }) : () -> ()
    %add3A_51 = arith.constant 32 : i32
    %add3A_52 = arith.addi %add3A_51, %add3A : i32
    "tpu.region"() ({
      %run_scoped3A = tpu.sem_alloc : memref<!tpu.dma_semaphore, #tpu.memory_space<semaphore_mem>>
      %dma_start3A = arith.constant 1000 : i32
      %dma_start3A_53 = arith.constant 0 : i32
      %dma_start3A_54 = tpu.memref_slice %arg2[%add3A, %dma_start3A, %dma_start3A_53] : memref<32x1026x1026xf32, #tpu.memory_space<hbm>> -> memref<1x26x1026xf32, #tpu.memory_space<hbm>>
      %dma_start3A_55 = arith.constant 1000 : i32
      %dma_start3A_56 = arith.constant 0 : i32
      %dma_start3A_57 = tpu.memref_slice %arg2[%add3A, %dma_start3A_55, %dma_start3A_56] : memref<32x1026x1026xf32, #tpu.memory_space<hbm>> -> memref<1x26x1026xf32, #tpu.memory_space<hbm>>
      tpu.enqueue_dma source(%dma_start3A_57 : memref<1x26x1026xf32, #tpu.memory_space<hbm>>) target(%arg7 : memref<1x26x1026xf32, #tpu.memory_space<vmem>>) target_semaphore(%run_scoped3A : memref<!tpu.dma_semaphore, #tpu.memory_space<semaphore_mem>>)
      %dma_wait3A = arith.constant 1000 : i32
      %dma_wait3A_58 = arith.constant 0 : i32
      %dma_wait3A_59 = tpu.memref_slice %arg2[%add3A, %dma_wait3A, %dma_wait3A_58] : memref<32x1026x1026xf32, #tpu.memory_space<hbm>> -> memref<1x26x1026xf32, #tpu.memory_space<hbm>>
      %dma_wait3A_60 = arith.constant 1000 : i32
      %dma_wait3A_61 = arith.constant 0 : i32
      %dma_wait3A_62 = tpu.memref_slice %arg2[%add3A, %dma_wait3A_60, %dma_wait3A_61] : memref<32x1026x1026xf32, #tpu.memory_space<hbm>> -> memref<1x26x1026xf32, #tpu.memory_space<hbm>>
      tpu.wait_dma2 semaphore(%run_scoped3A : memref<!tpu.dma_semaphore, #tpu.memory_space<semaphore_mem>>) src(%dma_wait3A_62 : memref<1x26x1026xf32, #tpu.memory_space<hbm>>) dst(%arg7 : memref<1x26x1026xf32, #tpu.memory_space<vmem>>)
      tpu.yield
    }) : () -> ()
    "tpu.region"() ({
      %run_scoped3A = tpu.sem_alloc : memref<!tpu.dma_semaphore, #tpu.memory_space<semaphore_mem>>
      %dma_start3A = arith.constant 1000 : i32
      %dma_start3A_53 = arith.constant 0 : i32
      %dma_start3A_54 = tpu.memref_slice %arg4[%add3A_52, %dma_start3A, %dma_start3A_53] : memref<64x1026x1026xf32, #tpu.memory_space<hbm>> -> memref<1x26x1026xf32, #tpu.memory_space<hbm>>
      %dma_start3A_55 = arith.constant 1000 : i32
      %dma_start3A_56 = arith.constant 0 : i32
      %dma_start3A_57 = tpu.memref_slice %arg4[%add3A_52, %dma_start3A_55, %dma_start3A_56] : memref<64x1026x1026xf32, #tpu.memory_space<hbm>> -> memref<1x26x1026xf32, #tpu.memory_space<hbm>>
      tpu.enqueue_dma source(%arg7 : memref<1x26x1026xf32, #tpu.memory_space<vmem>>) target(%dma_start3A_57 : memref<1x26x1026xf32, #tpu.memory_space<hbm>>) target_semaphore(%run_scoped3A : memref<!tpu.dma_semaphore, #tpu.memory_space<semaphore_mem>>)
      %dma_wait3A = arith.constant 1000 : i32
      %dma_wait3A_58 = arith.constant 0 : i32
      %dma_wait3A_59 = tpu.memref_slice %arg4[%add3A_52, %dma_wait3A, %dma_wait3A_58] : memref<64x1026x1026xf32, #tpu.memory_space<hbm>> -> memref<1x26x1026xf32, #tpu.memory_space<hbm>>
      %dma_wait3A_60 = arith.constant 1000 : i32
      %dma_wait3A_61 = arith.constant 0 : i32
      %dma_wait3A_62 = tpu.memref_slice %arg4[%add3A_52, %dma_wait3A_60, %dma_wait3A_61] : memref<64x1026x1026xf32, #tpu.memory_space<hbm>> -> memref<1x26x1026xf32, #tpu.memory_space<hbm>>
      tpu.wait_dma2 semaphore(%run_scoped3A : memref<!tpu.dma_semaphore, #tpu.memory_space<semaphore_mem>>) src(%arg7 : memref<1x26x1026xf32, #tpu.memory_space<vmem>>) dst(%dma_wait3A_62 : memref<1x26x1026xf32, #tpu.memory_space<hbm>>)
      tpu.yield
    }) : () -> ()
    return
  }
}

</mosaic_0001>

<sc_bundles>
// kernel: kernel.3.cloned.1.call-start
scs
__scs_entry_jumppad:
0x0: {  	(pc) =	sbr.rel $0x88, $3  }
0x1: {  	(tag) =	ssettag $0x0;
	lr =	simm.s32 $0x1  }
0x2: {  	[smem:$0x3F9F] =	sst lr;
	_ =	strace $0xD0000000  }
0x3: {  	_ = 	snop  }
0x4: {  	_ = 	snop  }
0x5: {  	_ = 	snop  }
0x6: {  	_ = 	snop  }
0x7: {  	_ = 	snop  }
__scs_overlays_trampoline_lowered:
0x8: {  	[smem:$0x3FAE] =	sst s0  }
0x9: {  	[smem:$0x3FAF] =	sst s1  }
0xa: {  	[smem:$0x3FB0] =	sst s2  }
0xb: {  	[smem:$0x3FB1] =	sst s3  }
0xc: {  	[smem:$0x3FB2] =	sst s4  }
0xd: {  	[smem:$0x3FB3] =	sst s5  }
0xe: {  	[smem:$0x3FB4] =	sst s6  }
0xf: {  	[smem:$0x3FB5] =	sst s7  }
0x10: {  	[smem:$0x3FB6] =	sst s8  }
0x11: {  	[smem:$0x3FB7] =	sst s9;
	s0 =	simm.s32 @!p0 $0x0  }
0x12: {  	s1 =	sld [smem:$0x3F9D];
	s0 =	simm.s32 @p0 $0x1  }
0x13: {  	[smem:$0x3FB8] =	sst s0;
	s0 =	simm.s32 @!p1 $0x0  }
0x14: {  	s2 =	sld [smem:$0x3F9C];
	s0 =	simm.s32 @p1 $0x1  }
0x15: {  	[smem:$0x3FB9] =	sst s0;
	s0 =	simm.s32 @!p2 $0x0  }
0x16: {  	s3 =	sld [smem:$0x3FDB];
	s0 =	simm.s32 @p2 $0x1  }
0x17: {  	s4 =	simm.s32 $0x1BF5;
	[smem:$0x3FBB] =	sst s0  }
0x18: {  	s0 =	sld [smem:$0x3F9E];
	_ =	swait.ge [sflag:s4], $0x0  }
0x19: {  	s7 =	sld [smem:$0x3F9F]  }
0x1a: {  	s8 =	sadd.s32 $0xFFFFE003, lr  }
0x1b: {  	s9 =	sadd.s32 $0xFFFFFEF7, lr;
	s5 =	simm.s32 $0xFFFFFFFF;
	p2 =	slt.u32 s8, $0xFFFFF086  }
0x1c: {  	p1 =	slt.u32 s9, $0xF7A;
	s5 =	simm.s32 @!p2 $0x0  }
0x1d: {  	s5 =	simm.s32 @p1 $0x1;
	p0 =	seq.s32 s7, s2  }
0x1e: {  	s7 =	smul.u32 @!p0 $0xF7A, s2;
	p2 =	seq.s32 @!p0 s5, $0x0  }
0x1f: {  	s9 =	smul.u32 $0xF7A, s1;
	s8 =	simm.s32 @!p0 $0x1BF5;
	p2 =	por !p2, p0  }
0x20: {  	[sflag:s8] =	ssyncset.s32 @!p0 $0xFFFFF086;
	s6 =	sadd.s32 @!p0 s3, s7;
	s7 =	simm.s32 @!p0 $0x108  }
0x21: {  	s3 =	sadd.s32 s3, s9;
	s6 =	sadd.s32 @!p0 $0x88, s6;
	s7 =	simm.s32 @p2 $0x1082  }
0x22: {  	[simem:s7], [sflag:s8] =	dma.local @!p0 [hbm:s6], $0xF7A  }
0x23: {  	s9 =	sor.u32 $0xD0000000, s2;
	s6 =	simm.s32 $0x108;
	_ =	swait.ge @!p0 [sflag:s8], $0x0  }
0x24: {  	s3 =	sadd.s32 $0x88, s3;
	s6 =	simm.s32 @!p1 $0x1082;
	[sflag:s4] =	ssyncset.s32 $0xFFFFF086  }
0x25: {  	[simem:s6], [sflag:s4] =	dma.local [hbm:s3], $0xF7A  }
0x26: {  	[smem:$0x3F9F] =	sst s1;
	(tag) =	ssettag s2;
	_ =	strace s9  }
0x27: {  	s1 =	sld [smem:$0x3FAF]  }
0x28: {  	s2 =	sld [smem:$0x3FB0]  }
0x29: {  	s4 =	sld [smem:$0x3FB2]  }
0x2a: {  	p0 =	seq.s32 s5, $0x0;
	s5 =	sld [smem:$0x3FB3]  }
0x2b: {  	s6 =	sld [smem:$0x3FB4]  }
0x2c: {  	s7 =	sld [smem:$0x3FB5]  }
0x2d: {  	s3 =	simm.s32 $0x108;
	s8 =	sld [smem:$0x3FB6]  }
0x2e: {  	s3 =	simm.s32 @!p0 $0x1082;
	s9 =	sld [smem:$0x3FB7]  }
0x2f: {  	lr =	sadd.s32 s0, s3;
	s0 =	sld [smem:$0x3FAE]  }
0x30: {  	s3 =	sld [smem:$0x3FB1]  }
0x31: {  	[smem:$0x3FBA] =	sst s10  }
0x32: {  	s10 =	sld [smem:$0x3FB8];
	_ =	sdelay $0x3  }
0x33: {  	p0 =	seq.s32 s10, $0x1;
	s10 =	sld [smem:$0x3FBA];
	_ =	sdelay $0x3  }
0x34: {  	[smem:$0x3FBA] =	sst s10  }
0x35: {  	s10 =	sld [smem:$0x3FB9];
	_ =	sdelay $0x3  }
0x36: {  	p1 =	seq.s32 s10, $0x1;
	s10 =	sld [smem:$0x3FBA];
	_ =	sdelay $0x3  }
0x37: {  	[smem:$0x3FBA] =	sst s10  }
0x38: {  	s10 =	sld [smem:$0x3FBB]  }
0x39: {  	_ = 	snop;
	(pc) =	sbr.ind lr, $3  }
0x3a: {  	_ = 	snop  }
0x3b: {  	_ = 	snop  }
0x3c: {  	p2 =	seq.s32 s10, $0x1;
	s10 =	sld [smem:$0x3FBA]  }
0x3d: {  	_ =	shalt  }
0x3e: {  	_ =	shalt  }
0x3f: {  	_ =	shalt  }
0x40: {  	_ =	shalt  }
0x41: {  	_ =	shalt  }
0x42: {  	_ =	shalt  }
0x43: {  	_ =	shalt  }
0x44: {  	_ =	shalt  }
0x45: {  	_ =	shalt  }
0x46: {  	_ =	shalt  }
0x47: {  	_ =	shalt  }
0x48: {  	_ =	shalt  }
0x49: {  	_ =	shalt  }
0x4a: {  	_ =	shalt  }
0x4b: {  	_ =	shalt  }
0x4c: {  	_ =	shalt  }
0x4d: {  	_ =	shalt  }
0x4e: {  	_ =	shalt  }
0x4f: {  	_ =	shalt  }
0x50: {  	_ =	shalt  }
0x51: {  	_ =	shalt  }
0x52: {  	_ =	shalt  }
0x53: {  	_ =	shalt  }
0x54: {  	_ =	shalt  }
0x55: {  	_ =	shalt  }
0x56: {  	_ =	shalt  }
0x57: {  	_ =	shalt  }
0x58: {  	_ =	shalt  }
0x59: {  	_ =	shalt  }
0x5a: {  	_ =	shalt  }
0x5b: {  	_ =	shalt  }
0x5c: {  	_ =	shalt  }
0x5d: {  	_ =	shalt  }
0x5e: {  	_ =	shalt  }
0x5f: {  	_ =	shalt  }
0x60: {  	_ =	shalt  }
0x61: {  	_ =	shalt  }
0x62: {  	_ =	shalt  }
0x63: {  	_ =	shalt  }
0x64: {  	_ =	shalt  }
0x65: {  	_ =	shalt  }
0x66: {  	_ =	shalt  }
0x67: {  	_ =	shalt  }
0x68: {  	_ =	shalt  }
0x69: {  	_ =	shalt  }
0x6a: {  	_ =	shalt  }
0x6b: {  	_ =	shalt  }
0x6c: {  	_ =	shalt  }
0x6d: {  	_ =	shalt  }
0x6e: {  	_ =	shalt  }
0x6f: {  	_ =	shalt  }
0x70: {  	_ =	shalt  }
0x71: {  	_ =	shalt  }
0x72: {  	_ =	shalt  }
0x73: {  	_ =	shalt  }
0x74: {  	_ =	shalt  }
0x75: {  	_ =	shalt  }
0x76: {  	_ =	shalt  }
0x77: {  	_ =	shalt  }
0x78: {  	_ =	shalt  }
0x79: {  	_ =	shalt  }
0x7a: {  	_ =	shalt  }
0x7b: {  	_ =	shalt  }
0x7c: {  	_ =	shalt  }
0x7d: {  	_ =	shalt  }
0x7e: {  	_ =	shalt  }
0x7f: {  	_ =	shalt  }
0x80: {  	_ =	shalt  }
0x81: {  	_ =	shalt  }
0x82: {  	_ =	shalt  }
0x83: {  	_ =	shalt  }
0x84: {  	_ =	shalt  }
0x85: {  	_ =	shalt  }
0x86: {  	_ =	shalt  }
0x87: {  	_ =	shalt  }
.Lfunc_end0:
.L_simem_size_0:
called_computation_lowered:
.L_overlay_start_0:
0x88: {  	s2 =	sld [smem:$0x3FD9]  }
0x89: {  	s3 =	sld [smem:$0x3FFE];
	_ =	sdelay $0x1  }
0x8a: {  	s1 =	srdreg.scid  }
0x8b: {  	s0 =	sand.u32 $0x1, s1  }
0x8c: {  	s17 =	sshll.u32 s0, $0xA;
	s2 =	sadd.s32 s3, s2  }
0x8d: {  	s2 =	sadd.s32 s2, s17  }
0x8e: {  	[smem:$0x3FC6] =	sst s2  }
0x8f: {  	_ = 	snop  }
0x90: {  	s2 =	sld [smem:$0x3FD0];
	(tm) =	ssettm $0x1  }
0x91: {  	s18 =	sld [smem:$0x3FFB];
	_ =	sdelay $0x3  }
0x92: {  	_ =	strace s18  }
0x93: {  	s3 =	sld [smem:$0x3FFC];
	_ =	sdelay $0x3  }
0x94: {  	_ =	strace s3  }
0x95: {  	s3 =	sld [smem:$0x3FFD];
	_ =	sdelay $0x3  }
0x96: {  	_ =	strace s3  }
0x97: {  	_ =	strace $0x8FFFFFFF  }
0x98: {  	s19 =	sld [smem:$0x3FDB];
	_ =	sdelay $0x1  }
0x99: {  	s4 =	simm.s32 $_scs_section_size  }
0x9a: {  	s5 =	simm.s32 $_size__tile_overlayer_lowered;
	s6 =	simm.s32 $_tile_overlayer_lowered  }
0x9b: {  	s22 =	simm.s32 $0x1BFF;
	s21 =	sshll.u32 s6, $0x1;
	s3 =	sadd.s32 s4, s19  }
0x9c: {  	s7 =	simm.s32 $0x0;
	s20 =	sshll.u32 s5, $0x1;
	s5 =	sadd.s32 s21, s3  }
0x9d: {  	[timem:s7], [sflag:s22] =	dma.local [hbm:s5], s20  }
0x9e: {  	_ =	swait.ge [sflag:s22], s20  }
0x9f: {  	s4 =	ssub.s32 $0x0, s20;
	[sflag:s22] =	ssyncset.done $0x0  }
0xa0: {  	[sflag:s22] =	ssyncadd.s32 s4;
	_ =	sdelay $0x1  }
0xa1: {  	s23 =	simm.s32 $0x1B8B  }
0xa2: {  	_ =	swait.ge [sflag:s23], $0x1  }
0xa3: {  	[sflag:s23] =	ssyncset.done $0x0  }
0xa4: {  	s25 =	simm.s32 $0x1B8E;
	s24 =	sld [smem:$0x3FFE];
	[sflag:s23] =	ssyncadd.s32 $0xFFFFFFFF  }
0xa5: {  	s26 =	simm.s32 $execute0_lowered;
	[smem:$0x3FD2] =	sst s25  }
0xa6: {  	s5 =	sshll.u32 s26, $0x1;
	_ =	strace $0x80000046;
	[dreg:$0x1] =	wrdreg $0xFFFFFFFF  }
0xa7: {  	s28 =	simm.s32 $_size_execute0_lowered;
	s3 =	sadd.s32 s3, s5;
	[dreg:$0x0] =	wrdreg $0x0  }
0xa8: {  	s5 =	sshll.u32 s28, $0x1;
	[dreg:$0x2] =	wrdreg s3  }
0xa9: {  	[dreg:$0x3] =	wrdreg s5  }
0xaa: {  	[dreg:$0x4] =	wrdreg $0xC0  }
0xab: {  	_ =	task [dreg:s7], $0x5FFFF  }
0xac: {  	[dreg:$0x1] =	wrdreg $0xFFFFFFFF  }
0xad: {  	[dreg:$0x0] =	wrdreg $0x60  }
0xae: {  	[dreg:$0x2] =	wrdreg s2  }
0xaf: {  	[dreg:$0x3] =	wrdreg s24  }
0xb0: {  	[dreg:$0x4] =	wrdreg $0x9  }
0xb1: {  	_ =	task.clear_ibuf [dreg:s7], $0x5FFFF;
	_ =	strace $0x90000046  }
0xb2: {  	s29 =	simm.s32 $0x9;
	_ =	strace $0x80000048  }
0xb3: {  	_ =	swait.ge [sflag:s29], $0x1  }
0xb4: {  	[sflag:s29] =	ssyncadd.s32 $0xFFFFFFFF  }
0xb5: {  	_ =	strace $0x90000048  }
0xb6: {  	_ =	sfence  }
0xb7: {  	s30 =	sld [smem:$0x0];
	_ =	sdelay $0x2  }
0xb8: {  	s31 =	sshll.u32 s1, $0xD;
	s1 =	sshrl.u32 s1, $0x2  }
0xb9: {  	s3 =	sand.u32 $0x4000, s31;
	s1 =	sadd.s32 s1, s30  }
0xba: {  	s0 =	sor.u32 s3, s0;
	s1 =	sshll.u32 s1, $0x11  }
0xbb: {  	s0 =	sor.u32 s1, s0  }
0xbc: {  	s0 =	sadd.s32 $0x8F2B, s0  }
0xbd: {  	[sflag:s0] =	ssyncadd.remote.s32 $0x1  }
0xbe: {  	_ =	sfence.sel $0xFFFF  }
0xbf: {  	[dreg:$0x0] =	wrdreg $0xFFFFFFFF;
	(pc) =	sbr.abs _section_cstart, $3  }
0xc0: {  	[dreg:$0x1] =	wrdreg $0xFFFFFFFF  }
0xc1: {  	_ =	task.clear_ibuf [dreg:s7], $0x2FFFF;
	_ =	strace $0x9FFFFFFF  }
0xc2: {  	(tm) =	ssettm $0x7FFFFFFF  }
0xc3: {  	_ =	shalt  }
tec
execute0_lowered:
.L_overlay_start_1:
0x0: {  	(tag) =	ssettag $0x1  }
0x1: {  	s0 =	srdreg.scid;
	s1 =	stileid.u32  }
0x2: {  	s2 =	sand.u32 $0x1, s0;
	s16 =	sshll.u32 s1, $0x1  }
0x3: {  	s0 =	sor.u32 s2, s16  }
0x4: {  	s5 =	rddreg [dreg:$0x1];
	s0 =	smul.u32 $0x122400, s0  }
0x5: {  	s1 =	rddreg [dreg:$0x0];
	s3 =	sadd.s32 $0x400, s5;
	s5 =	sadd.s32 $0x912400, s5  }
0x6: {  	[smem:$0x7FA] =	sst s2;
	s2 =	simm.s32 $0x0;
	s4 =	sshrl.u32 s0, $0x3  }
0x7: {  	[smem:$0x7FF] =	sst s2;
	s0 =	sadd.s32 s3, s4;
	s25 =	sadd.s32 $0x1680, s4  }
0x8: {  	_ =	strace $0x80000047;
	[dreg:$0x3] =	wrdreg s0;
	s17 =	sadd.s32 s3, s25  }
0x9: {  	s26 =	sadd.s32 $0x2D00, s4;
	s18 =	sadd.s32 s5, s25;
	[dreg:$0x4] =	wrdreg s17  }
0xa: {  	s19 =	sadd.s32 s3, s26;
	[dreg:$0x5] =	wrdreg s18  }
0xb: {  	s28 =	sadd.s32 $0x4380, s4;
	s20 =	sadd.s32 s5, s26;
	[dreg:$0x6] =	wrdreg s19  }
0xc: {  	s21 =	sadd.s32 s3, s28;
	[dreg:$0x7] =	wrdreg s20  }
0xd: {  	s29 =	sadd.s32 $0x5A00, s4;
	s22 =	sadd.s32 s5, s28;
	[dreg:$0x8] =	wrdreg s21  }
0xe: {  	s23 =	sadd.s32 s3, s29;
	[dreg:$0x9] =	wrdreg s22  }
0xf: {  	s30 =	sadd.s32 $0x7080, s4;
	s24 =	sadd.s32 s5, s29;
	[dreg:$0xa] =	wrdreg s23  }
0x10: {  	s6 =	sadd.s32 s3, s30;
	[dreg:$0xb] =	wrdreg s24  }
0x11: {  	s12 =	sadd.s32 $0x8700, s4;
	s7 =	sadd.s32 s5, s30;
	[dreg:$0xc] =	wrdreg s6  }
0x12: {  	s8 =	sadd.s32 s3, s12;
	[dreg:$0xd] =	wrdreg s7  }
0x13: {  	s13 =	sadd.s32 $0x9D80, s4;
	s9 =	sadd.s32 s5, s12;
	[dreg:$0xe] =	wrdreg s8  }
0x14: {  	s10 =	sadd.s32 s3, s13;
	[dreg:$0xf] =	wrdreg s9  }
0x15: {  	s14 =	sadd.s32 $0xB400, s4;
	s11 =	sadd.s32 s5, s13;
	[dreg:$0x10] =	wrdreg s10  }
0x16: {  	s15 =	sadd.s32 s3, s14;
	[dreg:$0x11] =	wrdreg s11  }
0x17: {  	s16 =	sadd.s32 s5, s14;
	[dreg:$0x12] =	wrdreg s15  }
0x18: {  	s25 =	sadd.s32 s1, s25;
	[dreg:$0x13] =	wrdreg s16  }
0x19: {  	s12 =	sadd.s32 s1, s12;
	s15 =	sadd.s32 $0xCA80, s4;
	[smem:$0x7E1] =	sst s25  }
0x1a: {  	[smem:$0x7EB] =	sst s12;
	s17 =	sadd.s32 s3, s15  }
0x1b: {  	s16 =	sadd.s32 $0xE100, s4;
	s18 =	sadd.s32 s5, s15;
	[dreg:$0x14] =	wrdreg s17  }
0x1c: {  	s19 =	sadd.s32 s3, s16;
	[dreg:$0x15] =	wrdreg s18  }
0x1d: {  	s20 =	sadd.s32 s5, s16;
	[dreg:$0x16] =	wrdreg s19  }
0x1e: {  	s15 =	sadd.s32 s1, s15;
	s17 =	sadd.s32 $0xF780, s4;
	[dreg:$0x17] =	wrdreg s20  }
0x1f: {  	[smem:$0x7F1] =	sst s15;
	s21 =	sadd.s32 s3, s17  }
0x20: {  	s18 =	sadd.s32 $0x10E00, s4;
	s22 =	sadd.s32 s5, s17;
	[dreg:$0x18] =	wrdreg s21  }
0x21: {  	s23 =	sadd.s32 s3, s18;
	[dreg:$0x19] =	wrdreg s22  }
0x22: {  	s20 =	sadd.s32 $0x12480, s4;
	s24 =	sadd.s32 s5, s18;
	[dreg:$0x1a] =	wrdreg s23  }
0x23: {  	s6 =	sadd.s32 s3, s20;
	[dreg:$0x1b] =	wrdreg s24  }
0x24: {  	s19 =	sadd.s32 $0x15180, s4;
	s7 =	sadd.s32 s5, s20;
	[dreg:$0x1c] =	wrdreg s6  }
0x25: {  	s10 =	sadd.s32 s3, s19;
	[dreg:$0x1d] =	wrdreg s7  }
0x26: {  	s11 =	sadd.s32 s5, s19;
	[smem:$0x7CB] =	sst s10  }
0x27: {  	s0 =	sadd.s32 $0x19500, s4;
	s15 =	sadd.s32 s1, s18;
	[smem:$0x7CC] =	sst s11  }
0x28: {  	s21 =	sadd.s32 $0x13B00, s4;
	s7 =	sadd.s32 s3, s0;
	[smem:$0x7F7] =	sst s15  }
0x29: {  	s8 =	sadd.s32 s3, s21;
	[smem:$0x7D1] =	sst s7  }
0x2a: {  	s22 =	sadd.s32 $0x16800, s4;
	s9 =	sadd.s32 s5, s21;
	[dreg:$0x1e] =	wrdreg s8  }
0x2b: {  	s23 =	sadd.s32 s3, s22;
	[dreg:$0x1f] =	wrdreg s9  }
0x2c: {  	s24 =	sadd.s32 s5, s22;
	[smem:$0x7CD] =	sst s23  }
0x2d: {  	s7 =	sadd.s32 s5, s0;
	s23 =	sadd.s32 $0x17E80, s4;
	[smem:$0x7CE] =	sst s24  }
0x2e: {  	[smem:$0x7D2] =	sst s7;
	s7 =	sadd.s32 $0x1C200, s4;
	s6 =	sadd.s32 s3, s23  }
0x2f: {  	s9 =	sadd.s32 s3, s7;
	[smem:$0x7CF] =	sst s6  }
0x30: {  	s6 =	sadd.s32 s5, s23;
	[smem:$0x7D5] =	sst s9  }
0x31: {  	s9 =	sadd.s32 s5, s7;
	[smem:$0x7D0] =	sst s6;
	s6 =	sadd.s32 $0x1AB80, s4  }
0x32: {  	[smem:$0x7D6] =	sst s9;
	s8 =	sadd.s32 s3, s6  }
0x33: {  	s9 =	sadd.s32 $0x1EF00, s4;
	[smem:$0x7D3] =	sst s8;
	s8 =	sadd.s32 s5, s6  }
0x34: {  	s11 =	sadd.s32 s3, s9;
	[smem:$0x7D4] =	sst s8;
	s8 =	sadd.s32 $0x1D880, s4  }
0x35: {  	[smem:$0x7D9] =	sst s11;
	s10 =	sadd.s32 s3, s8  }
0x36: {  	[smem:$0x7D7] =	sst s10;
	s10 =	sadd.s32 s5, s8  }
0x37: {  	s11 =	sadd.s32 s5, s9;
	[smem:$0x7D8] =	sst s10;
	s10 =	sadd.s32 $0x20580, s4  }
0x38: {  	[smem:$0x7DA] =	sst s11;
	s24 =	sadd.s32 s3, s10  }
0x39: {  	s11 =	sadd.s32 $0x21C00, s4;
	s31 =	sadd.s32 s5, s10;
	[smem:$0x7DB] =	sst s24  }
0x3a: {  	[smem:$0x7DC] =	sst s31;
	s31 =	sadd.s32 s3, s11  }
0x3b: {  	[smem:$0x7DD] =	sst s31;
	s31 =	sadd.s32 s5, s11  }
0x3c: {  	s24 =	sadd.s32 s1, s4;
	[smem:$0x7DE] =	sst s31;
	s31 =	sadd.s32 s5, s4  }
0x3d: {  	[smem:$0x7DF] =	sst s24;
	s24 =	sadd.s32 $0x489000, s31  }
0x3e: {  	s25 =	sadd.s32 $0x48A680, s31;
	[smem:$0x7E0] =	sst s24  }
0x3f: {  	s18 =	sadd.s32 $0x49B480, s31;
	[smem:$0x7E2] =	sst s25  }
0x40: {  	s25 =	sadd.s32 s1, s26;
	[smem:$0x7FB] =	sst s18  }
0x41: {  	p0 =	por $0x0, $0x0;
	s26 =	sadd.s32 $0x48BD00, s31;
	[smem:$0x7E3] =	sst s25  }
0x42: {  	s12 =	sadd.s32 $0x23280, s4;
	s24 =	sadd.s32 $0x491700, s31;
	[smem:$0x7E4] =	sst s26  }
0x43: {  	s15 =	sadd.s32 $0x4A6880, s31;
	s25 =	sadd.s32 s1, s28;
	[smem:$0x7EC] =	sst s24  }
0x44: {  	s10 =	sadd.s32 s1, s10;
	s26 =	sadd.s32 $0x48D380, s31;
	[smem:$0x7E5] =	sst s25  }
0x45: {  	s5 =	sadd.s32 s5, s12;
	s24 =	sadd.s32 $0x495A80, s31;
	[smem:$0x7E6] =	sst s26  }
0x46: {  	s18 =	sadd.s32 $0x4A5200, s31;
	s25 =	sadd.s32 s1, s29;
	[smem:$0x7F2] =	sst s24  }
0x47: {  	s28 =	sadd.s32 s1, s22;
	s26 =	sadd.s32 $0x48EA00, s31;
	[smem:$0x7E7] =	sst s25  }
0x48: {  	s22 =	sadd.s32 $0x4A2500, s31;
	s24 =	sadd.s32 s1, s21;
	[smem:$0x7E8] =	sst s26  }
0x49: {  	s29 =	sadd.s32 $0x49E180, s31;
	s25 =	sadd.s32 s1, s30;
	[smem:$0x7FC] =	sst s24  }
0x4a: {  	s21 =	sadd.s32 s1, s6;
	s26 =	sadd.s32 $0x490080, s31;
	[smem:$0x7E9] =	sst s25  }
0x4b: {  	s6 =	sadd.s32 $0x4AC280, s31;
	[smem:$0x7EA] =	sst s26;
	s25 =	sadd.s32 s1, s13  }
0x4c: {  	s4 =	simm.s32 $0x1;
	s26 =	sadd.s32 $0x492D80, s31;
	[smem:$0x7ED] =	sst s25  }
0x4d: {  	s24 =	sadd.s32 $0x4A0E80, s31;
	s13 =	sadd.s32 s1, s14;
	[smem:$0x7EE] =	sst s26  }
0x4e: {  	s30 =	sadd.s32 s1, s19;
	s14 =	sadd.s32 $0x494400, s31;
	[smem:$0x7EF] =	sst s13  }
0x4f: {  	s13 =	sadd.s32 s1, s17;
	s17 =	sadd.s32 s1, s20;
	s20 =	sld [smem:$0x7FA]  }
0x50: {  	s19 =	sadd.s32 s1, s7;
	[smem:$0x7F0] =	sst s14;
	s25 =	sadd.s32 s1, s16  }
0x51: {  	s7 =	sadd.s32 s3, s12;
	s3 =	sadd.s32 s1, s12;
	[smem:$0x7F3] =	sst s25  }
0x52: {  	s26 =	sadd.s32 $0x497100, s31;
	[smem:$0x7F5] =	sst s13;
	s13 =	ssub.s32 $0x2, s20  }
0x53: {  	s14 =	sadd.s32 $0x498780, s31;
	[smem:$0x7F4] =	sst s26;
	s25 =	sshrl.u32 s13, $0x1  }
0x54: {  	s16 =	sadd.s32 $0x499E00, s31;
	[smem:$0x7F6] =	sst s14;
	s14 =	ssub.s32 s13, s25  }
0x55: {  	s12 =	simm.s32 $0xB400;
	[smem:$0x7F8] =	sst s16;
	s14 =	smax.u32 s14, $0x1  }
0x56: {  	[smem:$0x7F9] =	sst s17;
	s26 =	sadd.s32 $0x49CB00, s31;
	p1 =	sne.s32 s14, $0x1  }
.Ltmp0:
0x57: {  	s17 =	sadd.s32 s1, s8;
	s16 =	sadd.s32 $0x4A7F00, s31;
	(pc) =	sbr.rel @!p1 .LBB2_3-.Ltmp0, $4  }
0x58: {  	s8 =	simm.s32 $0x16800;
	[smem:$0x7FD] =	sst s26;
	s26 =	sadd.s32 $0x49F800, s31  }
0x59: {  	s20 =	sadd.s32 $0x4A3B80, s31;
	s25 =	sadd.s32 s1, s23;
	s23 =	sadd.s32 s1, s0  }
0x5a: {  	s13 =	sadd.s32 s1, s9;
	s9 =	sadd.s32 s1, s11;
	s11 =	sadd.s32 $0x4AAC00, s31  }
0x5b: {  	s0 =	rddreg [dreg:$0x3];
	s1 =	sadd.s32 $0xFFFFFFFF, s14;
	s14 =	sadd.s32 $0x4A9580, s31  }
0x5c: {  	[tilespmem:s2], [sflag:$0x1] =	stream.linear.gather [hbm4b:s0+s2], $0xB400, $0x38;
	[tilespmem:$0x1F800] =	vst v63  }
0x5d: {  	_ =	swait.ge [sflag:s4], $0xB400  }
0x5e: {  	[sflag:s4] =	ssyncset.done $0x0  }
0x5f: {  	[sflag:s4] =	ssyncadd.s32 $0xFFFF4C00  }
0x60: {  	[hbm4b:s31+s2] =	stream.linear.scatter [tilespmem:s2], [sflag:$0x1], $0xB400, $0x38;
	[tilespmem:$0x1F800] =	vst v63  }
0x61: {  	_ =	swait.ge [sflag:s4], $0xB400  }
0x62: {  	[sflag:s4] =	ssyncset.done $0x0  }
0x63: {  	s0 =	rddreg [dreg:$0x4];
	[sflag:s4] =	ssyncadd.s32 $0xFFFF4C00  }
0x64: {  	[tilespmem:s12], [sflag:$0x1] =	stream.linear.gather [hbm4b:s0+s2], $0xB400, $0x38;
	[tilespmem:$0x1F800] =	vst v63  }
0x65: {  	_ =	swait.ge [sflag:s4], $0xB400  }
0x66: {  	[sflag:s4] =	ssyncset.done $0x0  }
0x67: {  	s0 =	rddreg [dreg:$0x5];
	[sflag:s4] =	ssyncadd.s32 $0xFFFF4C00  }
0x68: {  	[hbm4b:s0+s2] =	stream.linear.scatter [tilespmem:s12], [sflag:$0x1], $0xB400, $0x38;
	[tilespmem:$0x1F800] =	vst v63  }
0x69: {  	_ =	swait.ge [sflag:s4], $0xB400  }
0x6a: {  	[sflag:s4] =	ssyncset.done $0x0  }
0x6b: {  	s0 =	rddreg [dreg:$0x6];
	[sflag:s4] =	ssyncadd.s32 $0xFFFF4C00  }
0x6c: {  	[tilespmem:s2], [sflag:$0x1] =	stream.linear.gather [hbm4b:s0+s2], $0xB400, $0x38;
	[tilespmem:$0x1F800] =	vst v63  }
0x6d: {  	_ =	swait.ge [sflag:s4], $0xB400  }
0x6e: {  	[sflag:s4] =	ssyncset.done $0x0  }
0x6f: {  	s0 =	rddreg [dreg:$0x7];
	[sflag:s4] =	ssyncadd.s32 $0xFFFF4C00  }
0x70: {  	[hbm4b:s0+s2] =	stream.linear.scatter [tilespmem:s2], [sflag:$0x1], $0xB400, $0x38;
	[tilespmem:$0x1F800] =	vst v63  }
0x71: {  	_ =	swait.ge [sflag:s4], $0xB400  }
0x72: {  	[sflag:s4] =	ssyncset.done $0x0  }
0x73: {  	s0 =	rddreg [dreg:$0x8];
	[sflag:s4] =	ssyncadd.s32 $0xFFFF4C00  }
0x74: {  	[tilespmem:s12], [sflag:$0x1] =	stream.linear.gather [hbm4b:s0+s2], $0xB400, $0x38;
	[tilespmem:$0x1F800] =	vst v63  }
0x75: {  	_ =	swait.ge [sflag:s4], $0xB400  }
0x76: {  	[sflag:s4] =	ssyncset.done $0x0  }
0x77: {  	s0 =	rddreg [dreg:$0x9];
	[sflag:s4] =	ssyncadd.s32 $0xFFFF4C00  }
0x78: {  	[hbm4b:s0+s2] =	stream.linear.scatter [tilespmem:s12], [sflag:$0x1], $0xB400, $0x38;
	[tilespmem:$0x1F800] =	vst v63  }
0x79: {  	_ =	swait.ge [sflag:s4], $0xB400  }
0x7a: {  	[sflag:s4] =	ssyncset.done $0x0  }
0x7b: {  	s0 =	rddreg [dreg:$0xa];
	[sflag:s4] =	ssyncadd.s32 $0xFFFF4C00  }
0x7c: {  	[tilespmem:s2], [sflag:$0x1] =	stream.linear.gather [hbm4b:s0+s2], $0xB400, $0x38;
	[tilespmem:$0x1F800] =	vst v63  }
0x7d: {  	_ =	swait.ge [sflag:s4], $0xB400  }
0x7e: {  	[sflag:s4] =	ssyncset.done $0x0  }
0x7f: {  	s0 =	rddreg [dreg:$0xb];
	[sflag:s4] =	ssyncadd.s32 $0xFFFF4C00  }
0x80: {  	[hbm4b:s0+s2] =	stream.linear.scatter [tilespmem:s2], [sflag:$0x1], $0xB400, $0x38;
	[tilespmem:$0x1F800] =	vst v63  }
0x81: {  	_ =	swait.ge [sflag:s4], $0xB400  }
0x82: {  	[sflag:s4] =	ssyncset.done $0x0  }
0x83: {  	s0 =	rddreg [dreg:$0xc];
	[sflag:s4] =	ssyncadd.s32 $0xFFFF4C00  }
0x84: {  	[tilespmem:s12], [sflag:$0x1] =	stream.linear.gather [hbm4b:s0+s2], $0xB400, $0x38;
	[tilespmem:$0x1F800] =	vst v63  }
0x85: {  	_ =	swait.ge [sflag:s4], $0xB400  }
0x86: {  	[sflag:s4] =	ssyncset.done $0x0  }
0x87: {  	s0 =	rddreg [dreg:$0xd];
	[sflag:s4] =	ssyncadd.s32 $0xFFFF4C00  }
0x88: {  	[hbm4b:s0+s2] =	stream.linear.scatter [tilespmem:s12], [sflag:$0x1], $0xB400, $0x38;
	[tilespmem:$0x1F800] =	vst v63  }
0x89: {  	_ =	swait.ge [sflag:s4], $0xB400  }
0x8a: {  	[sflag:s4] =	ssyncset.done $0x0  }
0x8b: {  	s0 =	rddreg [dreg:$0xe];
	[sflag:s4] =	ssyncadd.s32 $0xFFFF4C00  }
0x8c: {  	[tilespmem:s2], [sflag:$0x1] =	stream.linear.gather [hbm4b:s0+s2], $0xB400, $0x38;
	[tilespmem:$0x1F800] =	vst v63  }
0x8d: {  	_ =	swait.ge [sflag:s4], $0xB400  }
0x8e: {  	[sflag:s4] =	ssyncset.done $0x0  }
0x8f: {  	s0 =	rddreg [dreg:$0xf];
	[sflag:s4] =	ssyncadd.s32 $0xFFFF4C00  }
0x90: {  	[hbm4b:s0+s2] =	stream.linear.scatter [tilespmem:s2], [sflag:$0x1], $0xB400, $0x38;
	[tilespmem:$0x1F800] =	vst v63  }
0x91: {  	_ =	swait.ge [sflag:s4], $0xB400  }
0x92: {  	[sflag:s4] =	ssyncset.done $0x0  }
0x93: {  	s0 =	rddreg [dreg:$0x10];
	[sflag:s4] =	ssyncadd.s32 $0xFFFF4C00  }
0x94: {  	[tilespmem:s12], [sflag:$0x1] =	stream.linear.gather [hbm4b:s0+s2], $0xB400, $0x38;
	[tilespmem:$0x1F800] =	vst v63  }
0x95: {  	_ =	swait.ge [sflag:s4], $0xB400  }
0x96: {  	[sflag:s4] =	ssyncset.done $0x0  }
0x97: {  	s0 =	rddreg [dreg:$0x11];
	[sflag:s4] =	ssyncadd.s32 $0xFFFF4C00  }
0x98: {  	[hbm4b:s0+s2] =	stream.linear.scatter [tilespmem:s12], [sflag:$0x1], $0xB400, $0x38;
	[tilespmem:$0x1F800] =	vst v63  }
0x99: {  	_ =	swait.ge [sflag:s4], $0xB400  }
0x9a: {  	[sflag:s4] =	ssyncset.done $0x0  }
0x9b: {  	s0 =	rddreg [dreg:$0x12];
	[sflag:s4] =	ssyncadd.s32 $0xFFFF4C00  }
0x9c: {  	[tilespmem:s2], [sflag:$0x1] =	stream.linear.gather [hbm4b:s0+s2], $0xB400, $0x38;
	[tilespmem:$0x1F800] =	vst v63  }
0x9d: {  	_ =	swait.ge [sflag:s4], $0xB400  }
0x9e: {  	[sflag:s4] =	ssyncset.done $0x0  }
0x9f: {  	s0 =	rddreg [dreg:$0x13];
	[sflag:s4] =	ssyncadd.s32 $0xFFFF4C00  }
0xa0: {  	[hbm4b:s0+s2] =	stream.linear.scatter [tilespmem:s2], [sflag:$0x1], $0xB400, $0x38;
	[tilespmem:$0x1F800] =	vst v63  }
0xa1: {  	_ =	swait.ge [sflag:s4], $0xB400  }
0xa2: {  	[sflag:s4] =	ssyncset.done $0x0  }
0xa3: {  	s0 =	rddreg [dreg:$0x14];
	[sflag:s4] =	ssyncadd.s32 $0xFFFF4C00  }
0xa4: {  	[tilespmem:s12], [sflag:$0x1] =	stream.linear.gather [hbm4b:s0+s2], $0xB400, $0x38;
	[tilespmem:$0x1F800] =	vst v63  }
0xa5: {  	_ =	swait.ge [sflag:s4], $0xB400  }
0xa6: {  	[sflag:s4] =	ssyncset.done $0x0  }
0xa7: {  	s0 =	rddreg [dreg:$0x15];
	[sflag:s4] =	ssyncadd.s32 $0xFFFF4C00  }
0xa8: {  	[hbm4b:s0+s2] =	stream.linear.scatter [tilespmem:s12], [sflag:$0x1], $0xB400, $0x38;
	[tilespmem:$0x1F800] =	vst v63  }
0xa9: {  	_ =	swait.ge [sflag:s4], $0xB400  }
0xaa: {  	[sflag:s4] =	ssyncset.done $0x0  }
0xab: {  	s0 =	rddreg [dreg:$0x16];
	[sflag:s4] =	ssyncadd.s32 $0xFFFF4C00  }
0xac: {  	[tilespmem:s2], [sflag:$0x1] =	stream.linear.gather [hbm4b:s0+s2], $0xB400, $0x38;
	[tilespmem:$0x1F800] =	vst v63  }
0xad: {  	_ =	swait.ge [sflag:s4], $0xB400  }
0xae: {  	[sflag:s4] =	ssyncset.done $0x0  }
0xaf: {  	s0 =	rddreg [dreg:$0x17];
	[sflag:s4] =	ssyncadd.s32 $0xFFFF4C00  }
0xb0: {  	[hbm4b:s0+s2] =	stream.linear.scatter [tilespmem:s2], [sflag:$0x1], $0xB400, $0x38;
	[tilespmem:$0x1F800] =	vst v63  }
0xb1: {  	_ =	swait.ge [sflag:s4], $0xB400  }
0xb2: {  	[sflag:s4] =	ssyncset.done $0x0  }
0xb3: {  	s0 =	rddreg [dreg:$0x18];
	[sflag:s4] =	ssyncadd.s32 $0xFFFF4C00  }
0xb4: {  	[tilespmem:s12], [sflag:$0x1] =	stream.linear.gather [hbm4b:s0+s2], $0xB400, $0x38;
	[tilespmem:$0x1F800] =	vst v63  }
0xb5: {  	_ =	swait.ge [sflag:s4], $0xB400  }
0xb6: {  	[sflag:s4] =	ssyncset.done $0x0  }
0xb7: {  	s0 =	rddreg [dreg:$0x19];
	[sflag:s4] =	ssyncadd.s32 $0xFFFF4C00  }
0xb8: {  	[hbm4b:s0+s2] =	stream.linear.scatter [tilespmem:s12], [sflag:$0x1], $0xB400, $0x38;
	[tilespmem:$0x1F800] =	vst v63  }
0xb9: {  	_ =	swait.ge [sflag:s4], $0xB400  }
0xba: {  	[sflag:s4] =	ssyncset.done $0x0  }
0xbb: {  	s0 =	rddreg [dreg:$0x1a];
	[sflag:s4] =	ssyncadd.s32 $0xFFFF4C00  }
0xbc: {  	[tilespmem:s2], [sflag:$0x1] =	stream.linear.gather [hbm4b:s0+s2], $0xB400, $0x38;
	[tilespmem:$0x1F800] =	vst v63  }
0xbd: {  	_ =	swait.ge [sflag:s4], $0xB400  }
0xbe: {  	[sflag:s4] =	ssyncset.done $0x0  }
0xbf: {  	s0 =	rddreg [dreg:$0x1b];
	[sflag:s4] =	ssyncadd.s32 $0xFFFF4C00  }
0xc0: {  	[hbm4b:s0+s2] =	stream.linear.scatter [tilespmem:s2], [sflag:$0x1], $0xB400, $0x38;
	[tilespmem:$0x1F800] =	vst v63  }
0xc1: {  	_ =	swait.ge [sflag:s4], $0xB400  }
0xc2: {  	[sflag:s4] =	ssyncset.done $0x0  }
0xc3: {  	s0 =	rddreg [dreg:$0x1c];
	[sflag:s4] =	ssyncadd.s32 $0xFFFF4C00  }
0xc4: {  	[tilespmem:s12], [sflag:$0x1] =	stream.linear.gather [hbm4b:s0+s2], $0xB400, $0x38;
	[tilespmem:$0x1F800] =	vst v63  }
0xc5: {  	_ =	swait.ge [sflag:s4], $0xB400  }
0xc6: {  	[sflag:s4] =	ssyncset.done $0x0  }
0xc7: {  	s0 =	rddreg [dreg:$0x1d];
	[sflag:s4] =	ssyncadd.s32 $0xFFFF4C00  }
0xc8: {  	[hbm4b:s0+s2] =	stream.linear.scatter [tilespmem:s12], [sflag:$0x1], $0xB400, $0x38;
	[tilespmem:$0x1F800] =	vst v63  }
0xc9: {  	_ =	swait.ge [sflag:s4], $0xB400  }
0xca: {  	[sflag:s4] =	ssyncset.done $0x0  }
0xcb: {  	s0 =	rddreg [dreg:$0x1e];
	[sflag:s4] =	ssyncadd.s32 $0xFFFF4C00  }
0xcc: {  	[tilespmem:s2], [sflag:$0x1] =	stream.linear.gather [hbm4b:s0+s2], $0xB400, $0x38;
	[tilespmem:$0x1F800] =	vst v63  }
0xcd: {  	_ =	swait.ge [sflag:s4], $0xB400  }
0xce: {  	[sflag:s4] =	ssyncset.done $0x0  }
0xcf: {  	s0 =	rddreg [dreg:$0x1f];
	[sflag:s4] =	ssyncadd.s32 $0xFFFF4C00  }
0xd0: {  	[hbm4b:s0+s2] =	stream.linear.scatter [tilespmem:s2], [sflag:$0x1], $0xB400, $0x38;
	[tilespmem:$0x1F800] =	vst v63  }
0xd1: {  	_ =	swait.ge [sflag:s4], $0xB400  }
0xd2: {  	s0 =	sld [smem:$0x7CB]  }
0xd3: {  	[sflag:s4] =	ssyncset.done $0x0  }
0xd4: {  	[sflag:s4] =	ssyncadd.s32 $0xFFFF4C00  }
0xd5: {  	[tilespmem:s12], [sflag:$0x1] =	stream.linear.gather [hbm4b:s0+s2], $0xB400, $0x38;
	[tilespmem:$0x1F800] =	vst v63  }
0xd6: {  	_ =	swait.ge [sflag:s4], $0xB400  }
0xd7: {  	s0 =	sld [smem:$0x7CC]  }
0xd8: {  	[sflag:s4] =	ssyncset.done $0x0  }
0xd9: {  	[sflag:s4] =	ssyncadd.s32 $0xFFFF4C00  }
0xda: {  	[hbm4b:s0+s2] =	stream.linear.scatter [tilespmem:s12], [sflag:$0x1], $0xB400, $0x38;
	[tilespmem:$0x1F800] =	vst v63  }
0xdb: {  	_ =	swait.ge [sflag:s4], $0xB400  }
0xdc: {  	s0 =	sld [smem:$0x7CD]  }
0xdd: {  	[sflag:s4] =	ssyncset.done $0x0  }
0xde: {  	[sflag:s4] =	ssyncadd.s32 $0xFFFF4C00  }
0xdf: {  	[tilespmem:s2], [sflag:$0x1] =	stream.linear.gather [hbm4b:s0+s2], $0xB400, $0x38;
	[tilespmem:$0x1F800] =	vst v63  }
0xe0: {  	_ =	swait.ge [sflag:s4], $0xB400  }
0xe1: {  	s0 =	sld [smem:$0x7CE]  }
0xe2: {  	[sflag:s4] =	ssyncset.done $0x0  }
0xe3: {  	[sflag:s4] =	ssyncadd.s32 $0xFFFF4C00  }
0xe4: {  	[hbm4b:s0+s2] =	stream.linear.scatter [tilespmem:s2], [sflag:$0x1], $0xB400, $0x38;
	[tilespmem:$0x1F800] =	vst v63  }
0xe5: {  	_ =	swait.ge [sflag:s4], $0xB400  }
0xe6: {  	s0 =	sld [smem:$0x7CF]  }
0xe7: {  	[sflag:s4] =	ssyncset.done $0x0  }
0xe8: {  	[sflag:s4] =	ssyncadd.s32 $0xFFFF4C00  }
0xe9: {  	[tilespmem:s12], [sflag:$0x1] =	stream.linear.gather [hbm4b:s0+s2], $0xB400, $0x38;
	[tilespmem:$0x1F800] =	vst v63  }
0xea: {  	_ =	swait.ge [sflag:s4], $0xB400  }
0xeb: {  	s0 =	sld [smem:$0x7D0]  }
0xec: {  	[sflag:s4] =	ssyncset.done $0x0  }
0xed: {  	[sflag:s4] =	ssyncadd.s32 $0xFFFF4C00  }
0xee: {  	[hbm4b:s0+s2] =	stream.linear.scatter [tilespmem:s12], [sflag:$0x1], $0xB400, $0x38;
	[tilespmem:$0x1F800] =	vst v63  }
0xef: {  	_ =	swait.ge [sflag:s4], $0xB400  }
0xf0: {  	s0 =	sld [smem:$0x7D1]  }
0xf1: {  	[sflag:s4] =	ssyncset.done $0x0  }
0xf2: {  	[sflag:s4] =	ssyncadd.s32 $0xFFFF4C00  }
0xf3: {  	[tilespmem:s2], [sflag:$0x1] =	stream.linear.gather [hbm4b:s0+s2], $0xB400, $0x38;
	[tilespmem:$0x1F800] =	vst v63  }
0xf4: {  	_ =	swait.ge [sflag:s4], $0xB400  }
0xf5: {  	s0 =	sld [smem:$0x7D2]  }
0xf6: {  	[sflag:s4] =	ssyncset.done $0x0  }
0xf7: {  	[sflag:s4] =	ssyncadd.s32 $0xFFFF4C00  }
0xf8: {  	[hbm4b:s0+s2] =	stream.linear.scatter [tilespmem:s2], [sflag:$0x1], $0xB400, $0x38;
	[tilespmem:$0x1F800] =	vst v63  }
0xf9: {  	_ =	swait.ge [sflag:s4], $0xB400  }
0xfa: {  	s0 =	sld [smem:$0x7D3]  }
0xfb: {  	[sflag:s4] =	ssyncset.done $0x0  }
0xfc: {  	[sflag:s4] =	ssyncadd.s32 $0xFFFF4C00  }
0xfd: {  	[tilespmem:s12], [sflag:$0x1] =	stream.linear.gather [hbm4b:s0+s2], $0xB400, $0x38;
	[tilespmem:$0x1F800] =	vst v63  }
0xfe: {  	_ =	swait.ge [sflag:s4], $0xB400  }
0xff: {  	s0 =	sld [smem:$0x7D4]  }
0x100: {  	[sflag:s4] =	ssyncset.done $0x0  }
0x101: {  	[sflag:s4] =	ssyncadd.s32 $0xFFFF4C00  }
0x102: {  	[hbm4b:s0+s2] =	stream.linear.scatter [tilespmem:s12], [sflag:$0x1], $0xB400, $0x38;
	[tilespmem:$0x1F800] =	vst v63  }
0x103: {  	_ =	swait.ge [sflag:s4], $0xB400  }
0x104: {  	s0 =	sld [smem:$0x7D5]  }
0x105: {  	[sflag:s4] =	ssyncset.done $0x0  }
0x106: {  	[sflag:s4] =	ssyncadd.s32 $0xFFFF4C00  }
0x107: {  	[tilespmem:s2], [sflag:$0x1] =	stream.linear.gather [hbm4b:s0+s2], $0xB400, $0x38;
	[tilespmem:$0x1F800] =	vst v63  }
0x108: {  	_ =	swait.ge [sflag:s4], $0xB400  }
0x109: {  	s0 =	sld [smem:$0x7D6]  }
0x10a: {  	[sflag:s4] =	ssyncset.done $0x0  }
0x10b: {  	[sflag:s4] =	ssyncadd.s32 $0xFFFF4C00  }
0x10c: {  	[hbm4b:s0+s2] =	stream.linear.scatter [tilespmem:s2], [sflag:$0x1], $0xB400, $0x38;
	[tilespmem:$0x1F800] =	vst v63  }
0x10d: {  	_ =	swait.ge [sflag:s4], $0xB400  }
0x10e: {  	s0 =	sld [smem:$0x7D7]  }
0x10f: {  	[sflag:s4] =	ssyncset.done $0x0  }
0x110: {  	[sflag:s4] =	ssyncadd.s32 $0xFFFF4C00  }
0x111: {  	[tilespmem:s12], [sflag:$0x1] =	stream.linear.gather [hbm4b:s0+s2], $0xB400, $0x38;
	[tilespmem:$0x1F800] =	vst v63  }
0x112: {  	_ =	swait.ge [sflag:s4], $0xB400  }
0x113: {  	s0 =	sld [smem:$0x7D8]  }
0x114: {  	[sflag:s4] =	ssyncset.done $0x0  }
0x115: {  	[sflag:s4] =	ssyncadd.s32 $0xFFFF4C00  }
0x116: {  	[hbm4b:s0+s2] =	stream.linear.scatter [tilespmem:s12], [sflag:$0x1], $0xB400, $0x38;
	[tilespmem:$0x1F800] =	vst v63  }
0x117: {  	_ =	swait.ge [sflag:s4], $0xB400  }
0x118: {  	s0 =	sld [smem:$0x7D9]  }
0x119: {  	[sflag:s4] =	ssyncset.done $0x0  }
0x11a: {  	[sflag:s4] =	ssyncadd.s32 $0xFFFF4C00  }
0x11b: {  	[tilespmem:s2], [sflag:$0x1] =	stream.linear.gather [hbm4b:s0+s2], $0xB400, $0x38;
	[tilespmem:$0x1F800] =	vst v63  }
0x11c: {  	_ =	swait.ge [sflag:s4], $0xB400  }
0x11d: {  	s0 =	sld [smem:$0x7DA]  }
0x11e: {  	[sflag:s4] =	ssyncset.done $0x0  }
0x11f: {  	[sflag:s4] =	ssyncadd.s32 $0xFFFF4C00  }
0x120: {  	[hbm4b:s0+s2] =	stream.linear.scatter [tilespmem:s2], [sflag:$0x1], $0xB400, $0x38;
	[tilespmem:$0x1F800] =	vst v63  }
0x121: {  	_ =	swait.ge [sflag:s4], $0xB400  }
0x122: {  	s0 =	sld [smem:$0x7DB]  }
0x123: {  	[sflag:s4] =	ssyncset.done $0x0  }
0x124: {  	[sflag:s4] =	ssyncadd.s32 $0xFFFF4C00  }
0x125: {  	[tilespmem:s12], [sflag:$0x1] =	stream.linear.gather [hbm4b:s0+s2], $0xB400, $0x38;
	[tilespmem:$0x1F800] =	vst v63  }
0x126: {  	_ =	swait.ge [sflag:s4], $0xB400  }
0x127: {  	s0 =	sld [smem:$0x7DC]  }
0x128: {  	[sflag:s4] =	ssyncset.done $0x0  }
0x129: {  	[sflag:s4] =	ssyncadd.s32 $0xFFFF4C00  }
0x12a: {  	[hbm4b:s0+s2] =	stream.linear.scatter [tilespmem:s12], [sflag:$0x1], $0xB400, $0x38;
	[tilespmem:$0x1F800] =	vst v63  }
0x12b: {  	_ =	swait.ge [sflag:s4], $0xB400  }
0x12c: {  	s0 =	sld [smem:$0x7DD]  }
0x12d: {  	[sflag:s4] =	ssyncset.done $0x0  }
0x12e: {  	[sflag:s4] =	ssyncadd.s32 $0xFFFF4C00  }
0x12f: {  	[tilespmem:s2], [sflag:$0x1] =	stream.linear.gather [hbm4b:s0+s2], $0xB400, $0x38;
	[tilespmem:$0x1F800] =	vst v63  }
0x130: {  	_ =	swait.ge [sflag:s4], $0xB400  }
0x131: {  	s0 =	sld [smem:$0x7DE]  }
0x132: {  	[sflag:s4] =	ssyncset.done $0x0  }
0x133: {  	[sflag:s4] =	ssyncadd.s32 $0xFFFF4C00  }
0x134: {  	[hbm4b:s0+s2] =	stream.linear.scatter [tilespmem:s2], [sflag:$0x1], $0xB400, $0x38;
	[tilespmem:$0x1F800] =	vst v63  }
0x135: {  	_ =	swait.ge [sflag:s4], $0xB400  }
0x136: {  	s0 =	sld [smem:$0x7DF]  }
0x137: {  	[sflag:s4] =	ssyncset.done $0x0  }
0x138: {  	[sflag:s4] =	ssyncadd.s32 $0xFFFF4C00  }
0x139: {  	[tilespmem:s12], [sflag:$0x1] =	stream.linear.gather [hbm4b:s0+s2], $0xB400, $0x38;
	[tilespmem:$0x1F800] =	vst v63  }
0x13a: {  	_ =	swait.ge [sflag:s4], $0xB400  }
0x13b: {  	s0 =	sld [smem:$0x7E0]  }
0x13c: {  	[sflag:s4] =	ssyncset.done $0x0  }
0x13d: {  	[sflag:s4] =	ssyncadd.s32 $0xFFFF4C00  }
0x13e: {  	[hbm4b:s0+s2] =	stream.linear.scatter [tilespmem:s12], [sflag:$0x1], $0xB400, $0x38;
	[tilespmem:$0x1F800] =	vst v63  }
0x13f: {  	_ =	swait.ge [sflag:s4], $0xB400  }
0x140: {  	s0 =	sld [smem:$0x7E1]  }
0x141: {  	[sflag:s4] =	ssyncset.done $0x0  }
0x142: {  	[sflag:s4] =	ssyncadd.s32 $0xFFFF4C00  }
0x143: {  	[tilespmem:s2], [sflag:$0x1] =	stream.linear.gather [hbm4b:s0+s2], $0xB400, $0x38;
	[tilespmem:$0x1F800] =	vst v63  }
0x144: {  	_ =	swait.ge [sflag:s4], $0xB400  }
0x145: {  	s0 =	sld [smem:$0x7E2]  }
0x146: {  	[sflag:s4] =	ssyncset.done $0x0  }
0x147: {  	[sflag:s4] =	ssyncadd.s32 $0xFFFF4C00  }
0x148: {  	[hbm4b:s0+s2] =	stream.linear.scatter [tilespmem:s2], [sflag:$0x1], $0xB400, $0x38;
	[tilespmem:$0x1F800] =	vst v63  }
0x149: {  	_ =	swait.ge [sflag:s4], $0xB400  }
0x14a: {  	s0 =	sld [smem:$0x7E3]  }
0x14b: {  	[sflag:s4] =	ssyncset.done $0x0  }
0x14c: {  	[sflag:s4] =	ssyncadd.s32 $0xFFFF4C00  }
0x14d: {  	[tilespmem:s12], [sflag:$0x1] =	stream.linear.gather [hbm4b:s0+s2], $0xB400, $0x38;
	[tilespmem:$0x1F800] =	vst v63  }
0x14e: {  	_ =	swait.ge [sflag:s4], $0xB400  }
0x14f: {  	s0 =	sld [smem:$0x7E4]  }
0x150: {  	[sflag:s4] =	ssyncset.done $0x0  }
0x151: {  	[sflag:s4] =	ssyncadd.s32 $0xFFFF4C00  }
0x152: {  	[hbm4b:s0+s2] =	stream.linear.scatter [tilespmem:s12], [sflag:$0x1], $0xB400, $0x38;
	[tilespmem:$0x1F800] =	vst v63  }
0x153: {  	_ =	swait.ge [sflag:s4], $0xB400  }
0x154: {  	s0 =	sld [smem:$0x7E5]  }
0x155: {  	[sflag:s4] =	ssyncset.done $0x0  }
0x156: {  	[sflag:s4] =	ssyncadd.s32 $0xFFFF4C00  }
0x157: {  	[tilespmem:s2], [sflag:$0x1] =	stream.linear.gather [hbm4b:s0+s2], $0xB400, $0x38;
	[tilespmem:$0x1F800] =	vst v63  }
0x158: {  	_ =	swait.ge [sflag:s4], $0xB400  }
0x159: {  	s0 =	sld [smem:$0x7E6]  }
0x15a: {  	[sflag:s4] =	ssyncset.done $0x0  }
0x15b: {  	[sflag:s4] =	ssyncadd.s32 $0xFFFF4C00  }
0x15c: {  	[hbm4b:s0+s2] =	stream.linear.scatter [tilespmem:s2], [sflag:$0x1], $0xB400, $0x38;
	[tilespmem:$0x1F800] =	vst v63  }
0x15d: {  	_ =	swait.ge [sflag:s4], $0xB400  }
0x15e: {  	s0 =	sld [smem:$0x7E7]  }
0x15f: {  	[sflag:s4] =	ssyncset.done $0x0  }
0x160: {  	[sflag:s4] =	ssyncadd.s32 $0xFFFF4C00  }
0x161: {  	[tilespmem:s12], [sflag:$0x1] =	stream.linear.gather [hbm4b:s0+s2], $0xB400, $0x38;
	[tilespmem:$0x1F800] =	vst v63  }
0x162: {  	_ =	swait.ge [sflag:s4], $0xB400  }
0x163: {  	s0 =	sld [smem:$0x7E8]  }
0x164: {  	[sflag:s4] =	ssyncset.done $0x0  }
0x165: {  	[sflag:s4] =	ssyncadd.s32 $0xFFFF4C00  }
0x166: {  	[hbm4b:s0+s2] =	stream.linear.scatter [tilespmem:s12], [sflag:$0x1], $0xB400, $0x38;
	[tilespmem:$0x1F800] =	vst v63  }
0x167: {  	_ =	swait.ge [sflag:s4], $0xB400  }
0x168: {  	s0 =	sld [smem:$0x7E9]  }
0x169: {  	[sflag:s4] =	ssyncset.done $0x0  }
0x16a: {  	[sflag:s4] =	ssyncadd.s32 $0xFFFF4C00  }
0x16b: {  	[tilespmem:s2], [sflag:$0x1] =	stream.linear.gather [hbm4b:s0+s2], $0xB400, $0x38;
	[tilespmem:$0x1F800] =	vst v63  }
0x16c: {  	_ =	swait.ge [sflag:s4], $0xB400  }
0x16d: {  	s0 =	sld [smem:$0x7EA]  }
0x16e: {  	[sflag:s4] =	ssyncset.done $0x0  }
0x16f: {  	[sflag:s4] =	ssyncadd.s32 $0xFFFF4C00  }
0x170: {  	[hbm4b:s0+s2] =	stream.linear.scatter [tilespmem:s2], [sflag:$0x1], $0xB400, $0x38;
	[tilespmem:$0x1F800] =	vst v63  }
0x171: {  	_ =	swait.ge [sflag:s4], $0xB400  }
0x172: {  	s0 =	sld [smem:$0x7EB]  }
0x173: {  	[sflag:s4] =	ssyncset.done $0x0  }
0x174: {  	[sflag:s4] =	ssyncadd.s32 $0xFFFF4C00  }
0x175: {  	[tilespmem:s12], [sflag:$0x1] =	stream.linear.gather [hbm4b:s0+s2], $0xB400, $0x38;
	[tilespmem:$0x1F800] =	vst v63  }
0x176: {  	_ =	swait.ge [sflag:s4], $0xB400  }
0x177: {  	s0 =	sld [smem:$0x7EC]  }
0x178: {  	[sflag:s4] =	ssyncset.done $0x0  }
0x179: {  	[sflag:s4] =	ssyncadd.s32 $0xFFFF4C00  }
0x17a: {  	[hbm4b:s0+s2] =	stream.linear.scatter [tilespmem:s12], [sflag:$0x1], $0xB400, $0x38;
	[tilespmem:$0x1F800] =	vst v63  }
0x17b: {  	_ =	swait.ge [sflag:s4], $0xB400  }
0x17c: {  	s0 =	sld [smem:$0x7ED]  }
0x17d: {  	[sflag:s4] =	ssyncset.done $0x0  }
0x17e: {  	[sflag:s4] =	ssyncadd.s32 $0xFFFF4C00  }
0x17f: {  	[tilespmem:s2], [sflag:$0x1] =	stream.linear.gather [hbm4b:s0+s2], $0xB400, $0x38;
	[tilespmem:$0x1F800] =	vst v63  }
0x180: {  	_ =	swait.ge [sflag:s4], $0xB400  }
0x181: {  	s0 =	sld [smem:$0x7EE]  }
0x182: {  	[sflag:s4] =	ssyncset.done $0x0  }
0x183: {  	[sflag:s4] =	ssyncadd.s32 $0xFFFF4C00  }
0x184: {  	[hbm4b:s0+s2] =	stream.linear.scatter [tilespmem:s2], [sflag:$0x1], $0xB400, $0x38;
	[tilespmem:$0x1F800] =	vst v63  }
0x185: {  	_ =	swait.ge [sflag:s4], $0xB400  }
0x186: {  	s0 =	sld [smem:$0x7EF]  }
0x187: {  	[sflag:s4] =	ssyncset.done $0x0  }
0x188: {  	[sflag:s4] =	ssyncadd.s32 $0xFFFF4C00  }
0x189: {  	[tilespmem:s12], [sflag:$0x1] =	stream.linear.gather [hbm4b:s0+s2], $0xB400, $0x38;
	[tilespmem:$0x1F800] =	vst v63  }
0x18a: {  	_ =	swait.ge [sflag:s4], $0xB400  }
0x18b: {  	s0 =	sld [smem:$0x7F0]  }
0x18c: {  	[sflag:s4] =	ssyncset.done $0x0  }
0x18d: {  	[sflag:s4] =	ssyncadd.s32 $0xFFFF4C00  }
0x18e: {  	[hbm4b:s0+s2] =	stream.linear.scatter [tilespmem:s12], [sflag:$0x1], $0xB400, $0x38;
	[tilespmem:$0x1F800] =	vst v63  }
0x18f: {  	_ =	swait.ge [sflag:s4], $0xB400  }
0x190: {  	s0 =	sld [smem:$0x7F1]  }
0x191: {  	[sflag:s4] =	ssyncset.done $0x0  }
0x192: {  	[sflag:s4] =	ssyncadd.s32 $0xFFFF4C00  }
0x193: {  	[tilespmem:s2], [sflag:$0x1] =	stream.linear.gather [hbm4b:s0+s2], $0xB400, $0x38;
	[tilespmem:$0x1F800] =	vst v63  }
0x194: {  	_ =	swait.ge [sflag:s4], $0xB400  }
0x195: {  	s0 =	sld [smem:$0x7F2]  }
0x196: {  	[sflag:s4] =	ssyncset.done $0x0  }
0x197: {  	[sflag:s4] =	ssyncadd.s32 $0xFFFF4C00  }
0x198: {  	[hbm4b:s0+s2] =	stream.linear.scatter [tilespmem:s2], [sflag:$0x1], $0xB400, $0x38;
	[tilespmem:$0x1F800] =	vst v63  }
0x199: {  	_ =	swait.ge [sflag:s4], $0xB400  }
0x19a: {  	s0 =	sld [smem:$0x7F3]  }
0x19b: {  	[sflag:s4] =	ssyncset.done $0x0  }
0x19c: {  	[sflag:s4] =	ssyncadd.s32 $0xFFFF4C00  }
0x19d: {  	[tilespmem:s12], [sflag:$0x1] =	stream.linear.gather [hbm4b:s0+s2], $0xB400, $0x38;
	[tilespmem:$0x1F800] =	vst v63  }
0x19e: {  	_ =	swait.ge [sflag:s4], $0xB400  }
0x19f: {  	s0 =	sld [smem:$0x7F4]  }
0x1a0: {  	[sflag:s4] =	ssyncset.done $0x0  }
0x1a1: {  	[sflag:s4] =	ssyncadd.s32 $0xFFFF4C00  }
0x1a2: {  	[hbm4b:s0+s2] =	stream.linear.scatter [tilespmem:s12], [sflag:$0x1], $0xB400, $0x38;
	[tilespmem:$0x1F800] =	vst v63  }
0x1a3: {  	_ =	swait.ge [sflag:s4], $0xB400  }
0x1a4: {  	s0 =	sld [smem:$0x7F5]  }
0x1a5: {  	[sflag:s4] =	ssyncset.done $0x0  }
0x1a6: {  	[sflag:s4] =	ssyncadd.s32 $0xFFFF4C00  }
0x1a7: {  	[tilespmem:s2], [sflag:$0x1] =	stream.linear.gather [hbm4b:s0+s2], $0xB400, $0x38;
	[tilespmem:$0x1F800] =	vst v63  }
0x1a8: {  	_ =	swait.ge [sflag:s4], $0xB400  }
0x1a9: {  	s0 =	sld [smem:$0x7F6]  }
0x1aa: {  	[sflag:s4] =	ssyncset.done $0x0  }
0x1ab: {  	[sflag:s4] =	ssyncadd.s32 $0xFFFF4C00  }
0x1ac: {  	[hbm4b:s0+s2] =	stream.linear.scatter [tilespmem:s2], [sflag:$0x1], $0xB400, $0x38;
	[tilespmem:$0x1F800] =	vst v63  }
0x1ad: {  	_ =	swait.ge [sflag:s4], $0xB400  }
0x1ae: {  	s0 =	sld [smem:$0x7F7]  }
0x1af: {  	[sflag:s4] =	ssyncset.done $0x0  }
0x1b0: {  	[sflag:s4] =	ssyncadd.s32 $0xFFFF4C00  }
0x1b1: {  	[tilespmem:s12], [sflag:$0x1] =	stream.linear.gather [hbm4b:s0+s2], $0xB400, $0x38;
	[tilespmem:$0x1F800] =	vst v63  }
0x1b2: {  	_ =	swait.ge [sflag:s4], $0xB400  }
0x1b3: {  	s0 =	sld [smem:$0x7F8]  }
0x1b4: {  	[sflag:s4] =	ssyncset.done $0x0  }
0x1b5: {  	[sflag:s4] =	ssyncadd.s32 $0xFFFF4C00  }
0x1b6: {  	[hbm4b:s0+s2] =	stream.linear.scatter [tilespmem:s12], [sflag:$0x1], $0xB400, $0x38;
	[tilespmem:$0x1F800] =	vst v63  }
0x1b7: {  	_ =	swait.ge [sflag:s4], $0xB400  }
0x1b8: {  	s0 =	sld [smem:$0x7F9]  }
0x1b9: {  	[sflag:s4] =	ssyncset.done $0x0  }
0x1ba: {  	[sflag:s4] =	ssyncadd.s32 $0xFFFF4C00  }
0x1bb: {  	[tilespmem:s2], [sflag:$0x1] =	stream.linear.gather [hbm4b:s0+s2], $0xB400, $0x38;
	[tilespmem:$0x1F800] =	vst v63  }
0x1bc: {  	_ =	swait.ge [sflag:s4], $0xB400  }
0x1bd: {  	s0 =	sld [smem:$0x7FB]  }
0x1be: {  	[sflag:s4] =	ssyncset.done $0x0  }
0x1bf: {  	[sflag:s4] =	ssyncadd.s32 $0xFFFF4C00  }
0x1c0: {  	[hbm4b:s0+s2] =	stream.linear.scatter [tilespmem:s2], [sflag:$0x1], $0xB400, $0x38;
	[tilespmem:$0x1F800] =	vst v63  }
0x1c1: {  	_ =	swait.ge [sflag:s4], $0xB400  }
0x1c2: {  	s0 =	sld [smem:$0x7FC]  }
0x1c3: {  	[sflag:s4] =	ssyncset.done $0x0  }
0x1c4: {  	[sflag:s4] =	ssyncadd.s32 $0xFFFF4C00  }
0x1c5: {  	[tilespmem:s12], [sflag:$0x1] =	stream.linear.gather [hbm4b:s0+s2], $0xB400, $0x38;
	[tilespmem:$0x1F800] =	vst v63  }
0x1c6: {  	_ =	swait.ge [sflag:s4], $0xB400  }
0x1c7: {  	s0 =	sld [smem:$0x7FD]  }
0x1c8: {  	[sflag:s4] =	ssyncset.done $0x0  }
0x1c9: {  	[sflag:s4] =	ssyncadd.s32 $0xFFFF4C00  }
0x1ca: {  	[hbm4b:s0+s2] =	stream.linear.scatter [tilespmem:s12], [sflag:$0x1], $0xB400, $0x38;
	[tilespmem:$0x1F800] =	vst v63  }
0x1cb: {  	_ =	swait.ge [sflag:s4], $0xB400  }
0x1cc: {  	[sflag:s4] =	ssyncset.done $0x0  }
0x1cd: {  	[sflag:s4] =	ssyncadd.s32 $0xFFFF4C00  }
0x1ce: {  	[tilespmem:s2], [sflag:$0x1] =	stream.linear.gather [hbm4b:s30+s2], $0xB400, $0x38;
	[tilespmem:$0x1F800] =	vst v63  }
0x1cf: {  	_ =	swait.ge [sflag:s4], $0xB400  }
0x1d0: {  	[sflag:s4] =	ssyncset.done $0x0  }
0x1d1: {  	[sflag:s4] =	ssyncadd.s32 $0xFFFF4C00  }
0x1d2: {  	[hbm4b:s29+s2] =	stream.linear.scatter [tilespmem:s2], [sflag:$0x1], $0xB400, $0x38;
	[tilespmem:$0x1F800] =	vst v63  }
0x1d3: {  	_ =	swait.ge [sflag:s4], $0xB400  }
0x1d4: {  	[sflag:s4] =	ssyncset.done $0x0  }
0x1d5: {  	[sflag:s4] =	ssyncadd.s32 $0xFFFF4C00  }
0x1d6: {  	[tilespmem:s12], [sflag:$0x1] =	stream.linear.gather [hbm4b:s28+s2], $0xB400, $0x38;
	[tilespmem:$0x1F800] =	vst v63  }
0x1d7: {  	_ =	swait.ge [sflag:s4], $0xB400  }
0x1d8: {  	[sflag:s4] =	ssyncset.done $0x0  }
0x1d9: {  	[sflag:s4] =	ssyncadd.s32 $0xFFFF4C00  }
0x1da: {  	[hbm4b:s26+s2] =	stream.linear.scatter [tilespmem:s12], [sflag:$0x1], $0xB400, $0x38;
	[tilespmem:$0x1F800] =	vst v63  }
0x1db: {  	_ =	swait.ge [sflag:s4], $0xB400  }
0x1dc: {  	[sflag:s4] =	ssyncset.done $0x0  }
0x1dd: {  	[sflag:s4] =	ssyncadd.s32 $0xFFFF4C00  }
0x1de: {  	[tilespmem:s2], [sflag:$0x1] =	stream.linear.gather [hbm4b:s25+s2], $0xB400, $0x38;
	[tilespmem:$0x1F800] =	vst v63  }
0x1df: {  	_ =	swait.ge [sflag:s4], $0xB400  }
0x1e0: {  	[sflag:s4] =	ssyncset.done $0x0  }
0x1e1: {  	[sflag:s4] =	ssyncadd.s32 $0xFFFF4C00  }
0x1e2: {  	[hbm4b:s24+s2] =	stream.linear.scatter [tilespmem:s2], [sflag:$0x1], $0xB400, $0x38;
	[tilespmem:$0x1F800] =	vst v63  }
0x1e3: {  	_ =	swait.ge [sflag:s4], $0xB400  }
0x1e4: {  	[sflag:s4] =	ssyncset.done $0x0  }
0x1e5: {  	[sflag:s4] =	ssyncadd.s32 $0xFFFF4C00  }
0x1e6: {  	[tilespmem:s12], [sflag:$0x1] =	stream.linear.gather [hbm4b:s23+s2], $0xB400, $0x38;
	[tilespmem:$0x1F800] =	vst v63  }
0x1e7: {  	_ =	swait.ge [sflag:s4], $0xB400  }
0x1e8: {  	[sflag:s4] =	ssyncset.done $0x0  }
0x1e9: {  	[sflag:s4] =	ssyncadd.s32 $0xFFFF4C00  }
0x1ea: {  	[hbm4b:s22+s2] =	stream.linear.scatter [tilespmem:s12], [sflag:$0x1], $0xB400, $0x38;
	[tilespmem:$0x1F800] =	vst v63  }
0x1eb: {  	_ =	swait.ge [sflag:s4], $0xB400  }
0x1ec: {  	[sflag:s4] =	ssyncset.done $0x0  }
0x1ed: {  	[sflag:s4] =	ssyncadd.s32 $0xFFFF4C00  }
0x1ee: {  	[tilespmem:s2], [sflag:$0x1] =	stream.linear.gather [hbm4b:s21+s2], $0xB400, $0x38;
	[tilespmem:$0x1F800] =	vst v63  }
0x1ef: {  	_ =	swait.ge [sflag:s4], $0xB400  }
0x1f0: {  	[sflag:s4] =	ssyncset.done $0x0  }
0x1f1: {  	[sflag:s4] =	ssyncadd.s32 $0xFFFF4C00  }
0x1f2: {  	[hbm4b:s20+s2] =	stream.linear.scatter [tilespmem:s2], [sflag:$0x1], $0xB400, $0x38;
	[tilespmem:$0x1F800] =	vst v63  }
0x1f3: {  	_ =	swait.ge [sflag:s4], $0xB400  }
0x1f4: {  	[sflag:s4] =	ssyncset.done $0x0  }
0x1f5: {  	[sflag:s4] =	ssyncadd.s32 $0xFFFF4C00  }
0x1f6: {  	[tilespmem:s12], [sflag:$0x1] =	stream.linear.gather [hbm4b:s19+s2], $0xB400, $0x38;
	[tilespmem:$0x1F800] =	vst v63  }
0x1f7: {  	_ =	swait.ge [sflag:s4], $0xB400  }
0x1f8: {  	[sflag:s4] =	ssyncset.done $0x0  }
0x1f9: {  	[sflag:s4] =	ssyncadd.s32 $0xFFFF4C00  }
0x1fa: {  	[hbm4b:s18+s2] =	stream.linear.scatter [tilespmem:s12], [sflag:$0x1], $0xB400, $0x38;
	[tilespmem:$0x1F800] =	vst v63  }
0x1fb: {  	_ =	swait.ge [sflag:s4], $0xB400  }
0x1fc: {  	[sflag:s4] =	ssyncset.done $0x0  }
0x1fd: {  	[sflag:s4] =	ssyncadd.s32 $0xFFFF4C00  }
0x1fe: {  	[tilespmem:s2], [sflag:$0x1] =	stream.linear.gather [hbm4b:s17+s2], $0xB400, $0x38;
	[tilespmem:$0x1F800] =	vst v63  }
0x1ff: {  	_ =	swait.ge [sflag:s4], $0xB400  }
0x200: {  	[sflag:s4] =	ssyncset.done $0x0  }
0x201: {  	[sflag:s4] =	ssyncadd.s32 $0xFFFF4C00  }
0x202: {  	[hbm4b:s15+s2] =	stream.linear.scatter [tilespmem:s2], [sflag:$0x1], $0xB400, $0x38;
	[tilespmem:$0x1F800] =	vst v63  }
0x203: {  	_ =	swait.ge [sflag:s4], $0xB400  }
0x204: {  	[sflag:s4] =	ssyncset.done $0x0  }
0x205: {  	[sflag:s4] =	ssyncadd.s32 $0xFFFF4C00  }
0x206: {  	[tilespmem:s12], [sflag:$0x1] =	stream.linear.gather [hbm4b:s13+s2], $0xB400, $0x38;
	[tilespmem:$0x1F800] =	vst v63  }
0x207: {  	_ =	swait.ge [sflag:s4], $0xB400  }
0x208: {  	[sflag:s4] =	ssyncset.done $0x0  }
0x209: {  	[sflag:s4] =	ssyncadd.s32 $0xFFFF4C00  }
0x20a: {  	[hbm4b:s16+s2] =	stream.linear.scatter [tilespmem:s12], [sflag:$0x1], $0xB400, $0x38;
	[tilespmem:$0x1F800] =	vst v63  }
0x20b: {  	_ =	swait.ge [sflag:s4], $0xB400  }
0x20c: {  	[sflag:s4] =	ssyncset.done $0x0  }
0x20d: {  	[sflag:s4] =	ssyncadd.s32 $0xFFFF4C00  }
0x20e: {  	[tilespmem:s2], [sflag:$0x1] =	stream.linear.gather [hbm4b:s10+s2], $0xB400, $0x38;
	[tilespmem:$0x1F800] =	vst v63  }
0x20f: {  	_ =	swait.ge [sflag:s4], $0xB400  }
0x210: {  	[sflag:s4] =	ssyncset.done $0x0  }
0x211: {  	[sflag:s4] =	ssyncadd.s32 $0xFFFF4C00  }
0x212: {  	[hbm4b:s14+s2] =	stream.linear.scatter [tilespmem:s2], [sflag:$0x1], $0xB400, $0x38;
	[tilespmem:$0x1F800] =	vst v63  }
0x213: {  	_ =	swait.ge [sflag:s4], $0xB400  }
0x214: {  	[sflag:s4] =	ssyncset.done $0x0  }
0x215: {  	[sflag:s4] =	ssyncadd.s32 $0xFFFF4C00  }
0x216: {  	[tilespmem:s12], [sflag:$0x1] =	stream.linear.gather [hbm4b:s9+s2], $0xB400, $0x38;
	[tilespmem:$0x1F800] =	vst v63  }
0x217: {  	_ =	swait.ge [sflag:s4], $0xB400  }
0x218: {  	[sflag:s4] =	ssyncset.done $0x0  }
0x219: {  	[sflag:s4] =	ssyncadd.s32 $0xFFFF4C00  }
0x21a: {  	[hbm4b:s11+s2] =	stream.linear.scatter [tilespmem:s12], [sflag:$0x1], $0xB400, $0x38;
	[tilespmem:$0x1F800] =	vst v63  }
0x21b: {  	_ =	swait.ge [sflag:s4], $0xB400  }
0x21c: {  	[sflag:s4] =	ssyncset.done $0x0  }
0x21d: {  	[sflag:s4] =	ssyncadd.s32 $0xFFFF4C00  }
0x21e: {  	[tilespmem:s8], [sflag:$0x1] =	stream.linear.gather [hbm4b:s7+s2], $0x9000, $0x38;
	[tilespmem:$0x1F800] =	vst v63  }
0x21f: {  	_ =	swait.ge [sflag:s4], $0x9000  }
0x220: {  	[sflag:s4] =	ssyncset.done $0x0  }
0x221: {  	[sflag:s4] =	ssyncadd.s32 $0xFFFF7000  }
0x222: {  	[hbm4b:s5+s2] =	stream.linear.scatter [tilespmem:s8], [sflag:$0x1], $0x9000, $0x38;
	[tilespmem:$0x1F800] =	vst v63  }
0x223: {  	_ =	swait.ge [sflag:s4], $0x9000  }
0x224: {  	[sflag:s4] =	ssyncset.done $0x0  }
0x225: {  	[sflag:s4] =	ssyncadd.s32 $0xFFFF7000  }
0x226: {  	[tilespmem:s8], [sflag:$0x1] =	stream.linear.gather [hbm4b:s3+s2], $0x9000, $0x38;
	[tilespmem:$0x1F800] =	vst v63  }
0x227: {  	p1 =	sne.s32 s1, $0x1;
	_ =	swait.ge [sflag:s4], $0x9000  }
.Ltmp1:
0x228: {  	[sflag:s4] =	ssyncset.done $0x0;
	(pc) =	sbr.rel @!p1 .LBB2_3-.Ltmp1, $4  }
0x229: {  	[sflag:s4] =	ssyncadd.s32 $0xFFFF7000  }
0x22a: {  	[hbm4b:s6+s2] =	stream.linear.scatter [tilespmem:s8], [sflag:$0x1], $0x9000, $0x38;
	[tilespmem:$0x1F800] =	vst v63  }
0x22b: {  	s1 =	sadd.s32 $0xFFFFFFFF, s1;
	_ =	swait.ge [sflag:s4], $0x9000  }
0x22c: {  	p0 =	por $0x1, $0x1;
	s0 =	rddreg [dreg:$0x3];
	[sflag:s4] =	ssyncset.done $0x0  }
.LBB2_2:
0x22d: {  	[sflag:s4] =	ssyncadd.s32 $0xFFFF7000  }
0x22e: {  	[tilespmem:s2], [sflag:$0x1] =	stream.linear.gather [hbm4b:s0+s2], $0xB400, $0x38;
	[tilespmem:$0x1F800] =	vst v63  }
0x22f: {  	_ =	swait.ge [sflag:s4], $0xB400  }
0x230: {  	[sflag:s4] =	ssyncset.done $0x0  }
0x231: {  	[sflag:s4] =	ssyncadd.s32 $0xFFFF4C00  }
0x232: {  	[hbm4b:s31+s2] =	stream.linear.scatter [tilespmem:s2], [sflag:$0x1], $0xB400, $0x38;
	[tilespmem:$0x1F800] =	vst v63  }
0x233: {  	_ =	swait.ge [sflag:s4], $0xB400  }
0x234: {  	[sflag:s4] =	ssyncset.done $0x0  }
0x235: {  	s0 =	rddreg [dreg:$0x4];
	[sflag:s4] =	ssyncadd.s32 $0xFFFF4C00  }
0x236: {  	[tilespmem:s12], [sflag:$0x1] =	stream.linear.gather [hbm4b:s0+s2], $0xB400, $0x38;
	[tilespmem:$0x1F800] =	vst v63  }
0x237: {  	_ =	swait.ge [sflag:s4], $0xB400  }
0x238: {  	[sflag:s4] =	ssyncset.done $0x0  }
0x239: {  	s0 =	rddreg [dreg:$0x5];
	[sflag:s4] =	ssyncadd.s32 $0xFFFF4C00  }
0x23a: {  	[hbm4b:s0+s2] =	stream.linear.scatter [tilespmem:s12], [sflag:$0x1], $0xB400, $0x38;
	[tilespmem:$0x1F800] =	vst v63  }
0x23b: {  	_ =	swait.ge [sflag:s4], $0xB400  }
0x23c: {  	[sflag:s4] =	ssyncset.done $0x0  }
0x23d: {  	s0 =	rddreg [dreg:$0x6];
	[sflag:s4] =	ssyncadd.s32 $0xFFFF4C00  }
0x23e: {  	[tilespmem:s2], [sflag:$0x1] =	stream.linear.gather [hbm4b:s0+s2], $0xB400, $0x38;
	[tilespmem:$0x1F800] =	vst v63  }
0x23f: {  	_ =	swait.ge [sflag:s4], $0xB400  }
0x240: {  	[sflag:s4] =	ssyncset.done $0x0  }
0x241: {  	s0 =	rddreg [dreg:$0x7];
	[sflag:s4] =	ssyncadd.s32 $0xFFFF4C00  }
0x242: {  	[hbm4b:s0+s2] =	stream.linear.scatter [tilespmem:s2], [sflag:$0x1], $0xB400, $0x38;
	[tilespmem:$0x1F800] =	vst v63  }
0x243: {  	_ =	swait.ge [sflag:s4], $0xB400  }
0x244: {  	[sflag:s4] =	ssyncset.done $0x0  }
0x245: {  	s0 =	rddreg [dreg:$0x8];
	[sflag:s4] =	ssyncadd.s32 $0xFFFF4C00  }
0x246: {  	[tilespmem:s12], [sflag:$0x1] =	stream.linear.gather [hbm4b:s0+s2], $0xB400, $0x38;
	[tilespmem:$0x1F800] =	vst v63  }
0x247: {  	_ =	swait.ge [sflag:s4], $0xB400  }
0x248: {  	[sflag:s4] =	ssyncset.done $0x0  }
0x249: {  	s0 =	rddreg [dreg:$0x9];
	[sflag:s4] =	ssyncadd.s32 $0xFFFF4C00  }
0x24a: {  	[hbm4b:s0+s2] =	stream.linear.scatter [tilespmem:s12], [sflag:$0x1], $0xB400, $0x38;
	[tilespmem:$0x1F800] =	vst v63  }
0x24b: {  	_ =	swait.ge [sflag:s4], $0xB400  }
0x24c: {  	[sflag:s4] =	ssyncset.done $0x0  }
0x24d: {  	s0 =	rddreg [dreg:$0xa];
	[sflag:s4] =	ssyncadd.s32 $0xFFFF4C00  }
0x24e: {  	[tilespmem:s2], [sflag:$0x1] =	stream.linear.gather [hbm4b:s0+s2], $0xB400, $0x38;
	[tilespmem:$0x1F800] =	vst v63  }
0x24f: {  	_ =	swait.ge [sflag:s4], $0xB400  }
0x250: {  	[sflag:s4] =	ssyncset.done $0x0  }
0x251: {  	s0 =	rddreg [dreg:$0xb];
	[sflag:s4] =	ssyncadd.s32 $0xFFFF4C00  }
0x252: {  	[hbm4b:s0+s2] =	stream.linear.scatter [tilespmem:s2], [sflag:$0x1], $0xB400, $0x38;
	[tilespmem:$0x1F800] =	vst v63  }
0x253: {  	_ =	swait.ge [sflag:s4], $0xB400  }
0x254: {  	[sflag:s4] =	ssyncset.done $0x0  }
0x255: {  	s0 =	rddreg [dreg:$0xc];
	[sflag:s4] =	ssyncadd.s32 $0xFFFF4C00  }
0x256: {  	[tilespmem:s12], [sflag:$0x1] =	stream.linear.gather [hbm4b:s0+s2], $0xB400, $0x38;
	[tilespmem:$0x1F800] =	vst v63  }
0x257: {  	_ =	swait.ge [sflag:s4], $0xB400  }
0x258: {  	[sflag:s4] =	ssyncset.done $0x0  }
0x259: {  	s0 =	rddreg [dreg:$0xd];
	[sflag:s4] =	ssyncadd.s32 $0xFFFF4C00  }
0x25a: {  	[hbm4b:s0+s2] =	stream.linear.scatter [tilespmem:s12], [sflag:$0x1], $0xB400, $0x38;
	[tilespmem:$0x1F800] =	vst v63  }
0x25b: {  	_ =	swait.ge [sflag:s4], $0xB400  }
0x25c: {  	[sflag:s4] =	ssyncset.done $0x0  }
0x25d: {  	s0 =	rddreg [dreg:$0xe];
	[sflag:s4] =	ssyncadd.s32 $0xFFFF4C00  }
0x25e: {  	[tilespmem:s2], [sflag:$0x1] =	stream.linear.gather [hbm4b:s0+s2], $0xB400, $0x38;
	[tilespmem:$0x1F800] =	vst v63  }
0x25f: {  	_ =	swait.ge [sflag:s4], $0xB400  }
0x260: {  	[sflag:s4] =	ssyncset.done $0x0  }
0x261: {  	s0 =	rddreg [dreg:$0xf];
	[sflag:s4] =	ssyncadd.s32 $0xFFFF4C00  }
0x262: {  	[hbm4b:s0+s2] =	stream.linear.scatter [tilespmem:s2], [sflag:$0x1], $0xB400, $0x38;
	[tilespmem:$0x1F800] =	vst v63  }
0x263: {  	_ =	swait.ge [sflag:s4], $0xB400  }
0x264: {  	[sflag:s4] =	ssyncset.done $0x0  }
0x265: {  	s0 =	rddreg [dreg:$0x10];
	[sflag:s4] =	ssyncadd.s32 $0xFFFF4C00  }
0x266: {  	[tilespmem:s12], [sflag:$0x1] =	stream.linear.gather [hbm4b:s0+s2], $0xB400, $0x38;
	[tilespmem:$0x1F800] =	vst v63  }
0x267: {  	_ =	swait.ge [sflag:s4], $0xB400  }
0x268: {  	[sflag:s4] =	ssyncset.done $0x0  }
0x269: {  	s0 =	rddreg [dreg:$0x11];
	[sflag:s4] =	ssyncadd.s32 $0xFFFF4C00  }
0x26a: {  	[hbm4b:s0+s2] =	stream.linear.scatter [tilespmem:s12], [sflag:$0x1], $0xB400, $0x38;
	[tilespmem:$0x1F800] =	vst v63  }
0x26b: {  	_ =	swait.ge [sflag:s4], $0xB400  }
0x26c: {  	[sflag:s4] =	ssyncset.done $0x0  }
0x26d: {  	s0 =	rddreg [dreg:$0x12];
	[sflag:s4] =	ssyncadd.s32 $0xFFFF4C00  }
0x26e: {  	[tilespmem:s2], [sflag:$0x1] =	stream.linear.gather [hbm4b:s0+s2], $0xB400, $0x38;
	[tilespmem:$0x1F800] =	vst v63  }
0x26f: {  	_ =	swait.ge [sflag:s4], $0xB400  }
0x270: {  	[sflag:s4] =	ssyncset.done $0x0  }
0x271: {  	s0 =	rddreg [dreg:$0x13];
	[sflag:s4] =	ssyncadd.s32 $0xFFFF4C00  }
0x272: {  	[hbm4b:s0+s2] =	stream.linear.scatter [tilespmem:s2], [sflag:$0x1], $0xB400, $0x38;
	[tilespmem:$0x1F800] =	vst v63  }
0x273: {  	_ =	swait.ge [sflag:s4], $0xB400  }
0x274: {  	[sflag:s4] =	ssyncset.done $0x0  }
0x275: {  	s0 =	rddreg [dreg:$0x14];
	[sflag:s4] =	ssyncadd.s32 $0xFFFF4C00  }
0x276: {  	[tilespmem:s12], [sflag:$0x1] =	stream.linear.gather [hbm4b:s0+s2], $0xB400, $0x38;
	[tilespmem:$0x1F800] =	vst v63  }
0x277: {  	_ =	swait.ge [sflag:s4], $0xB400  }
0x278: {  	[sflag:s4] =	ssyncset.done $0x0  }
0x279: {  	s0 =	rddreg [dreg:$0x15];
	[sflag:s4] =	ssyncadd.s32 $0xFFFF4C00  }
0x27a: {  	[hbm4b:s0+s2] =	stream.linear.scatter [tilespmem:s12], [sflag:$0x1], $0xB400, $0x38;
	[tilespmem:$0x1F800] =	vst v63  }
0x27b: {  	_ =	swait.ge [sflag:s4], $0xB400  }
0x27c: {  	[sflag:s4] =	ssyncset.done $0x0  }
0x27d: {  	s0 =	rddreg [dreg:$0x16];
	[sflag:s4] =	ssyncadd.s32 $0xFFFF4C00  }
0x27e: {  	[tilespmem:s2], [sflag:$0x1] =	stream.linear.gather [hbm4b:s0+s2], $0xB400, $0x38;
	[tilespmem:$0x1F800] =	vst v63  }
0x27f: {  	_ =	swait.ge [sflag:s4], $0xB400  }
0x280: {  	[sflag:s4] =	ssyncset.done $0x0  }
0x281: {  	s0 =	rddreg [dreg:$0x17];
	[sflag:s4] =	ssyncadd.s32 $0xFFFF4C00  }
0x282: {  	[hbm4b:s0+s2] =	stream.linear.scatter [tilespmem:s2], [sflag:$0x1], $0xB400, $0x38;
	[tilespmem:$0x1F800] =	vst v63  }
0x283: {  	_ =	swait.ge [sflag:s4], $0xB400  }
0x284: {  	[sflag:s4] =	ssyncset.done $0x0  }
0x285: {  	s0 =	rddreg [dreg:$0x18];
	[sflag:s4] =	ssyncadd.s32 $0xFFFF4C00  }
0x286: {  	[tilespmem:s12], [sflag:$0x1] =	stream.linear.gather [hbm4b:s0+s2], $0xB400, $0x38;
	[tilespmem:$0x1F800] =	vst v63  }
0x287: {  	_ =	swait.ge [sflag:s4], $0xB400  }
0x288: {  	[sflag:s4] =	ssyncset.done $0x0  }
0x289: {  	s0 =	rddreg [dreg:$0x19];
	[sflag:s4] =	ssyncadd.s32 $0xFFFF4C00  }
0x28a: {  	[hbm4b:s0+s2] =	stream.linear.scatter [tilespmem:s12], [sflag:$0x1], $0xB400, $0x38;
	[tilespmem:$0x1F800] =	vst v63  }
0x28b: {  	_ =	swait.ge [sflag:s4], $0xB400  }
0x28c: {  	[sflag:s4] =	ssyncset.done $0x0  }
0x28d: {  	s0 =	rddreg [dreg:$0x1a];
	[sflag:s4] =	ssyncadd.s32 $0xFFFF4C00  }
0x28e: {  	[tilespmem:s2], [sflag:$0x1] =	stream.linear.gather [hbm4b:s0+s2], $0xB400, $0x38;
	[tilespmem:$0x1F800] =	vst v63  }
0x28f: {  	_ =	swait.ge [sflag:s4], $0xB400  }
0x290: {  	[sflag:s4] =	ssyncset.done $0x0  }
0x291: {  	s0 =	rddreg [dreg:$0x1b];
	[sflag:s4] =	ssyncadd.s32 $0xFFFF4C00  }
0x292: {  	[hbm4b:s0+s2] =	stream.linear.scatter [tilespmem:s2], [sflag:$0x1], $0xB400, $0x38;
	[tilespmem:$0x1F800] =	vst v63  }
0x293: {  	_ =	swait.ge [sflag:s4], $0xB400  }
0x294: {  	[sflag:s4] =	ssyncset.done $0x0  }
0x295: {  	s0 =	rddreg [dreg:$0x1c];
	[sflag:s4] =	ssyncadd.s32 $0xFFFF4C00  }
0x296: {  	[tilespmem:s12], [sflag:$0x1] =	stream.linear.gather [hbm4b:s0+s2], $0xB400, $0x38;
	[tilespmem:$0x1F800] =	vst v63  }
0x297: {  	_ =	swait.ge [sflag:s4], $0xB400  }
0x298: {  	[sflag:s4] =	ssyncset.done $0x0  }
0x299: {  	s0 =	rddreg [dreg:$0x1d];
	[sflag:s4] =	ssyncadd.s32 $0xFFFF4C00  }
0x29a: {  	[hbm4b:s0+s2] =	stream.linear.scatter [tilespmem:s12], [sflag:$0x1], $0xB400, $0x38;
	[tilespmem:$0x1F800] =	vst v63  }
0x29b: {  	_ =	swait.ge [sflag:s4], $0xB400  }
0x29c: {  	[sflag:s4] =	ssyncset.done $0x0  }
0x29d: {  	s0 =	rddreg [dreg:$0x1e];
	[sflag:s4] =	ssyncadd.s32 $0xFFFF4C00  }
0x29e: {  	[tilespmem:s2], [sflag:$0x1] =	stream.linear.gather [hbm4b:s0+s2], $0xB400, $0x38;
	[tilespmem:$0x1F800] =	vst v63  }
0x29f: {  	_ =	swait.ge [sflag:s4], $0xB400  }
0x2a0: {  	[sflag:s4] =	ssyncset.done $0x0  }
0x2a1: {  	s0 =	rddreg [dreg:$0x1f];
	[sflag:s4] =	ssyncadd.s32 $0xFFFF4C00  }
0x2a2: {  	[hbm4b:s0+s2] =	stream.linear.scatter [tilespmem:s2], [sflag:$0x1], $0xB400, $0x38;
	[tilespmem:$0x1F800] =	vst v63  }
0x2a3: {  	_ =	swait.ge [sflag:s4], $0xB400  }
0x2a4: {  	s0 =	sld [smem:$0x7CB]  }
0x2a5: {  	[sflag:s4] =	ssyncset.done $0x0  }
0x2a6: {  	[sflag:s4] =	ssyncadd.s32 $0xFFFF4C00  }
0x2a7: {  	[tilespmem:s12], [sflag:$0x1] =	stream.linear.gather [hbm4b:s0+s2], $0xB400, $0x38;
	[tilespmem:$0x1F800] =	vst v63  }
0x2a8: {  	_ =	swait.ge [sflag:s4], $0xB400  }
0x2a9: {  	s0 =	sld [smem:$0x7CC]  }
0x2aa: {  	[sflag:s4] =	ssyncset.done $0x0  }
0x2ab: {  	[sflag:s4] =	ssyncadd.s32 $0xFFFF4C00  }
0x2ac: {  	[hbm4b:s0+s2] =	stream.linear.scatter [tilespmem:s12], [sflag:$0x1], $0xB400, $0x38;
	[tilespmem:$0x1F800] =	vst v63  }
0x2ad: {  	_ =	swait.ge [sflag:s4], $0xB400  }
0x2ae: {  	s0 =	sld [smem:$0x7CD]  }
0x2af: {  	[sflag:s4] =	ssyncset.done $0x0  }
0x2b0: {  	[sflag:s4] =	ssyncadd.s32 $0xFFFF4C00  }
0x2b1: {  	[tilespmem:s2], [sflag:$0x1] =	stream.linear.gather [hbm4b:s0+s2], $0xB400, $0x38;
	[tilespmem:$0x1F800] =	vst v63  }
0x2b2: {  	_ =	swait.ge [sflag:s4], $0xB400  }
0x2b3: {  	s0 =	sld [smem:$0x7CE]  }
0x2b4: {  	[sflag:s4] =	ssyncset.done $0x0  }
0x2b5: {  	[sflag:s4] =	ssyncadd.s32 $0xFFFF4C00  }
0x2b6: {  	[hbm4b:s0+s2] =	stream.linear.scatter [tilespmem:s2], [sflag:$0x1], $0xB400, $0x38;
	[tilespmem:$0x1F800] =	vst v63  }
0x2b7: {  	_ =	swait.ge [sflag:s4], $0xB400  }
0x2b8: {  	s0 =	sld [smem:$0x7CF]  }
0x2b9: {  	[sflag:s4] =	ssyncset.done $0x0  }
0x2ba: {  	[sflag:s4] =	ssyncadd.s32 $0xFFFF4C00  }
0x2bb: {  	[tilespmem:s12], [sflag:$0x1] =	stream.linear.gather [hbm4b:s0+s2], $0xB400, $0x38;
	[tilespmem:$0x1F800] =	vst v63  }
0x2bc: {  	_ =	swait.ge [sflag:s4], $0xB400  }
0x2bd: {  	s0 =	sld [smem:$0x7D0]  }
0x2be: {  	[sflag:s4] =	ssyncset.done $0x0  }
0x2bf: {  	[sflag:s4] =	ssyncadd.s32 $0xFFFF4C00  }
0x2c0: {  	[hbm4b:s0+s2] =	stream.linear.scatter [tilespmem:s12], [sflag:$0x1], $0xB400, $0x38;
	[tilespmem:$0x1F800] =	vst v63  }
0x2c1: {  	_ =	swait.ge [sflag:s4], $0xB400  }
0x2c2: {  	s0 =	sld [smem:$0x7D1]  }
0x2c3: {  	[sflag:s4] =	ssyncset.done $0x0  }
0x2c4: {  	[sflag:s4] =	ssyncadd.s32 $0xFFFF4C00  }
0x2c5: {  	[tilespmem:s2], [sflag:$0x1] =	stream.linear.gather [hbm4b:s0+s2], $0xB400, $0x38;
	[tilespmem:$0x1F800] =	vst v63  }
0x2c6: {  	_ =	swait.ge [sflag:s4], $0xB400  }
0x2c7: {  	s0 =	sld [smem:$0x7D2]  }
0x2c8: {  	[sflag:s4] =	ssyncset.done $0x0  }
0x2c9: {  	[sflag:s4] =	ssyncadd.s32 $0xFFFF4C00  }
0x2ca: {  	[hbm4b:s0+s2] =	stream.linear.scatter [tilespmem:s2], [sflag:$0x1], $0xB400, $0x38;
	[tilespmem:$0x1F800] =	vst v63  }
0x2cb: {  	_ =	swait.ge [sflag:s4], $0xB400  }
0x2cc: {  	s0 =	sld [smem:$0x7D3]  }
0x2cd: {  	[sflag:s4] =	ssyncset.done $0x0  }
0x2ce: {  	[sflag:s4] =	ssyncadd.s32 $0xFFFF4C00  }
0x2cf: {  	[tilespmem:s12], [sflag:$0x1] =	stream.linear.gather [hbm4b:s0+s2], $0xB400, $0x38;
	[tilespmem:$0x1F800] =	vst v63  }
0x2d0: {  	_ =	swait.ge [sflag:s4], $0xB400  }
0x2d1: {  	s0 =	sld [smem:$0x7D4]  }
0x2d2: {  	[sflag:s4] =	ssyncset.done $0x0  }
0x2d3: {  	[sflag:s4] =	ssyncadd.s32 $0xFFFF4C00  }
0x2d4: {  	[hbm4b:s0+s2] =	stream.linear.scatter [tilespmem:s12], [sflag:$0x1], $0xB400, $0x38;
	[tilespmem:$0x1F800] =	vst v63  }
0x2d5: {  	_ =	swait.ge [sflag:s4], $0xB400  }
0x2d6: {  	s0 =	sld [smem:$0x7D5]  }
0x2d7: {  	[sflag:s4] =	ssyncset.done $0x0  }
0x2d8: {  	[sflag:s4] =	ssyncadd.s32 $0xFFFF4C00  }
0x2d9: {  	[tilespmem:s2], [sflag:$0x1] =	stream.linear.gather [hbm4b:s0+s2], $0xB400, $0x38;
	[tilespmem:$0x1F800] =	vst v63  }
0x2da: {  	_ =	swait.ge [sflag:s4], $0xB400  }
0x2db: {  	s0 =	sld [smem:$0x7D6]  }
0x2dc: {  	[sflag:s4] =	ssyncset.done $0x0  }
0x2dd: {  	[sflag:s4] =	ssyncadd.s32 $0xFFFF4C00  }
0x2de: {  	[hbm4b:s0+s2] =	stream.linear.scatter [tilespmem:s2], [sflag:$0x1], $0xB400, $0x38;
	[tilespmem:$0x1F800] =	vst v63  }
0x2df: {  	_ =	swait.ge [sflag:s4], $0xB400  }
0x2e0: {  	s0 =	sld [smem:$0x7D7]  }
0x2e1: {  	[sflag:s4] =	ssyncset.done $0x0  }
0x2e2: {  	[sflag:s4] =	ssyncadd.s32 $0xFFFF4C00  }
0x2e3: {  	[tilespmem:s12], [sflag:$0x1] =	stream.linear.gather [hbm4b:s0+s2], $0xB400, $0x38;
	[tilespmem:$0x1F800] =	vst v63  }
0x2e4: {  	_ =	swait.ge [sflag:s4], $0xB400  }
0x2e5: {  	s0 =	sld [smem:$0x7D8]  }
0x2e6: {  	[sflag:s4] =	ssyncset.done $0x0  }
0x2e7: {  	[sflag:s4] =	ssyncadd.s32 $0xFFFF4C00  }
0x2e8: {  	[hbm4b:s0+s2] =	stream.linear.scatter [tilespmem:s12], [sflag:$0x1], $0xB400, $0x38;
	[tilespmem:$0x1F800] =	vst v63  }
0x2e9: {  	_ =	swait.ge [sflag:s4], $0xB400  }
0x2ea: {  	s0 =	sld [smem:$0x7D9]  }
0x2eb: {  	[sflag:s4] =	ssyncset.done $0x0  }
0x2ec: {  	[sflag:s4] =	ssyncadd.s32 $0xFFFF4C00  }
0x2ed: {  	[tilespmem:s2], [sflag:$0x1] =	stream.linear.gather [hbm4b:s0+s2], $0xB400, $0x38;
	[tilespmem:$0x1F800] =	vst v63  }
0x2ee: {  	_ =	swait.ge [sflag:s4], $0xB400  }
0x2ef: {  	s0 =	sld [smem:$0x7DA]  }
0x2f0: {  	[sflag:s4] =	ssyncset.done $0x0  }
0x2f1: {  	[sflag:s4] =	ssyncadd.s32 $0xFFFF4C00  }
0x2f2: {  	[hbm4b:s0+s2] =	stream.linear.scatter [tilespmem:s2], [sflag:$0x1], $0xB400, $0x38;
	[tilespmem:$0x1F800] =	vst v63  }
0x2f3: {  	_ =	swait.ge [sflag:s4], $0xB400  }
0x2f4: {  	s0 =	sld [smem:$0x7DB]  }
0x2f5: {  	[sflag:s4] =	ssyncset.done $0x0  }
0x2f6: {  	[sflag:s4] =	ssyncadd.s32 $0xFFFF4C00  }
0x2f7: {  	[tilespmem:s12], [sflag:$0x1] =	stream.linear.gather [hbm4b:s0+s2], $0xB400, $0x38;
	[tilespmem:$0x1F800] =	vst v63  }
0x2f8: {  	_ =	swait.ge [sflag:s4], $0xB400  }
0x2f9: {  	s0 =	sld [smem:$0x7DC]  }
0x2fa: {  	[sflag:s4] =	ssyncset.done $0x0  }
0x2fb: {  	[sflag:s4] =	ssyncadd.s32 $0xFFFF4C00  }
0x2fc: {  	[hbm4b:s0+s2] =	stream.linear.scatter [tilespmem:s12], [sflag:$0x1], $0xB400, $0x38;
	[tilespmem:$0x1F800] =	vst v63  }
0x2fd: {  	_ =	swait.ge [sflag:s4], $0xB400  }
0x2fe: {  	s0 =	sld [smem:$0x7DD]  }
0x2ff: {  	[sflag:s4] =	ssyncset.done $0x0  }
0x300: {  	[sflag:s4] =	ssyncadd.s32 $0xFFFF4C00  }
0x301: {  	[tilespmem:s2], [sflag:$0x1] =	stream.linear.gather [hbm4b:s0+s2], $0xB400, $0x38;
	[tilespmem:$0x1F800] =	vst v63  }
0x302: {  	_ =	swait.ge [sflag:s4], $0xB400  }
0x303: {  	s0 =	sld [smem:$0x7DE]  }
0x304: {  	[sflag:s4] =	ssyncset.done $0x0  }
0x305: {  	[sflag:s4] =	ssyncadd.s32 $0xFFFF4C00  }
0x306: {  	[hbm4b:s0+s2] =	stream.linear.scatter [tilespmem:s2], [sflag:$0x1], $0xB400, $0x38;
	[tilespmem:$0x1F800] =	vst v63  }
0x307: {  	_ =	swait.ge [sflag:s4], $0xB400  }
0x308: {  	s0 =	sld [smem:$0x7DF]  }
0x309: {  	[sflag:s4] =	ssyncset.done $0x0  }
0x30a: {  	[sflag:s4] =	ssyncadd.s32 $0xFFFF4C00  }
0x30b: {  	[tilespmem:s12], [sflag:$0x1] =	stream.linear.gather [hbm4b:s0+s2], $0xB400, $0x38;
	[tilespmem:$0x1F800] =	vst v63  }
0x30c: {  	_ =	swait.ge [sflag:s4], $0xB400  }
0x30d: {  	s0 =	sld [smem:$0x7E0]  }
0x30e: {  	[sflag:s4] =	ssyncset.done $0x0  }
0x30f: {  	[sflag:s4] =	ssyncadd.s32 $0xFFFF4C00  }
0x310: {  	[hbm4b:s0+s2] =	stream.linear.scatter [tilespmem:s12], [sflag:$0x1], $0xB400, $0x38;
	[tilespmem:$0x1F800] =	vst v63  }
0x311: {  	_ =	swait.ge [sflag:s4], $0xB400  }
0x312: {  	s0 =	sld [smem:$0x7E1]  }
0x313: {  	[sflag:s4] =	ssyncset.done $0x0  }
0x314: {  	[sflag:s4] =	ssyncadd.s32 $0xFFFF4C00  }
0x315: {  	[tilespmem:s2], [sflag:$0x1] =	stream.linear.gather [hbm4b:s0+s2], $0xB400, $0x38;
	[tilespmem:$0x1F800] =	vst v63  }
0x316: {  	_ =	swait.ge [sflag:s4], $0xB400  }
0x317: {  	s0 =	sld [smem:$0x7E2]  }
0x318: {  	[sflag:s4] =	ssyncset.done $0x0  }
0x319: {  	[sflag:s4] =	ssyncadd.s32 $0xFFFF4C00  }
0x31a: {  	[hbm4b:s0+s2] =	stream.linear.scatter [tilespmem:s2], [sflag:$0x1], $0xB400, $0x38;
	[tilespmem:$0x1F800] =	vst v63  }
0x31b: {  	_ =	swait.ge [sflag:s4], $0xB400  }
0x31c: {  	s0 =	sld [smem:$0x7E3]  }
0x31d: {  	[sflag:s4] =	ssyncset.done $0x0  }
0x31e: {  	[sflag:s4] =	ssyncadd.s32 $0xFFFF4C00  }
0x31f: {  	[tilespmem:s12], [sflag:$0x1] =	stream.linear.gather [hbm4b:s0+s2], $0xB400, $0x38;
	[tilespmem:$0x1F800] =	vst v63  }
0x320: {  	_ =	swait.ge [sflag:s4], $0xB400  }
0x321: {  	s0 =	sld [smem:$0x7E4]  }
0x322: {  	[sflag:s4] =	ssyncset.done $0x0  }
0x323: {  	[sflag:s4] =	ssyncadd.s32 $0xFFFF4C00  }
0x324: {  	[hbm4b:s0+s2] =	stream.linear.scatter [tilespmem:s12], [sflag:$0x1], $0xB400, $0x38;
	[tilespmem:$0x1F800] =	vst v63  }
0x325: {  	_ =	swait.ge [sflag:s4], $0xB400  }
0x326: {  	s0 =	sld [smem:$0x7E5]  }
0x327: {  	[sflag:s4] =	ssyncset.done $0x0  }
0x328: {  	[sflag:s4] =	ssyncadd.s32 $0xFFFF4C00  }
0x329: {  	[tilespmem:s2], [sflag:$0x1] =	stream.linear.gather [hbm4b:s0+s2], $0xB400, $0x38;
	[tilespmem:$0x1F800] =	vst v63  }
0x32a: {  	_ =	swait.ge [sflag:s4], $0xB400  }
0x32b: {  	s0 =	sld [smem:$0x7E6]  }
0x32c: {  	[sflag:s4] =	ssyncset.done $0x0  }
0x32d: {  	[sflag:s4] =	ssyncadd.s32 $0xFFFF4C00  }
0x32e: {  	[hbm4b:s0+s2] =	stream.linear.scatter [tilespmem:s2], [sflag:$0x1], $0xB400, $0x38;
	[tilespmem:$0x1F800] =	vst v63  }
0x32f: {  	_ =	swait.ge [sflag:s4], $0xB400  }
0x330: {  	s0 =	sld [smem:$0x7E7]  }
0x331: {  	[sflag:s4] =	ssyncset.done $0x0  }
0x332: {  	[sflag:s4] =	ssyncadd.s32 $0xFFFF4C00  }
0x333: {  	[tilespmem:s12], [sflag:$0x1] =	stream.linear.gather [hbm4b:s0+s2], $0xB400, $0x38;
	[tilespmem:$0x1F800] =	vst v63  }
0x334: {  	_ =	swait.ge [sflag:s4], $0xB400  }
0x335: {  	s0 =	sld [smem:$0x7E8]  }
0x336: {  	[sflag:s4] =	ssyncset.done $0x0  }
0x337: {  	[sflag:s4] =	ssyncadd.s32 $0xFFFF4C00  }
0x338: {  	[hbm4b:s0+s2] =	stream.linear.scatter [tilespmem:s12], [sflag:$0x1], $0xB400, $0x38;
	[tilespmem:$0x1F800] =	vst v63  }
0x339: {  	_ =	swait.ge [sflag:s4], $0xB400  }
0x33a: {  	s0 =	sld [smem:$0x7E9]  }
0x33b: {  	[sflag:s4] =	ssyncset.done $0x0  }
0x33c: {  	[sflag:s4] =	ssyncadd.s32 $0xFFFF4C00  }
0x33d: {  	[tilespmem:s2], [sflag:$0x1] =	stream.linear.gather [hbm4b:s0+s2], $0xB400, $0x38;
	[tilespmem:$0x1F800] =	vst v63  }
0x33e: {  	_ =	swait.ge [sflag:s4], $0xB400  }
0x33f: {  	s0 =	sld [smem:$0x7EA]  }
0x340: {  	[sflag:s4] =	ssyncset.done $0x0  }
0x341: {  	[sflag:s4] =	ssyncadd.s32 $0xFFFF4C00  }
0x342: {  	[hbm4b:s0+s2] =	stream.linear.scatter [tilespmem:s2], [sflag:$0x1], $0xB400, $0x38;
	[tilespmem:$0x1F800] =	vst v63  }
0x343: {  	_ =	swait.ge [sflag:s4], $0xB400  }
0x344: {  	s0 =	sld [smem:$0x7EB]  }
0x345: {  	[sflag:s4] =	ssyncset.done $0x0  }
0x346: {  	[sflag:s4] =	ssyncadd.s32 $0xFFFF4C00  }
0x347: {  	[tilespmem:s12], [sflag:$0x1] =	stream.linear.gather [hbm4b:s0+s2], $0xB400, $0x38;
	[tilespmem:$0x1F800] =	vst v63  }
0x348: {  	_ =	swait.ge [sflag:s4], $0xB400  }
0x349: {  	s0 =	sld [smem:$0x7EC]  }
0x34a: {  	[sflag:s4] =	ssyncset.done $0x0  }
0x34b: {  	[sflag:s4] =	ssyncadd.s32 $0xFFFF4C00  }
0x34c: {  	[hbm4b:s0+s2] =	stream.linear.scatter [tilespmem:s12], [sflag:$0x1], $0xB400, $0x38;
	[tilespmem:$0x1F800] =	vst v63  }
0x34d: {  	_ =	swait.ge [sflag:s4], $0xB400  }
0x34e: {  	s0 =	sld [smem:$0x7ED]  }
0x34f: {  	[sflag:s4] =	ssyncset.done $0x0  }
0x350: {  	[sflag:s4] =	ssyncadd.s32 $0xFFFF4C00  }
0x351: {  	[tilespmem:s2], [sflag:$0x1] =	stream.linear.gather [hbm4b:s0+s2], $0xB400, $0x38;
	[tilespmem:$0x1F800] =	vst v63  }
0x352: {  	_ =	swait.ge [sflag:s4], $0xB400  }
0x353: {  	s0 =	sld [smem:$0x7EE]  }
0x354: {  	[sflag:s4] =	ssyncset.done $0x0  }
0x355: {  	[sflag:s4] =	ssyncadd.s32 $0xFFFF4C00  }
0x356: {  	[hbm4b:s0+s2] =	stream.linear.scatter [tilespmem:s2], [sflag:$0x1], $0xB400, $0x38;
	[tilespmem:$0x1F800] =	vst v63  }
0x357: {  	_ =	swait.ge [sflag:s4], $0xB400  }
0x358: {  	s0 =	sld [smem:$0x7EF]  }
0x359: {  	[sflag:s4] =	ssyncset.done $0x0  }
0x35a: {  	[sflag:s4] =	ssyncadd.s32 $0xFFFF4C00  }
0x35b: {  	[tilespmem:s12], [sflag:$0x1] =	stream.linear.gather [hbm4b:s0+s2], $0xB400, $0x38;
	[tilespmem:$0x1F800] =	vst v63  }
0x35c: {  	_ =	swait.ge [sflag:s4], $0xB400  }
0x35d: {  	s0 =	sld [smem:$0x7F0]  }
0x35e: {  	[sflag:s4] =	ssyncset.done $0x0  }
0x35f: {  	[sflag:s4] =	ssyncadd.s32 $0xFFFF4C00  }
0x360: {  	[hbm4b:s0+s2] =	stream.linear.scatter [tilespmem:s12], [sflag:$0x1], $0xB400, $0x38;
	[tilespmem:$0x1F800] =	vst v63  }
0x361: {  	_ =	swait.ge [sflag:s4], $0xB400  }
0x362: {  	s0 =	sld [smem:$0x7F1]  }
0x363: {  	[sflag:s4] =	ssyncset.done $0x0  }
0x364: {  	[sflag:s4] =	ssyncadd.s32 $0xFFFF4C00  }
0x365: {  	[tilespmem:s2], [sflag:$0x1] =	stream.linear.gather [hbm4b:s0+s2], $0xB400, $0x38;
	[tilespmem:$0x1F800] =	vst v63  }
0x366: {  	_ =	swait.ge [sflag:s4], $0xB400  }
0x367: {  	s0 =	sld [smem:$0x7F2]  }
0x368: {  	[sflag:s4] =	ssyncset.done $0x0  }
0x369: {  	[sflag:s4] =	ssyncadd.s32 $0xFFFF4C00  }
0x36a: {  	[hbm4b:s0+s2] =	stream.linear.scatter [tilespmem:s2], [sflag:$0x1], $0xB400, $0x38;
	[tilespmem:$0x1F800] =	vst v63  }
0x36b: {  	_ =	swait.ge [sflag:s4], $0xB400  }
0x36c: {  	s0 =	sld [smem:$0x7F3]  }
0x36d: {  	[sflag:s4] =	ssyncset.done $0x0  }
0x36e: {  	[sflag:s4] =	ssyncadd.s32 $0xFFFF4C00  }
0x36f: {  	[tilespmem:s12], [sflag:$0x1] =	stream.linear.gather [hbm4b:s0+s2], $0xB400, $0x38;
	[tilespmem:$0x1F800] =	vst v63  }
0x370: {  	_ =	swait.ge [sflag:s4], $0xB400  }
0x371: {  	s0 =	sld [smem:$0x7F4]  }
0x372: {  	[sflag:s4] =	ssyncset.done $0x0  }
0x373: {  	[sflag:s4] =	ssyncadd.s32 $0xFFFF4C00  }
0x374: {  	[hbm4b:s0+s2] =	stream.linear.scatter [tilespmem:s12], [sflag:$0x1], $0xB400, $0x38;
	[tilespmem:$0x1F800] =	vst v63  }
0x375: {  	_ =	swait.ge [sflag:s4], $0xB400  }
0x376: {  	s0 =	sld [smem:$0x7F5]  }
0x377: {  	[sflag:s4] =	ssyncset.done $0x0  }
0x378: {  	[sflag:s4] =	ssyncadd.s32 $0xFFFF4C00  }
0x379: {  	[tilespmem:s2], [sflag:$0x1] =	stream.linear.gather [hbm4b:s0+s2], $0xB400, $0x38;
	[tilespmem:$0x1F800] =	vst v63  }
0x37a: {  	_ =	swait.ge [sflag:s4], $0xB400  }
0x37b: {  	s0 =	sld [smem:$0x7F6]  }
0x37c: {  	[sflag:s4] =	ssyncset.done $0x0  }
0x37d: {  	[sflag:s4] =	ssyncadd.s32 $0xFFFF4C00  }
0x37e: {  	[hbm4b:s0+s2] =	stream.linear.scatter [tilespmem:s2], [sflag:$0x1], $0xB400, $0x38;
	[tilespmem:$0x1F800] =	vst v63  }
0x37f: {  	_ =	swait.ge [sflag:s4], $0xB400  }
0x380: {  	s0 =	sld [smem:$0x7F7]  }
0x381: {  	[sflag:s4] =	ssyncset.done $0x0  }
0x382: {  	[sflag:s4] =	ssyncadd.s32 $0xFFFF4C00  }
0x383: {  	[tilespmem:s12], [sflag:$0x1] =	stream.linear.gather [hbm4b:s0+s2], $0xB400, $0x38;
	[tilespmem:$0x1F800] =	vst v63  }
0x384: {  	_ =	swait.ge [sflag:s4], $0xB400  }
0x385: {  	s0 =	sld [smem:$0x7F8]  }
0x386: {  	[sflag:s4] =	ssyncset.done $0x0  }
0x387: {  	[sflag:s4] =	ssyncadd.s32 $0xFFFF4C00  }
0x388: {  	[hbm4b:s0+s2] =	stream.linear.scatter [tilespmem:s12], [sflag:$0x1], $0xB400, $0x38;
	[tilespmem:$0x1F800] =	vst v63  }
0x389: {  	_ =	swait.ge [sflag:s4], $0xB400  }
0x38a: {  	s0 =	sld [smem:$0x7F9]  }
0x38b: {  	[sflag:s4] =	ssyncset.done $0x0  }
0x38c: {  	[sflag:s4] =	ssyncadd.s32 $0xFFFF4C00  }
0x38d: {  	[tilespmem:s2], [sflag:$0x1] =	stream.linear.gather [hbm4b:s0+s2], $0xB400, $0x38;
	[tilespmem:$0x1F800] =	vst v63  }
0x38e: {  	_ =	swait.ge [sflag:s4], $0xB400  }
0x38f: {  	s0 =	sld [smem:$0x7FB]  }
0x390: {  	[sflag:s4] =	ssyncset.done $0x0  }
0x391: {  	[sflag:s4] =	ssyncadd.s32 $0xFFFF4C00  }
0x392: {  	[hbm4b:s0+s2] =	stream.linear.scatter [tilespmem:s2], [sflag:$0x1], $0xB400, $0x38;
	[tilespmem:$0x1F800] =	vst v63  }
0x393: {  	_ =	swait.ge [sflag:s4], $0xB400  }
0x394: {  	s0 =	sld [smem:$0x7FC]  }
0x395: {  	[sflag:s4] =	ssyncset.done $0x0  }
0x396: {  	[sflag:s4] =	ssyncadd.s32 $0xFFFF4C00  }
0x397: {  	[tilespmem:s12], [sflag:$0x1] =	stream.linear.gather [hbm4b:s0+s2], $0xB400, $0x38;
	[tilespmem:$0x1F800] =	vst v63  }
0x398: {  	_ =	swait.ge [sflag:s4], $0xB400  }
0x399: {  	s0 =	sld [smem:$0x7FD]  }
0x39a: {  	[sflag:s4] =	ssyncset.done $0x0  }
0x39b: {  	[sflag:s4] =	ssyncadd.s32 $0xFFFF4C00  }
0x39c: {  	[hbm4b:s0+s2] =	stream.linear.scatter [tilespmem:s12], [sflag:$0x1], $0xB400, $0x38;
	[tilespmem:$0x1F800] =	vst v63  }
0x39d: {  	_ =	swait.ge [sflag:s4], $0xB400  }
0x39e: {  	[sflag:s4] =	ssyncset.done $0x0  }
0x39f: {  	[sflag:s4] =	ssyncadd.s32 $0xFFFF4C00  }
0x3a0: {  	[tilespmem:s2], [sflag:$0x1] =	stream.linear.gather [hbm4b:s30+s2], $0xB400, $0x38;
	[tilespmem:$0x1F800] =	vst v63  }
0x3a1: {  	_ =	swait.ge [sflag:s4], $0xB400  }
0x3a2: {  	[sflag:s4] =	ssyncset.done $0x0  }
0x3a3: {  	[sflag:s4] =	ssyncadd.s32 $0xFFFF4C00  }
0x3a4: {  	[hbm4b:s29+s2] =	stream.linear.scatter [tilespmem:s2], [sflag:$0x1], $0xB400, $0x38;
	[tilespmem:$0x1F800] =	vst v63  }
0x3a5: {  	_ =	swait.ge [sflag:s4], $0xB400  }
0x3a6: {  	[sflag:s4] =	ssyncset.done $0x0  }
0x3a7: {  	[sflag:s4] =	ssyncadd.s32 $0xFFFF4C00  }
0x3a8: {  	[tilespmem:s12], [sflag:$0x1] =	stream.linear.gather [hbm4b:s28+s2], $0xB400, $0x38;
	[tilespmem:$0x1F800] =	vst v63  }
0x3a9: {  	_ =	swait.ge [sflag:s4], $0xB400  }
0x3aa: {  	[sflag:s4] =	ssyncset.done $0x0  }
0x3ab: {  	[sflag:s4] =	ssyncadd.s32 $0xFFFF4C00  }
0x3ac: {  	[hbm4b:s26+s2] =	stream.linear.scatter [tilespmem:s12], [sflag:$0x1], $0xB400, $0x38;
	[tilespmem:$0x1F800] =	vst v63  }
0x3ad: {  	_ =	swait.ge [sflag:s4], $0xB400  }
0x3ae: {  	[sflag:s4] =	ssyncset.done $0x0  }
0x3af: {  	[sflag:s4] =	ssyncadd.s32 $0xFFFF4C00  }
0x3b0: {  	[tilespmem:s2], [sflag:$0x1] =	stream.linear.gather [hbm4b:s25+s2], $0xB400, $0x38;
	[tilespmem:$0x1F800] =	vst v63  }
0x3b1: {  	_ =	swait.ge [sflag:s4], $0xB400  }
0x3b2: {  	[sflag:s4] =	ssyncset.done $0x0  }
0x3b3: {  	[sflag:s4] =	ssyncadd.s32 $0xFFFF4C00  }
0x3b4: {  	[hbm4b:s24+s2] =	stream.linear.scatter [tilespmem:s2], [sflag:$0x1], $0xB400, $0x38;
	[tilespmem:$0x1F800] =	vst v63  }
0x3b5: {  	_ =	swait.ge [sflag:s4], $0xB400  }
0x3b6: {  	[sflag:s4] =	ssyncset.done $0x0  }
0x3b7: {  	[sflag:s4] =	ssyncadd.s32 $0xFFFF4C00  }
0x3b8: {  	[tilespmem:s12], [sflag:$0x1] =	stream.linear.gather [hbm4b:s23+s2], $0xB400, $0x38;
	[tilespmem:$0x1F800] =	vst v63  }
0x3b9: {  	_ =	swait.ge [sflag:s4], $0xB400  }
0x3ba: {  	[sflag:s4] =	ssyncset.done $0x0  }
0x3bb: {  	[sflag:s4] =	ssyncadd.s32 $0xFFFF4C00  }
0x3bc: {  	[hbm4b:s22+s2] =	stream.linear.scatter [tilespmem:s12], [sflag:$0x1], $0xB400, $0x38;
	[tilespmem:$0x1F800] =	vst v63  }
0x3bd: {  	_ =	swait.ge [sflag:s4], $0xB400  }
0x3be: {  	[sflag:s4] =	ssyncset.done $0x0  }
0x3bf: {  	[sflag:s4] =	ssyncadd.s32 $0xFFFF4C00  }
0x3c0: {  	[tilespmem:s2], [sflag:$0x1] =	stream.linear.gather [hbm4b:s21+s2], $0xB400, $0x38;
	[tilespmem:$0x1F800] =	vst v63  }
0x3c1: {  	_ =	swait.ge [sflag:s4], $0xB400  }
0x3c2: {  	[sflag:s4] =	ssyncset.done $0x0  }
0x3c3: {  	[sflag:s4] =	ssyncadd.s32 $0xFFFF4C00  }
0x3c4: {  	[hbm4b:s20+s2] =	stream.linear.scatter [tilespmem:s2], [sflag:$0x1], $0xB400, $0x38;
	[tilespmem:$0x1F800] =	vst v63  }
0x3c5: {  	_ =	swait.ge [sflag:s4], $0xB400  }
0x3c6: {  	[sflag:s4] =	ssyncset.done $0x0  }
0x3c7: {  	[sflag:s4] =	ssyncadd.s32 $0xFFFF4C00  }
0x3c8: {  	[tilespmem:s12], [sflag:$0x1] =	stream.linear.gather [hbm4b:s19+s2], $0xB400, $0x38;
	[tilespmem:$0x1F800] =	vst v63  }
0x3c9: {  	_ =	swait.ge [sflag:s4], $0xB400  }
0x3ca: {  	[sflag:s4] =	ssyncset.done $0x0  }
0x3cb: {  	[sflag:s4] =	ssyncadd.s32 $0xFFFF4C00  }
0x3cc: {  	[hbm4b:s18+s2] =	stream.linear.scatter [tilespmem:s12], [sflag:$0x1], $0xB400, $0x38;
	[tilespmem:$0x1F800] =	vst v63  }
0x3cd: {  	_ =	swait.ge [sflag:s4], $0xB400  }
0x3ce: {  	[sflag:s4] =	ssyncset.done $0x0  }
0x3cf: {  	[sflag:s4] =	ssyncadd.s32 $0xFFFF4C00  }
0x3d0: {  	[tilespmem:s2], [sflag:$0x1] =	stream.linear.gather [hbm4b:s17+s2], $0xB400, $0x38;
	[tilespmem:$0x1F800] =	vst v63  }
0x3d1: {  	_ =	swait.ge [sflag:s4], $0xB400  }
0x3d2: {  	[sflag:s4] =	ssyncset.done $0x0  }
0x3d3: {  	[sflag:s4] =	ssyncadd.s32 $0xFFFF4C00  }
0x3d4: {  	[hbm4b:s15+s2] =	stream.linear.scatter [tilespmem:s2], [sflag:$0x1], $0xB400, $0x38;
	[tilespmem:$0x1F800] =	vst v63  }
0x3d5: {  	_ =	swait.ge [sflag:s4], $0xB400  }
0x3d6: {  	[sflag:s4] =	ssyncset.done $0x0  }
0x3d7: {  	[sflag:s4] =	ssyncadd.s32 $0xFFFF4C00  }
0x3d8: {  	[tilespmem:s12], [sflag:$0x1] =	stream.linear.gather [hbm4b:s13+s2], $0xB400, $0x38;
	[tilespmem:$0x1F800] =	vst v63  }
0x3d9: {  	_ =	swait.ge [sflag:s4], $0xB400  }
0x3da: {  	[sflag:s4] =	ssyncset.done $0x0  }
0x3db: {  	[sflag:s4] =	ssyncadd.s32 $0xFFFF4C00  }
0x3dc: {  	[hbm4b:s16+s2] =	stream.linear.scatter [tilespmem:s12], [sflag:$0x1], $0xB400, $0x38;
	[tilespmem:$0x1F800] =	vst v63  }
0x3dd: {  	_ =	swait.ge [sflag:s4], $0xB400  }
0x3de: {  	[sflag:s4] =	ssyncset.done $0x0  }
0x3df: {  	[sflag:s4] =	ssyncadd.s32 $0xFFFF4C00  }
0x3e0: {  	[tilespmem:s2], [sflag:$0x1] =	stream.linear.gather [hbm4b:s10+s2], $0xB400, $0x38;
	[tilespmem:$0x1F800] =	vst v63  }
0x3e1: {  	_ =	swait.ge [sflag:s4], $0xB400  }
0x3e2: {  	[sflag:s4] =	ssyncset.done $0x0  }
0x3e3: {  	[sflag:s4] =	ssyncadd.s32 $0xFFFF4C00  }
0x3e4: {  	[hbm4b:s14+s2] =	stream.linear.scatter [tilespmem:s2], [sflag:$0x1], $0xB400, $0x38;
	[tilespmem:$0x1F800] =	vst v63  }
0x3e5: {  	_ =	swait.ge [sflag:s4], $0xB400  }
0x3e6: {  	[sflag:s4] =	ssyncset.done $0x0  }
0x3e7: {  	[sflag:s4] =	ssyncadd.s32 $0xFFFF4C00  }
0x3e8: {  	[tilespmem:s12], [sflag:$0x1] =	stream.linear.gather [hbm4b:s9+s2], $0xB400, $0x38;
	[tilespmem:$0x1F800] =	vst v63  }
0x3e9: {  	_ =	swait.ge [sflag:s4], $0xB400  }
0x3ea: {  	[sflag:s4] =	ssyncset.done $0x0  }
0x3eb: {  	[sflag:s4] =	ssyncadd.s32 $0xFFFF4C00  }
0x3ec: {  	[hbm4b:s11+s2] =	stream.linear.scatter [tilespmem:s12], [sflag:$0x1], $0xB400, $0x38;
	[tilespmem:$0x1F800] =	vst v63  }
0x3ed: {  	_ =	swait.ge [sflag:s4], $0xB400  }
0x3ee: {  	[sflag:s4] =	ssyncset.done $0x0  }
0x3ef: {  	[sflag:s4] =	ssyncadd.s32 $0xFFFF4C00  }
0x3f0: {  	[tilespmem:s8], [sflag:$0x1] =	stream.linear.gather [hbm4b:s7+s2], $0x9000, $0x38;
	[tilespmem:$0x1F800] =	vst v63  }
0x3f1: {  	_ =	swait.ge [sflag:s4], $0x9000  }
0x3f2: {  	[sflag:s4] =	ssyncset.done $0x0  }
0x3f3: {  	[sflag:s4] =	ssyncadd.s32 $0xFFFF7000  }
0x3f4: {  	[hbm4b:s5+s2] =	stream.linear.scatter [tilespmem:s8], [sflag:$0x1], $0x9000, $0x38;
	[tilespmem:$0x1F800] =	vst v63  }
0x3f5: {  	_ =	swait.ge [sflag:s4], $0x9000  }
0x3f6: {  	[sflag:s4] =	ssyncset.done $0x0  }
0x3f7: {  	[sflag:s4] =	ssyncadd.s32 $0xFFFF7000  }
0x3f8: {  	[tilespmem:s8], [sflag:$0x1] =	stream.linear.gather [hbm4b:s3+s2], $0x9000, $0x38;
	[tilespmem:$0x1F800] =	vst v63  }
0x3f9: {  	p1 =	sne.s32 s1, $0x1;
	_ =	swait.ge [sflag:s4], $0x9000  }
.Ltmp2:
0x3fa: {  	[sflag:s4] =	ssyncset.done $0x0;
	(pc) =	sbr.rel @p1 .LBB2_2-.Ltmp2, $4  }
0x3fb: {  	[sflag:s4] =	ssyncadd.s32 $0xFFFF7000  }
0x3fc: {  	[hbm4b:s6+s2] =	stream.linear.scatter [tilespmem:s8], [sflag:$0x1], $0x9000, $0x38;
	[tilespmem:$0x1F800] =	vst v63  }
0x3fd: {  	_ =	swait.ge [sflag:s4], $0x9000  }
0x3fe: {  	s1 =	sadd.s32 $0xFFFFFFFF, s1;
	s0 =	rddreg [dreg:$0x3];
	[sflag:s4] =	ssyncset.done $0x0  }
.LBB2_3:
0x3ff: {  	[sflag:s4] =	ssyncadd.s32 @p0 $0xFFFF7000  }
0x400: {  	[tilespmem:s2], [sflag:$0x1] =	stream.linear.gather [hbm4b:s0+s2], $0xB400, $0x38;
	[tilespmem:$0x1F800] =	vst v63  }
0x401: {  	_ =	swait.ge [sflag:s4], $0xB400  }
0x402: {  	[sflag:s4] =	ssyncset.done $0x0  }
0x403: {  	[sflag:s4] =	ssyncadd.s32 $0xFFFF4C00  }
0x404: {  	[hbm4b:s31+s2] =	stream.linear.scatter [tilespmem:s2], [sflag:$0x1], $0xB400, $0x38;
	[tilespmem:$0x1F800] =	vst v63  }
0x405: {  	_ =	swait.ge [sflag:s4], $0xB400  }
0x406: {  	[sflag:s4] =	ssyncset.done $0x0  }
0x407: {  	s31 =	rddreg [dreg:$0x4];
	[sflag:s4] =	ssyncadd.s32 $0xFFFF4C00  }
0x408: {  	[tilespmem:s12], [sflag:$0x1] =	stream.linear.gather [hbm4b:s31+s2], $0xB400, $0x38;
	[tilespmem:$0x1F800] =	vst v63  }
0x409: {  	_ =	swait.ge [sflag:s4], $0xB400  }
0x40a: {  	[sflag:s4] =	ssyncset.done $0x0  }
0x40b: {  	s1 =	rddreg [dreg:$0x5];
	[sflag:s4] =	ssyncadd.s32 $0xFFFF4C00  }
0x40c: {  	[hbm4b:s1+s2] =	stream.linear.scatter [tilespmem:s12], [sflag:$0x1], $0xB400, $0x38;
	[tilespmem:$0x1F800] =	vst v63  }
0x40d: {  	_ =	swait.ge [sflag:s4], $0xB400  }
0x40e: {  	[sflag:s4] =	ssyncset.done $0x0  }
0x40f: {  	s31 =	rddreg [dreg:$0x6];
	[sflag:s4] =	ssyncadd.s32 $0xFFFF4C00  }
0x410: {  	[tilespmem:s2], [sflag:$0x1] =	stream.linear.gather [hbm4b:s31+s2], $0xB400, $0x38;
	[tilespmem:$0x1F800] =	vst v63  }
0x411: {  	_ =	swait.ge [sflag:s4], $0xB400  }
0x412: {  	[sflag:s4] =	ssyncset.done $0x0  }
0x413: {  	s1 =	rddreg [dreg:$0x7];
	[sflag:s4] =	ssyncadd.s32 $0xFFFF4C00  }
0x414: {  	[hbm4b:s1+s2] =	stream.linear.scatter [tilespmem:s2], [sflag:$0x1], $0xB400, $0x38;
	[tilespmem:$0x1F800] =	vst v63  }
0x415: {  	_ =	swait.ge [sflag:s4], $0xB400  }
0x416: {  	[sflag:s4] =	ssyncset.done $0x0  }
0x417: {  	s31 =	rddreg [dreg:$0x8];
	[sflag:s4] =	ssyncadd.s32 $0xFFFF4C00  }
0x418: {  	[tilespmem:s12], [sflag:$0x1] =	stream.linear.gather [hbm4b:s31+s2], $0xB400, $0x38;
	[tilespmem:$0x1F800] =	vst v63  }
0x419: {  	_ =	swait.ge [sflag:s4], $0xB400  }
0x41a: {  	[sflag:s4] =	ssyncset.done $0x0  }
0x41b: {  	s1 =	rddreg [dreg:$0x9];
	[sflag:s4] =	ssyncadd.s32 $0xFFFF4C00  }
0x41c: {  	[hbm4b:s1+s2] =	stream.linear.scatter [tilespmem:s12], [sflag:$0x1], $0xB400, $0x38;
	[tilespmem:$0x1F800] =	vst v63  }
0x41d: {  	_ =	swait.ge [sflag:s4], $0xB400  }
0x41e: {  	[sflag:s4] =	ssyncset.done $0x0  }
0x41f: {  	s31 =	rddreg [dreg:$0xa];
	[sflag:s4] =	ssyncadd.s32 $0xFFFF4C00  }
0x420: {  	[tilespmem:s2], [sflag:$0x1] =	stream.linear.gather [hbm4b:s31+s2], $0xB400, $0x38;
	[tilespmem:$0x1F800] =	vst v63  }
0x421: {  	_ =	swait.ge [sflag:s4], $0xB400  }
0x422: {  	[sflag:s4] =	ssyncset.done $0x0  }
0x423: {  	s1 =	rddreg [dreg:$0xb];
	[sflag:s4] =	ssyncadd.s32 $0xFFFF4C00  }
0x424: {  	[hbm4b:s1+s2] =	stream.linear.scatter [tilespmem:s2], [sflag:$0x1], $0xB400, $0x38;
	[tilespmem:$0x1F800] =	vst v63  }
0x425: {  	_ =	swait.ge [sflag:s4], $0xB400  }
0x426: {  	[sflag:s4] =	ssyncset.done $0x0  }
0x427: {  	s31 =	rddreg [dreg:$0xc];
	[sflag:s4] =	ssyncadd.s32 $0xFFFF4C00  }
0x428: {  	[tilespmem:s12], [sflag:$0x1] =	stream.linear.gather [hbm4b:s31+s2], $0xB400, $0x38;
	[tilespmem:$0x1F800] =	vst v63  }
0x429: {  	_ =	swait.ge [sflag:s4], $0xB400  }
0x42a: {  	[sflag:s4] =	ssyncset.done $0x0  }
0x42b: {  	s1 =	rddreg [dreg:$0xd];
	[sflag:s4] =	ssyncadd.s32 $0xFFFF4C00  }
0x42c: {  	[hbm4b:s1+s2] =	stream.linear.scatter [tilespmem:s12], [sflag:$0x1], $0xB400, $0x38;
	[tilespmem:$0x1F800] =	vst v63  }
0x42d: {  	_ =	swait.ge [sflag:s4], $0xB400  }
0x42e: {  	[sflag:s4] =	ssyncset.done $0x0  }
0x42f: {  	s31 =	rddreg [dreg:$0xe];
	[sflag:s4] =	ssyncadd.s32 $0xFFFF4C00  }
0x430: {  	[tilespmem:s2], [sflag:$0x1] =	stream.linear.gather [hbm4b:s31+s2], $0xB400, $0x38;
	[tilespmem:$0x1F800] =	vst v63  }
0x431: {  	_ =	swait.ge [sflag:s4], $0xB400  }
0x432: {  	[sflag:s4] =	ssyncset.done $0x0  }
0x433: {  	s1 =	rddreg [dreg:$0xf];
	[sflag:s4] =	ssyncadd.s32 $0xFFFF4C00  }
0x434: {  	[hbm4b:s1+s2] =	stream.linear.scatter [tilespmem:s2], [sflag:$0x1], $0xB400, $0x38;
	[tilespmem:$0x1F800] =	vst v63  }
0x435: {  	_ =	swait.ge [sflag:s4], $0xB400  }
0x436: {  	[sflag:s4] =	ssyncset.done $0x0  }
0x437: {  	s31 =	rddreg [dreg:$0x10];
	[sflag:s4] =	ssyncadd.s32 $0xFFFF4C00  }
0x438: {  	[tilespmem:s12], [sflag:$0x1] =	stream.linear.gather [hbm4b:s31+s2], $0xB400, $0x38;
	[tilespmem:$0x1F800] =	vst v63  }
0x439: {  	_ =	swait.ge [sflag:s4], $0xB400  }
0x43a: {  	[sflag:s4] =	ssyncset.done $0x0  }
0x43b: {  	s1 =	rddreg [dreg:$0x11];
	[sflag:s4] =	ssyncadd.s32 $0xFFFF4C00  }
0x43c: {  	[hbm4b:s1+s2] =	stream.linear.scatter [tilespmem:s12], [sflag:$0x1], $0xB400, $0x38;
	[tilespmem:$0x1F800] =	vst v63  }
0x43d: {  	_ =	swait.ge [sflag:s4], $0xB400  }
0x43e: {  	[sflag:s4] =	ssyncset.done $0x0  }
0x43f: {  	s31 =	rddreg [dreg:$0x12];
	[sflag:s4] =	ssyncadd.s32 $0xFFFF4C00  }
0x440: {  	[tilespmem:s2], [sflag:$0x1] =	stream.linear.gather [hbm4b:s31+s2], $0xB400, $0x38;
	[tilespmem:$0x1F800] =	vst v63  }
0x441: {  	_ =	swait.ge [sflag:s4], $0xB400  }
0x442: {  	[sflag:s4] =	ssyncset.done $0x0  }
0x443: {  	s1 =	rddreg [dreg:$0x13];
	[sflag:s4] =	ssyncadd.s32 $0xFFFF4C00  }
0x444: {  	[hbm4b:s1+s2] =	stream.linear.scatter [tilespmem:s2], [sflag:$0x1], $0xB400, $0x38;
	[tilespmem:$0x1F800] =	vst v63  }
0x445: {  	_ =	swait.ge [sflag:s4], $0xB400  }
0x446: {  	[sflag:s4] =	ssyncset.done $0x0  }
0x447: {  	s31 =	rddreg [dreg:$0x14];
	[sflag:s4] =	ssyncadd.s32 $0xFFFF4C00  }
0x448: {  	[tilespmem:s12], [sflag:$0x1] =	stream.linear.gather [hbm4b:s31+s2], $0xB400, $0x38;
	[tilespmem:$0x1F800] =	vst v63  }
0x449: {  	_ =	swait.ge [sflag:s4], $0xB400  }
0x44a: {  	[sflag:s4] =	ssyncset.done $0x0  }
0x44b: {  	s1 =	rddreg [dreg:$0x15];
	[sflag:s4] =	ssyncadd.s32 $0xFFFF4C00  }
0x44c: {  	[hbm4b:s1+s2] =	stream.linear.scatter [tilespmem:s12], [sflag:$0x1], $0xB400, $0x38;
	[tilespmem:$0x1F800] =	vst v63  }
0x44d: {  	_ =	swait.ge [sflag:s4], $0xB400  }
0x44e: {  	[sflag:s4] =	ssyncset.done $0x0  }
0x44f: {  	s31 =	rddreg [dreg:$0x16];
	[sflag:s4] =	ssyncadd.s32 $0xFFFF4C00  }
0x450: {  	[tilespmem:s2], [sflag:$0x1] =	stream.linear.gather [hbm4b:s31+s2], $0xB400, $0x38;
	[tilespmem:$0x1F800] =	vst v63  }
0x451: {  	_ =	swait.ge [sflag:s4], $0xB400  }
0x452: {  	[sflag:s4] =	ssyncset.done $0x0  }
0x453: {  	s1 =	rddreg [dreg:$0x17];
	[sflag:s4] =	ssyncadd.s32 $0xFFFF4C00  }
0x454: {  	[hbm4b:s1+s2] =	stream.linear.scatter [tilespmem:s2], [sflag:$0x1], $0xB400, $0x38;
	[tilespmem:$0x1F800] =	vst v63  }
0x455: {  	_ =	swait.ge [sflag:s4], $0xB400  }
0x456: {  	[sflag:s4] =	ssyncset.done $0x0  }
0x457: {  	s31 =	rddreg [dreg:$0x18];
	[sflag:s4] =	ssyncadd.s32 $0xFFFF4C00  }
0x458: {  	[tilespmem:s12], [sflag:$0x1] =	stream.linear.gather [hbm4b:s31+s2], $0xB400, $0x38;
	[tilespmem:$0x1F800] =	vst v63  }
0x459: {  	_ =	swait.ge [sflag:s4], $0xB400  }
0x45a: {  	[sflag:s4] =	ssyncset.done $0x0  }
0x45b: {  	s1 =	rddreg [dreg:$0x19];
	[sflag:s4] =	ssyncadd.s32 $0xFFFF4C00  }
0x45c: {  	[hbm4b:s1+s2] =	stream.linear.scatter [tilespmem:s12], [sflag:$0x1], $0xB400, $0x38;
	[tilespmem:$0x1F800] =	vst v63  }
0x45d: {  	_ =	swait.ge [sflag:s4], $0xB400  }
0x45e: {  	[sflag:s4] =	ssyncset.done $0x0  }
0x45f: {  	s31 =	rddreg [dreg:$0x1a];
	[sflag:s4] =	ssyncadd.s32 $0xFFFF4C00  }
0x460: {  	[tilespmem:s2], [sflag:$0x1] =	stream.linear.gather [hbm4b:s31+s2], $0xB400, $0x38;
	[tilespmem:$0x1F800] =	vst v63  }
0x461: {  	_ =	swait.ge [sflag:s4], $0xB400  }
0x462: {  	[sflag:s4] =	ssyncset.done $0x0  }
0x463: {  	s1 =	rddreg [dreg:$0x1b];
	[sflag:s4] =	ssyncadd.s32 $0xFFFF4C00  }
0x464: {  	[hbm4b:s1+s2] =	stream.linear.scatter [tilespmem:s2], [sflag:$0x1], $0xB400, $0x38;
	[tilespmem:$0x1F800] =	vst v63  }
0x465: {  	_ =	swait.ge [sflag:s4], $0xB400  }
0x466: {  	[sflag:s4] =	ssyncset.done $0x0  }
0x467: {  	s31 =	rddreg [dreg:$0x1c];
	[sflag:s4] =	ssyncadd.s32 $0xFFFF4C00  }
0x468: {  	[tilespmem:s12], [sflag:$0x1] =	stream.linear.gather [hbm4b:s31+s2], $0xB400, $0x38;
	[tilespmem:$0x1F800] =	vst v63  }
0x469: {  	_ =	swait.ge [sflag:s4], $0xB400  }
0x46a: {  	[sflag:s4] =	ssyncset.done $0x0  }
0x46b: {  	s1 =	rddreg [dreg:$0x1d];
	[sflag:s4] =	ssyncadd.s32 $0xFFFF4C00  }
0x46c: {  	[hbm4b:s1+s2] =	stream.linear.scatter [tilespmem:s12], [sflag:$0x1], $0xB400, $0x38;
	[tilespmem:$0x1F800] =	vst v63  }
0x46d: {  	_ =	swait.ge [sflag:s4], $0xB400  }
0x46e: {  	[sflag:s4] =	ssyncset.done $0x0  }
0x46f: {  	s31 =	rddreg [dreg:$0x1e];
	[sflag:s4] =	ssyncadd.s32 $0xFFFF4C00  }
0x470: {  	[tilespmem:s2], [sflag:$0x1] =	stream.linear.gather [hbm4b:s31+s2], $0xB400, $0x38;
	[tilespmem:$0x1F800] =	vst v63  }
0x471: {  	_ =	swait.ge [sflag:s4], $0xB400  }
0x472: {  	[sflag:s4] =	ssyncset.done $0x0  }
0x473: {  	s1 =	rddreg [dreg:$0x1f];
	[sflag:s4] =	ssyncadd.s32 $0xFFFF4C00  }
0x474: {  	[hbm4b:s1+s2] =	stream.linear.scatter [tilespmem:s2], [sflag:$0x1], $0xB400, $0x38;
	[tilespmem:$0x1F800] =	vst v63  }
0x475: {  	_ =	swait.ge [sflag:s4], $0xB400  }
0x476: {  	s31 =	sld [smem:$0x7CB]  }
0x477: {  	[sflag:s4] =	ssyncset.done $0x0  }
0x478: {  	[sflag:s4] =	ssyncadd.s32 $0xFFFF4C00  }
0x479: {  	[tilespmem:s12], [sflag:$0x1] =	stream.linear.gather [hbm4b:s31+s2], $0xB400, $0x38;
	[tilespmem:$0x1F800] =	vst v63  }
0x47a: {  	_ =	swait.ge [sflag:s4], $0xB400  }
0x47b: {  	s1 =	sld [smem:$0x7CC]  }
0x47c: {  	[sflag:s4] =	ssyncset.done $0x0  }
0x47d: {  	[sflag:s4] =	ssyncadd.s32 $0xFFFF4C00  }
0x47e: {  	[hbm4b:s1+s2] =	stream.linear.scatter [tilespmem:s12], [sflag:$0x1], $0xB400, $0x38;
	[tilespmem:$0x1F800] =	vst v63  }
0x47f: {  	_ =	swait.ge [sflag:s4], $0xB400  }
0x480: {  	s31 =	sld [smem:$0x7CD]  }
0x481: {  	[sflag:s4] =	ssyncset.done $0x0  }
0x482: {  	[sflag:s4] =	ssyncadd.s32 $0xFFFF4C00  }
0x483: {  	[tilespmem:s2], [sflag:$0x1] =	stream.linear.gather [hbm4b:s31+s2], $0xB400, $0x38;
	[tilespmem:$0x1F800] =	vst v63  }
0x484: {  	_ =	swait.ge [sflag:s4], $0xB400  }
0x485: {  	s1 =	sld [smem:$0x7CE]  }
0x486: {  	[sflag:s4] =	ssyncset.done $0x0  }
0x487: {  	[sflag:s4] =	ssyncadd.s32 $0xFFFF4C00  }
0x488: {  	[hbm4b:s1+s2] =	stream.linear.scatter [tilespmem:s2], [sflag:$0x1], $0xB400, $0x38;
	[tilespmem:$0x1F800] =	vst v63  }
0x489: {  	_ =	swait.ge [sflag:s4], $0xB400  }
0x48a: {  	s31 =	sld [smem:$0x7CF]  }
0x48b: {  	[sflag:s4] =	ssyncset.done $0x0  }
0x48c: {  	[sflag:s4] =	ssyncadd.s32 $0xFFFF4C00  }
0x48d: {  	[tilespmem:s12], [sflag:$0x1] =	stream.linear.gather [hbm4b:s31+s2], $0xB400, $0x38;
	[tilespmem:$0x1F800] =	vst v63  }
0x48e: {  	_ =	swait.ge [sflag:s4], $0xB400  }
0x48f: {  	s1 =	sld [smem:$0x7D0]  }
0x490: {  	[sflag:s4] =	ssyncset.done $0x0  }
0x491: {  	[sflag:s4] =	ssyncadd.s32 $0xFFFF4C00  }
0x492: {  	[hbm4b:s1+s2] =	stream.linear.scatter [tilespmem:s12], [sflag:$0x1], $0xB400, $0x38;
	[tilespmem:$0x1F800] =	vst v63  }
0x493: {  	_ =	swait.ge [sflag:s4], $0xB400  }
0x494: {  	s31 =	sld [smem:$0x7D1]  }
0x495: {  	[sflag:s4] =	ssyncset.done $0x0  }
0x496: {  	[sflag:s4] =	ssyncadd.s32 $0xFFFF4C00  }
0x497: {  	[tilespmem:s2], [sflag:$0x1] =	stream.linear.gather [hbm4b:s31+s2], $0xB400, $0x38;
	[tilespmem:$0x1F800] =	vst v63  }
0x498: {  	_ =	swait.ge [sflag:s4], $0xB400  }
0x499: {  	s1 =	sld [smem:$0x7D2]  }
0x49a: {  	[sflag:s4] =	ssyncset.done $0x0  }
0x49b: {  	[sflag:s4] =	ssyncadd.s32 $0xFFFF4C00  }
0x49c: {  	[hbm4b:s1+s2] =	stream.linear.scatter [tilespmem:s2], [sflag:$0x1], $0xB400, $0x38;
	[tilespmem:$0x1F800] =	vst v63  }
0x49d: {  	_ =	swait.ge [sflag:s4], $0xB400  }
0x49e: {  	s31 =	sld [smem:$0x7D3]  }
0x49f: {  	[sflag:s4] =	ssyncset.done $0x0  }
0x4a0: {  	[sflag:s4] =	ssyncadd.s32 $0xFFFF4C00  }
0x4a1: {  	[tilespmem:s12], [sflag:$0x1] =	stream.linear.gather [hbm4b:s31+s2], $0xB400, $0x38;
	[tilespmem:$0x1F800] =	vst v63  }
0x4a2: {  	_ =	swait.ge [sflag:s4], $0xB400  }
0x4a3: {  	s1 =	sld [smem:$0x7D4]  }
0x4a4: {  	[sflag:s4] =	ssyncset.done $0x0  }
0x4a5: {  	[sflag:s4] =	ssyncadd.s32 $0xFFFF4C00  }
0x4a6: {  	[hbm4b:s1+s2] =	stream.linear.scatter [tilespmem:s12], [sflag:$0x1], $0xB400, $0x38;
	[tilespmem:$0x1F800] =	vst v63  }
0x4a7: {  	_ =	swait.ge [sflag:s4], $0xB400  }
0x4a8: {  	s31 =	sld [smem:$0x7D5]  }
0x4a9: {  	[sflag:s4] =	ssyncset.done $0x0  }
0x4aa: {  	[sflag:s4] =	ssyncadd.s32 $0xFFFF4C00  }
0x4ab: {  	[tilespmem:s2], [sflag:$0x1] =	stream.linear.gather [hbm4b:s31+s2], $0xB400, $0x38;
	[tilespmem:$0x1F800] =	vst v63  }
0x4ac: {  	_ =	swait.ge [sflag:s4], $0xB400  }
0x4ad: {  	s1 =	sld [smem:$0x7D6]  }
0x4ae: {  	[sflag:s4] =	ssyncset.done $0x0  }
0x4af: {  	[sflag:s4] =	ssyncadd.s32 $0xFFFF4C00  }
0x4b0: {  	[hbm4b:s1+s2] =	stream.linear.scatter [tilespmem:s2], [sflag:$0x1], $0xB400, $0x38;
	[tilespmem:$0x1F800] =	vst v63  }
0x4b1: {  	_ =	swait.ge [sflag:s4], $0xB400  }
0x4b2: {  	s31 =	sld [smem:$0x7D7]  }
0x4b3: {  	[sflag:s4] =	ssyncset.done $0x0  }
0x4b4: {  	[sflag:s4] =	ssyncadd.s32 $0xFFFF4C00  }
0x4b5: {  	[tilespmem:s12], [sflag:$0x1] =	stream.linear.gather [hbm4b:s31+s2], $0xB400, $0x38;
	[tilespmem:$0x1F800] =	vst v63  }
0x4b6: {  	_ =	swait.ge [sflag:s4], $0xB400  }
0x4b7: {  	s1 =	sld [smem:$0x7D8]  }
0x4b8: {  	[sflag:s4] =	ssyncset.done $0x0  }
0x4b9: {  	[sflag:s4] =	ssyncadd.s32 $0xFFFF4C00  }
0x4ba: {  	[hbm4b:s1+s2] =	stream.linear.scatter [tilespmem:s12], [sflag:$0x1], $0xB400, $0x38;
	[tilespmem:$0x1F800] =	vst v63  }
0x4bb: {  	_ =	swait.ge [sflag:s4], $0xB400  }
0x4bc: {  	s31 =	sld [smem:$0x7D9]  }
0x4bd: {  	[sflag:s4] =	ssyncset.done $0x0  }
0x4be: {  	[sflag:s4] =	ssyncadd.s32 $0xFFFF4C00  }
0x4bf: {  	[tilespmem:s2], [sflag:$0x1] =	stream.linear.gather [hbm4b:s31+s2], $0xB400, $0x38;
	[tilespmem:$0x1F800] =	vst v63  }
0x4c0: {  	_ =	swait.ge [sflag:s4], $0xB400  }
0x4c1: {  	s1 =	sld [smem:$0x7DA]  }
0x4c2: {  	[sflag:s4] =	ssyncset.done $0x0  }
0x4c3: {  	[sflag:s4] =	ssyncadd.s32 $0xFFFF4C00  }
0x4c4: {  	[hbm4b:s1+s2] =	stream.linear.scatter [tilespmem:s2], [sflag:$0x1], $0xB400, $0x38;
	[tilespmem:$0x1F800] =	vst v63  }
0x4c5: {  	_ =	swait.ge [sflag:s4], $0xB400  }
0x4c6: {  	s31 =	sld [smem:$0x7DB]  }
0x4c7: {  	[sflag:s4] =	ssyncset.done $0x0  }
0x4c8: {  	[sflag:s4] =	ssyncadd.s32 $0xFFFF4C00  }
0x4c9: {  	[tilespmem:s12], [sflag:$0x1] =	stream.linear.gather [hbm4b:s31+s2], $0xB400, $0x38;
	[tilespmem:$0x1F800] =	vst v63  }
0x4ca: {  	_ =	swait.ge [sflag:s4], $0xB400  }
0x4cb: {  	s1 =	sld [smem:$0x7DC]  }
0x4cc: {  	[sflag:s4] =	ssyncset.done $0x0  }
0x4cd: {  	[sflag:s4] =	ssyncadd.s32 $0xFFFF4C00  }
0x4ce: {  	[hbm4b:s1+s2] =	stream.linear.scatter [tilespmem:s12], [sflag:$0x1], $0xB400, $0x38;
	[tilespmem:$0x1F800] =	vst v63  }
0x4cf: {  	_ =	swait.ge [sflag:s4], $0xB400  }
0x4d0: {  	s31 =	sld [smem:$0x7DD]  }
0x4d1: {  	[sflag:s4] =	ssyncset.done $0x0  }
0x4d2: {  	[sflag:s4] =	ssyncadd.s32 $0xFFFF4C00  }
0x4d3: {  	[tilespmem:s2], [sflag:$0x1] =	stream.linear.gather [hbm4b:s31+s2], $0xB400, $0x38;
	[tilespmem:$0x1F800] =	vst v63  }
0x4d4: {  	_ =	swait.ge [sflag:s4], $0xB400  }
0x4d5: {  	s1 =	sld [smem:$0x7DE]  }
0x4d6: {  	[sflag:s4] =	ssyncset.done $0x0  }
0x4d7: {  	[sflag:s4] =	ssyncadd.s32 $0xFFFF4C00  }
0x4d8: {  	[hbm4b:s1+s2] =	stream.linear.scatter [tilespmem:s2], [sflag:$0x1], $0xB400, $0x38;
	[tilespmem:$0x1F800] =	vst v63  }
0x4d9: {  	_ =	swait.ge [sflag:s4], $0xB400  }
0x4da: {  	s31 =	sld [smem:$0x7DF]  }
0x4db: {  	[sflag:s4] =	ssyncset.done $0x0  }
0x4dc: {  	[sflag:s4] =	ssyncadd.s32 $0xFFFF4C00  }
0x4dd: {  	[tilespmem:s12], [sflag:$0x1] =	stream.linear.gather [hbm4b:s31+s2], $0xB400, $0x38;
	[tilespmem:$0x1F800] =	vst v63  }
0x4de: {  	_ =	swait.ge [sflag:s4], $0xB400  }
0x4df: {  	s1 =	sld [smem:$0x7E0]  }
0x4e0: {  	[sflag:s4] =	ssyncset.done $0x0  }
0x4e1: {  	[sflag:s4] =	ssyncadd.s32 $0xFFFF4C00  }
0x4e2: {  	[hbm4b:s1+s2] =	stream.linear.scatter [tilespmem:s12], [sflag:$0x1], $0xB400, $0x38;
	[tilespmem:$0x1F800] =	vst v63  }
0x4e3: {  	_ =	swait.ge [sflag:s4], $0xB400  }
0x4e4: {  	s31 =	sld [smem:$0x7E1]  }
0x4e5: {  	[sflag:s4] =	ssyncset.done $0x0  }
0x4e6: {  	[sflag:s4] =	ssyncadd.s32 $0xFFFF4C00  }
0x4e7: {  	[tilespmem:s2], [sflag:$0x1] =	stream.linear.gather [hbm4b:s31+s2], $0xB400, $0x38;
	[tilespmem:$0x1F800] =	vst v63  }
0x4e8: {  	_ =	swait.ge [sflag:s4], $0xB400  }
0x4e9: {  	s1 =	sld [smem:$0x7E2]  }
0x4ea: {  	[sflag:s4] =	ssyncset.done $0x0  }
0x4eb: {  	[sflag:s4] =	ssyncadd.s32 $0xFFFF4C00  }
0x4ec: {  	[hbm4b:s1+s2] =	stream.linear.scatter [tilespmem:s2], [sflag:$0x1], $0xB400, $0x38;
	[tilespmem:$0x1F800] =	vst v63  }
0x4ed: {  	_ =	swait.ge [sflag:s4], $0xB400  }
0x4ee: {  	s31 =	sld [smem:$0x7E3]  }
0x4ef: {  	[sflag:s4] =	ssyncset.done $0x0  }
0x4f0: {  	[sflag:s4] =	ssyncadd.s32 $0xFFFF4C00  }
0x4f1: {  	[tilespmem:s12], [sflag:$0x1] =	stream.linear.gather [hbm4b:s31+s2], $0xB400, $0x38;
	[tilespmem:$0x1F800] =	vst v63  }
0x4f2: {  	_ =	swait.ge [sflag:s4], $0xB400  }
0x4f3: {  	s1 =	sld [smem:$0x7E4]  }
0x4f4: {  	[sflag:s4] =	ssyncset.done $0x0  }
0x4f5: {  	[sflag:s4] =	ssyncadd.s32 $0xFFFF4C00  }
0x4f6: {  	[hbm4b:s1+s2] =	stream.linear.scatter [tilespmem:s12], [sflag:$0x1], $0xB400, $0x38;
	[tilespmem:$0x1F800] =	vst v63  }
0x4f7: {  	_ =	swait.ge [sflag:s4], $0xB400  }
0x4f8: {  	s31 =	sld [smem:$0x7E5]  }
0x4f9: {  	[sflag:s4] =	ssyncset.done $0x0  }
0x4fa: {  	[sflag:s4] =	ssyncadd.s32 $0xFFFF4C00  }
0x4fb: {  	[tilespmem:s2], [sflag:$0x1] =	stream.linear.gather [hbm4b:s31+s2], $0xB400, $0x38;
	[tilespmem:$0x1F800] =	vst v63  }
0x4fc: {  	_ =	swait.ge [sflag:s4], $0xB400  }
0x4fd: {  	s1 =	sld [smem:$0x7E6]  }
0x4fe: {  	[sflag:s4] =	ssyncset.done $0x0  }
0x4ff: {  	[sflag:s4] =	ssyncadd.s32 $0xFFFF4C00  }
0x500: {  	[hbm4b:s1+s2] =	stream.linear.scatter [tilespmem:s2], [sflag:$0x1], $0xB400, $0x38;
	[tilespmem:$0x1F800] =	vst v63  }
0x501: {  	_ =	swait.ge [sflag:s4], $0xB400  }
0x502: {  	s31 =	sld [smem:$0x7E7]  }
0x503: {  	[sflag:s4] =	ssyncset.done $0x0  }
0x504: {  	[sflag:s4] =	ssyncadd.s32 $0xFFFF4C00  }
0x505: {  	[tilespmem:s12], [sflag:$0x1] =	stream.linear.gather [hbm4b:s31+s2], $0xB400, $0x38;
	[tilespmem:$0x1F800] =	vst v63  }
0x506: {  	_ =	swait.ge [sflag:s4], $0xB400  }
0x507: {  	s1 =	sld [smem:$0x7E8]  }
0x508: {  	[sflag:s4] =	ssyncset.done $0x0  }
0x509: {  	[sflag:s4] =	ssyncadd.s32 $0xFFFF4C00  }
0x50a: {  	[hbm4b:s1+s2] =	stream.linear.scatter [tilespmem:s12], [sflag:$0x1], $0xB400, $0x38;
	[tilespmem:$0x1F800] =	vst v63  }
0x50b: {  	_ =	swait.ge [sflag:s4], $0xB400  }
0x50c: {  	s31 =	sld [smem:$0x7E9]  }
0x50d: {  	[sflag:s4] =	ssyncset.done $0x0  }
0x50e: {  	[sflag:s4] =	ssyncadd.s32 $0xFFFF4C00  }
0x50f: {  	[tilespmem:s2], [sflag:$0x1] =	stream.linear.gather [hbm4b:s31+s2], $0xB400, $0x38;
	[tilespmem:$0x1F800] =	vst v63  }
0x510: {  	_ =	swait.ge [sflag:s4], $0xB400  }
0x511: {  	s1 =	sld [smem:$0x7EA]  }
0x512: {  	[sflag:s4] =	ssyncset.done $0x0  }
0x513: {  	[sflag:s4] =	ssyncadd.s32 $0xFFFF4C00  }
0x514: {  	[hbm4b:s1+s2] =	stream.linear.scatter [tilespmem:s2], [sflag:$0x1], $0xB400, $0x38;
	[tilespmem:$0x1F800] =	vst v63  }
0x515: {  	_ =	swait.ge [sflag:s4], $0xB400  }
0x516: {  	s31 =	sld [smem:$0x7EB]  }
0x517: {  	[sflag:s4] =	ssyncset.done $0x0  }
0x518: {  	[sflag:s4] =	ssyncadd.s32 $0xFFFF4C00  }
0x519: {  	[tilespmem:s12], [sflag:$0x1] =	stream.linear.gather [hbm4b:s31+s2], $0xB400, $0x38;
	[tilespmem:$0x1F800] =	vst v63  }
0x51a: {  	_ =	swait.ge [sflag:s4], $0xB400  }
0x51b: {  	s1 =	sld [smem:$0x7EC]  }
0x51c: {  	[sflag:s4] =	ssyncset.done $0x0  }
0x51d: {  	[sflag:s4] =	ssyncadd.s32 $0xFFFF4C00  }
0x51e: {  	[hbm4b:s1+s2] =	stream.linear.scatter [tilespmem:s12], [sflag:$0x1], $0xB400, $0x38;
	[tilespmem:$0x1F800] =	vst v63  }
0x51f: {  	_ =	swait.ge [sflag:s4], $0xB400  }
0x520: {  	s31 =	sld [smem:$0x7ED]  }
0x521: {  	[sflag:s4] =	ssyncset.done $0x0  }
0x522: {  	[sflag:s4] =	ssyncadd.s32 $0xFFFF4C00  }
0x523: {  	[tilespmem:s2], [sflag:$0x1] =	stream.linear.gather [hbm4b:s31+s2], $0xB400, $0x38;
	[tilespmem:$0x1F800] =	vst v63  }
0x524: {  	_ =	swait.ge [sflag:s4], $0xB400  }
0x525: {  	s1 =	sld [smem:$0x7EE]  }
0x526: {  	[sflag:s4] =	ssyncset.done $0x0  }
0x527: {  	[sflag:s4] =	ssyncadd.s32 $0xFFFF4C00  }
0x528: {  	[hbm4b:s1+s2] =	stream.linear.scatter [tilespmem:s2], [sflag:$0x1], $0xB400, $0x38;
	[tilespmem:$0x1F800] =	vst v63  }
0x529: {  	_ =	swait.ge [sflag:s4], $0xB400  }
0x52a: {  	s31 =	sld [smem:$0x7EF]  }
0x52b: {  	[sflag:s4] =	ssyncset.done $0x0  }
0x52c: {  	[sflag:s4] =	ssyncadd.s32 $0xFFFF4C00  }
0x52d: {  	[tilespmem:s12], [sflag:$0x1] =	stream.linear.gather [hbm4b:s31+s2], $0xB400, $0x38;
	[tilespmem:$0x1F800] =	vst v63  }
0x52e: {  	_ =	swait.ge [sflag:s4], $0xB400  }
0x52f: {  	s1 =	sld [smem:$0x7F0]  }
0x530: {  	[sflag:s4] =	ssyncset.done $0x0  }
0x531: {  	[sflag:s4] =	ssyncadd.s32 $0xFFFF4C00  }
0x532: {  	[hbm4b:s1+s2] =	stream.linear.scatter [tilespmem:s12], [sflag:$0x1], $0xB400, $0x38;
	[tilespmem:$0x1F800] =	vst v63  }
0x533: {  	_ =	swait.ge [sflag:s4], $0xB400  }
0x534: {  	s31 =	sld [smem:$0x7F1]  }
0x535: {  	[sflag:s4] =	ssyncset.done $0x0  }
0x536: {  	[sflag:s4] =	ssyncadd.s32 $0xFFFF4C00  }
0x537: {  	[tilespmem:s2], [sflag:$0x1] =	stream.linear.gather [hbm4b:s31+s2], $0xB400, $0x38;
	[tilespmem:$0x1F800] =	vst v63  }
0x538: {  	_ =	swait.ge [sflag:s4], $0xB400  }
0x539: {  	s1 =	sld [smem:$0x7F2]  }
0x53a: {  	[sflag:s4] =	ssyncset.done $0x0  }
0x53b: {  	[sflag:s4] =	ssyncadd.s32 $0xFFFF4C00  }
0x53c: {  	[hbm4b:s1+s2] =	stream.linear.scatter [tilespmem:s2], [sflag:$0x1], $0xB400, $0x38;
	[tilespmem:$0x1F800] =	vst v63  }
0x53d: {  	_ =	swait.ge [sflag:s4], $0xB400  }
0x53e: {  	s31 =	sld [smem:$0x7F3]  }
0x53f: {  	[sflag:s4] =	ssyncset.done $0x0  }
0x540: {  	[sflag:s4] =	ssyncadd.s32 $0xFFFF4C00  }
0x541: {  	[tilespmem:s12], [sflag:$0x1] =	stream.linear.gather [hbm4b:s31+s2], $0xB400, $0x38;
	[tilespmem:$0x1F800] =	vst v63  }
0x542: {  	_ =	swait.ge [sflag:s4], $0xB400  }
0x543: {  	s1 =	sld [smem:$0x7F4]  }
0x544: {  	[sflag:s4] =	ssyncset.done $0x0  }
0x545: {  	[sflag:s4] =	ssyncadd.s32 $0xFFFF4C00  }
0x546: {  	[hbm4b:s1+s2] =	stream.linear.scatter [tilespmem:s12], [sflag:$0x1], $0xB400, $0x38;
	[tilespmem:$0x1F800] =	vst v63  }
0x547: {  	_ =	swait.ge [sflag:s4], $0xB400  }
0x548: {  	s31 =	sld [smem:$0x7F5]  }
0x549: {  	[sflag:s4] =	ssyncset.done $0x0  }
0x54a: {  	[sflag:s4] =	ssyncadd.s32 $0xFFFF4C00  }
0x54b: {  	[tilespmem:s2], [sflag:$0x1] =	stream.linear.gather [hbm4b:s31+s2], $0xB400, $0x38;
	[tilespmem:$0x1F800] =	vst v63  }
0x54c: {  	_ =	swait.ge [sflag:s4], $0xB400  }
0x54d: {  	s1 =	sld [smem:$0x7F6]  }
0x54e: {  	[sflag:s4] =	ssyncset.done $0x0  }
0x54f: {  	[sflag:s4] =	ssyncadd.s32 $0xFFFF4C00  }
0x550: {  	[hbm4b:s1+s2] =	stream.linear.scatter [tilespmem:s2], [sflag:$0x1], $0xB400, $0x38;
	[tilespmem:$0x1F800] =	vst v63  }
0x551: {  	_ =	swait.ge [sflag:s4], $0xB400  }
0x552: {  	s31 =	sld [smem:$0x7F7]  }
0x553: {  	[sflag:s4] =	ssyncset.done $0x0  }
0x554: {  	[sflag:s4] =	ssyncadd.s32 $0xFFFF4C00  }
0x555: {  	[tilespmem:s12], [sflag:$0x1] =	stream.linear.gather [hbm4b:s31+s2], $0xB400, $0x38;
	[tilespmem:$0x1F800] =	vst v63  }
0x556: {  	_ =	swait.ge [sflag:s4], $0xB400  }
0x557: {  	s1 =	sld [smem:$0x7F8]  }
0x558: {  	[sflag:s4] =	ssyncset.done $0x0  }
0x559: {  	[sflag:s4] =	ssyncadd.s32 $0xFFFF4C00  }
0x55a: {  	[hbm4b:s1+s2] =	stream.linear.scatter [tilespmem:s12], [sflag:$0x1], $0xB400, $0x38;
	[tilespmem:$0x1F800] =	vst v63  }
0x55b: {  	_ =	swait.ge [sflag:s4], $0xB400  }
0x55c: {  	s31 =	sld [smem:$0x7F9]  }
0x55d: {  	[sflag:s4] =	ssyncset.done $0x0  }
0x55e: {  	[sflag:s4] =	ssyncadd.s32 $0xFFFF4C00  }
0x55f: {  	[tilespmem:s2], [sflag:$0x1] =	stream.linear.gather [hbm4b:s31+s2], $0xB400, $0x38;
	[tilespmem:$0x1F800] =	vst v63  }
0x560: {  	_ =	swait.ge [sflag:s4], $0xB400  }
0x561: {  	s1 =	sld [smem:$0x7FB]  }
0x562: {  	[sflag:s4] =	ssyncset.done $0x0  }
0x563: {  	[sflag:s4] =	ssyncadd.s32 $0xFFFF4C00  }
0x564: {  	[hbm4b:s1+s2] =	stream.linear.scatter [tilespmem:s2], [sflag:$0x1], $0xB400, $0x38;
	[tilespmem:$0x1F800] =	vst v63  }
0x565: {  	_ =	swait.ge [sflag:s4], $0xB400  }
0x566: {  	s31 =	sld [smem:$0x7FC]  }
0x567: {  	[sflag:s4] =	ssyncset.done $0x0  }
0x568: {  	[sflag:s4] =	ssyncadd.s32 $0xFFFF4C00  }
0x569: {  	[tilespmem:s12], [sflag:$0x1] =	stream.linear.gather [hbm4b:s31+s2], $0xB400, $0x38;
	[tilespmem:$0x1F800] =	vst v63  }
0x56a: {  	_ =	swait.ge [sflag:s4], $0xB400  }
0x56b: {  	s1 =	sld [smem:$0x7FD]  }
0x56c: {  	[sflag:s4] =	ssyncset.done $0x0  }
0x56d: {  	[sflag:s4] =	ssyncadd.s32 $0xFFFF4C00  }
0x56e: {  	[hbm4b:s1+s2] =	stream.linear.scatter [tilespmem:s12], [sflag:$0x1], $0xB400, $0x38;
	[tilespmem:$0x1F800] =	vst v63  }
0x56f: {  	_ =	swait.ge [sflag:s4], $0xB400  }
0x570: {  	[sflag:s4] =	ssyncset.done $0x0  }
0x571: {  	[sflag:s4] =	ssyncadd.s32 $0xFFFF4C00  }
0x572: {  	[tilespmem:s2], [sflag:$0x1] =	stream.linear.gather [hbm4b:s30+s2], $0xB400, $0x38;
	[tilespmem:$0x1F800] =	vst v63  }
0x573: {  	_ =	swait.ge [sflag:s4], $0xB400  }
0x574: {  	[sflag:s4] =	ssyncset.done $0x0  }
0x575: {  	[sflag:s4] =	ssyncadd.s32 $0xFFFF4C00  }
0x576: {  	[hbm4b:s29+s2] =	stream.linear.scatter [tilespmem:s2], [sflag:$0x1], $0xB400, $0x38;
	[tilespmem:$0x1F800] =	vst v63  }
0x577: {  	_ =	swait.ge [sflag:s4], $0xB400  }
0x578: {  	[sflag:s4] =	ssyncset.done $0x0  }
0x579: {  	[sflag:s4] =	ssyncadd.s32 $0xFFFF4C00  }
0x57a: {  	[tilespmem:s12], [sflag:$0x1] =	stream.linear.gather [hbm4b:s28+s2], $0xB400, $0x38;
	[tilespmem:$0x1F800] =	vst v63  }
0x57b: {  	_ =	swait.ge [sflag:s4], $0xB400  }
0x57c: {  	[sflag:s4] =	ssyncset.done $0x0  }
0x57d: {  	[sflag:s4] =	ssyncadd.s32 $0xFFFF4C00  }
0x57e: {  	[hbm4b:s26+s2] =	stream.linear.scatter [tilespmem:s12], [sflag:$0x1], $0xB400, $0x38;
	[tilespmem:$0x1F800] =	vst v63  }
0x57f: {  	_ =	swait.ge [sflag:s4], $0xB400  }
0x580: {  	[sflag:s4] =	ssyncset.done $0x0  }
0x581: {  	[sflag:s4] =	ssyncadd.s32 $0xFFFF4C00  }
0x582: {  	[tilespmem:s2], [sflag:$0x1] =	stream.linear.gather [hbm4b:s25+s2], $0xB400, $0x38;
	[tilespmem:$0x1F800] =	vst v63  }
0x583: {  	_ =	swait.ge [sflag:s4], $0xB400  }
0x584: {  	[sflag:s4] =	ssyncset.done $0x0  }
0x585: {  	[sflag:s4] =	ssyncadd.s32 $0xFFFF4C00  }
0x586: {  	[hbm4b:s24+s2] =	stream.linear.scatter [tilespmem:s2], [sflag:$0x1], $0xB400, $0x38;
	[tilespmem:$0x1F800] =	vst v63  }
0x587: {  	_ =	swait.ge [sflag:s4], $0xB400  }
0x588: {  	[sflag:s4] =	ssyncset.done $0x0  }
0x589: {  	[sflag:s4] =	ssyncadd.s32 $0xFFFF4C00  }
0x58a: {  	[tilespmem:s12], [sflag:$0x1] =	stream.linear.gather [hbm4b:s23+s2], $0xB400, $0x38;
	[tilespmem:$0x1F800] =	vst v63  }
0x58b: {  	_ =	swait.ge [sflag:s4], $0xB400  }
0x58c: {  	[sflag:s4] =	ssyncset.done $0x0  }
0x58d: {  	[sflag:s4] =	ssyncadd.s32 $0xFFFF4C00  }
0x58e: {  	[hbm4b:s22+s2] =	stream.linear.scatter [tilespmem:s12], [sflag:$0x1], $0xB400, $0x38;
	[tilespmem:$0x1F800] =	vst v63  }
0x58f: {  	_ =	swait.ge [sflag:s4], $0xB400  }
0x590: {  	[sflag:s4] =	ssyncset.done $0x0  }
0x591: {  	[sflag:s4] =	ssyncadd.s32 $0xFFFF4C00  }
0x592: {  	[tilespmem:s2], [sflag:$0x1] =	stream.linear.gather [hbm4b:s21+s2], $0xB400, $0x38;
	[tilespmem:$0x1F800] =	vst v63  }
0x593: {  	_ =	swait.ge [sflag:s4], $0xB400  }
0x594: {  	[sflag:s4] =	ssyncset.done $0x0  }
0x595: {  	[sflag:s4] =	ssyncadd.s32 $0xFFFF4C00  }
0x596: {  	[hbm4b:s20+s2] =	stream.linear.scatter [tilespmem:s2], [sflag:$0x1], $0xB400, $0x38;
	[tilespmem:$0x1F800] =	vst v63  }
0x597: {  	_ =	swait.ge [sflag:s4], $0xB400  }
0x598: {  	[sflag:s4] =	ssyncset.done $0x0  }
0x599: {  	[sflag:s4] =	ssyncadd.s32 $0xFFFF4C00  }
0x59a: {  	[tilespmem:s12], [sflag:$0x1] =	stream.linear.gather [hbm4b:s19+s2], $0xB400, $0x38;
	[tilespmem:$0x1F800] =	vst v63  }
0x59b: {  	_ =	swait.ge [sflag:s4], $0xB400  }
0x59c: {  	[sflag:s4] =	ssyncset.done $0x0  }
0x59d: {  	[sflag:s4] =	ssyncadd.s32 $0xFFFF4C00  }
0x59e: {  	[hbm4b:s18+s2] =	stream.linear.scatter [tilespmem:s12], [sflag:$0x1], $0xB400, $0x38;
	[tilespmem:$0x1F800] =	vst v63  }
0x59f: {  	_ =	swait.ge [sflag:s4], $0xB400  }
0x5a0: {  	[sflag:s4] =	ssyncset.done $0x0  }
0x5a1: {  	[sflag:s4] =	ssyncadd.s32 $0xFFFF4C00  }
0x5a2: {  	[tilespmem:s2], [sflag:$0x1] =	stream.linear.gather [hbm4b:s17+s2], $0xB400, $0x38;
	[tilespmem:$0x1F800] =	vst v63  }
0x5a3: {  	_ =	swait.ge [sflag:s4], $0xB400  }
0x5a4: {  	[sflag:s4] =	ssyncset.done $0x0  }
0x5a5: {  	[sflag:s4] =	ssyncadd.s32 $0xFFFF4C00  }
0x5a6: {  	[hbm4b:s15+s2] =	stream.linear.scatter [tilespmem:s2], [sflag:$0x1], $0xB400, $0x38;
	[tilespmem:$0x1F800] =	vst v63  }
0x5a7: {  	_ =	swait.ge [sflag:s4], $0xB400  }
0x5a8: {  	[sflag:s4] =	ssyncset.done $0x0  }
0x5a9: {  	[sflag:s4] =	ssyncadd.s32 $0xFFFF4C00  }
0x5aa: {  	[tilespmem:s12], [sflag:$0x1] =	stream.linear.gather [hbm4b:s13+s2], $0xB400, $0x38;
	[tilespmem:$0x1F800] =	vst v63  }
0x5ab: {  	_ =	swait.ge [sflag:s4], $0xB400  }
0x5ac: {  	[sflag:s4] =	ssyncset.done $0x0  }
0x5ad: {  	[sflag:s4] =	ssyncadd.s32 $0xFFFF4C00  }
0x5ae: {  	[hbm4b:s16+s2] =	stream.linear.scatter [tilespmem:s12], [sflag:$0x1], $0xB400, $0x38;
	[tilespmem:$0x1F800] =	vst v63  }
0x5af: {  	_ =	swait.ge [sflag:s4], $0xB400  }
0x5b0: {  	[sflag:s4] =	ssyncset.done $0x0  }
0x5b1: {  	[sflag:s4] =	ssyncadd.s32 $0xFFFF4C00  }
0x5b2: {  	[tilespmem:s2], [sflag:$0x1] =	stream.linear.gather [hbm4b:s10+s2], $0xB400, $0x38;
	[tilespmem:$0x1F800] =	vst v63  }
0x5b3: {  	_ =	swait.ge [sflag:s4], $0xB400  }
0x5b4: {  	[sflag:s4] =	ssyncset.done $0x0  }
0x5b5: {  	[sflag:s4] =	ssyncadd.s32 $0xFFFF4C00  }
0x5b6: {  	[hbm4b:s14+s2] =	stream.linear.scatter [tilespmem:s2], [sflag:$0x1], $0xB400, $0x38;
	[tilespmem:$0x1F800] =	vst v63  }
0x5b7: {  	_ =	swait.ge [sflag:s4], $0xB400  }
0x5b8: {  	[sflag:s4] =	ssyncset.done $0x0  }
0x5b9: {  	[sflag:s4] =	ssyncadd.s32 $0xFFFF4C00  }
0x5ba: {  	[tilespmem:s12], [sflag:$0x1] =	stream.linear.gather [hbm4b:s9+s2], $0xB400, $0x38;
	[tilespmem:$0x1F800] =	vst v63  }
0x5bb: {  	_ =	swait.ge [sflag:s4], $0xB400  }
0x5bc: {  	[sflag:s4] =	ssyncset.done $0x0  }
0x5bd: {  	[sflag:s4] =	ssyncadd.s32 $0xFFFF4C00  }
0x5be: {  	[hbm4b:s11+s2] =	stream.linear.scatter [tilespmem:s12], [sflag:$0x1], $0xB400, $0x38;
	[tilespmem:$0x1F800] =	vst v63  }
0x5bf: {  	_ =	swait.ge [sflag:s4], $0xB400  }
0x5c0: {  	[sflag:s4] =	ssyncset.done $0x0  }
0x5c1: {  	[sflag:s4] =	ssyncadd.s32 $0xFFFF4C00  }
0x5c2: {  	[tilespmem:s8], [sflag:$0x1] =	stream.linear.gather [hbm4b:s7+s2], $0x9000, $0x38;
	[tilespmem:$0x1F800] =	vst v63  }
0x5c3: {  	_ =	swait.ge [sflag:s4], $0x9000  }
0x5c4: {  	[sflag:s4] =	ssyncset.done $0x0  }
0x5c5: {  	[sflag:s4] =	ssyncadd.s32 $0xFFFF7000  }
0x5c6: {  	[hbm4b:s5+s2] =	stream.linear.scatter [tilespmem:s8], [sflag:$0x1], $0x9000, $0x38;
	[tilespmem:$0x1F800] =	vst v63  }
0x5c7: {  	_ =	swait.ge [sflag:s4], $0x9000  }
0x5c8: {  	[sflag:s4] =	ssyncset.done $0x0  }
0x5c9: {  	[sflag:s4] =	ssyncadd.s32 $0xFFFF7000  }
0x5ca: {  	[tilespmem:s8], [sflag:$0x1] =	stream.linear.gather [hbm4b:s3+s2], $0x9000, $0x38;
	[tilespmem:$0x1F800] =	vst v63  }
0x5cb: {  	_ =	swait.ge [sflag:s4], $0x9000  }
0x5cc: {  	[sflag:s4] =	ssyncset.done $0x0  }
0x5cd: {  	[sflag:s4] =	ssyncadd.s32 $0xFFFF7000  }
0x5ce: {  	[hbm4b:s6+s2] =	stream.linear.scatter [tilespmem:s8], [sflag:$0x1], $0x9000, $0x38;
	[tilespmem:$0x1F800] =	vst v63  }
0x5cf: {  	_ =	swait.ge [sflag:s4], $0x9000  }
0x5d0: {  	[sflag:s4] =	ssyncset.done $0x0  }
0x5d1: {  	[sflag:s4] =	ssyncadd.s32 $0xFFFF7000  }
0x5d2: {  	_ =	sfence.sel $0x180000  }
0x5d3: {  	[bflag:$0x0] =	sbarrier.arrive $0xFFFF  }
0x5d4: {  	_ =	strace $0x90000047  }
0x5d5: {  	s31 =	stileid.u32;
	[bflag:$0x2] =	sbarrier.arrive $0xFFFF  }
0x5d6: {  	p0 =	sne.s32 s31, $0x0;
	s0 =	rddreg [dreg:$0x2]  }
0x5d7: {  	s0 =	sadd.s32 @!p0 $0x100000, s0  }
0x5d8: {  	[sflag:s0] =	ssyncadd.tile.s32 @!p0 $0x1;
	_ =	shalt  }
.Lfunc_end2:
_tile_overlayer_lowered:
.L_overlay_start_2:
0x5d9: {  	(tag) =	ssettag $0x2  }
0x5da: {  	s0 =	rddreg [dreg:$0x0];
	s2 =	stileid.u32  }
0x5db: {  	s1 =	rddreg [dreg:$0x1];
	p0 =	sne.s32 s2, $0x0  }
0x5dc: {  	s3 =	rddreg [dreg:$0x2];
	[bflag:$0x3] =	sbarrier.arrive $0xFFFF;
	s2 =	simm.s32 @!p0 $0x1C01  }
0x5dd: {  	[timem:s3], [sflag:s2] =	dma.local @!p0 [hbm:s0], s1  }
0x5de: {  	s0 =	simm.s32 @!p0 $0x1  }
0x5df: {  	_ =	swait.ge @!p0 [sflag:s0], s1  }
0x5e0: {  	s1 =	ssub.s32 @!p0 $0x0, s1;
	[sflag:s0] =	ssyncset.done @!p0 $0x0  }
0x5e1: {  	[sflag:s0] =	ssyncadd.s32 @!p0 s1  }
0x5e2: {  	[bflag:$0x3] =	sbarrier.arrive $0xFFFF  }
0x5e3: {  	_ =	shalt  }

</sc_bundles>
